<compile_context>
chip_gen: v7x
topology: tpu7x:2x2x1
jax: 0.10.2.dev20260603
libtpu: 0.0.44.dev20260713+nightly
codegen_flags: <defaults>
</compile_context>

<pallas_src>
import functools

import jax
import jax.numpy as jnp
from jax import lax
from jax.experimental import pallas as pl
from jax.experimental.pallas import tpu as pltpu
from jax.experimental.pallas import tpu_sc as plsc

BATCH = 4096
HIST = 50
DIM = 64
NTOT = BATCH * HIST
NUM_CORES = 2
NUM_SUBCORES = 16
NW = NUM_CORES * NUM_SUBCORES
PER_W = NTOT // NW
CB = 128
NCH = PER_W // CB


UNROLL = 16


def _body(idx_hbm, table_hbm, out_hbm, idx_v, rows0_v, rows1_v, trows_v, gsem0, gsem1):
    wid = lax.axis_index("s") * NUM_CORES + lax.axis_index("c")
    base = wid * PER_W
    pltpu.sync_copy(idx_hbm.at[pl.ds(base, PER_W)], idx_v)
    dlanes = lax.broadcasted_iota(jnp.int32, (16,), 0)
    dvecs = [d0 + dlanes for d0 in range(0, DIM, 16)]
    perms = [(dlanes + s) & 15 for s in range(16)]

    pltpu.async_copy(table_hbm.at[idx_v.at[pl.ds(0, CB)]], rows0_v, gsem0)

    def half_step(h, mine_v, other_v, mysem, othersem):
        pltpu.make_async_copy(
            table_hbm.at[pl.ds(0, CB)], mine_v, mysem
        ).wait()

        @pl.when(h + 1 < NCH)
        def _():
            pltpu.async_copy(
                table_hbm.at[idx_v.at[pl.ds((h + 1) * CB, CB)]],
                other_v,
                othersem,
            )

        @plsc.parallel_loop(0, CB, step=16, unroll=2)
        def _(b0):
            rowv = b0 + dlanes
            for k in range(DIM // 16):
                for s in range(16):
                    colv = 16 * k + perms[s]
                    vals = plsc.load_gather(mine_v, [rowv, colv])
                    plsc.store_scatter(trows_v, [colv, rowv], vals)
        pltpu.sync_copy(
            trows_v, out_hbm.at[h, pl.ds(0, DIM), pl.ds(wid * CB, CB)]
        )

    def step(hh, _):
        half_step(2 * hh, rows0_v, rows1_v, gsem0, gsem1)
        half_step(2 * hh + 1, rows1_v, rows0_v, gsem1, gsem0)
        return 0

    lax.fori_loop(0, NCH // 2, step, 0)


def kernel(x, table):
    idx = (
        x.astype(jnp.int32)
        .reshape(NW, CB, HIST)
        .transpose(0, 2, 1)
        .reshape(NTOT)
    )
    tab = jnp.pad(table, ((0, 0), (0, 128 - DIM)))
    mesh = plsc.VectorSubcoreMesh(core_axis_name="c", subcore_axis_name="s")
    run = functools.partial(
        pl.kernel,
        mesh=mesh,
        out_type=jax.ShapeDtypeStruct((HIST, DIM, BATCH), jnp.float32),
        scratch_types=[
            pltpu.VMEM((PER_W,), jnp.int32),
            pltpu.VMEM((CB, 128), jnp.float32),
            pltpu.VMEM((CB, 128), jnp.float32),
            pltpu.VMEM((DIM, CB), jnp.float32),
            pltpu.SemaphoreType.DMA,
            pltpu.SemaphoreType.DMA,
        ],
        compiler_params=pltpu.CompilerParams(
            use_tc_tiling_on_sc=True,
            needs_layout_passes=False,
            disable_bounds_checks=True,
        ),
    )(_body)
    out = run(idx, tab)
    return jnp.transpose(out, (2, 0, 1))

# --- scband reference (transcript-rebuilt; emitter-appended) ---
"""Pipeline reference for scband-dbencoder-56075093017254 (READ-ONLY COPY).

The authoritative reference and input builder live on the scoring server;
editing this copy changes nothing except your own understanding.
"""

import jax, jax.numpy as jnp
import numpy as np

NUM_EMBEDDINGS = 100000
EMBEDDING_DIM = 64
BATCH = 4096
HIST = 50

def setup_inputs(seed: int = 0) -> dict:
    key = jax.random.key(seed)
    k_idx, k_tab = jax.random.split(key)
    x = jax.random.randint(k_idx, (BATCH, HIST), 0, NUM_EMBEDDINGS, dtype=jnp.int64 if jax.config.jax_enable_x64 else jnp.int32)
    table = jax.random.normal(k_tab, (NUM_EMBEDDINGS, EMBEDDING_DIM), dtype=jnp.float32) * 0.02
    return {"x": x, "table": table}

def reference(x, table):
    # DBEncoder.forward: embeds = self.embedding(x); the torch-geometric
    # conversion is a no-op passthrough in this context, so the faithful
    # computation is the embedding gather itself.
    embeds = jnp.take(table, x, axis=0)  # [BATCH, HIST, EMBEDDING_DIM]
    return embeds

if __name__ == "__main__":
    import jax
    _d = setup_inputs()
    print(jax.jit(kernel)(*tuple(_d.values())))

</pallas_src>

<mosaic_0001>
#map = affine_map<(d0, d1) -> (0)>
#map1 = affine_map<(d0, d1) -> (0, 0)>
#map2 = affine_map<(d0, d1) -> (0, 0, 0)>
module attributes {stable_mosaic.version = 14 : i64} {
  func.func @_body(%arg0: i32, %arg1: i32, %arg2: memref<204800xi32, #tpu.memory_space<hbm>>, %arg3: memref<100000x128xf32, #tpu.memory_space<hbm>>, %arg4: memref<50x64x4096xf32, #tpu.memory_space<hbm>>, %arg5: memref<6400xi32, #tpu.memory_space<vmem>>, %arg6: memref<128x128xf32, #tpu.memory_space<vmem>>, %arg7: memref<128x128xf32, #tpu.memory_space<vmem>>, %arg8: memref<64x128xf32, #tpu.memory_space<vmem>>, %arg9: memref<!tpu.dma_semaphore, #tpu.memory_space<semaphore_mem>>, %arg10: memref<!tpu.dma_semaphore, #tpu.memory_space<semaphore_mem>>) attributes {dimension_semantics = [#tpu.dimension_semantics<core_parallel>, #tpu.dimension_semantics<subcore_parallel>], iteration_bounds = array<i64: 2, 16>, scalar_prefetch = 0 : i64, scratch_operands = 6 : i64, tpu.core_type = #tpu.core_type<sc_vector_subcore>, window_params = [{transform_indices = #map}, {transform_indices = #map1}, {transform_indices = #map2}]} {
    %mul3A = arith.constant 2 : i32
    %mul3A_0 = arith.muli %arg1, %mul3A : i32
    %add3A = arith.addi %mul3A_0, %arg0 : i32
    %mul3A_1 = arith.constant 6400 : i32
    %mul3A_2 = arith.muli %add3A, %mul3A_1 : i32
    "tpu.region"() ({
      %run_scoped3A = tpu.sem_alloc : memref<!tpu.dma_semaphore, #tpu.memory_space<semaphore_mem>>
      %dma_start3A_120 = tpu.memref_slice %arg2[%mul3A_2] : memref<204800xi32, #tpu.memory_space<hbm>> -> memref<6400xi32, #tpu.memory_space<hbm>>
      %dma_start3A_121 = tpu.memref_slice %arg2[%mul3A_2] : memref<204800xi32, #tpu.memory_space<hbm>> -> memref<6400xi32, #tpu.memory_space<hbm>>
      tpu.enqueue_dma source(%dma_start3A_121 : memref<6400xi32, #tpu.memory_space<hbm>>) target(%arg5 : memref<6400xi32, #tpu.memory_space<vmem>>) target_semaphore(%run_scoped3A : memref<!tpu.dma_semaphore, #tpu.memory_space<semaphore_mem>>)
      %dma_wait3A = tpu.memref_slice %arg2[%mul3A_2] : memref<204800xi32, #tpu.memory_space<hbm>> -> memref<6400xi32, #tpu.memory_space<hbm>>
      %dma_wait3A_122 = tpu.memref_slice %arg2[%mul3A_2] : memref<204800xi32, #tpu.memory_space<hbm>> -> memref<6400xi32, #tpu.memory_space<hbm>>
      tpu.wait_dma2 semaphore(%run_scoped3A : memref<!tpu.dma_semaphore, #tpu.memory_space<semaphore_mem>>) src(%dma_wait3A_122 : memref<6400xi32, #tpu.memory_space<hbm>>) dst(%arg5 : memref<6400xi32, #tpu.memory_space<vmem>>)
      tpu.yield
    }) : () -> ()
    %iota3A = tpu.iota {dimensions = array<i32: 0>} : vector<16xi32>
    %add3A_3 = arith.constant 0 : i32
    %add3A_4 = vector.broadcast %add3A_3 : i32 to vector<16xi32>
    %add3A_5 = arith.addi %add3A_4, %iota3A : vector<16xi32>
    %add3A_6 = arith.constant 16 : i32
    %add3A_7 = vector.broadcast %add3A_6 : i32 to vector<16xi32>
    %add3A_8 = arith.addi %add3A_7, %iota3A : vector<16xi32>
    %add3A_9 = arith.constant 32 : i32
    %add3A_10 = vector.broadcast %add3A_9 : i32 to vector<16xi32>
    %add3A_11 = arith.addi %add3A_10, %iota3A : vector<16xi32>
    %add3A_12 = arith.constant 48 : i32
    %add3A_13 = vector.broadcast %add3A_12 : i32 to vector<16xi32>
    %add3A_14 = arith.addi %add3A_13, %iota3A : vector<16xi32>
    %add3A_15 = arith.constant 0 : i32
    %add3A_16 = vector.broadcast %add3A_15 : i32 to vector<16xi32>
    %add3A_17 = arith.addi %iota3A, %add3A_16 : vector<16xi32>
    %and3A = arith.constant 15 : i32
    %and3A_18 = vector.broadcast %and3A : i32 to vector<16xi32>
    %and3A_19 = arith.andi %add3A_17, %and3A_18 : vector<16xi32>
    %add3A_20 = arith.constant 1 : i32
    %add3A_21 = vector.broadcast %add3A_20 : i32 to vector<16xi32>
    %add3A_22 = arith.addi %iota3A, %add3A_21 : vector<16xi32>
    %and3A_23 = arith.constant 15 : i32
    %and3A_24 = vector.broadcast %and3A_23 : i32 to vector<16xi32>
    %and3A_25 = arith.andi %add3A_22, %and3A_24 : vector<16xi32>
    %add3A_26 = arith.constant 2 : i32
    %add3A_27 = vector.broadcast %add3A_26 : i32 to vector<16xi32>
    %add3A_28 = arith.addi %iota3A, %add3A_27 : vector<16xi32>
    %and3A_29 = arith.constant 15 : i32
    %and3A_30 = vector.broadcast %and3A_29 : i32 to vector<16xi32>
    %and3A_31 = arith.andi %add3A_28, %and3A_30 : vector<16xi32>
    %add3A_32 = arith.constant 3 : i32
    %add3A_33 = vector.broadcast %add3A_32 : i32 to vector<16xi32>
    %add3A_34 = arith.addi %iota3A, %add3A_33 : vector<16xi32>
    %and3A_35 = arith.constant 15 : i32
    %and3A_36 = vector.broadcast %and3A_35 : i32 to vector<16xi32>
    %and3A_37 = arith.andi %add3A_34, %and3A_36 : vector<16xi32>
    %add3A_38 = arith.constant 4 : i32
    %add3A_39 = vector.broadcast %add3A_38 : i32 to vector<16xi32>
    %add3A_40 = arith.addi %iota3A, %add3A_39 : vector<16xi32>
    %and3A_41 = arith.constant 15 : i32
    %and3A_42 = vector.broadcast %and3A_41 : i32 to vector<16xi32>
    %and3A_43 = arith.andi %add3A_40, %and3A_42 : vector<16xi32>
    %add3A_44 = arith.constant 5 : i32
    %add3A_45 = vector.broadcast %add3A_44 : i32 to vector<16xi32>
    %add3A_46 = arith.addi %iota3A, %add3A_45 : vector<16xi32>
    %and3A_47 = arith.constant 15 : i32
    %and3A_48 = vector.broadcast %and3A_47 : i32 to vector<16xi32>
    %and3A_49 = arith.andi %add3A_46, %and3A_48 : vector<16xi32>
    %add3A_50 = arith.constant 6 : i32
    %add3A_51 = vector.broadcast %add3A_50 : i32 to vector<16xi32>
    %add3A_52 = arith.addi %iota3A, %add3A_51 : vector<16xi32>
    %and3A_53 = arith.constant 15 : i32
    %and3A_54 = vector.broadcast %and3A_53 : i32 to vector<16xi32>
    %and3A_55 = arith.andi %add3A_52, %and3A_54 : vector<16xi32>
    %add3A_56 = arith.constant 7 : i32
    %add3A_57 = vector.broadcast %add3A_56 : i32 to vector<16xi32>
    %add3A_58 = arith.addi %iota3A, %add3A_57 : vector<16xi32>
    %and3A_59 = arith.constant 15 : i32
    %and3A_60 = vector.broadcast %and3A_59 : i32 to vector<16xi32>
    %and3A_61 = arith.andi %add3A_58, %and3A_60 : vector<16xi32>
    %add3A_62 = arith.constant 8 : i32
    %add3A_63 = vector.broadcast %add3A_62 : i32 to vector<16xi32>
    %add3A_64 = arith.addi %iota3A, %add3A_63 : vector<16xi32>
    %and3A_65 = arith.constant 15 : i32
    %and3A_66 = vector.broadcast %and3A_65 : i32 to vector<16xi32>
    %and3A_67 = arith.andi %add3A_64, %and3A_66 : vector<16xi32>
    %add3A_68 = arith.constant 9 : i32
    %add3A_69 = vector.broadcast %add3A_68 : i32 to vector<16xi32>
    %add3A_70 = arith.addi %iota3A, %add3A_69 : vector<16xi32>
    %and3A_71 = arith.constant 15 : i32
    %and3A_72 = vector.broadcast %and3A_71 : i32 to vector<16xi32>
    %and3A_73 = arith.andi %add3A_70, %and3A_72 : vector<16xi32>
    %add3A_74 = arith.constant 10 : i32
    %add3A_75 = vector.broadcast %add3A_74 : i32 to vector<16xi32>
    %add3A_76 = arith.addi %iota3A, %add3A_75 : vector<16xi32>
    %and3A_77 = arith.constant 15 : i32
    %and3A_78 = vector.broadcast %and3A_77 : i32 to vector<16xi32>
    %and3A_79 = arith.andi %add3A_76, %and3A_78 : vector<16xi32>
    %add3A_80 = arith.constant 11 : i32
    %add3A_81 = vector.broadcast %add3A_80 : i32 to vector<16xi32>
    %add3A_82 = arith.addi %iota3A, %add3A_81 : vector<16xi32>
    %and3A_83 = arith.constant 15 : i32
    %and3A_84 = vector.broadcast %and3A_83 : i32 to vector<16xi32>
    %and3A_85 = arith.andi %add3A_82, %and3A_84 : vector<16xi32>
    %add3A_86 = arith.constant 12 : i32
    %add3A_87 = vector.broadcast %add3A_86 : i32 to vector<16xi32>
    %add3A_88 = arith.addi %iota3A, %add3A_87 : vector<16xi32>
    %and3A_89 = arith.constant 15 : i32
    %and3A_90 = vector.broadcast %and3A_89 : i32 to vector<16xi32>
    %and3A_91 = arith.andi %add3A_88, %and3A_90 : vector<16xi32>
    %add3A_92 = arith.constant 13 : i32
    %add3A_93 = vector.broadcast %add3A_92 : i32 to vector<16xi32>
    %add3A_94 = arith.addi %iota3A, %add3A_93 : vector<16xi32>
    %and3A_95 = arith.constant 15 : i32
    %and3A_96 = vector.broadcast %and3A_95 : i32 to vector<16xi32>
    %and3A_97 = arith.andi %add3A_94, %and3A_96 : vector<16xi32>
    %add3A_98 = arith.constant 14 : i32
    %add3A_99 = vector.broadcast %add3A_98 : i32 to vector<16xi32>
    %add3A_100 = arith.addi %iota3A, %add3A_99 : vector<16xi32>
    %and3A_101 = arith.constant 15 : i32
    %and3A_102 = vector.broadcast %and3A_101 : i32 to vector<16xi32>
    %and3A_103 = arith.andi %add3A_100, %and3A_102 : vector<16xi32>
    %add3A_104 = arith.constant 15 : i32
    %add3A_105 = vector.broadcast %add3A_104 : i32 to vector<16xi32>
    %add3A_106 = arith.addi %iota3A, %add3A_105 : vector<16xi32>
    %and3A_107 = arith.constant 15 : i32
    %and3A_108 = vector.broadcast %and3A_107 : i32 to vector<16xi32>
    %and3A_109 = arith.andi %add3A_106, %and3A_108 : vector<16xi32>
    %dma_start3A = arith.constant 0 : i32
    %dma_start3A_110 = tpu.memref_slice %arg5[%dma_start3A] : memref<6400xi32, #tpu.memory_space<vmem>> -> memref<128xi32, #tpu.memory_space<vmem>>
    %dma_start3A_111 = arith.constant 0 : i32
    %dma_start3A_112 = arith.constant 0 : i32
    %dma_start3A_113 = tpu.memref_slice %arg3[%dma_start3A_111, %dma_start3A_112] : memref<100000x128xf32, #tpu.memory_space<hbm>> -> memref<100000x128xf32, #tpu.memory_space<hbm>>
    tpu.enqueue_indirect_dma source(%dma_start3A_113 : memref<100000x128xf32, #tpu.memory_space<hbm>>) target(%arg6 : memref<128x128xf32, #tpu.memory_space<vmem>>) offsets(%dma_start3A_110 : memref<128xi32, #tpu.memory_space<vmem>>) semaphore(%arg9 : memref<!tpu.dma_semaphore, #tpu.memory_space<semaphore_mem>>)
    %scan3A = arith.constant 0 : i32
    %scan3A_114 = arith.constant 0 : i32
    %scan3A_115 = arith.constant 25 : i32
    %scan3A_116 = arith.addi %scan3A_114, %scan3A_115 : i32
    %scan3A_117 = arith.constant 1 : i32
    %scan3A_118 = scf.for %scan3A_120 = %scan3A_114 to %scan3A_116 step %scan3A_117 iter_args(%scan3A_121 = %scan3A) -> (i32)  : i32 {
      %mul3A_122 = arith.constant 2 : i32
      %mul3A_123 = arith.muli %mul3A_122, %scan3A_120 : i32
      %dma_wait3A = arith.constant 0 : i32
      %dma_wait3A_124 = arith.constant 0 : i32
      %dma_wait3A_125 = tpu.memref_slice %arg3[%dma_wait3A, %dma_wait3A_124] : memref<100000x128xf32, #tpu.memory_space<hbm>> -> memref<128x128xf32, #tpu.memory_space<hbm>>
      %dma_wait3A_126 = arith.constant 0 : i32
      %dma_wait3A_127 = arith.constant 0 : i32
      %dma_wait3A_128 = tpu.memref_slice %arg3[%dma_wait3A_126, %dma_wait3A_127] : memref<100000x128xf32, #tpu.memory_space<hbm>> -> memref<128x128xf32, #tpu.memory_space<hbm>>
      tpu.wait_dma2 semaphore(%arg9 : memref<!tpu.dma_semaphore, #tpu.memory_space<semaphore_mem>>) src(%dma_wait3A_128 : memref<128x128xf32, #tpu.memory_space<hbm>>) dst(%arg6 : memref<128x128xf32, #tpu.memory_space<vmem>>)
      %add3A_129 = arith.constant 1 : i32
      %add3A_130 = arith.addi %mul3A_123, %add3A_129 : i32
      %lt3A = arith.constant 50 : i32
      %lt3A_131 = arith.cmpi slt, %add3A_130, %lt3A : i32
      %convert_element_type3A = arith.extui %lt3A_131 : i1 to i32
      %cond3A = arith.constant 0 : i32
      %cond3A_132 = arith.cmpi ne, %convert_element_type3A, %cond3A : i32
      scf.if %cond3A_132 {
        %add3A_160 = arith.constant 1 : i32
        %add3A_161 = arith.addi %mul3A_123, %add3A_160 : i32
        %mul3A_162 = arith.constant 128 : i32
        %mul3A_163 = arith.muli %add3A_161, %mul3A_162 : i32
        %dma_start3A_164 = tpu.memref_slice %arg5[%mul3A_163] : memref<6400xi32, #tpu.memory_space<vmem>> -> memref<128xi32, #tpu.memory_space<vmem>>
        %dma_start3A_165 = arith.constant 0 : i32
        %dma_start3A_166 = arith.constant 0 : i32
        %dma_start3A_167 = tpu.memref_slice %arg3[%dma_start3A_165, %dma_start3A_166] : memref<100000x128xf32, #tpu.memory_space<hbm>> -> memref<100000x128xf32, #tpu.memory_space<hbm>>
        tpu.enqueue_indirect_dma source(%dma_start3A_167 : memref<100000x128xf32, #tpu.memory_space<hbm>>) target(%arg7 : memref<128x128xf32, #tpu.memory_space<vmem>>) offsets(%dma_start3A_164 : memref<128xi32, #tpu.memory_space<vmem>>) semaphore(%arg10 : memref<!tpu.dma_semaphore, #tpu.memory_space<semaphore_mem>>)
      } else {
      }
      %parallel_loop3A = arith.constant 0 : i32
      %parallel_loop3A_133 = arith.constant 128 : i32
      %parallel_loop3A_134 = arith.constant 16 : i32
      scf.for %parallel_loop3A_160 = %parallel_loop3A to %parallel_loop3A_133 step %parallel_loop3A_134  : i32 {
        %parallel_loop3A_161 = vector.broadcast %parallel_loop3A_160 : i32 to vector<16xi32>
        %parallel_loop3A_162 = arith.addi %parallel_loop3A_161, %iota3A : vector<16xi32>
        %parallel_loop3A_163 = arith.constant 0 : i32
        %parallel_loop3A_164 = vector.broadcast %parallel_loop3A_163 : i32 to vector<16xi32>
        %parallel_loop3A_165 = arith.addi %parallel_loop3A_164, %and3A_19 : vector<16xi32>
        %parallel_loop3A_166 = tpu.vector_load_idx %arg6[%parallel_loop3A_162, %parallel_loop3A_165] : memref<128x128xf32, #tpu.memory_space<vmem>>[vector<16xi32>, vector<16xi32>], vector<16xf32>,
        tpu.vector_store_idx %arg8[%parallel_loop3A_165, %parallel_loop3A_162], %parallel_loop3A_166 : memref<64x128xf32, #tpu.memory_space<vmem>>[vector<16xi32>, vector<16xi32>], vector<16xf32>,
        %parallel_loop3A_167 = arith.constant 0 : i32
        %parallel_loop3A_168 = vector.broadcast %parallel_loop3A_167 : i32 to vector<16xi32>
        %parallel_loop3A_169 = arith.addi %parallel_loop3A_168, %and3A_25 : vector<16xi32>
        %parallel_loop3A_170 = tpu.vector_load_idx %arg6[%parallel_loop3A_162, %parallel_loop3A_169] : memref<128x128xf32, #tpu.memory_space<vmem>>[vector<16xi32>, vector<16xi32>], vector<16xf32>,
        tpu.vector_store_idx %arg8[%parallel_loop3A_169, %parallel_loop3A_162], %parallel_loop3A_170 : memref<64x128xf32, #tpu.memory_space<vmem>>[vector<16xi32>, vector<16xi32>], vector<16xf32>,
        %parallel_loop3A_171 = arith.constant 0 : i32
        %parallel_loop3A_172 = vector.broadcast %parallel_loop3A_171 : i32 to vector<16xi32>
        %parallel_loop3A_173 = arith.addi %parallel_loop3A_172, %and3A_31 : vector<16xi32>
        %parallel_loop3A_174 = tpu.vector_load_idx %arg6[%parallel_loop3A_162, %parallel_loop3A_173] : memref<128x128xf32, #tpu.memory_space<vmem>>[vector<16xi32>, vector<16xi32>], vector<16xf32>,
        tpu.vector_store_idx %arg8[%parallel_loop3A_173, %parallel_loop3A_162], %parallel_loop3A_174 : memref<64x128xf32, #tpu.memory_space<vmem>>[vector<16xi32>, vector<16xi32>], vector<16xf32>,
        %parallel_loop3A_175 = arith.constant 0 : i32
        %parallel_loop3A_176 = vector.broadcast %parallel_loop3A_175 : i32 to vector<16xi32>
        %parallel_loop3A_177 = arith.addi %parallel_loop3A_176, %and3A_37 : vector<16xi32>
        %parallel_loop3A_178 = tpu.vector_load_idx %arg6[%parallel_loop3A_162, %parallel_loop3A_177] : memref<128x128xf32, #tpu.memory_space<vmem>>[vector<16xi32>, vector<16xi32>], vector<16xf32>,
        tpu.vector_store_idx %arg8[%parallel_loop3A_177, %parallel_loop3A_162], %parallel_loop3A_178 : memref<64x128xf32, #tpu.memory_space<vmem>>[vector<16xi32>, vector<16xi32>], vector<16xf32>,
        %parallel_loop3A_179 = arith.constant 0 : i32
        %parallel_loop3A_180 = vector.broadcast %parallel_loop3A_179 : i32 to vector<16xi32>
        %parallel_loop3A_181 = arith.addi %parallel_loop3A_180, %and3A_43 : vector<16xi32>
        %parallel_loop3A_182 = tpu.vector_load_idx %arg6[%parallel_loop3A_162, %parallel_loop3A_181] : memref<128x128xf32, #tpu.memory_space<vmem>>[vector<16xi32>, vector<16xi32>], vector<16xf32>,
        tpu.vector_store_idx %arg8[%parallel_loop3A_181, %parallel_loop3A_162], %parallel_loop3A_182 : memref<64x128xf32, #tpu.memory_space<vmem>>[vector<16xi32>, vector<16xi32>], vector<16xf32>,
        %parallel_loop3A_183 = arith.constant 0 : i32
        %parallel_loop3A_184 = vector.broadcast %parallel_loop3A_183 : i32 to vector<16xi32>
        %parallel_loop3A_185 = arith.addi %parallel_loop3A_184, %and3A_49 : vector<16xi32>
        %parallel_loop3A_186 = tpu.vector_load_idx %arg6[%parallel_loop3A_162, %parallel_loop3A_185] : memref<128x128xf32, #tpu.memory_space<vmem>>[vector<16xi32>, vector<16xi32>], vector<16xf32>,
        tpu.vector_store_idx %arg8[%parallel_loop3A_185, %parallel_loop3A_162], %parallel_loop3A_186 : memref<64x128xf32, #tpu.memory_space<vmem>>[vector<16xi32>, vector<16xi32>], vector<16xf32>,
        %parallel_loop3A_187 = arith.constant 0 : i32
        %parallel_loop3A_188 = vector.broadcast %parallel_loop3A_187 : i32 to vector<16xi32>
        %parallel_loop3A_189 = arith.addi %parallel_loop3A_188, %and3A_55 : vector<16xi32>
        %parallel_loop3A_190 = tpu.vector_load_idx %arg6[%parallel_loop3A_162, %parallel_loop3A_189] : memref<128x128xf32, #tpu.memory_space<vmem>>[vector<16xi32>, vector<16xi32>], vector<16xf32>,
        tpu.vector_store_idx %arg8[%parallel_loop3A_189, %parallel_loop3A_162], %parallel_loop3A_190 : memref<64x128xf32, #tpu.memory_space<vmem>>[vector<16xi32>, vector<16xi32>], vector<16xf32>,
        %parallel_loop3A_191 = arith.constant 0 : i32
        %parallel_loop3A_192 = vector.broadcast %parallel_loop3A_191 : i32 to vector<16xi32>
        %parallel_loop3A_193 = arith.addi %parallel_loop3A_192, %and3A_61 : vector<16xi32>
        %parallel_loop3A_194 = tpu.vector_load_idx %arg6[%parallel_loop3A_162, %parallel_loop3A_193] : memref<128x128xf32, #tpu.memory_space<vmem>>[vector<16xi32>, vector<16xi32>], vector<16xf32>,
        tpu.vector_store_idx %arg8[%parallel_loop3A_193, %parallel_loop3A_162], %parallel_loop3A_194 : memref<64x128xf32, #tpu.memory_space<vmem>>[vector<16xi32>, vector<16xi32>], vector<16xf32>,
        %parallel_loop3A_195 = arith.constant 0 : i32
        %parallel_loop3A_196 = vector.broadcast %parallel_loop3A_195 : i32 to vector<16xi32>
        %parallel_loop3A_197 = arith.addi %parallel_loop3A_196, %and3A_67 : vector<16xi32>
        %parallel_loop3A_198 = tpu.vector_load_idx %arg6[%parallel_loop3A_162, %parallel_loop3A_197] : memref<128x128xf32, #tpu.memory_space<vmem>>[vector<16xi32>, vector<16xi32>], vector<16xf32>,
        tpu.vector_store_idx %arg8[%parallel_loop3A_197, %parallel_loop3A_162], %parallel_loop3A_198 : memref<64x128xf32, #tpu.memory_space<vmem>>[vector<16xi32>, vector<16xi32>], vector<16xf32>,
        %parallel_loop3A_199 = arith.constant 0 : i32
        %parallel_loop3A_200 = vector.broadcast %parallel_loop3A_199 : i32 to vector<16xi32>
        %parallel_loop3A_201 = arith.addi %parallel_loop3A_200, %and3A_73 : vector<16xi32>
        %parallel_loop3A_202 = tpu.vector_load_idx %arg6[%parallel_loop3A_162, %parallel_loop3A_201] : memref<128x128xf32, #tpu.memory_space<vmem>>[vector<16xi32>, vector<16xi32>], vector<16xf32>,
        tpu.vector_store_idx %arg8[%parallel_loop3A_201, %parallel_loop3A_162], %parallel_loop3A_202 : memref<64x128xf32, #tpu.memory_space<vmem>>[vector<16xi32>, vector<16xi32>], vector<16xf32>,
        %parallel_loop3A_203 = arith.constant 0 : i32
        %parallel_loop3A_204 = vector.broadcast %parallel_loop3A_203 : i32 to vector<16xi32>
        %parallel_loop3A_205 = arith.addi %parallel_loop3A_204, %and3A_79 : vector<16xi32>
        %parallel_loop3A_206 = tpu.vector_load_idx %arg6[%parallel_loop3A_162, %parallel_loop3A_205] : memref<128x128xf32, #tpu.memory_space<vmem>>[vector<16xi32>, vector<16xi32>], vector<16xf32>,
        tpu.vector_store_idx %arg8[%parallel_loop3A_205, %parallel_loop3A_162], %parallel_loop3A_206 : memref<64x128xf32, #tpu.memory_space<vmem>>[vector<16xi32>, vector<16xi32>], vector<16xf32>,
        %parallel_loop3A_207 = arith.constant 0 : i32
        %parallel_loop3A_208 = vector.broadcast %parallel_loop3A_207 : i32 to vector<16xi32>
        %parallel_loop3A_209 = arith.addi %parallel_loop3A_208, %and3A_85 : vector<16xi32>
        %parallel_loop3A_210 = tpu.vector_load_idx %arg6[%parallel_loop3A_162, %parallel_loop3A_209] : memref<128x128xf32, #tpu.memory_space<vmem>>[vector<16xi32>, vector<16xi32>], vector<16xf32>,
        tpu.vector_store_idx %arg8[%parallel_loop3A_209, %parallel_loop3A_162], %parallel_loop3A_210 : memref<64x128xf32, #tpu.memory_space<vmem>>[vector<16xi32>, vector<16xi32>], vector<16xf32>,
        %parallel_loop3A_211 = arith.constant 0 : i32
        %parallel_loop3A_212 = vector.broadcast %parallel_loop3A_211 : i32 to vector<16xi32>
        %parallel_loop3A_213 = arith.addi %parallel_loop3A_212, %and3A_91 : vector<16xi32>
        %parallel_loop3A_214 = tpu.vector_load_idx %arg6[%parallel_loop3A_162, %parallel_loop3A_213] : memref<128x128xf32, #tpu.memory_space<vmem>>[vector<16xi32>, vector<16xi32>], vector<16xf32>,
        tpu.vector_store_idx %arg8[%parallel_loop3A_213, %parallel_loop3A_162], %parallel_loop3A_214 : memref<64x128xf32, #tpu.memory_space<vmem>>[vector<16xi32>, vector<16xi32>], vector<16xf32>,
        %parallel_loop3A_215 = arith.constant 0 : i32
        %parallel_loop3A_216 = vector.broadcast %parallel_loop3A_215 : i32 to vector<16xi32>
        %parallel_loop3A_217 = arith.addi %parallel_loop3A_216, %and3A_97 : vector<16xi32>
        %parallel_loop3A_218 = tpu.vector_load_idx %arg6[%parallel_loop3A_162, %parallel_loop3A_217] : memref<128x128xf32, #tpu.memory_space<vmem>>[vector<16xi32>, vector<16xi32>], vector<16xf32>,
        tpu.vector_store_idx %arg8[%parallel_loop3A_217, %parallel_loop3A_162], %parallel_loop3A_218 : memref<64x128xf32, #tpu.memory_space<vmem>>[vector<16xi32>, vector<16xi32>], vector<16xf32>,
        %parallel_loop3A_219 = arith.constant 0 : i32
        %parallel_loop3A_220 = vector.broadcast %parallel_loop3A_219 : i32 to vector<16xi32>
        %parallel_loop3A_221 = arith.addi %parallel_loop3A_220, %and3A_103 : vector<16xi32>
        %parallel_loop3A_222 = tpu.vector_load_idx %arg6[%parallel_loop3A_162, %parallel_loop3A_221] : memref<128x128xf32, #tpu.memory_space<vmem>>[vector<16xi32>, vector<16xi32>], vector<16xf32>,
        tpu.vector_store_idx %arg8[%parallel_loop3A_221, %parallel_loop3A_162], %parallel_loop3A_222 : memref<64x128xf32, #tpu.memory_space<vmem>>[vector<16xi32>, vector<16xi32>], vector<16xf32>,
        %parallel_loop3A_223 = arith.constant 0 : i32
        %parallel_loop3A_224 = vector.broadcast %parallel_loop3A_223 : i32 to vector<16xi32>
        %parallel_loop3A_225 = arith.addi %parallel_loop3A_224, %and3A_109 : vector<16xi32>
        %parallel_loop3A_226 = tpu.vector_load_idx %arg6[%parallel_loop3A_162, %parallel_loop3A_225] : memref<128x128xf32, #tpu.memory_space<vmem>>[vector<16xi32>, vector<16xi32>], vector<16xf32>,
        tpu.vector_store_idx %arg8[%parallel_loop3A_225, %parallel_loop3A_162], %parallel_loop3A_226 : memref<64x128xf32, #tpu.memory_space<vmem>>[vector<16xi32>, vector<16xi32>], vector<16xf32>,
        %parallel_loop3A_227 = arith.constant 16 : i32
        %parallel_loop3A_228 = vector.broadcast %parallel_loop3A_227 : i32 to vector<16xi32>
        %parallel_loop3A_229 = arith.addi %parallel_loop3A_228, %and3A_19 : vector<16xi32>
        %parallel_loop3A_230 = tpu.vector_load_idx %arg6[%parallel_loop3A_162, %parallel_loop3A_229] : memref<128x128xf32, #tpu.memory_space<vmem>>[vector<16xi32>, vector<16xi32>], vector<16xf32>,
        tpu.vector_store_idx %arg8[%parallel_loop3A_229, %parallel_loop3A_162], %parallel_loop3A_230 : memref<64x128xf32, #tpu.memory_space<vmem>>[vector<16xi32>, vector<16xi32>], vector<16xf32>,
        %parallel_loop3A_231 = arith.constant 16 : i32
        %parallel_loop3A_232 = vector.broadcast %parallel_loop3A_231 : i32 to vector<16xi32>
        %parallel_loop3A_233 = arith.addi %parallel_loop3A_232, %and3A_25 : vector<16xi32>
        %parallel_loop3A_234 = tpu.vector_load_idx %arg6[%parallel_loop3A_162, %parallel_loop3A_233] : memref<128x128xf32, #tpu.memory_space<vmem>>[vector<16xi32>, vector<16xi32>], vector<16xf32>,
        tpu.vector_store_idx %arg8[%parallel_loop3A_233, %parallel_loop3A_162], %parallel_loop3A_234 : memref<64x128xf32, #tpu.memory_space<vmem>>[vector<16xi32>, vector<16xi32>], vector<16xf32>,
        %parallel_loop3A_235 = arith.constant 16 : i32
        %parallel_loop3A_236 = vector.broadcast %parallel_loop3A_235 : i32 to vector<16xi32>
        %parallel_loop3A_237 = arith.addi %parallel_loop3A_236, %and3A_31 : vector<16xi32>
        %parallel_loop3A_238 = tpu.vector_load_idx %arg6[%parallel_loop3A_162, %parallel_loop3A_237] : memref<128x128xf32, #tpu.memory_space<vmem>>[vector<16xi32>, vector<16xi32>], vector<16xf32>,
        tpu.vector_store_idx %arg8[%parallel_loop3A_237, %parallel_loop3A_162], %parallel_loop3A_238 : memref<64x128xf32, #tpu.memory_space<vmem>>[vector<16xi32>, vector<16xi32>], vector<16xf32>,
        %parallel_loop3A_239 = arith.constant 16 : i32
        %parallel_loop3A_240 = vector.broadcast %parallel_loop3A_239 : i32 to vector<16xi32>
        %parallel_loop3A_241 = arith.addi %parallel_loop3A_240, %and3A_37 : vector<16xi32>
        %parallel_loop3A_242 = tpu.vector_load_idx %arg6[%parallel_loop3A_162, %parallel_loop3A_241] : memref<128x128xf32, #tpu.memory_space<vmem>>[vector<16xi32>, vector<16xi32>], vector<16xf32>,
        tpu.vector_store_idx %arg8[%parallel_loop3A_241, %parallel_loop3A_162], %parallel_loop3A_242 : memref<64x128xf32, #tpu.memory_space<vmem>>[vector<16xi32>, vector<16xi32>], vector<16xf32>,
        %parallel_loop3A_243 = arith.constant 16 : i32
        %parallel_loop3A_244 = vector.broadcast %parallel_loop3A_243 : i32 to vector<16xi32>
        %parallel_loop3A_245 = arith.addi %parallel_loop3A_244, %and3A_43 : vector<16xi32>
        %parallel_loop3A_246 = tpu.vector_load_idx %arg6[%parallel_loop3A_162, %parallel_loop3A_245] : memref<128x128xf32, #tpu.memory_space<vmem>>[vector<16xi32>, vector<16xi32>], vector<16xf32>,
        tpu.vector_store_idx %arg8[%parallel_loop3A_245, %parallel_loop3A_162], %parallel_loop3A_246 : memref<64x128xf32, #tpu.memory_space<vmem>>[vector<16xi32>, vector<16xi32>], vector<16xf32>,
        %parallel_loop3A_247 = arith.constant 16 : i32
        %parallel_loop3A_248 = vector.broadcast %parallel_loop3A_247 : i32 to vector<16xi32>
        %parallel_loop3A_249 = arith.addi %parallel_loop3A_248, %and3A_49 : vector<16xi32>
        %parallel_loop3A_250 = tpu.vector_load_idx %arg6[%parallel_loop3A_162, %parallel_loop3A_249] : memref<128x128xf32, #tpu.memory_space<vmem>>[vector<16xi32>, vector<16xi32>], vector<16xf32>,
        tpu.vector_store_idx %arg8[%parallel_loop3A_249, %parallel_loop3A_162], %parallel_loop3A_250 : memref<64x128xf32, #tpu.memory_space<vmem>>[vector<16xi32>, vector<16xi32>], vector<16xf32>,
        %parallel_loop3A_251 = arith.constant 16 : i32
        %parallel_loop3A_252 = vector.broadcast %parallel_loop3A_251 : i32 to vector<16xi32>
        %parallel_loop3A_253 = arith.addi %parallel_loop3A_252, %and3A_55 : vector<16xi32>
        %parallel_loop3A_254 = tpu.vector_load_idx %arg6[%parallel_loop3A_162, %parallel_loop3A_253] : memref<128x128xf32, #tpu.memory_space<vmem>>[vector<16xi32>, vector<16xi32>], vector<16xf32>,
        tpu.vector_store_idx %arg8[%parallel_loop3A_253, %parallel_loop3A_162], %parallel_loop3A_254 : memref<64x128xf32, #tpu.memory_space<vmem>>[vector<16xi32>, vector<16xi32>], vector<16xf32>,
        %parallel_loop3A_255 = arith.constant 16 : i32
        %parallel_loop3A_256 = vector.broadcast %parallel_loop3A_255 : i32 to vector<16xi32>
        %parallel_loop3A_257 = arith.addi %parallel_loop3A_256, %and3A_61 : vector<16xi32>
        %parallel_loop3A_258 = tpu.vector_load_idx %arg6[%parallel_loop3A_162, %parallel_loop3A_257] : memref<128x128xf32, #tpu.memory_space<vmem>>[vector<16xi32>, vector<16xi32>], vector<16xf32>,
        tpu.vector_store_idx %arg8[%parallel_loop3A_257, %parallel_loop3A_162], %parallel_loop3A_258 : memref<64x128xf32, #tpu.memory_space<vmem>>[vector<16xi32>, vector<16xi32>], vector<16xf32>,
        %parallel_loop3A_259 = arith.constant 16 : i32
        %parallel_loop3A_260 = vector.broadcast %parallel_loop3A_259 : i32 to vector<16xi32>
        %parallel_loop3A_261 = arith.addi %parallel_loop3A_260, %and3A_67 : vector<16xi32>
        %parallel_loop3A_262 = tpu.vector_load_idx %arg6[%parallel_loop3A_162, %parallel_loop3A_261] : memref<128x128xf32, #tpu.memory_space<vmem>>[vector<16xi32>, vector<16xi32>], vector<16xf32>,
        tpu.vector_store_idx %arg8[%parallel_loop3A_261, %parallel_loop3A_162], %parallel_loop3A_262 : memref<64x128xf32, #tpu.memory_space<vmem>>[vector<16xi32>, vector<16xi32>], vector<16xf32>,
        %parallel_loop3A_263 = arith.constant 16 : i32
        %parallel_loop3A_264 = vector.broadcast %parallel_loop3A_263 : i32 to vector<16xi32>
        %parallel_loop3A_265 = arith.addi %parallel_loop3A_264, %and3A_73 : vector<16xi32>
        %parallel_loop3A_266 = tpu.vector_load_idx %arg6[%parallel_loop3A_162, %parallel_loop3A_265] : memref<128x128xf32, #tpu.memory_space<vmem>>[vector<16xi32>, vector<16xi32>], vector<16xf32>,
        tpu.vector_store_idx %arg8[%parallel_loop3A_265, %parallel_loop3A_162], %parallel_loop3A_266 : memref<64x128xf32, #tpu.memory_space<vmem>>[vector<16xi32>, vector<16xi32>], vector<16xf32>,
        %parallel_loop3A_267 = arith.constant 16 : i32
        %parallel_loop3A_268 = vector.broadcast %parallel_loop3A_267 : i32 to vector<16xi32>
        %parallel_loop3A_269 = arith.addi %parallel_loop3A_268, %and3A_79 : vector<16xi32>
        %parallel_loop3A_270 = tpu.vector_load_idx %arg6[%parallel_loop3A_162, %parallel_loop3A_269] : memref<128x128xf32, #tpu.memory_space<vmem>>[vector<16xi32>, vector<16xi32>], vector<16xf32>,
        tpu.vector_store_idx %arg8[%parallel_loop3A_269, %parallel_loop3A_162], %parallel_loop3A_270 : memref<64x128xf32, #tpu.memory_space<vmem>>[vector<16xi32>, vector<16xi32>], vector<16xf32>,
        %parallel_loop3A_271 = arith.constant 16 : i32
        %parallel_loop3A_272 = vector.broadcast %parallel_loop3A_271 : i32 to vector<16xi32>
        %parallel_loop3A_273 = arith.addi %parallel_loop3A_272, %and3A_85 : vector<16xi32>
        %parallel_loop3A_274 = tpu.vector_load_idx %arg6[%parallel_loop3A_162, %parallel_loop3A_273] : memref<128x128xf32, #tpu.memory_space<vmem>>[vector<16xi32>, vector<16xi32>], vector<16xf32>,
        tpu.vector_store_idx %arg8[%parallel_loop3A_273, %parallel_loop3A_162], %parallel_loop3A_274 : memref<64x128xf32, #tpu.memory_space<vmem>>[vector<16xi32>, vector<16xi32>], vector<16xf32>,
        %parallel_loop3A_275 = arith.constant 16 : i32
        %parallel_loop3A_276 = vector.broadcast %parallel_loop3A_275 : i32 to vector<16xi32>
        %parallel_loop3A_277 = arith.addi %parallel_loop3A_276, %and3A_91 : vector<16xi32>
        %parallel_loop3A_278 = tpu.vector_load_idx %arg6[%parallel_loop3A_162, %parallel_loop3A_277] : memref<128x128xf32, #tpu.memory_space<vmem>>[vector<16xi32>, vector<16xi32>], vector<16xf32>,
        tpu.vector_store_idx %arg8[%parallel_loop3A_277, %parallel_loop3A_162], %parallel_loop3A_278 : memref<64x128xf32, #tpu.memory_space<vmem>>[vector<16xi32>, vector<16xi32>], vector<16xf32>,
        %parallel_loop3A_279 = arith.constant 16 : i32
        %parallel_loop3A_280 = vector.broadcast %parallel_loop3A_279 : i32 to vector<16xi32>
        %parallel_loop3A_281 = arith.addi %parallel_loop3A_280, %and3A_97 : vector<16xi32>
        %parallel_loop3A_282 = tpu.vector_load_idx %arg6[%parallel_loop3A_162, %parallel_loop3A_281] : memref<128x128xf32, #tpu.memory_space<vmem>>[vector<16xi32>, vector<16xi32>], vector<16xf32>,
        tpu.vector_store_idx %arg8[%parallel_loop3A_281, %parallel_loop3A_162], %parallel_loop3A_282 : memref<64x128xf32, #tpu.memory_space<vmem>>[vector<16xi32>, vector<16xi32>], vector<16xf32>,
        %parallel_loop3A_283 = arith.constant 16 : i32
        %parallel_loop3A_284 = vector.broadcast %parallel_loop3A_283 : i32 to vector<16xi32>
        %parallel_loop3A_285 = arith.addi %parallel_loop3A_284, %and3A_103 : vector<16xi32>
        %parallel_loop3A_286 = tpu.vector_load_idx %arg6[%parallel_loop3A_162, %parallel_loop3A_285] : memref<128x128xf32, #tpu.memory_space<vmem>>[vector<16xi32>, vector<16xi32>], vector<16xf32>,
        tpu.vector_store_idx %arg8[%parallel_loop3A_285, %parallel_loop3A_162], %parallel_loop3A_286 : memref<64x128xf32, #tpu.memory_space<vmem>>[vector<16xi32>, vector<16xi32>], vector<16xf32>,
        %parallel_loop3A_287 = arith.constant 16 : i32
        %parallel_loop3A_288 = vector.broadcast %parallel_loop3A_287 : i32 to vector<16xi32>
        %parallel_loop3A_289 = arith.addi %parallel_loop3A_288, %and3A_109 : vector<16xi32>
        %parallel_loop3A_290 = tpu.vector_load_idx %arg6[%parallel_loop3A_162, %parallel_loop3A_289] : memref<128x128xf32, #tpu.memory_space<vmem>>[vector<16xi32>, vector<16xi32>], vector<16xf32>,
        tpu.vector_store_idx %arg8[%parallel_loop3A_289, %parallel_loop3A_162], %parallel_loop3A_290 : memref<64x128xf32, #tpu.memory_space<vmem>>[vector<16xi32>, vector<16xi32>], vector<16xf32>,
        %parallel_loop3A_291 = arith.constant 32 : i32
        %parallel_loop3A_292 = vector.broadcast %parallel_loop3A_291 : i32 to vector<16xi32>
        %parallel_loop3A_293 = arith.addi %parallel_loop3A_292, %and3A_19 : vector<16xi32>
        %parallel_loop3A_294 = tpu.vector_load_idx %arg6[%parallel_loop3A_162, %parallel_loop3A_293] : memref<128x128xf32, #tpu.memory_space<vmem>>[vector<16xi32>, vector<16xi32>], vector<16xf32>,
        tpu.vector_store_idx %arg8[%parallel_loop3A_293, %parallel_loop3A_162], %parallel_loop3A_294 : memref<64x128xf32, #tpu.memory_space<vmem>>[vector<16xi32>, vector<16xi32>], vector<16xf32>,
        %parallel_loop3A_295 = arith.constant 32 : i32
        %parallel_loop3A_296 = vector.broadcast %parallel_loop3A_295 : i32 to vector<16xi32>
        %parallel_loop3A_297 = arith.addi %parallel_loop3A_296, %and3A_25 : vector<16xi32>
        %parallel_loop3A_298 = tpu.vector_load_idx %arg6[%parallel_loop3A_162, %parallel_loop3A_297] : memref<128x128xf32, #tpu.memory_space<vmem>>[vector<16xi32>, vector<16xi32>], vector<16xf32>,
        tpu.vector_store_idx %arg8[%parallel_loop3A_297, %parallel_loop3A_162], %parallel_loop3A_298 : memref<64x128xf32, #tpu.memory_space<vmem>>[vector<16xi32>, vector<16xi32>], vector<16xf32>,
        %parallel_loop3A_299 = arith.constant 32 : i32
        %parallel_loop3A_300 = vector.broadcast %parallel_loop3A_299 : i32 to vector<16xi32>
        %parallel_loop3A_301 = arith.addi %parallel_loop3A_300, %and3A_31 : vector<16xi32>
        %parallel_loop3A_302 = tpu.vector_load_idx %arg6[%parallel_loop3A_162, %parallel_loop3A_301] : memref<128x128xf32, #tpu.memory_space<vmem>>[vector<16xi32>, vector<16xi32>], vector<16xf32>,
        tpu.vector_store_idx %arg8[%parallel_loop3A_301, %parallel_loop3A_162], %parallel_loop3A_302 : memref<64x128xf32, #tpu.memory_space<vmem>>[vector<16xi32>, vector<16xi32>], vector<16xf32>,
        %parallel_loop3A_303 = arith.constant 32 : i32
        %parallel_loop3A_304 = vector.broadcast %parallel_loop3A_303 : i32 to vector<16xi32>
        %parallel_loop3A_305 = arith.addi %parallel_loop3A_304, %and3A_37 : vector<16xi32>
        %parallel_loop3A_306 = tpu.vector_load_idx %arg6[%parallel_loop3A_162, %parallel_loop3A_305] : memref<128x128xf32, #tpu.memory_space<vmem>>[vector<16xi32>, vector<16xi32>], vector<16xf32>,
        tpu.vector_store_idx %arg8[%parallel_loop3A_305, %parallel_loop3A_162], %parallel_loop3A_306 : memref<64x128xf32, #tpu.memory_space<vmem>>[vector<16xi32>, vector<16xi32>], vector<16xf32>,
        %parallel_loop3A_307 = arith.constant 32 : i32
        %parallel_loop3A_308 = vector.broadcast %parallel_loop3A_307 : i32 to vector<16xi32>
        %parallel_loop3A_309 = arith.addi %parallel_loop3A_308, %and3A_43 : vector<16xi32>
        %parallel_loop3A_310 = tpu.vector_load_idx %arg6[%parallel_loop3A_162, %parallel_loop3A_309] : memref<128x128xf32, #tpu.memory_space<vmem>>[vector<16xi32>, vector<16xi32>], vector<16xf32>,
        tpu.vector_store_idx %arg8[%parallel_loop3A_309, %parallel_loop3A_162], %parallel_loop3A_310 : memref<64x128xf32, #tpu.memory_space<vmem>>[vector<16xi32>, vector<16xi32>], vector<16xf32>,
        %parallel_loop3A_311 = arith.constant 32 : i32
        %parallel_loop3A_312 = vector.broadcast %parallel_loop3A_311 : i32 to vector<16xi32>
        %parallel_loop3A_313 = arith.addi %parallel_loop3A_312, %and3A_49 : vector<16xi32>
        %parallel_loop3A_314 = tpu.vector_load_idx %arg6[%parallel_loop3A_162, %parallel_loop3A_313] : memref<128x128xf32, #tpu.memory_space<vmem>>[vector<16xi32>, vector<16xi32>], vector<16xf32>,
        tpu.vector_store_idx %arg8[%parallel_loop3A_313, %parallel_loop3A_162], %parallel_loop3A_314 : memref<64x128xf32, #tpu.memory_space<vmem>>[vector<16xi32>, vector<16xi32>], vector<16xf32>,
        %parallel_loop3A_315 = arith.constant 32 : i32
        %parallel_loop3A_316 = vector.broadcast %parallel_loop3A_315 : i32 to vector<16xi32>
        %parallel_loop3A_317 = arith.addi %parallel_loop3A_316, %and3A_55 : vector<16xi32>
        %parallel_loop3A_318 = tpu.vector_load_idx %arg6[%parallel_loop3A_162, %parallel_loop3A_317] : memref<128x128xf32, #tpu.memory_space<vmem>>[vector<16xi32>, vector<16xi32>], vector<16xf32>,
        tpu.vector_store_idx %arg8[%parallel_loop3A_317, %parallel_loop3A_162], %parallel_loop3A_318 : memref<64x128xf32, #tpu.memory_space<vmem>>[vector<16xi32>, vector<16xi32>], vector<16xf32>,
        %parallel_loop3A_319 = arith.constant 32 : i32
        %parallel_loop3A_320 = vector.broadcast %parallel_loop3A_319 : i32 to vector<16xi32>
        %parallel_loop3A_321 = arith.addi %parallel_loop3A_320, %and3A_61 : vector<16xi32>
        %parallel_loop3A_322 = tpu.vector_load_idx %arg6[%parallel_loop3A_162, %parallel_loop3A_321] : memref<128x128xf32, #tpu.memory_space<vmem>>[vector<16xi32>, vector<16xi32>], vector<16xf32>,
        tpu.vector_store_idx %arg8[%parallel_loop3A_321, %parallel_loop3A_162], %parallel_loop3A_322 : memref<64x128xf32, #tpu.memory_space<vmem>>[vector<16xi32>, vector<16xi32>], vector<16xf32>,
        %parallel_loop3A_323 = arith.constant 32 : i32
        %parallel_loop3A_324 = vector.broadcast %parallel_loop3A_323 : i32 to vector<16xi32>
        %parallel_loop3A_325 = arith.addi %parallel_loop3A_324, %and3A_67 : vector<16xi32>
        %parallel_loop3A_326 = tpu.vector_load_idx %arg6[%parallel_loop3A_162, %parallel_loop3A_325] : memref<128x128xf32, #tpu.memory_space<vmem>>[vector<16xi32>, vector<16xi32>], vector<16xf32>,
        tpu.vector_store_idx %arg8[%parallel_loop3A_325, %parallel_loop3A_162], %parallel_loop3A_326 : memref<64x128xf32, #tpu.memory_space<vmem>>[vector<16xi32>, vector<16xi32>], vector<16xf32>,
        %parallel_loop3A_327 = arith.constant 32 : i32
        %parallel_loop3A_328 = vector.broadcast %parallel_loop3A_327 : i32 to vector<16xi32>
        %parallel_loop3A_329 = arith.addi %parallel_loop3A_328, %and3A_73 : vector<16xi32>
        %parallel_loop3A_330 = tpu.vector_load_idx %arg6[%parallel_loop3A_162, %parallel_loop3A_329] : memref<128x128xf32, #tpu.memory_space<vmem>>[vector<16xi32>, vector<16xi32>], vector<16xf32>,
        tpu.vector_store_idx %arg8[%parallel_loop3A_329, %parallel_loop3A_162], %parallel_loop3A_330 : memref<64x128xf32, #tpu.memory_space<vmem>>[vector<16xi32>, vector<16xi32>], vector<16xf32>,
        %parallel_loop3A_331 = arith.constant 32 : i32
        %parallel_loop3A_332 = vector.broadcast %parallel_loop3A_331 : i32 to vector<16xi32>
        %parallel_loop3A_333 = arith.addi %parallel_loop3A_332, %and3A_79 : vector<16xi32>
        %parallel_loop3A_334 = tpu.vector_load_idx %arg6[%parallel_loop3A_162, %parallel_loop3A_333] : memref<128x128xf32, #tpu.memory_space<vmem>>[vector<16xi32>, vector<16xi32>], vector<16xf32>,
        tpu.vector_store_idx %arg8[%parallel_loop3A_333, %parallel_loop3A_162], %parallel_loop3A_334 : memref<64x128xf32, #tpu.memory_space<vmem>>[vector<16xi32>, vector<16xi32>], vector<16xf32>,
        %parallel_loop3A_335 = arith.constant 32 : i32
        %parallel_loop3A_336 = vector.broadcast %parallel_loop3A_335 : i32 to vector<16xi32>
        %parallel_loop3A_337 = arith.addi %parallel_loop3A_336, %and3A_85 : vector<16xi32>
        %parallel_loop3A_338 = tpu.vector_load_idx %arg6[%parallel_loop3A_162, %parallel_loop3A_337] : memref<128x128xf32, #tpu.memory_space<vmem>>[vector<16xi32>, vector<16xi32>], vector<16xf32>,
        tpu.vector_store_idx %arg8[%parallel_loop3A_337, %parallel_loop3A_162], %parallel_loop3A_338 : memref<64x128xf32, #tpu.memory_space<vmem>>[vector<16xi32>, vector<16xi32>], vector<16xf32>,
        %parallel_loop3A_339 = arith.constant 32 : i32
        %parallel_loop3A_340 = vector.broadcast %parallel_loop3A_339 : i32 to vector<16xi32>
        %parallel_loop3A_341 = arith.addi %parallel_loop3A_340, %and3A_91 : vector<16xi32>
        %parallel_loop3A_342 = tpu.vector_load_idx %arg6[%parallel_loop3A_162, %parallel_loop3A_341] : memref<128x128xf32, #tpu.memory_space<vmem>>[vector<16xi32>, vector<16xi32>], vector<16xf32>,
        tpu.vector_store_idx %arg8[%parallel_loop3A_341, %parallel_loop3A_162], %parallel_loop3A_342 : memref<64x128xf32, #tpu.memory_space<vmem>>[vector<16xi32>, vector<16xi32>], vector<16xf32>,
        %parallel_loop3A_343 = arith.constant 32 : i32
        %parallel_loop3A_344 = vector.broadcast %parallel_loop3A_343 : i32 to vector<16xi32>
        %parallel_loop3A_345 = arith.addi %parallel_loop3A_344, %and3A_97 : vector<16xi32>
        %parallel_loop3A_346 = tpu.vector_load_idx %arg6[%parallel_loop3A_162, %parallel_loop3A_345] : memref<128x128xf32, #tpu.memory_space<vmem>>[vector<16xi32>, vector<16xi32>], vector<16xf32>,
        tpu.vector_store_idx %arg8[%parallel_loop3A_345, %parallel_loop3A_162], %parallel_loop3A_346 : memref<64x128xf32, #tpu.memory_space<vmem>>[vector<16xi32>, vector<16xi32>], vector<16xf32>,
        %parallel_loop3A_347 = arith.constant 32 : i32
        %parallel_loop3A_348 = vector.broadcast %parallel_loop3A_347 : i32 to vector<16xi32>
        %parallel_loop3A_349 = arith.addi %parallel_loop3A_348, %and3A_103 : vector<16xi32>
        %parallel_loop3A_350 = tpu.vector_load_idx %arg6[%parallel_loop3A_162, %parallel_loop3A_349] : memref<128x128xf32, #tpu.memory_space<vmem>>[vector<16xi32>, vector<16xi32>], vector<16xf32>,
        tpu.vector_store_idx %arg8[%parallel_loop3A_349, %parallel_loop3A_162], %parallel_loop3A_350 : memref<64x128xf32, #tpu.memory_space<vmem>>[vector<16xi32>, vector<16xi32>], vector<16xf32>,
        %parallel_loop3A_351 = arith.constant 32 : i32
        %parallel_loop3A_352 = vector.broadcast %parallel_loop3A_351 : i32 to vector<16xi32>
        %parallel_loop3A_353 = arith.addi %parallel_loop3A_352, %and3A_109 : vector<16xi32>
        %parallel_loop3A_354 = tpu.vector_load_idx %arg6[%parallel_loop3A_162, %parallel_loop3A_353] : memref<128x128xf32, #tpu.memory_space<vmem>>[vector<16xi32>, vector<16xi32>], vector<16xf32>,
        tpu.vector_store_idx %arg8[%parallel_loop3A_353, %parallel_loop3A_162], %parallel_loop3A_354 : memref<64x128xf32, #tpu.memory_space<vmem>>[vector<16xi32>, vector<16xi32>], vector<16xf32>,
        %parallel_loop3A_355 = arith.constant 48 : i32
        %parallel_loop3A_356 = vector.broadcast %parallel_loop3A_355 : i32 to vector<16xi32>
        %parallel_loop3A_357 = arith.addi %parallel_loop3A_356, %and3A_19 : vector<16xi32>
        %parallel_loop3A_358 = tpu.vector_load_idx %arg6[%parallel_loop3A_162, %parallel_loop3A_357] : memref<128x128xf32, #tpu.memory_space<vmem>>[vector<16xi32>, vector<16xi32>], vector<16xf32>,
        tpu.vector_store_idx %arg8[%parallel_loop3A_357, %parallel_loop3A_162], %parallel_loop3A_358 : memref<64x128xf32, #tpu.memory_space<vmem>>[vector<16xi32>, vector<16xi32>], vector<16xf32>,
        %parallel_loop3A_359 = arith.constant 48 : i32
        %parallel_loop3A_360 = vector.broadcast %parallel_loop3A_359 : i32 to vector<16xi32>
        %parallel_loop3A_361 = arith.addi %parallel_loop3A_360, %and3A_25 : vector<16xi32>
        %parallel_loop3A_362 = tpu.vector_load_idx %arg6[%parallel_loop3A_162, %parallel_loop3A_361] : memref<128x128xf32, #tpu.memory_space<vmem>>[vector<16xi32>, vector<16xi32>], vector<16xf32>,
        tpu.vector_store_idx %arg8[%parallel_loop3A_361, %parallel_loop3A_162], %parallel_loop3A_362 : memref<64x128xf32, #tpu.memory_space<vmem>>[vector<16xi32>, vector<16xi32>], vector<16xf32>,
        %parallel_loop3A_363 = arith.constant 48 : i32
        %parallel_loop3A_364 = vector.broadcast %parallel_loop3A_363 : i32 to vector<16xi32>
        %parallel_loop3A_365 = arith.addi %parallel_loop3A_364, %and3A_31 : vector<16xi32>
        %parallel_loop3A_366 = tpu.vector_load_idx %arg6[%parallel_loop3A_162, %parallel_loop3A_365] : memref<128x128xf32, #tpu.memory_space<vmem>>[vector<16xi32>, vector<16xi32>], vector<16xf32>,
        tpu.vector_store_idx %arg8[%parallel_loop3A_365, %parallel_loop3A_162], %parallel_loop3A_366 : memref<64x128xf32, #tpu.memory_space<vmem>>[vector<16xi32>, vector<16xi32>], vector<16xf32>,
        %parallel_loop3A_367 = arith.constant 48 : i32
        %parallel_loop3A_368 = vector.broadcast %parallel_loop3A_367 : i32 to vector<16xi32>
        %parallel_loop3A_369 = arith.addi %parallel_loop3A_368, %and3A_37 : vector<16xi32>
        %parallel_loop3A_370 = tpu.vector_load_idx %arg6[%parallel_loop3A_162, %parallel_loop3A_369] : memref<128x128xf32, #tpu.memory_space<vmem>>[vector<16xi32>, vector<16xi32>], vector<16xf32>,
        tpu.vector_store_idx %arg8[%parallel_loop3A_369, %parallel_loop3A_162], %parallel_loop3A_370 : memref<64x128xf32, #tpu.memory_space<vmem>>[vector<16xi32>, vector<16xi32>], vector<16xf32>,
        %parallel_loop3A_371 = arith.constant 48 : i32
        %parallel_loop3A_372 = vector.broadcast %parallel_loop3A_371 : i32 to vector<16xi32>
        %parallel_loop3A_373 = arith.addi %parallel_loop3A_372, %and3A_43 : vector<16xi32>
        %parallel_loop3A_374 = tpu.vector_load_idx %arg6[%parallel_loop3A_162, %parallel_loop3A_373] : memref<128x128xf32, #tpu.memory_space<vmem>>[vector<16xi32>, vector<16xi32>], vector<16xf32>,
        tpu.vector_store_idx %arg8[%parallel_loop3A_373, %parallel_loop3A_162], %parallel_loop3A_374 : memref<64x128xf32, #tpu.memory_space<vmem>>[vector<16xi32>, vector<16xi32>], vector<16xf32>,
        %parallel_loop3A_375 = arith.constant 48 : i32
        %parallel_loop3A_376 = vector.broadcast %parallel_loop3A_375 : i32 to vector<16xi32>
        %parallel_loop3A_377 = arith.addi %parallel_loop3A_376, %and3A_49 : vector<16xi32>
        %parallel_loop3A_378 = tpu.vector_load_idx %arg6[%parallel_loop3A_162, %parallel_loop3A_377] : memref<128x128xf32, #tpu.memory_space<vmem>>[vector<16xi32>, vector<16xi32>], vector<16xf32>,
        tpu.vector_store_idx %arg8[%parallel_loop3A_377, %parallel_loop3A_162], %parallel_loop3A_378 : memref<64x128xf32, #tpu.memory_space<vmem>>[vector<16xi32>, vector<16xi32>], vector<16xf32>,
        %parallel_loop3A_379 = arith.constant 48 : i32
        %parallel_loop3A_380 = vector.broadcast %parallel_loop3A_379 : i32 to vector<16xi32>
        %parallel_loop3A_381 = arith.addi %parallel_loop3A_380, %and3A_55 : vector<16xi32>
        %parallel_loop3A_382 = tpu.vector_load_idx %arg6[%parallel_loop3A_162, %parallel_loop3A_381] : memref<128x128xf32, #tpu.memory_space<vmem>>[vector<16xi32>, vector<16xi32>], vector<16xf32>,
        tpu.vector_store_idx %arg8[%parallel_loop3A_381, %parallel_loop3A_162], %parallel_loop3A_382 : memref<64x128xf32, #tpu.memory_space<vmem>>[vector<16xi32>, vector<16xi32>], vector<16xf32>,
        %parallel_loop3A_383 = arith.constant 48 : i32
        %parallel_loop3A_384 = vector.broadcast %parallel_loop3A_383 : i32 to vector<16xi32>
        %parallel_loop3A_385 = arith.addi %parallel_loop3A_384, %and3A_61 : vector<16xi32>
        %parallel_loop3A_386 = tpu.vector_load_idx %arg6[%parallel_loop3A_162, %parallel_loop3A_385] : memref<128x128xf32, #tpu.memory_space<vmem>>[vector<16xi32>, vector<16xi32>], vector<16xf32>,
        tpu.vector_store_idx %arg8[%parallel_loop3A_385, %parallel_loop3A_162], %parallel_loop3A_386 : memref<64x128xf32, #tpu.memory_space<vmem>>[vector<16xi32>, vector<16xi32>], vector<16xf32>,
        %parallel_loop3A_387 = arith.constant 48 : i32
        %parallel_loop3A_388 = vector.broadcast %parallel_loop3A_387 : i32 to vector<16xi32>
        %parallel_loop3A_389 = arith.addi %parallel_loop3A_388, %and3A_67 : vector<16xi32>
        %parallel_loop3A_390 = tpu.vector_load_idx %arg6[%parallel_loop3A_162, %parallel_loop3A_389] : memref<128x128xf32, #tpu.memory_space<vmem>>[vector<16xi32>, vector<16xi32>], vector<16xf32>,
        tpu.vector_store_idx %arg8[%parallel_loop3A_389, %parallel_loop3A_162], %parallel_loop3A_390 : memref<64x128xf32, #tpu.memory_space<vmem>>[vector<16xi32>, vector<16xi32>], vector<16xf32>,
        %parallel_loop3A_391 = arith.constant 48 : i32
        %parallel_loop3A_392 = vector.broadcast %parallel_loop3A_391 : i32 to vector<16xi32>
        %parallel_loop3A_393 = arith.addi %parallel_loop3A_392, %and3A_73 : vector<16xi32>
        %parallel_loop3A_394 = tpu.vector_load_idx %arg6[%parallel_loop3A_162, %parallel_loop3A_393] : memref<128x128xf32, #tpu.memory_space<vmem>>[vector<16xi32>, vector<16xi32>], vector<16xf32>,
        tpu.vector_store_idx %arg8[%parallel_loop3A_393, %parallel_loop3A_162], %parallel_loop3A_394 : memref<64x128xf32, #tpu.memory_space<vmem>>[vector<16xi32>, vector<16xi32>], vector<16xf32>,
        %parallel_loop3A_395 = arith.constant 48 : i32
        %parallel_loop3A_396 = vector.broadcast %parallel_loop3A_395 : i32 to vector<16xi32>
        %parallel_loop3A_397 = arith.addi %parallel_loop3A_396, %and3A_79 : vector<16xi32>
        %parallel_loop3A_398 = tpu.vector_load_idx %arg6[%parallel_loop3A_162, %parallel_loop3A_397] : memref<128x128xf32, #tpu.memory_space<vmem>>[vector<16xi32>, vector<16xi32>], vector<16xf32>,
        tpu.vector_store_idx %arg8[%parallel_loop3A_397, %parallel_loop3A_162], %parallel_loop3A_398 : memref<64x128xf32, #tpu.memory_space<vmem>>[vector<16xi32>, vector<16xi32>], vector<16xf32>,
        %parallel_loop3A_399 = arith.constant 48 : i32
        %parallel_loop3A_400 = vector.broadcast %parallel_loop3A_399 : i32 to vector<16xi32>
        %parallel_loop3A_401 = arith.addi %parallel_loop3A_400, %and3A_85 : vector<16xi32>
        %parallel_loop3A_402 = tpu.vector_load_idx %arg6[%parallel_loop3A_162, %parallel_loop3A_401] : memref<128x128xf32, #tpu.memory_space<vmem>>[vector<16xi32>, vector<16xi32>], vector<16xf32>,
        tpu.vector_store_idx %arg8[%parallel_loop3A_401, %parallel_loop3A_162], %parallel_loop3A_402 : memref<64x128xf32, #tpu.memory_space<vmem>>[vector<16xi32>, vector<16xi32>], vector<16xf32>,
        %parallel_loop3A_403 = arith.constant 48 : i32
        %parallel_loop3A_404 = vector.broadcast %parallel_loop3A_403 : i32 to vector<16xi32>
        %parallel_loop3A_405 = arith.addi %parallel_loop3A_404, %and3A_91 : vector<16xi32>
        %parallel_loop3A_406 = tpu.vector_load_idx %arg6[%parallel_loop3A_162, %parallel_loop3A_405] : memref<128x128xf32, #tpu.memory_space<vmem>>[vector<16xi32>, vector<16xi32>], vector<16xf32>,
        tpu.vector_store_idx %arg8[%parallel_loop3A_405, %parallel_loop3A_162], %parallel_loop3A_406 : memref<64x128xf32, #tpu.memory_space<vmem>>[vector<16xi32>, vector<16xi32>], vector<16xf32>,
        %parallel_loop3A_407 = arith.constant 48 : i32
        %parallel_loop3A_408 = vector.broadcast %parallel_loop3A_407 : i32 to vector<16xi32>
        %parallel_loop3A_409 = arith.addi %parallel_loop3A_408, %and3A_97 : vector<16xi32>
        %parallel_loop3A_410 = tpu.vector_load_idx %arg6[%parallel_loop3A_162, %parallel_loop3A_409] : memref<128x128xf32, #tpu.memory_space<vmem>>[vector<16xi32>, vector<16xi32>], vector<16xf32>,
        tpu.vector_store_idx %arg8[%parallel_loop3A_409, %parallel_loop3A_162], %parallel_loop3A_410 : memref<64x128xf32, #tpu.memory_space<vmem>>[vector<16xi32>, vector<16xi32>], vector<16xf32>,
        %parallel_loop3A_411 = arith.constant 48 : i32
        %parallel_loop3A_412 = vector.broadcast %parallel_loop3A_411 : i32 to vector<16xi32>
        %parallel_loop3A_413 = arith.addi %parallel_loop3A_412, %and3A_103 : vector<16xi32>
        %parallel_loop3A_414 = tpu.vector_load_idx %arg6[%parallel_loop3A_162, %parallel_loop3A_413] : memref<128x128xf32, #tpu.memory_space<vmem>>[vector<16xi32>, vector<16xi32>], vector<16xf32>,
        tpu.vector_store_idx %arg8[%parallel_loop3A_413, %parallel_loop3A_162], %parallel_loop3A_414 : memref<64x128xf32, #tpu.memory_space<vmem>>[vector<16xi32>, vector<16xi32>], vector<16xf32>,
        %parallel_loop3A_415 = arith.constant 48 : i32
        %parallel_loop3A_416 = vector.broadcast %parallel_loop3A_415 : i32 to vector<16xi32>
        %parallel_loop3A_417 = arith.addi %parallel_loop3A_416, %and3A_109 : vector<16xi32>
        %parallel_loop3A_418 = tpu.vector_load_idx %arg6[%parallel_loop3A_162, %parallel_loop3A_417] : memref<128x128xf32, #tpu.memory_space<vmem>>[vector<16xi32>, vector<16xi32>], vector<16xf32>,
        tpu.vector_store_idx %arg8[%parallel_loop3A_417, %parallel_loop3A_162], %parallel_loop3A_418 : memref<64x128xf32, #tpu.memory_space<vmem>>[vector<16xi32>, vector<16xi32>], vector<16xf32>,
      } {sc.loop_unroll_factor = 2 : i64, sc.parallel_access}
      %mul3A_135 = arith.constant 128 : i32
      %mul3A_136 = arith.muli %add3A, %mul3A_135 : i32
      "tpu.region"() ({
        %run_scoped3A = tpu.sem_alloc : memref<!tpu.dma_semaphore, #tpu.memory_space<semaphore_mem>>
        %dma_start3A_160 = arith.constant 0 : i32
        %dma_start3A_161 = tpu.memref_slice %arg4[%mul3A_123, %dma_start3A_160, %mul3A_136] : memref<50x64x4096xf32, #tpu.memory_space<hbm>> -> memref<1x64x128xf32, #tpu.memory_space<hbm>>
        %dma_start3A_162 = tpu.memref_squeeze %dma_start3A_161 : memref<1x64x128xf32, #tpu.memory_space<hbm>> -> memref<64x128xf32, #tpu.memory_space<hbm>>
        %dma_start3A_163 = arith.constant 0 : i32
        %dma_start3A_164 = tpu.memref_slice %arg4[%mul3A_123, %dma_start3A_163, %mul3A_136] : memref<50x64x4096xf32, #tpu.memory_space<hbm>> -> memref<1x64x128xf32, #tpu.memory_space<hbm>>
        %dma_start3A_165 = tpu.memref_squeeze %dma_start3A_164 : memref<1x64x128xf32, #tpu.memory_space<hbm>> -> memref<64x128xf32, #tpu.memory_space<hbm>>
        tpu.enqueue_dma source(%arg8 : memref<64x128xf32, #tpu.memory_space<vmem>>) target(%dma_start3A_165 : memref<64x128xf32, #tpu.memory_space<hbm>>) target_semaphore(%run_scoped3A : memref<!tpu.dma_semaphore, #tpu.memory_space<semaphore_mem>>)
        %dma_wait3A_166 = arith.constant 0 : i32
        %dma_wait3A_167 = tpu.memref_slice %arg4[%mul3A_123, %dma_wait3A_166, %mul3A_136] : memref<50x64x4096xf32, #tpu.memory_space<hbm>> -> memref<1x64x128xf32, #tpu.memory_space<hbm>>
        %dma_wait3A_168 = tpu.memref_squeeze %dma_wait3A_167 : memref<1x64x128xf32, #tpu.memory_space<hbm>> -> memref<64x128xf32, #tpu.memory_space<hbm>>
        %dma_wait3A_169 = arith.constant 0 : i32
        %dma_wait3A_170 = tpu.memref_slice %arg4[%mul3A_123, %dma_wait3A_169, %mul3A_136] : memref<50x64x4096xf32, #tpu.memory_space<hbm>> -> memref<1x64x128xf32, #tpu.memory_space<hbm>>
        %dma_wait3A_171 = tpu.memref_squeeze %dma_wait3A_170 : memref<1x64x128xf32, #tpu.memory_space<hbm>> -> memref<64x128xf32, #tpu.memory_space<hbm>>
        tpu.wait_dma2 semaphore(%run_scoped3A : memref<!tpu.dma_semaphore, #tpu.memory_space<semaphore_mem>>) src(%arg8 : memref<64x128xf32, #tpu.memory_space<vmem>>) dst(%dma_wait3A_171 : memref<64x128xf32, #tpu.memory_space<hbm>>)
        tpu.yield
      }) : () -> ()
      %mul3A_137 = arith.constant 2 : i32
      %mul3A_138 = arith.muli %mul3A_137, %scan3A_120 : i32
      %add3A_139 = arith.constant 1 : i32
      %add3A_140 = arith.addi %mul3A_138, %add3A_139 : i32
      %dma_wait3A_141 = arith.constant 0 : i32
      %dma_wait3A_142 = arith.constant 0 : i32
      %dma_wait3A_143 = tpu.memref_slice %arg3[%dma_wait3A_141, %dma_wait3A_142] : memref<100000x128xf32, #tpu.memory_space<hbm>> -> memref<128x128xf32, #tpu.memory_space<hbm>>
      %dma_wait3A_144 = arith.constant 0 : i32
      %dma_wait3A_145 = arith.constant 0 : i32
      %dma_wait3A_146 = tpu.memref_slice %arg3[%dma_wait3A_144, %dma_wait3A_145] : memref<100000x128xf32, #tpu.memory_space<hbm>> -> memref<128x128xf32, #tpu.memory_space<hbm>>
      tpu.wait_dma2 semaphore(%arg10 : memref<!tpu.dma_semaphore, #tpu.memory_space<semaphore_mem>>) src(%dma_wait3A_146 : memref<128x128xf32, #tpu.memory_space<hbm>>) dst(%arg7 : memref<128x128xf32, #tpu.memory_space<vmem>>)
      %add3A_147 = arith.constant 1 : i32
      %add3A_148 = arith.addi %add3A_140, %add3A_147 : i32
      %lt3A_149 = arith.constant 50 : i32
      %lt3A_150 = arith.cmpi slt, %add3A_148, %lt3A_149 : i32
      %convert_element_type3A_151 = arith.extui %lt3A_150 : i1 to i32
      %cond3A_152 = arith.constant 0 : i32
      %cond3A_153 = arith.cmpi ne, %convert_element_type3A_151, %cond3A_152 : i32
      scf.if %cond3A_153 {
        %add3A_160 = arith.constant 1 : i32
        %add3A_161 = arith.addi %add3A_140, %add3A_160 : i32
        %mul3A_162 = arith.constant 128 : i32
        %mul3A_163 = arith.muli %add3A_161, %mul3A_162 : i32
        %dma_start3A_164 = tpu.memref_slice %arg5[%mul3A_163] : memref<6400xi32, #tpu.memory_space<vmem>> -> memref<128xi32, #tpu.memory_space<vmem>>
        %dma_start3A_165 = arith.constant 0 : i32
        %dma_start3A_166 = arith.constant 0 : i32
        %dma_start3A_167 = tpu.memref_slice %arg3[%dma_start3A_165, %dma_start3A_166] : memref<100000x128xf32, #tpu.memory_space<hbm>> -> memref<100000x128xf32, #tpu.memory_space<hbm>>
        tpu.enqueue_indirect_dma source(%dma_start3A_167 : memref<100000x128xf32, #tpu.memory_space<hbm>>) target(%arg6 : memref<128x128xf32, #tpu.memory_space<vmem>>) offsets(%dma_start3A_164 : memref<128xi32, #tpu.memory_space<vmem>>) semaphore(%arg9 : memref<!tpu.dma_semaphore, #tpu.memory_space<semaphore_mem>>)
      } else {
      }
      %parallel_loop3A_154 = arith.constant 0 : i32
      %parallel_loop3A_155 = arith.constant 128 : i32
      %parallel_loop3A_156 = arith.constant 16 : i32
      scf.for %parallel_loop3A_160 = %parallel_loop3A_154 to %parallel_loop3A_155 step %parallel_loop3A_156  : i32 {
        %parallel_loop3A_161 = vector.broadcast %parallel_loop3A_160 : i32 to vector<16xi32>
        %parallel_loop3A_162 = arith.addi %parallel_loop3A_161, %iota3A : vector<16xi32>
        %parallel_loop3A_163 = arith.constant 0 : i32
        %parallel_loop3A_164 = vector.broadcast %parallel_loop3A_163 : i32 to vector<16xi32>
        %parallel_loop3A_165 = arith.addi %parallel_loop3A_164, %and3A_19 : vector<16xi32>
        %parallel_loop3A_166 = tpu.vector_load_idx %arg7[%parallel_loop3A_162, %parallel_loop3A_165] : memref<128x128xf32, #tpu.memory_space<vmem>>[vector<16xi32>, vector<16xi32>], vector<16xf32>,
        tpu.vector_store_idx %arg8[%parallel_loop3A_165, %parallel_loop3A_162], %parallel_loop3A_166 : memref<64x128xf32, #tpu.memory_space<vmem>>[vector<16xi32>, vector<16xi32>], vector<16xf32>,
        %parallel_loop3A_167 = arith.constant 0 : i32
        %parallel_loop3A_168 = vector.broadcast %parallel_loop3A_167 : i32 to vector<16xi32>
        %parallel_loop3A_169 = arith.addi %parallel_loop3A_168, %and3A_25 : vector<16xi32>
        %parallel_loop3A_170 = tpu.vector_load_idx %arg7[%parallel_loop3A_162, %parallel_loop3A_169] : memref<128x128xf32, #tpu.memory_space<vmem>>[vector<16xi32>, vector<16xi32>], vector<16xf32>,
        tpu.vector_store_idx %arg8[%parallel_loop3A_169, %parallel_loop3A_162], %parallel_loop3A_170 : memref<64x128xf32, #tpu.memory_space<vmem>>[vector<16xi32>, vector<16xi32>], vector<16xf32>,
        %parallel_loop3A_171 = arith.constant 0 : i32
        %parallel_loop3A_172 = vector.broadcast %parallel_loop3A_171 : i32 to vector<16xi32>
        %parallel_loop3A_173 = arith.addi %parallel_loop3A_172, %and3A_31 : vector<16xi32>
        %parallel_loop3A_174 = tpu.vector_load_idx %arg7[%parallel_loop3A_162, %parallel_loop3A_173] : memref<128x128xf32, #tpu.memory_space<vmem>>[vector<16xi32>, vector<16xi32>], vector<16xf32>,
        tpu.vector_store_idx %arg8[%parallel_loop3A_173, %parallel_loop3A_162], %parallel_loop3A_174 : memref<64x128xf32, #tpu.memory_space<vmem>>[vector<16xi32>, vector<16xi32>], vector<16xf32>,
        %parallel_loop3A_175 = arith.constant 0 : i32
        %parallel_loop3A_176 = vector.broadcast %parallel_loop3A_175 : i32 to vector<16xi32>
        %parallel_loop3A_177 = arith.addi %parallel_loop3A_176, %and3A_37 : vector<16xi32>
        %parallel_loop3A_178 = tpu.vector_load_idx %arg7[%parallel_loop3A_162, %parallel_loop3A_177] : memref<128x128xf32, #tpu.memory_space<vmem>>[vector<16xi32>, vector<16xi32>], vector<16xf32>,
        tpu.vector_store_idx %arg8[%parallel_loop3A_177, %parallel_loop3A_162], %parallel_loop3A_178 : memref<64x128xf32, #tpu.memory_space<vmem>>[vector<16xi32>, vector<16xi32>], vector<16xf32>,
        %parallel_loop3A_179 = arith.constant 0 : i32
        %parallel_loop3A_180 = vector.broadcast %parallel_loop3A_179 : i32 to vector<16xi32>
        %parallel_loop3A_181 = arith.addi %parallel_loop3A_180, %and3A_43 : vector<16xi32>
        %parallel_loop3A_182 = tpu.vector_load_idx %arg7[%parallel_loop3A_162, %parallel_loop3A_181] : memref<128x128xf32, #tpu.memory_space<vmem>>[vector<16xi32>, vector<16xi32>], vector<16xf32>,
        tpu.vector_store_idx %arg8[%parallel_loop3A_181, %parallel_loop3A_162], %parallel_loop3A_182 : memref<64x128xf32, #tpu.memory_space<vmem>>[vector<16xi32>, vector<16xi32>], vector<16xf32>,
        %parallel_loop3A_183 = arith.constant 0 : i32
        %parallel_loop3A_184 = vector.broadcast %parallel_loop3A_183 : i32 to vector<16xi32>
        %parallel_loop3A_185 = arith.addi %parallel_loop3A_184, %and3A_49 : vector<16xi32>
        %parallel_loop3A_186 = tpu.vector_load_idx %arg7[%parallel_loop3A_162, %parallel_loop3A_185] : memref<128x128xf32, #tpu.memory_space<vmem>>[vector<16xi32>, vector<16xi32>], vector<16xf32>,
        tpu.vector_store_idx %arg8[%parallel_loop3A_185, %parallel_loop3A_162], %parallel_loop3A_186 : memref<64x128xf32, #tpu.memory_space<vmem>>[vector<16xi32>, vector<16xi32>], vector<16xf32>,
        %parallel_loop3A_187 = arith.constant 0 : i32
        %parallel_loop3A_188 = vector.broadcast %parallel_loop3A_187 : i32 to vector<16xi32>
        %parallel_loop3A_189 = arith.addi %parallel_loop3A_188, %and3A_55 : vector<16xi32>
        %parallel_loop3A_190 = tpu.vector_load_idx %arg7[%parallel_loop3A_162, %parallel_loop3A_189] : memref<128x128xf32, #tpu.memory_space<vmem>>[vector<16xi32>, vector<16xi32>], vector<16xf32>,
        tpu.vector_store_idx %arg8[%parallel_loop3A_189, %parallel_loop3A_162], %parallel_loop3A_190 : memref<64x128xf32, #tpu.memory_space<vmem>>[vector<16xi32>, vector<16xi32>], vector<16xf32>,
        %parallel_loop3A_191 = arith.constant 0 : i32
        %parallel_loop3A_192 = vector.broadcast %parallel_loop3A_191 : i32 to vector<16xi32>
        %parallel_loop3A_193 = arith.addi %parallel_loop3A_192, %and3A_61 : vector<16xi32>
        %parallel_loop3A_194 = tpu.vector_load_idx %arg7[%parallel_loop3A_162, %parallel_loop3A_193] : memref<128x128xf32, #tpu.memory_space<vmem>>[vector<16xi32>, vector<16xi32>], vector<16xf32>,
        tpu.vector_store_idx %arg8[%parallel_loop3A_193, %parallel_loop3A_162], %parallel_loop3A_194 : memref<64x128xf32, #tpu.memory_space<vmem>>[vector<16xi32>, vector<16xi32>], vector<16xf32>,
        %parallel_loop3A_195 = arith.constant 0 : i32
        %parallel_loop3A_196 = vector.broadcast %parallel_loop3A_195 : i32 to vector<16xi32>
        %parallel_loop3A_197 = arith.addi %parallel_loop3A_196, %and3A_67 : vector<16xi32>
        %parallel_loop3A_198 = tpu.vector_load_idx %arg7[%parallel_loop3A_162, %parallel_loop3A_197] : memref<128x128xf32, #tpu.memory_space<vmem>>[vector<16xi32>, vector<16xi32>], vector<16xf32>,
        tpu.vector_store_idx %arg8[%parallel_loop3A_197, %parallel_loop3A_162], %parallel_loop3A_198 : memref<64x128xf32, #tpu.memory_space<vmem>>[vector<16xi32>, vector<16xi32>], vector<16xf32>,
        %parallel_loop3A_199 = arith.constant 0 : i32
        %parallel_loop3A_200 = vector.broadcast %parallel_loop3A_199 : i32 to vector<16xi32>
        %parallel_loop3A_201 = arith.addi %parallel_loop3A_200, %and3A_73 : vector<16xi32>
        %parallel_loop3A_202 = tpu.vector_load_idx %arg7[%parallel_loop3A_162, %parallel_loop3A_201] : memref<128x128xf32, #tpu.memory_space<vmem>>[vector<16xi32>, vector<16xi32>], vector<16xf32>,
        tpu.vector_store_idx %arg8[%parallel_loop3A_201, %parallel_loop3A_162], %parallel_loop3A_202 : memref<64x128xf32, #tpu.memory_space<vmem>>[vector<16xi32>, vector<16xi32>], vector<16xf32>,
        %parallel_loop3A_203 = arith.constant 0 : i32
        %parallel_loop3A_204 = vector.broadcast %parallel_loop3A_203 : i32 to vector<16xi32>
        %parallel_loop3A_205 = arith.addi %parallel_loop3A_204, %and3A_79 : vector<16xi32>
        %parallel_loop3A_206 = tpu.vector_load_idx %arg7[%parallel_loop3A_162, %parallel_loop3A_205] : memref<128x128xf32, #tpu.memory_space<vmem>>[vector<16xi32>, vector<16xi32>], vector<16xf32>,
        tpu.vector_store_idx %arg8[%parallel_loop3A_205, %parallel_loop3A_162], %parallel_loop3A_206 : memref<64x128xf32, #tpu.memory_space<vmem>>[vector<16xi32>, vector<16xi32>], vector<16xf32>,
        %parallel_loop3A_207 = arith.constant 0 : i32
        %parallel_loop3A_208 = vector.broadcast %parallel_loop3A_207 : i32 to vector<16xi32>
        %parallel_loop3A_209 = arith.addi %parallel_loop3A_208, %and3A_85 : vector<16xi32>
        %parallel_loop3A_210 = tpu.vector_load_idx %arg7[%parallel_loop3A_162, %parallel_loop3A_209] : memref<128x128xf32, #tpu.memory_space<vmem>>[vector<16xi32>, vector<16xi32>], vector<16xf32>,
        tpu.vector_store_idx %arg8[%parallel_loop3A_209, %parallel_loop3A_162], %parallel_loop3A_210 : memref<64x128xf32, #tpu.memory_space<vmem>>[vector<16xi32>, vector<16xi32>], vector<16xf32>,
        %parallel_loop3A_211 = arith.constant 0 : i32
        %parallel_loop3A_212 = vector.broadcast %parallel_loop3A_211 : i32 to vector<16xi32>
        %parallel_loop3A_213 = arith.addi %parallel_loop3A_212, %and3A_91 : vector<16xi32>
        %parallel_loop3A_214 = tpu.vector_load_idx %arg7[%parallel_loop3A_162, %parallel_loop3A_213] : memref<128x128xf32, #tpu.memory_space<vmem>>[vector<16xi32>, vector<16xi32>], vector<16xf32>,
        tpu.vector_store_idx %arg8[%parallel_loop3A_213, %parallel_loop3A_162], %parallel_loop3A_214 : memref<64x128xf32, #tpu.memory_space<vmem>>[vector<16xi32>, vector<16xi32>], vector<16xf32>,
        %parallel_loop3A_215 = arith.constant 0 : i32
        %parallel_loop3A_216 = vector.broadcast %parallel_loop3A_215 : i32 to vector<16xi32>
        %parallel_loop3A_217 = arith.addi %parallel_loop3A_216, %and3A_97 : vector<16xi32>
        %parallel_loop3A_218 = tpu.vector_load_idx %arg7[%parallel_loop3A_162, %parallel_loop3A_217] : memref<128x128xf32, #tpu.memory_space<vmem>>[vector<16xi32>, vector<16xi32>], vector<16xf32>,
        tpu.vector_store_idx %arg8[%parallel_loop3A_217, %parallel_loop3A_162], %parallel_loop3A_218 : memref<64x128xf32, #tpu.memory_space<vmem>>[vector<16xi32>, vector<16xi32>], vector<16xf32>,
        %parallel_loop3A_219 = arith.constant 0 : i32
        %parallel_loop3A_220 = vector.broadcast %parallel_loop3A_219 : i32 to vector<16xi32>
        %parallel_loop3A_221 = arith.addi %parallel_loop3A_220, %and3A_103 : vector<16xi32>
        %parallel_loop3A_222 = tpu.vector_load_idx %arg7[%parallel_loop3A_162, %parallel_loop3A_221] : memref<128x128xf32, #tpu.memory_space<vmem>>[vector<16xi32>, vector<16xi32>], vector<16xf32>,
        tpu.vector_store_idx %arg8[%parallel_loop3A_221, %parallel_loop3A_162], %parallel_loop3A_222 : memref<64x128xf32, #tpu.memory_space<vmem>>[vector<16xi32>, vector<16xi32>], vector<16xf32>,
        %parallel_loop3A_223 = arith.constant 0 : i32
        %parallel_loop3A_224 = vector.broadcast %parallel_loop3A_223 : i32 to vector<16xi32>
        %parallel_loop3A_225 = arith.addi %parallel_loop3A_224, %and3A_109 : vector<16xi32>
        %parallel_loop3A_226 = tpu.vector_load_idx %arg7[%parallel_loop3A_162, %parallel_loop3A_225] : memref<128x128xf32, #tpu.memory_space<vmem>>[vector<16xi32>, vector<16xi32>], vector<16xf32>,
        tpu.vector_store_idx %arg8[%parallel_loop3A_225, %parallel_loop3A_162], %parallel_loop3A_226 : memref<64x128xf32, #tpu.memory_space<vmem>>[vector<16xi32>, vector<16xi32>], vector<16xf32>,
        %parallel_loop3A_227 = arith.constant 16 : i32
        %parallel_loop3A_228 = vector.broadcast %parallel_loop3A_227 : i32 to vector<16xi32>
        %parallel_loop3A_229 = arith.addi %parallel_loop3A_228, %and3A_19 : vector<16xi32>
        %parallel_loop3A_230 = tpu.vector_load_idx %arg7[%parallel_loop3A_162, %parallel_loop3A_229] : memref<128x128xf32, #tpu.memory_space<vmem>>[vector<16xi32>, vector<16xi32>], vector<16xf32>,
        tpu.vector_store_idx %arg8[%parallel_loop3A_229, %parallel_loop3A_162], %parallel_loop3A_230 : memref<64x128xf32, #tpu.memory_space<vmem>>[vector<16xi32>, vector<16xi32>], vector<16xf32>,
        %parallel_loop3A_231 = arith.constant 16 : i32
        %parallel_loop3A_232 = vector.broadcast %parallel_loop3A_231 : i32 to vector<16xi32>
        %parallel_loop3A_233 = arith.addi %parallel_loop3A_232, %and3A_25 : vector<16xi32>
        %parallel_loop3A_234 = tpu.vector_load_idx %arg7[%parallel_loop3A_162, %parallel_loop3A_233] : memref<128x128xf32, #tpu.memory_space<vmem>>[vector<16xi32>, vector<16xi32>], vector<16xf32>,
        tpu.vector_store_idx %arg8[%parallel_loop3A_233, %parallel_loop3A_162], %parallel_loop3A_234 : memref<64x128xf32, #tpu.memory_space<vmem>>[vector<16xi32>, vector<16xi32>], vector<16xf32>,
        %parallel_loop3A_235 = arith.constant 16 : i32
        %parallel_loop3A_236 = vector.broadcast %parallel_loop3A_235 : i32 to vector<16xi32>
        %parallel_loop3A_237 = arith.addi %parallel_loop3A_236, %and3A_31 : vector<16xi32>
        %parallel_loop3A_238 = tpu.vector_load_idx %arg7[%parallel_loop3A_162, %parallel_loop3A_237] : memref<128x128xf32, #tpu.memory_space<vmem>>[vector<16xi32>, vector<16xi32>], vector<16xf32>,
        tpu.vector_store_idx %arg8[%parallel_loop3A_237, %parallel_loop3A_162], %parallel_loop3A_238 : memref<64x128xf32, #tpu.memory_space<vmem>>[vector<16xi32>, vector<16xi32>], vector<16xf32>,
        %parallel_loop3A_239 = arith.constant 16 : i32
        %parallel_loop3A_240 = vector.broadcast %parallel_loop3A_239 : i32 to vector<16xi32>
        %parallel_loop3A_241 = arith.addi %parallel_loop3A_240, %and3A_37 : vector<16xi32>
        %parallel_loop3A_242 = tpu.vector_load_idx %arg7[%parallel_loop3A_162, %parallel_loop3A_241] : memref<128x128xf32, #tpu.memory_space<vmem>>[vector<16xi32>, vector<16xi32>], vector<16xf32>,
        tpu.vector_store_idx %arg8[%parallel_loop3A_241, %parallel_loop3A_162], %parallel_loop3A_242 : memref<64x128xf32, #tpu.memory_space<vmem>>[vector<16xi32>, vector<16xi32>], vector<16xf32>,
        %parallel_loop3A_243 = arith.constant 16 : i32
        %parallel_loop3A_244 = vector.broadcast %parallel_loop3A_243 : i32 to vector<16xi32>
        %parallel_loop3A_245 = arith.addi %parallel_loop3A_244, %and3A_43 : vector<16xi32>
        %parallel_loop3A_246 = tpu.vector_load_idx %arg7[%parallel_loop3A_162, %parallel_loop3A_245] : memref<128x128xf32, #tpu.memory_space<vmem>>[vector<16xi32>, vector<16xi32>], vector<16xf32>,
        tpu.vector_store_idx %arg8[%parallel_loop3A_245, %parallel_loop3A_162], %parallel_loop3A_246 : memref<64x128xf32, #tpu.memory_space<vmem>>[vector<16xi32>, vector<16xi32>], vector<16xf32>,
        %parallel_loop3A_247 = arith.constant 16 : i32
        %parallel_loop3A_248 = vector.broadcast %parallel_loop3A_247 : i32 to vector<16xi32>
        %parallel_loop3A_249 = arith.addi %parallel_loop3A_248, %and3A_49 : vector<16xi32>
        %parallel_loop3A_250 = tpu.vector_load_idx %arg7[%parallel_loop3A_162, %parallel_loop3A_249] : memref<128x128xf32, #tpu.memory_space<vmem>>[vector<16xi32>, vector<16xi32>], vector<16xf32>,
        tpu.vector_store_idx %arg8[%parallel_loop3A_249, %parallel_loop3A_162], %parallel_loop3A_250 : memref<64x128xf32, #tpu.memory_space<vmem>>[vector<16xi32>, vector<16xi32>], vector<16xf32>,
        %parallel_loop3A_251 = arith.constant 16 : i32
        %parallel_loop3A_252 = vector.broadcast %parallel_loop3A_251 : i32 to vector<16xi32>
        %parallel_loop3A_253 = arith.addi %parallel_loop3A_252, %and3A_55 : vector<16xi32>
        %parallel_loop3A_254 = tpu.vector_load_idx %arg7[%parallel_loop3A_162, %parallel_loop3A_253] : memref<128x128xf32, #tpu.memory_space<vmem>>[vector<16xi32>, vector<16xi32>], vector<16xf32>,
        tpu.vector_store_idx %arg8[%parallel_loop3A_253, %parallel_loop3A_162], %parallel_loop3A_254 : memref<64x128xf32, #tpu.memory_space<vmem>>[vector<16xi32>, vector<16xi32>], vector<16xf32>,
        %parallel_loop3A_255 = arith.constant 16 : i32
        %parallel_loop3A_256 = vector.broadcast %parallel_loop3A_255 : i32 to vector<16xi32>
        %parallel_loop3A_257 = arith.addi %parallel_loop3A_256, %and3A_61 : vector<16xi32>
        %parallel_loop3A_258 = tpu.vector_load_idx %arg7[%parallel_loop3A_162, %parallel_loop3A_257] : memref<128x128xf32, #tpu.memory_space<vmem>>[vector<16xi32>, vector<16xi32>], vector<16xf32>,
        tpu.vector_store_idx %arg8[%parallel_loop3A_257, %parallel_loop3A_162], %parallel_loop3A_258 : memref<64x128xf32, #tpu.memory_space<vmem>>[vector<16xi32>, vector<16xi32>], vector<16xf32>,
        %parallel_loop3A_259 = arith.constant 16 : i32
        %parallel_loop3A_260 = vector.broadcast %parallel_loop3A_259 : i32 to vector<16xi32>
        %parallel_loop3A_261 = arith.addi %parallel_loop3A_260, %and3A_67 : vector<16xi32>
        %parallel_loop3A_262 = tpu.vector_load_idx %arg7[%parallel_loop3A_162, %parallel_loop3A_261] : memref<128x128xf32, #tpu.memory_space<vmem>>[vector<16xi32>, vector<16xi32>], vector<16xf32>,
        tpu.vector_store_idx %arg8[%parallel_loop3A_261, %parallel_loop3A_162], %parallel_loop3A_262 : memref<64x128xf32, #tpu.memory_space<vmem>>[vector<16xi32>, vector<16xi32>], vector<16xf32>,
        %parallel_loop3A_263 = arith.constant 16 : i32
        %parallel_loop3A_264 = vector.broadcast %parallel_loop3A_263 : i32 to vector<16xi32>
        %parallel_loop3A_265 = arith.addi %parallel_loop3A_264, %and3A_73 : vector<16xi32>
        %parallel_loop3A_266 = tpu.vector_load_idx %arg7[%parallel_loop3A_162, %parallel_loop3A_265] : memref<128x128xf32, #tpu.memory_space<vmem>>[vector<16xi32>, vector<16xi32>], vector<16xf32>,
        tpu.vector_store_idx %arg8[%parallel_loop3A_265, %parallel_loop3A_162], %parallel_loop3A_266 : memref<64x128xf32, #tpu.memory_space<vmem>>[vector<16xi32>, vector<16xi32>], vector<16xf32>,
        %parallel_loop3A_267 = arith.constant 16 : i32
        %parallel_loop3A_268 = vector.broadcast %parallel_loop3A_267 : i32 to vector<16xi32>
        %parallel_loop3A_269 = arith.addi %parallel_loop3A_268, %and3A_79 : vector<16xi32>
        %parallel_loop3A_270 = tpu.vector_load_idx %arg7[%parallel_loop3A_162, %parallel_loop3A_269] : memref<128x128xf32, #tpu.memory_space<vmem>>[vector<16xi32>, vector<16xi32>], vector<16xf32>,
        tpu.vector_store_idx %arg8[%parallel_loop3A_269, %parallel_loop3A_162], %parallel_loop3A_270 : memref<64x128xf32, #tpu.memory_space<vmem>>[vector<16xi32>, vector<16xi32>], vector<16xf32>,
        %parallel_loop3A_271 = arith.constant 16 : i32
        %parallel_loop3A_272 = vector.broadcast %parallel_loop3A_271 : i32 to vector<16xi32>
        %parallel_loop3A_273 = arith.addi %parallel_loop3A_272, %and3A_85 : vector<16xi32>
        %parallel_loop3A_274 = tpu.vector_load_idx %arg7[%parallel_loop3A_162, %parallel_loop3A_273] : memref<128x128xf32, #tpu.memory_space<vmem>>[vector<16xi32>, vector<16xi32>], vector<16xf32>,
        tpu.vector_store_idx %arg8[%parallel_loop3A_273, %parallel_loop3A_162], %parallel_loop3A_274 : memref<64x128xf32, #tpu.memory_space<vmem>>[vector<16xi32>, vector<16xi32>], vector<16xf32>,
        %parallel_loop3A_275 = arith.constant 16 : i32
        %parallel_loop3A_276 = vector.broadcast %parallel_loop3A_275 : i32 to vector<16xi32>
        %parallel_loop3A_277 = arith.addi %parallel_loop3A_276, %and3A_91 : vector<16xi32>
        %parallel_loop3A_278 = tpu.vector_load_idx %arg7[%parallel_loop3A_162, %parallel_loop3A_277] : memref<128x128xf32, #tpu.memory_space<vmem>>[vector<16xi32>, vector<16xi32>], vector<16xf32>,
        tpu.vector_store_idx %arg8[%parallel_loop3A_277, %parallel_loop3A_162], %parallel_loop3A_278 : memref<64x128xf32, #tpu.memory_space<vmem>>[vector<16xi32>, vector<16xi32>], vector<16xf32>,
        %parallel_loop3A_279 = arith.constant 16 : i32
        %parallel_loop3A_280 = vector.broadcast %parallel_loop3A_279 : i32 to vector<16xi32>
        %parallel_loop3A_281 = arith.addi %parallel_loop3A_280, %and3A_97 : vector<16xi32>
        %parallel_loop3A_282 = tpu.vector_load_idx %arg7[%parallel_loop3A_162, %parallel_loop3A_281] : memref<128x128xf32, #tpu.memory_space<vmem>>[vector<16xi32>, vector<16xi32>], vector<16xf32>,
        tpu.vector_store_idx %arg8[%parallel_loop3A_281, %parallel_loop3A_162], %parallel_loop3A_282 : memref<64x128xf32, #tpu.memory_space<vmem>>[vector<16xi32>, vector<16xi32>], vector<16xf32>,
        %parallel_loop3A_283 = arith.constant 16 : i32
        %parallel_loop3A_284 = vector.broadcast %parallel_loop3A_283 : i32 to vector<16xi32>
        %parallel_loop3A_285 = arith.addi %parallel_loop3A_284, %and3A_103 : vector<16xi32>
        %parallel_loop3A_286 = tpu.vector_load_idx %arg7[%parallel_loop3A_162, %parallel_loop3A_285] : memref<128x128xf32, #tpu.memory_space<vmem>>[vector<16xi32>, vector<16xi32>], vector<16xf32>,
        tpu.vector_store_idx %arg8[%parallel_loop3A_285, %parallel_loop3A_162], %parallel_loop3A_286 : memref<64x128xf32, #tpu.memory_space<vmem>>[vector<16xi32>, vector<16xi32>], vector<16xf32>,
        %parallel_loop3A_287 = arith.constant 16 : i32
        %parallel_loop3A_288 = vector.broadcast %parallel_loop3A_287 : i32 to vector<16xi32>
        %parallel_loop3A_289 = arith.addi %parallel_loop3A_288, %and3A_109 : vector<16xi32>
        %parallel_loop3A_290 = tpu.vector_load_idx %arg7[%parallel_loop3A_162, %parallel_loop3A_289] : memref<128x128xf32, #tpu.memory_space<vmem>>[vector<16xi32>, vector<16xi32>], vector<16xf32>,
        tpu.vector_store_idx %arg8[%parallel_loop3A_289, %parallel_loop3A_162], %parallel_loop3A_290 : memref<64x128xf32, #tpu.memory_space<vmem>>[vector<16xi32>, vector<16xi32>], vector<16xf32>,
        %parallel_loop3A_291 = arith.constant 32 : i32
        %parallel_loop3A_292 = vector.broadcast %parallel_loop3A_291 : i32 to vector<16xi32>
        %parallel_loop3A_293 = arith.addi %parallel_loop3A_292, %and3A_19 : vector<16xi32>
        %parallel_loop3A_294 = tpu.vector_load_idx %arg7[%parallel_loop3A_162, %parallel_loop3A_293] : memref<128x128xf32, #tpu.memory_space<vmem>>[vector<16xi32>, vector<16xi32>], vector<16xf32>,
        tpu.vector_store_idx %arg8[%parallel_loop3A_293, %parallel_loop3A_162], %parallel_loop3A_294 : memref<64x128xf32, #tpu.memory_space<vmem>>[vector<16xi32>, vector<16xi32>], vector<16xf32>,
        %parallel_loop3A_295 = arith.constant 32 : i32
        %parallel_loop3A_296 = vector.broadcast %parallel_loop3A_295 : i32 to vector<16xi32>
        %parallel_loop3A_297 = arith.addi %parallel_loop3A_296, %and3A_25 : vector<16xi32>
        %parallel_loop3A_298 = tpu.vector_load_idx %arg7[%parallel_loop3A_162, %parallel_loop3A_297] : memref<128x128xf32, #tpu.memory_space<vmem>>[vector<16xi32>, vector<16xi32>], vector<16xf32>,
        tpu.vector_store_idx %arg8[%parallel_loop3A_297, %parallel_loop3A_162], %parallel_loop3A_298 : memref<64x128xf32, #tpu.memory_space<vmem>>[vector<16xi32>, vector<16xi32>], vector<16xf32>,
        %parallel_loop3A_299 = arith.constant 32 : i32
        %parallel_loop3A_300 = vector.broadcast %parallel_loop3A_299 : i32 to vector<16xi32>
        %parallel_loop3A_301 = arith.addi %parallel_loop3A_300, %and3A_31 : vector<16xi32>
        %parallel_loop3A_302 = tpu.vector_load_idx %arg7[%parallel_loop3A_162, %parallel_loop3A_301] : memref<128x128xf32, #tpu.memory_space<vmem>>[vector<16xi32>, vector<16xi32>], vector<16xf32>,
        tpu.vector_store_idx %arg8[%parallel_loop3A_301, %parallel_loop3A_162], %parallel_loop3A_302 : memref<64x128xf32, #tpu.memory_space<vmem>>[vector<16xi32>, vector<16xi32>], vector<16xf32>,
        %parallel_loop3A_303 = arith.constant 32 : i32
        %parallel_loop3A_304 = vector.broadcast %parallel_loop3A_303 : i32 to vector<16xi32>
        %parallel_loop3A_305 = arith.addi %parallel_loop3A_304, %and3A_37 : vector<16xi32>
        %parallel_loop3A_306 = tpu.vector_load_idx %arg7[%parallel_loop3A_162, %parallel_loop3A_305] : memref<128x128xf32, #tpu.memory_space<vmem>>[vector<16xi32>, vector<16xi32>], vector<16xf32>,
        tpu.vector_store_idx %arg8[%parallel_loop3A_305, %parallel_loop3A_162], %parallel_loop3A_306 : memref<64x128xf32, #tpu.memory_space<vmem>>[vector<16xi32>, vector<16xi32>], vector<16xf32>,
        %parallel_loop3A_307 = arith.constant 32 : i32
        %parallel_loop3A_308 = vector.broadcast %parallel_loop3A_307 : i32 to vector<16xi32>
        %parallel_loop3A_309 = arith.addi %parallel_loop3A_308, %and3A_43 : vector<16xi32>
        %parallel_loop3A_310 = tpu.vector_load_idx %arg7[%parallel_loop3A_162, %parallel_loop3A_309] : memref<128x128xf32, #tpu.memory_space<vmem>>[vector<16xi32>, vector<16xi32>], vector<16xf32>,
        tpu.vector_store_idx %arg8[%parallel_loop3A_309, %parallel_loop3A_162], %parallel_loop3A_310 : memref<64x128xf32, #tpu.memory_space<vmem>>[vector<16xi32>, vector<16xi32>], vector<16xf32>,
        %parallel_loop3A_311 = arith.constant 32 : i32
        %parallel_loop3A_312 = vector.broadcast %parallel_loop3A_311 : i32 to vector<16xi32>
        %parallel_loop3A_313 = arith.addi %parallel_loop3A_312, %and3A_49 : vector<16xi32>
        %parallel_loop3A_314 = tpu.vector_load_idx %arg7[%parallel_loop3A_162, %parallel_loop3A_313] : memref<128x128xf32, #tpu.memory_space<vmem>>[vector<16xi32>, vector<16xi32>], vector<16xf32>,
        tpu.vector_store_idx %arg8[%parallel_loop3A_313, %parallel_loop3A_162], %parallel_loop3A_314 : memref<64x128xf32, #tpu.memory_space<vmem>>[vector<16xi32>, vector<16xi32>], vector<16xf32>,
        %parallel_loop3A_315 = arith.constant 32 : i32
        %parallel_loop3A_316 = vector.broadcast %parallel_loop3A_315 : i32 to vector<16xi32>
        %parallel_loop3A_317 = arith.addi %parallel_loop3A_316, %and3A_55 : vector<16xi32>
        %parallel_loop3A_318 = tpu.vector_load_idx %arg7[%parallel_loop3A_162, %parallel_loop3A_317] : memref<128x128xf32, #tpu.memory_space<vmem>>[vector<16xi32>, vector<16xi32>], vector<16xf32>,
        tpu.vector_store_idx %arg8[%parallel_loop3A_317, %parallel_loop3A_162], %parallel_loop3A_318 : memref<64x128xf32, #tpu.memory_space<vmem>>[vector<16xi32>, vector<16xi32>], vector<16xf32>,
        %parallel_loop3A_319 = arith.constant 32 : i32
        %parallel_loop3A_320 = vector.broadcast %parallel_loop3A_319 : i32 to vector<16xi32>
        %parallel_loop3A_321 = arith.addi %parallel_loop3A_320, %and3A_61 : vector<16xi32>
        %parallel_loop3A_322 = tpu.vector_load_idx %arg7[%parallel_loop3A_162, %parallel_loop3A_321] : memref<128x128xf32, #tpu.memory_space<vmem>>[vector<16xi32>, vector<16xi32>], vector<16xf32>,
        tpu.vector_store_idx %arg8[%parallel_loop3A_321, %parallel_loop3A_162], %parallel_loop3A_322 : memref<64x128xf32, #tpu.memory_space<vmem>>[vector<16xi32>, vector<16xi32>], vector<16xf32>,
        %parallel_loop3A_323 = arith.constant 32 : i32
        %parallel_loop3A_324 = vector.broadcast %parallel_loop3A_323 : i32 to vector<16xi32>
        %parallel_loop3A_325 = arith.addi %parallel_loop3A_324, %and3A_67 : vector<16xi32>
        %parallel_loop3A_326 = tpu.vector_load_idx %arg7[%parallel_loop3A_162, %parallel_loop3A_325] : memref<128x128xf32, #tpu.memory_space<vmem>>[vector<16xi32>, vector<16xi32>], vector<16xf32>,
        tpu.vector_store_idx %arg8[%parallel_loop3A_325, %parallel_loop3A_162], %parallel_loop3A_326 : memref<64x128xf32, #tpu.memory_space<vmem>>[vector<16xi32>, vector<16xi32>], vector<16xf32>,
        %parallel_loop3A_327 = arith.constant 32 : i32
        %parallel_loop3A_328 = vector.broadcast %parallel_loop3A_327 : i32 to vector<16xi32>
        %parallel_loop3A_329 = arith.addi %parallel_loop3A_328, %and3A_73 : vector<16xi32>
        %parallel_loop3A_330 = tpu.vector_load_idx %arg7[%parallel_loop3A_162, %parallel_loop3A_329] : memref<128x128xf32, #tpu.memory_space<vmem>>[vector<16xi32>, vector<16xi32>], vector<16xf32>,
        tpu.vector_store_idx %arg8[%parallel_loop3A_329, %parallel_loop3A_162], %parallel_loop3A_330 : memref<64x128xf32, #tpu.memory_space<vmem>>[vector<16xi32>, vector<16xi32>], vector<16xf32>,
        %parallel_loop3A_331 = arith.constant 32 : i32
        %parallel_loop3A_332 = vector.broadcast %parallel_loop3A_331 : i32 to vector<16xi32>
        %parallel_loop3A_333 = arith.addi %parallel_loop3A_332, %and3A_79 : vector<16xi32>
        %parallel_loop3A_334 = tpu.vector_load_idx %arg7[%parallel_loop3A_162, %parallel_loop3A_333] : memref<128x128xf32, #tpu.memory_space<vmem>>[vector<16xi32>, vector<16xi32>], vector<16xf32>,
        tpu.vector_store_idx %arg8[%parallel_loop3A_333, %parallel_loop3A_162], %parallel_loop3A_334 : memref<64x128xf32, #tpu.memory_space<vmem>>[vector<16xi32>, vector<16xi32>], vector<16xf32>,
        %parallel_loop3A_335 = arith.constant 32 : i32
        %parallel_loop3A_336 = vector.broadcast %parallel_loop3A_335 : i32 to vector<16xi32>
        %parallel_loop3A_337 = arith.addi %parallel_loop3A_336, %and3A_85 : vector<16xi32>
        %parallel_loop3A_338 = tpu.vector_load_idx %arg7[%parallel_loop3A_162, %parallel_loop3A_337] : memref<128x128xf32, #tpu.memory_space<vmem>>[vector<16xi32>, vector<16xi32>], vector<16xf32>,
        tpu.vector_store_idx %arg8[%parallel_loop3A_337, %parallel_loop3A_162], %parallel_loop3A_338 : memref<64x128xf32, #tpu.memory_space<vmem>>[vector<16xi32>, vector<16xi32>], vector<16xf32>,
        %parallel_loop3A_339 = arith.constant 32 : i32
        %parallel_loop3A_340 = vector.broadcast %parallel_loop3A_339 : i32 to vector<16xi32>
        %parallel_loop3A_341 = arith.addi %parallel_loop3A_340, %and3A_91 : vector<16xi32>
        %parallel_loop3A_342 = tpu.vector_load_idx %arg7[%parallel_loop3A_162, %parallel_loop3A_341] : memref<128x128xf32, #tpu.memory_space<vmem>>[vector<16xi32>, vector<16xi32>], vector<16xf32>,
        tpu.vector_store_idx %arg8[%parallel_loop3A_341, %parallel_loop3A_162], %parallel_loop3A_342 : memref<64x128xf32, #tpu.memory_space<vmem>>[vector<16xi32>, vector<16xi32>], vector<16xf32>,
        %parallel_loop3A_343 = arith.constant 32 : i32
        %parallel_loop3A_344 = vector.broadcast %parallel_loop3A_343 : i32 to vector<16xi32>
        %parallel_loop3A_345 = arith.addi %parallel_loop3A_344, %and3A_97 : vector<16xi32>
        %parallel_loop3A_346 = tpu.vector_load_idx %arg7[%parallel_loop3A_162, %parallel_loop3A_345] : memref<128x128xf32, #tpu.memory_space<vmem>>[vector<16xi32>, vector<16xi32>], vector<16xf32>,
        tpu.vector_store_idx %arg8[%parallel_loop3A_345, %parallel_loop3A_162], %parallel_loop3A_346 : memref<64x128xf32, #tpu.memory_space<vmem>>[vector<16xi32>, vector<16xi32>], vector<16xf32>,
        %parallel_loop3A_347 = arith.constant 32 : i32
        %parallel_loop3A_348 = vector.broadcast %parallel_loop3A_347 : i32 to vector<16xi32>
        %parallel_loop3A_349 = arith.addi %parallel_loop3A_348, %and3A_103 : vector<16xi32>
        %parallel_loop3A_350 = tpu.vector_load_idx %arg7[%parallel_loop3A_162, %parallel_loop3A_349] : memref<128x128xf32, #tpu.memory_space<vmem>>[vector<16xi32>, vector<16xi32>], vector<16xf32>,
        tpu.vector_store_idx %arg8[%parallel_loop3A_349, %parallel_loop3A_162], %parallel_loop3A_350 : memref<64x128xf32, #tpu.memory_space<vmem>>[vector<16xi32>, vector<16xi32>], vector<16xf32>,
        %parallel_loop3A_351 = arith.constant 32 : i32
        %parallel_loop3A_352 = vector.broadcast %parallel_loop3A_351 : i32 to vector<16xi32>
        %parallel_loop3A_353 = arith.addi %parallel_loop3A_352, %and3A_109 : vector<16xi32>
        %parallel_loop3A_354 = tpu.vector_load_idx %arg7[%parallel_loop3A_162, %parallel_loop3A_353] : memref<128x128xf32, #tpu.memory_space<vmem>>[vector<16xi32>, vector<16xi32>], vector<16xf32>,
        tpu.vector_store_idx %arg8[%parallel_loop3A_353, %parallel_loop3A_162], %parallel_loop3A_354 : memref<64x128xf32, #tpu.memory_space<vmem>>[vector<16xi32>, vector<16xi32>], vector<16xf32>,
        %parallel_loop3A_355 = arith.constant 48 : i32
        %parallel_loop3A_356 = vector.broadcast %parallel_loop3A_355 : i32 to vector<16xi32>
        %parallel_loop3A_357 = arith.addi %parallel_loop3A_356, %and3A_19 : vector<16xi32>
        %parallel_loop3A_358 = tpu.vector_load_idx %arg7[%parallel_loop3A_162, %parallel_loop3A_357] : memref<128x128xf32, #tpu.memory_space<vmem>>[vector<16xi32>, vector<16xi32>], vector<16xf32>,
        tpu.vector_store_idx %arg8[%parallel_loop3A_357, %parallel_loop3A_162], %parallel_loop3A_358 : memref<64x128xf32, #tpu.memory_space<vmem>>[vector<16xi32>, vector<16xi32>], vector<16xf32>,
        %parallel_loop3A_359 = arith.constant 48 : i32
        %parallel_loop3A_360 = vector.broadcast %parallel_loop3A_359 : i32 to vector<16xi32>
        %parallel_loop3A_361 = arith.addi %parallel_loop3A_360, %and3A_25 : vector<16xi32>
        %parallel_loop3A_362 = tpu.vector_load_idx %arg7[%parallel_loop3A_162, %parallel_loop3A_361] : memref<128x128xf32, #tpu.memory_space<vmem>>[vector<16xi32>, vector<16xi32>], vector<16xf32>,
        tpu.vector_store_idx %arg8[%parallel_loop3A_361, %parallel_loop3A_162], %parallel_loop3A_362 : memref<64x128xf32, #tpu.memory_space<vmem>>[vector<16xi32>, vector<16xi32>], vector<16xf32>,
        %parallel_loop3A_363 = arith.constant 48 : i32
        %parallel_loop3A_364 = vector.broadcast %parallel_loop3A_363 : i32 to vector<16xi32>
        %parallel_loop3A_365 = arith.addi %parallel_loop3A_364, %and3A_31 : vector<16xi32>
        %parallel_loop3A_366 = tpu.vector_load_idx %arg7[%parallel_loop3A_162, %parallel_loop3A_365] : memref<128x128xf32, #tpu.memory_space<vmem>>[vector<16xi32>, vector<16xi32>], vector<16xf32>,
        tpu.vector_store_idx %arg8[%parallel_loop3A_365, %parallel_loop3A_162], %parallel_loop3A_366 : memref<64x128xf32, #tpu.memory_space<vmem>>[vector<16xi32>, vector<16xi32>], vector<16xf32>,
        %parallel_loop3A_367 = arith.constant 48 : i32
        %parallel_loop3A_368 = vector.broadcast %parallel_loop3A_367 : i32 to vector<16xi32>
        %parallel_loop3A_369 = arith.addi %parallel_loop3A_368, %and3A_37 : vector<16xi32>
        %parallel_loop3A_370 = tpu.vector_load_idx %arg7[%parallel_loop3A_162, %parallel_loop3A_369] : memref<128x128xf32, #tpu.memory_space<vmem>>[vector<16xi32>, vector<16xi32>], vector<16xf32>,
        tpu.vector_store_idx %arg8[%parallel_loop3A_369, %parallel_loop3A_162], %parallel_loop3A_370 : memref<64x128xf32, #tpu.memory_space<vmem>>[vector<16xi32>, vector<16xi32>], vector<16xf32>,
        %parallel_loop3A_371 = arith.constant 48 : i32
        %parallel_loop3A_372 = vector.broadcast %parallel_loop3A_371 : i32 to vector<16xi32>
        %parallel_loop3A_373 = arith.addi %parallel_loop3A_372, %and3A_43 : vector<16xi32>
        %parallel_loop3A_374 = tpu.vector_load_idx %arg7[%parallel_loop3A_162, %parallel_loop3A_373] : memref<128x128xf32, #tpu.memory_space<vmem>>[vector<16xi32>, vector<16xi32>], vector<16xf32>,
        tpu.vector_store_idx %arg8[%parallel_loop3A_373, %parallel_loop3A_162], %parallel_loop3A_374 : memref<64x128xf32, #tpu.memory_space<vmem>>[vector<16xi32>, vector<16xi32>], vector<16xf32>,
        %parallel_loop3A_375 = arith.constant 48 : i32
        %parallel_loop3A_376 = vector.broadcast %parallel_loop3A_375 : i32 to vector<16xi32>
        %parallel_loop3A_377 = arith.addi %parallel_loop3A_376, %and3A_49 : vector<16xi32>
        %parallel_loop3A_378 = tpu.vector_load_idx %arg7[%parallel_loop3A_162, %parallel_loop3A_377] : memref<128x128xf32, #tpu.memory_space<vmem>>[vector<16xi32>, vector<16xi32>], vector<16xf32>,
        tpu.vector_store_idx %arg8[%parallel_loop3A_377, %parallel_loop3A_162], %parallel_loop3A_378 : memref<64x128xf32, #tpu.memory_space<vmem>>[vector<16xi32>, vector<16xi32>], vector<16xf32>,
        %parallel_loop3A_379 = arith.constant 48 : i32
        %parallel_loop3A_380 = vector.broadcast %parallel_loop3A_379 : i32 to vector<16xi32>
        %parallel_loop3A_381 = arith.addi %parallel_loop3A_380, %and3A_55 : vector<16xi32>
        %parallel_loop3A_382 = tpu.vector_load_idx %arg7[%parallel_loop3A_162, %parallel_loop3A_381] : memref<128x128xf32, #tpu.memory_space<vmem>>[vector<16xi32>, vector<16xi32>], vector<16xf32>,
        tpu.vector_store_idx %arg8[%parallel_loop3A_381, %parallel_loop3A_162], %parallel_loop3A_382 : memref<64x128xf32, #tpu.memory_space<vmem>>[vector<16xi32>, vector<16xi32>], vector<16xf32>,
        %parallel_loop3A_383 = arith.constant 48 : i32
        %parallel_loop3A_384 = vector.broadcast %parallel_loop3A_383 : i32 to vector<16xi32>
        %parallel_loop3A_385 = arith.addi %parallel_loop3A_384, %and3A_61 : vector<16xi32>
        %parallel_loop3A_386 = tpu.vector_load_idx %arg7[%parallel_loop3A_162, %parallel_loop3A_385] : memref<128x128xf32, #tpu.memory_space<vmem>>[vector<16xi32>, vector<16xi32>], vector<16xf32>,
        tpu.vector_store_idx %arg8[%parallel_loop3A_385, %parallel_loop3A_162], %parallel_loop3A_386 : memref<64x128xf32, #tpu.memory_space<vmem>>[vector<16xi32>, vector<16xi32>], vector<16xf32>,
        %parallel_loop3A_387 = arith.constant 48 : i32
        %parallel_loop3A_388 = vector.broadcast %parallel_loop3A_387 : i32 to vector<16xi32>
        %parallel_loop3A_389 = arith.addi %parallel_loop3A_388, %and3A_67 : vector<16xi32>
        %parallel_loop3A_390 = tpu.vector_load_idx %arg7[%parallel_loop3A_162, %parallel_loop3A_389] : memref<128x128xf32, #tpu.memory_space<vmem>>[vector<16xi32>, vector<16xi32>], vector<16xf32>,
        tpu.vector_store_idx %arg8[%parallel_loop3A_389, %parallel_loop3A_162], %parallel_loop3A_390 : memref<64x128xf32, #tpu.memory_space<vmem>>[vector<16xi32>, vector<16xi32>], vector<16xf32>,
        %parallel_loop3A_391 = arith.constant 48 : i32
        %parallel_loop3A_392 = vector.broadcast %parallel_loop3A_391 : i32 to vector<16xi32>
        %parallel_loop3A_393 = arith.addi %parallel_loop3A_392, %and3A_73 : vector<16xi32>
        %parallel_loop3A_394 = tpu.vector_load_idx %arg7[%parallel_loop3A_162, %parallel_loop3A_393] : memref<128x128xf32, #tpu.memory_space<vmem>>[vector<16xi32>, vector<16xi32>], vector<16xf32>,
        tpu.vector_store_idx %arg8[%parallel_loop3A_393, %parallel_loop3A_162], %parallel_loop3A_394 : memref<64x128xf32, #tpu.memory_space<vmem>>[vector<16xi32>, vector<16xi32>], vector<16xf32>,
        %parallel_loop3A_395 = arith.constant 48 : i32
        %parallel_loop3A_396 = vector.broadcast %parallel_loop3A_395 : i32 to vector<16xi32>
        %parallel_loop3A_397 = arith.addi %parallel_loop3A_396, %and3A_79 : vector<16xi32>
        %parallel_loop3A_398 = tpu.vector_load_idx %arg7[%parallel_loop3A_162, %parallel_loop3A_397] : memref<128x128xf32, #tpu.memory_space<vmem>>[vector<16xi32>, vector<16xi32>], vector<16xf32>,
        tpu.vector_store_idx %arg8[%parallel_loop3A_397, %parallel_loop3A_162], %parallel_loop3A_398 : memref<64x128xf32, #tpu.memory_space<vmem>>[vector<16xi32>, vector<16xi32>], vector<16xf32>,
        %parallel_loop3A_399 = arith.constant 48 : i32
        %parallel_loop3A_400 = vector.broadcast %parallel_loop3A_399 : i32 to vector<16xi32>
        %parallel_loop3A_401 = arith.addi %parallel_loop3A_400, %and3A_85 : vector<16xi32>
        %parallel_loop3A_402 = tpu.vector_load_idx %arg7[%parallel_loop3A_162, %parallel_loop3A_401] : memref<128x128xf32, #tpu.memory_space<vmem>>[vector<16xi32>, vector<16xi32>], vector<16xf32>,
        tpu.vector_store_idx %arg8[%parallel_loop3A_401, %parallel_loop3A_162], %parallel_loop3A_402 : memref<64x128xf32, #tpu.memory_space<vmem>>[vector<16xi32>, vector<16xi32>], vector<16xf32>,
        %parallel_loop3A_403 = arith.constant 48 : i32
        %parallel_loop3A_404 = vector.broadcast %parallel_loop3A_403 : i32 to vector<16xi32>
        %parallel_loop3A_405 = arith.addi %parallel_loop3A_404, %and3A_91 : vector<16xi32>
        %parallel_loop3A_406 = tpu.vector_load_idx %arg7[%parallel_loop3A_162, %parallel_loop3A_405] : memref<128x128xf32, #tpu.memory_space<vmem>>[vector<16xi32>, vector<16xi32>], vector<16xf32>,
        tpu.vector_store_idx %arg8[%parallel_loop3A_405, %parallel_loop3A_162], %parallel_loop3A_406 : memref<64x128xf32, #tpu.memory_space<vmem>>[vector<16xi32>, vector<16xi32>], vector<16xf32>,
        %parallel_loop3A_407 = arith.constant 48 : i32
        %parallel_loop3A_408 = vector.broadcast %parallel_loop3A_407 : i32 to vector<16xi32>
        %parallel_loop3A_409 = arith.addi %parallel_loop3A_408, %and3A_97 : vector<16xi32>
        %parallel_loop3A_410 = tpu.vector_load_idx %arg7[%parallel_loop3A_162, %parallel_loop3A_409] : memref<128x128xf32, #tpu.memory_space<vmem>>[vector<16xi32>, vector<16xi32>], vector<16xf32>,
        tpu.vector_store_idx %arg8[%parallel_loop3A_409, %parallel_loop3A_162], %parallel_loop3A_410 : memref<64x128xf32, #tpu.memory_space<vmem>>[vector<16xi32>, vector<16xi32>], vector<16xf32>,
        %parallel_loop3A_411 = arith.constant 48 : i32
        %parallel_loop3A_412 = vector.broadcast %parallel_loop3A_411 : i32 to vector<16xi32>
        %parallel_loop3A_413 = arith.addi %parallel_loop3A_412, %and3A_103 : vector<16xi32>
        %parallel_loop3A_414 = tpu.vector_load_idx %arg7[%parallel_loop3A_162, %parallel_loop3A_413] : memref<128x128xf32, #tpu.memory_space<vmem>>[vector<16xi32>, vector<16xi32>], vector<16xf32>,
        tpu.vector_store_idx %arg8[%parallel_loop3A_413, %parallel_loop3A_162], %parallel_loop3A_414 : memref<64x128xf32, #tpu.memory_space<vmem>>[vector<16xi32>, vector<16xi32>], vector<16xf32>,
        %parallel_loop3A_415 = arith.constant 48 : i32
        %parallel_loop3A_416 = vector.broadcast %parallel_loop3A_415 : i32 to vector<16xi32>
        %parallel_loop3A_417 = arith.addi %parallel_loop3A_416, %and3A_109 : vector<16xi32>
        %parallel_loop3A_418 = tpu.vector_load_idx %arg7[%parallel_loop3A_162, %parallel_loop3A_417] : memref<128x128xf32, #tpu.memory_space<vmem>>[vector<16xi32>, vector<16xi32>], vector<16xf32>,
        tpu.vector_store_idx %arg8[%parallel_loop3A_417, %parallel_loop3A_162], %parallel_loop3A_418 : memref<64x128xf32, #tpu.memory_space<vmem>>[vector<16xi32>, vector<16xi32>], vector<16xf32>,
      } {sc.loop_unroll_factor = 2 : i64, sc.parallel_access}
      %mul3A_157 = arith.constant 128 : i32
      %mul3A_158 = arith.muli %add3A, %mul3A_157 : i32
      "tpu.region"() ({
        %run_scoped3A = tpu.sem_alloc : memref<!tpu.dma_semaphore, #tpu.memory_space<semaphore_mem>>
        %dma_start3A_160 = arith.constant 0 : i32
        %dma_start3A_161 = tpu.memref_slice %arg4[%add3A_140, %dma_start3A_160, %mul3A_158] : memref<50x64x4096xf32, #tpu.memory_space<hbm>> -> memref<1x64x128xf32, #tpu.memory_space<hbm>>
        %dma_start3A_162 = tpu.memref_squeeze %dma_start3A_161 : memref<1x64x128xf32, #tpu.memory_space<hbm>> -> memref<64x128xf32, #tpu.memory_space<hbm>>
        %dma_start3A_163 = arith.constant 0 : i32
        %dma_start3A_164 = tpu.memref_slice %arg4[%add3A_140, %dma_start3A_163, %mul3A_158] : memref<50x64x4096xf32, #tpu.memory_space<hbm>> -> memref<1x64x128xf32, #tpu.memory_space<hbm>>
        %dma_start3A_165 = tpu.memref_squeeze %dma_start3A_164 : memref<1x64x128xf32, #tpu.memory_space<hbm>> -> memref<64x128xf32, #tpu.memory_space<hbm>>
        tpu.enqueue_dma source(%arg8 : memref<64x128xf32, #tpu.memory_space<vmem>>) target(%dma_start3A_165 : memref<64x128xf32, #tpu.memory_space<hbm>>) target_semaphore(%run_scoped3A : memref<!tpu.dma_semaphore, #tpu.memory_space<semaphore_mem>>)
        %dma_wait3A_166 = arith.constant 0 : i32
        %dma_wait3A_167 = tpu.memref_slice %arg4[%add3A_140, %dma_wait3A_166, %mul3A_158] : memref<50x64x4096xf32, #tpu.memory_space<hbm>> -> memref<1x64x128xf32, #tpu.memory_space<hbm>>
        %dma_wait3A_168 = tpu.memref_squeeze %dma_wait3A_167 : memref<1x64x128xf32, #tpu.memory_space<hbm>> -> memref<64x128xf32, #tpu.memory_space<hbm>>
        %dma_wait3A_169 = arith.constant 0 : i32
        %dma_wait3A_170 = tpu.memref_slice %arg4[%add3A_140, %dma_wait3A_169, %mul3A_158] : memref<50x64x4096xf32, #tpu.memory_space<hbm>> -> memref<1x64x128xf32, #tpu.memory_space<hbm>>
        %dma_wait3A_171 = tpu.memref_squeeze %dma_wait3A_170 : memref<1x64x128xf32, #tpu.memory_space<hbm>> -> memref<64x128xf32, #tpu.memory_space<hbm>>
        tpu.wait_dma2 semaphore(%run_scoped3A : memref<!tpu.dma_semaphore, #tpu.memory_space<semaphore_mem>>) src(%arg8 : memref<64x128xf32, #tpu.memory_space<vmem>>) dst(%dma_wait3A_171 : memref<64x128xf32, #tpu.memory_space<hbm>>)
        tpu.yield
      }) : () -> ()
      %scan3A_159 = arith.constant 0 : i32
      scf.yield %scan3A_159 : i32
    }
    %scan3A_119 = arith.constant 25 : i32
    return
  }
}

</mosaic_0001>

<sc_bundles>
// kernel: kernel.3.cloned.1.call-start
scs
__scs_entry_jumppad:
0x0: {  	(pc) =	sbr.rel $0x88, $3  }
0x1: {  	(tag) =	ssettag $0x0;
	lr =	simm.s32 $0x1  }
0x2: {  	[smem:$0x3F9F] =	sst lr;
	_ =	strace $0xD0000000  }
0x3: {  	_ = 	snop  }
0x4: {  	_ = 	snop  }
0x5: {  	_ = 	snop  }
0x6: {  	_ = 	snop  }
0x7: {  	_ = 	snop  }
__scs_overlays_trampoline_lowered:
0x8: {  	[smem:$0x3FAE] =	sst s0  }
0x9: {  	[smem:$0x3FAF] =	sst s1  }
0xa: {  	[smem:$0x3FB0] =	sst s2  }
0xb: {  	[smem:$0x3FB1] =	sst s3  }
0xc: {  	[smem:$0x3FB2] =	sst s4  }
0xd: {  	[smem:$0x3FB3] =	sst s5  }
0xe: {  	[smem:$0x3FB4] =	sst s6  }
0xf: {  	[smem:$0x3FB5] =	sst s7  }
0x10: {  	[smem:$0x3FB6] =	sst s8  }
0x11: {  	[smem:$0x3FB7] =	sst s9;
	s0 =	simm.s32 @!p0 $0x0  }
0x12: {  	s1 =	sld [smem:$0x3F9D];
	s0 =	simm.s32 @p0 $0x1  }
0x13: {  	[smem:$0x3FB8] =	sst s0;
	s0 =	simm.s32 @!p1 $0x0  }
0x14: {  	s2 =	sld [smem:$0x3F9C];
	s0 =	simm.s32 @p1 $0x1  }
0x15: {  	[smem:$0x3FB9] =	sst s0;
	s0 =	simm.s32 @!p2 $0x0  }
0x16: {  	s3 =	sld [smem:$0x3FDB];
	s0 =	simm.s32 @p2 $0x1  }
0x17: {  	s4 =	simm.s32 $0x1BF5;
	[smem:$0x3FBB] =	sst s0  }
0x18: {  	s0 =	sld [smem:$0x3F9E];
	_ =	swait.ge [sflag:s4], $0x0  }
0x19: {  	s7 =	sld [smem:$0x3F9F]  }
0x1a: {  	s8 =	sadd.s32 $0xFFFFE003, lr  }
0x1b: {  	s9 =	sadd.s32 $0xFFFFFEF7, lr;
	s5 =	simm.s32 $0xFFFFFFFF;
	p2 =	slt.u32 s8, $0xFFFFF086  }
0x1c: {  	p1 =	slt.u32 s9, $0xF7A;
	s5 =	simm.s32 @!p2 $0x0  }
0x1d: {  	s5 =	simm.s32 @p1 $0x1;
	p0 =	seq.s32 s7, s2  }
0x1e: {  	s7 =	smul.u32 @!p0 $0xF7A, s2;
	p2 =	seq.s32 @!p0 s5, $0x0  }
0x1f: {  	s9 =	smul.u32 $0xF7A, s1;
	s8 =	simm.s32 @!p0 $0x1BF5;
	p2 =	por !p2, p0  }
0x20: {  	[sflag:s8] =	ssyncset.s32 @!p0 $0xFFFFF086;
	s6 =	sadd.s32 @!p0 s3, s7;
	s7 =	simm.s32 @!p0 $0x108  }
0x21: {  	s3 =	sadd.s32 s3, s9;
	s6 =	sadd.s32 @!p0 $0x88, s6;
	s7 =	simm.s32 @p2 $0x1082  }
0x22: {  	[simem:s7], [sflag:s8] =	dma.local @!p0 [hbm:s6], $0xF7A  }
0x23: {  	s9 =	sor.u32 $0xD0000000, s2;
	s6 =	simm.s32 $0x108;
	_ =	swait.ge @!p0 [sflag:s8], $0x0  }
0x24: {  	s3 =	sadd.s32 $0x88, s3;
	s6 =	simm.s32 @!p1 $0x1082;
	[sflag:s4] =	ssyncset.s32 $0xFFFFF086  }
0x25: {  	[simem:s6], [sflag:s4] =	dma.local [hbm:s3], $0xF7A  }
0x26: {  	[smem:$0x3F9F] =	sst s1;
	(tag) =	ssettag s2;
	_ =	strace s9  }
0x27: {  	s1 =	sld [smem:$0x3FAF]  }
0x28: {  	s2 =	sld [smem:$0x3FB0]  }
0x29: {  	s4 =	sld [smem:$0x3FB2]  }
0x2a: {  	p0 =	seq.s32 s5, $0x0;
	s5 =	sld [smem:$0x3FB3]  }
0x2b: {  	s6 =	sld [smem:$0x3FB4]  }
0x2c: {  	s7 =	sld [smem:$0x3FB5]  }
0x2d: {  	s3 =	simm.s32 $0x108;
	s8 =	sld [smem:$0x3FB6]  }
0x2e: {  	s3 =	simm.s32 @!p0 $0x1082;
	s9 =	sld [smem:$0x3FB7]  }
0x2f: {  	lr =	sadd.s32 s0, s3;
	s0 =	sld [smem:$0x3FAE]  }
0x30: {  	s3 =	sld [smem:$0x3FB1]  }
0x31: {  	[smem:$0x3FBA] =	sst s10  }
0x32: {  	s10 =	sld [smem:$0x3FB8];
	_ =	sdelay $0x3  }
0x33: {  	p0 =	seq.s32 s10, $0x1;
	s10 =	sld [smem:$0x3FBA];
	_ =	sdelay $0x3  }
0x34: {  	[smem:$0x3FBA] =	sst s10  }
0x35: {  	s10 =	sld [smem:$0x3FB9];
	_ =	sdelay $0x3  }
0x36: {  	p1 =	seq.s32 s10, $0x1;
	s10 =	sld [smem:$0x3FBA];
	_ =	sdelay $0x3  }
0x37: {  	[smem:$0x3FBA] =	sst s10  }
0x38: {  	s10 =	sld [smem:$0x3FBB]  }
0x39: {  	_ = 	snop;
	(pc) =	sbr.ind lr, $3  }
0x3a: {  	_ = 	snop  }
0x3b: {  	_ = 	snop  }
0x3c: {  	p2 =	seq.s32 s10, $0x1;
	s10 =	sld [smem:$0x3FBA]  }
0x3d: {  	_ =	shalt  }
0x3e: {  	_ =	shalt  }
0x3f: {  	_ =	shalt  }
0x40: {  	_ =	shalt  }
0x41: {  	_ =	shalt  }
0x42: {  	_ =	shalt  }
0x43: {  	_ =	shalt  }
0x44: {  	_ =	shalt  }
0x45: {  	_ =	shalt  }
0x46: {  	_ =	shalt  }
0x47: {  	_ =	shalt  }
0x48: {  	_ =	shalt  }
0x49: {  	_ =	shalt  }
0x4a: {  	_ =	shalt  }
0x4b: {  	_ =	shalt  }
0x4c: {  	_ =	shalt  }
0x4d: {  	_ =	shalt  }
0x4e: {  	_ =	shalt  }
0x4f: {  	_ =	shalt  }
0x50: {  	_ =	shalt  }
0x51: {  	_ =	shalt  }
0x52: {  	_ =	shalt  }
0x53: {  	_ =	shalt  }
0x54: {  	_ =	shalt  }
0x55: {  	_ =	shalt  }
0x56: {  	_ =	shalt  }
0x57: {  	_ =	shalt  }
0x58: {  	_ =	shalt  }
0x59: {  	_ =	shalt  }
0x5a: {  	_ =	shalt  }
0x5b: {  	_ =	shalt  }
0x5c: {  	_ =	shalt  }
0x5d: {  	_ =	shalt  }
0x5e: {  	_ =	shalt  }
0x5f: {  	_ =	shalt  }
0x60: {  	_ =	shalt  }
0x61: {  	_ =	shalt  }
0x62: {  	_ =	shalt  }
0x63: {  	_ =	shalt  }
0x64: {  	_ =	shalt  }
0x65: {  	_ =	shalt  }
0x66: {  	_ =	shalt  }
0x67: {  	_ =	shalt  }
0x68: {  	_ =	shalt  }
0x69: {  	_ =	shalt  }
0x6a: {  	_ =	shalt  }
0x6b: {  	_ =	shalt  }
0x6c: {  	_ =	shalt  }
0x6d: {  	_ =	shalt  }
0x6e: {  	_ =	shalt  }
0x6f: {  	_ =	shalt  }
0x70: {  	_ =	shalt  }
0x71: {  	_ =	shalt  }
0x72: {  	_ =	shalt  }
0x73: {  	_ =	shalt  }
0x74: {  	_ =	shalt  }
0x75: {  	_ =	shalt  }
0x76: {  	_ =	shalt  }
0x77: {  	_ =	shalt  }
0x78: {  	_ =	shalt  }
0x79: {  	_ =	shalt  }
0x7a: {  	_ =	shalt  }
0x7b: {  	_ =	shalt  }
0x7c: {  	_ =	shalt  }
0x7d: {  	_ =	shalt  }
0x7e: {  	_ =	shalt  }
0x7f: {  	_ =	shalt  }
0x80: {  	_ =	shalt  }
0x81: {  	_ =	shalt  }
0x82: {  	_ =	shalt  }
0x83: {  	_ =	shalt  }
0x84: {  	_ =	shalt  }
0x85: {  	_ =	shalt  }
0x86: {  	_ =	shalt  }
0x87: {  	_ =	shalt  }
.Lfunc_end0:
.L_simem_size_0:
called_computation_lowered:
.L_overlay_start_0:
0x88: {  	s2 =	sld [smem:$0x3FD9]  }
0x89: {  	s3 =	sld [smem:$0x3FFE];
	_ =	sdelay $0x1  }
0x8a: {  	s1 =	srdreg.scid  }
0x8b: {  	s0 =	sand.u32 $0x1, s1  }
0x8c: {  	s17 =	sshll.u32 s0, $0xA;
	s2 =	sadd.s32 s3, s2  }
0x8d: {  	s2 =	sadd.s32 s2, s17  }
0x8e: {  	[smem:$0x3FC6] =	sst s2  }
0x8f: {  	_ = 	snop  }
0x90: {  	s2 =	sld [smem:$0x3FD0];
	(tm) =	ssettm $0x1  }
0x91: {  	s18 =	sld [smem:$0x3FFB];
	_ =	sdelay $0x3  }
0x92: {  	_ =	strace s18  }
0x93: {  	s3 =	sld [smem:$0x3FFC];
	_ =	sdelay $0x3  }
0x94: {  	_ =	strace s3  }
0x95: {  	s3 =	sld [smem:$0x3FFD];
	_ =	sdelay $0x3  }
0x96: {  	_ =	strace s3  }
0x97: {  	_ =	strace $0x8FFFFFFF  }
0x98: {  	s19 =	sld [smem:$0x3FDB];
	_ =	sdelay $0x1  }
0x99: {  	s4 =	simm.s32 $_scs_section_size  }
0x9a: {  	s5 =	simm.s32 $_size__tile_overlayer_lowered;
	s6 =	simm.s32 $_tile_overlayer_lowered  }
0x9b: {  	s22 =	simm.s32 $0x1BFF;
	s21 =	sshll.u32 s6, $0x1;
	s3 =	sadd.s32 s4, s19  }
0x9c: {  	s7 =	simm.s32 $0x0;
	s20 =	sshll.u32 s5, $0x1;
	s5 =	sadd.s32 s21, s3  }
0x9d: {  	[timem:s7], [sflag:s22] =	dma.local [hbm:s5], s20  }
0x9e: {  	_ =	swait.ge [sflag:s22], s20  }
0x9f: {  	s4 =	ssub.s32 $0x0, s20;
	[sflag:s22] =	ssyncset.done $0x0  }
0xa0: {  	[sflag:s22] =	ssyncadd.s32 s4;
	_ =	sdelay $0x1  }
0xa1: {  	s23 =	simm.s32 $0x1B8B  }
0xa2: {  	_ =	swait.ge [sflag:s23], $0x1  }
0xa3: {  	[sflag:s23] =	ssyncset.done $0x0  }
0xa4: {  	s25 =	simm.s32 $0x1B8E;
	s24 =	sld [smem:$0x3FFE];
	[sflag:s23] =	ssyncadd.s32 $0xFFFFFFFF  }
0xa5: {  	s26 =	simm.s32 $execute0_lowered;
	[smem:$0x3FD2] =	sst s25  }
0xa6: {  	s5 =	sshll.u32 s26, $0x1;
	_ =	strace $0x80000046;
	[dreg:$0x1] =	wrdreg $0xFFFFFFFF  }
0xa7: {  	s28 =	simm.s32 $_size_execute0_lowered;
	s3 =	sadd.s32 s3, s5;
	[dreg:$0x0] =	wrdreg $0x0  }
0xa8: {  	s5 =	sshll.u32 s28, $0x1;
	[dreg:$0x2] =	wrdreg s3  }
0xa9: {  	[dreg:$0x3] =	wrdreg s5  }
0xaa: {  	[dreg:$0x4] =	wrdreg $0xC0  }
0xab: {  	_ =	task [dreg:s7], $0x5FFFF  }
0xac: {  	[dreg:$0x1] =	wrdreg $0xFFFFFFFF  }
0xad: {  	[dreg:$0x0] =	wrdreg $0x60  }
0xae: {  	[dreg:$0x2] =	wrdreg s24  }
0xaf: {  	[dreg:$0x3] =	wrdreg s2  }
0xb0: {  	[dreg:$0x4] =	wrdreg $0x9  }
0xb1: {  	_ =	task.clear_ibuf [dreg:s7], $0x5FFFF;
	_ =	strace $0x90000046  }
0xb2: {  	s29 =	simm.s32 $0x9;
	_ =	strace $0x80000048  }
0xb3: {  	_ =	swait.ge [sflag:s29], $0x1  }
0xb4: {  	[sflag:s29] =	ssyncadd.s32 $0xFFFFFFFF  }
0xb5: {  	_ =	strace $0x90000048  }
0xb6: {  	_ =	sfence  }
0xb7: {  	s30 =	sld [smem:$0x0];
	_ =	sdelay $0x2  }
0xb8: {  	s31 =	sshll.u32 s1, $0xD;
	s1 =	sshrl.u32 s1, $0x2  }
0xb9: {  	s3 =	sand.u32 $0x4000, s31;
	s1 =	sadd.s32 s1, s30  }
0xba: {  	s0 =	sor.u32 s3, s0;
	s1 =	sshll.u32 s1, $0x11  }
0xbb: {  	s0 =	sor.u32 s1, s0  }
0xbc: {  	s0 =	sadd.s32 $0x8F2B, s0  }
0xbd: {  	[sflag:s0] =	ssyncadd.remote.s32 $0x1  }
0xbe: {  	_ =	sfence.sel $0xFFFF  }
0xbf: {  	[dreg:$0x0] =	wrdreg $0xFFFFFFFF;
	(pc) =	sbr.abs _section_cstart, $3  }
0xc0: {  	[dreg:$0x1] =	wrdreg $0xFFFFFFFF  }
0xc1: {  	_ =	task.clear_ibuf [dreg:s7], $0x2FFFF;
	_ =	strace $0x9FFFFFFF  }
0xc2: {  	(tm) =	ssettm $0x7FFFFFFF  }
0xc3: {  	_ =	shalt  }
tec
execute0_lowered:
.L_overlay_start_1:
0x0: {  	(tag) =	ssettag $0x1  }
0x1: {  	v0 =	vimm.s32 $0xFEDCBA9;
	v1 =	vimm.s32 $0x87654321;
	vm14 =	vcmask $0x300  }
0x2: {  	v2 =	vimm.s32 $0xF;
	vm13 =	vcmask $0x704;
	vm12 =	vcmask $0xB08  }
0x3: {  	vm11 =	vcmask $0xF0C;
	vm10 =	vcmask $0x1310;
	vm9 =	vcmask $0x1714  }
0x4: {  	vm8 =	vcmask $0x1B18;
	vm7 =	vcmask $0x1F1C;
	vm5 =	vcmask $0x2320  }
0x5: {  	vm6 =	vcmask $0x2724;
	vm4 =	vcmask $0x2B28;
	vm2 =	vcmask $0x2F2C  }
0x6: {  	vm3 =	vcmask $0x3330;
	vm1 =	vcmask $0x3734;
	vm0 =	vcmask $0x3B38  }
0x7: {  	v34 =	vimm.s32 $0x10FEDCBA;
	v4 =	vimm.s32 $0x98765432;
	v5 =	vimm.s32 $0x10F  }
0x8: {  	v14 =	vimm.s32 $0x6543210F;
	v15 =	vimm.s32 $0xEDCBA987;
	v44 =	vimm.s32 $0x60F  }
0x9: {  	v61 =	vimm.s32 $0x70F;
	v19 =	vimm.s32 $0x128F;
	v20 =	vimm.s32 $0x130F  }
0xa: {  	v21 =	vimm.s32 $0x138F;
	v22 =	vimm.s32 $0x140F;
	v23 =	vimm.s32 $0x148F  }
0xb: {  	v24 =	vimm.s32 $0x150F;
	v25 =	vimm.s32 $0x158F;
	v26 =	vimm.s32 $0x160F  }
0xc: {  	v27 =	vimm.s32 $0x168F;
	v28 =	vimm.s32 $0x170F;
	v29 =	vimm.s32 $0x180F  }
0xd: {  	v30 =	vimm.s32 $0x188F;
	v31 =	vimm.s32 $0x190F;
	v0 =	vunpack.c.l.s4.s8 v0  }
0xe: {  	v1 =	vunpack.c.l.s4.s8 v1;
	v2 =	vsel vm14, $0x80, v2;
	v4 =	vunpack.c.l.s4.s8 v4  }
0xf: {  	v14 =	vunpack.c.l.s4.s8 v14;
	v15 =	vunpack.c.l.s4.s8 v15;
	v19 =	vsel vm14, $0x1300, v19  }
0x10: {  	v20 =	vsel vm14, $0x1380, v20;
	v21 =	vsel vm14, $0x1400, v21;
	v22 =	vsel vm14, $0x1480, v22  }
0x11: {  	v23 =	vsel vm14, $0x1500, v23;
	v24 =	vsel vm14, $0x1580, v24;
	v25 =	vsel vm14, $0x1600, v25  }
0x12: {  	v26 =	vsel vm14, $0x1680, v26;
	v27 =	vsel vm14, $0x1700, v27;
	v28 =	vsel vm14, $0x1780, v28  }
0x13: {  	v29 =	vsel vm14, $0x1880, v29;
	v30 =	vsel vm14, $0x1900, v30;
	v31 =	vsel vm14, $0x1980, v31  }
0x14: {  	v2 =	vsel vm13, $0x101, v2;
	v19 =	vsel vm13, $0x1381, v19;
	v20 =	vsel vm13, $0x1401, v20  }
0x15: {  	v21 =	vsel vm13, $0x1481, v21;
	v22 =	vsel vm13, $0x1501, v22;
	v23 =	vsel vm13, $0x1581, v23  }
0x16: {  	v0 =	vunpack.c.0.s8.s32 v0;
	v1 =	vunpack.c.0.s8.s32 v1;
	v2 =	vsel vm12, $0x182, v2  }
0x17: {  	v24 =	vsel vm13, $0x1601, v24;
	v25 =	vsel vm13, $0x1681, v25;
	v2 =	vsel vm11, $0x203, v2  }
0x18: {  	v26 =	vsel vm13, $0x1701, v26;
	v3 =	vcombine.low v1, v0;
	v2 =	vsel vm10, $0x284, v2  }
0x19: {  	v27 =	vsel vm13, $0x1781, v27;
	v28 =	vsel vm13, $0x1001, v28;
	v2 =	vsel vm9, $0x305, v2  }
0x1a: {  	v62 =	vand.u32 $0xF, v3;
	v2 =	vsel vm8, $0x386, v2;
	v3 =	vimm.s32 $0x8F  }
0x1b: {  	v29 =	vsel vm13, $0x1901, v29;
	v2 =	vsel vm7, $0x407, v2;
	v3 =	vsel vm14, $0x100, v3  }
0x1c: {  	v30 =	vsel vm13, $0x1981, v30;
	v2 =	vsel vm5, $0x488, v2;
	v3 =	vsel vm13, $0x181, v3  }
0x1d: {  	v31 =	vsel vm13, $0x1A01, v31;
	v2 =	vsel vm6, $0x509, v2;
	v3 =	vsel vm12, $0x202, v3  }
0x1e: {  	v7 =	vunpack.c.0.s8.s32 v4;
	v2 =	vsel vm4, $0x58A, v2;
	v3 =	vsel vm11, $0x283, v3  }
0x1f: {  	v4 =	vimm.s32 $0x210FEDCB;
	v2 =	vsel vm2, $0x60B, v2;
	v3 =	vsel vm10, $0x304, v3  }
0x20: {  	v4 =	vunpack.c.l.s4.s8 v4;
	v2 =	vsel vm3, $0x68C, v2;
	v3 =	vsel vm9, $0x385, v3  }
0x21: {  	v0 =	vcombine.low v0, v1;
	v2 =	vsel vm1, $0x70D, v2;
	v3 =	vsel vm8, $0x406, v3  }
0x22: {  	v36 =	vunpack.c.0.s8.s32 v4;
	v2 =	vsel vm0, $0x78E, v2;
	v3 =	vsel vm7, $0x487, v3  }
0x23: {  	v53 =	vand.u32 $0xF, v0;
	[tilespmem:$0x1FAD0] =	vst v2;
	v2 =	vunpack.c.l.s4.s8 v34;
	v3 =	vsel vm5, $0x508, v3  }
0x24: {  	v34 =	vimm.s32 $0x80F;
	v35 =	vsel vm6, $0x589, v3;
	v3 =	vsel vm14, $0x180, v5  }
0x25: {  	v5 =	vimm.s32 $0xA9876543;
	v6 =	vunpack.c.0.s8.s32 v2;
	v3 =	vsel vm13, $0x201, v3  }
0x26: {  	v2 =	vsel vm4, $0x60A, v35;
	v5 =	vunpack.c.l.s4.s8 v5;
	v3 =	vsel vm12, $0x282, v3  }
0x27: {  	v9 =	vsel vm2, $0x68B, v2;
	v3 =	vsel vm11, $0x303, v3;
	v8 =	vcombine.low v7, v6  }
0x28: {  	v6 =	vcombine.low v6, v7;
	v7 =	vimm.s32 $0x50F;
	v10 =	vsel vm10, $0x384, v3  }
0x29: {  	v3 =	vunpack.c.0.s8.s32 v5;
	v41 =	vsel vm14, $0x580, v7;
	v7 =	vimm.s32 $0xC0F  }
0x2a: {  	v4 =	vsel vm9, $0x405, v10;
	v5 =	vand.u32 $0xF, v8;
	v6 =	vand.u32 $0xF, v6  }
0x2b: {  	v7 =	vsel vm14, $0xC80, v7;
	[tilespmem:$0x1FAE0] =	vst v5;
	v5 =	vsel vm3, $0x70C, v9;
	v4 =	vsel vm8, $0x486, v4  }
0x2c: {  	v8 =	vcombine.low v3, v36;
	v9 =	vimm.s32 $0xBA987654;
	[tilespmem:$0x1F830] =	vst v6;
	v6 =	vimm.s32 $0x58F  }
0x2d: {  	v2 =	vcombine.low v36, v3;
	v7 =	vsel vm13, $0xD01, v7;
	v5 =	vsel vm1, $0x78D, v5  }
0x2e: {  	v4 =	vsel vm7, $0x507, v4;
	v9 =	vunpack.c.l.s4.s8 v9;
	v6 =	vsel vm14, $0x600, v6  }
0x2f: {  	v5 =	vsel vm0, $0xE, v5;
	v4 =	vsel vm5, $0x588, v4;
	v8 =	vand.u32 $0xF, v8  }
0x30: {  	v6 =	vsel vm13, $0x681, v6;
	v50 =	vand.u32 $0xF, v2;
	v2 =	vsel vm14, $0x680, v44  }
0x31: {  	v44 =	vimm.s32 $0x90F;
	[tilespmem:$0x1FAF0] =	vst v5;
	v5 =	vimm.s32 $0x18F;
	v4 =	vsel vm6, $0x609, v4  }
0x32: {  	[tilespmem:$0x1FB00] =	vst v8;
	v8 =	vimm.s32 $0x3210FEDC;
	v6 =	vsel vm12, $0x702, v6;
	v2 =	vsel vm13, $0x701, v2  }
0x33: {  	v5 =	vsel vm14, $0x200, v5;
	v4 =	vsel vm4, $0x68A, v4;
	v8 =	vunpack.c.l.s4.s8 v8  }
0x34: {  	v6 =	vsel vm11, $0x783, v6;
	v2 =	vsel vm12, $0x782, v2;
	v5 =	vsel vm13, $0x281, v5  }
0x35: {  	v4 =	vsel vm2, $0x70B, v4;
	v3 =	vsel vm10, $0x4, v6;
	v2 =	vsel vm11, $0x3, v2  }
0x36: {  	v6 =	vimm.s32 $0xB8F;
	v5 =	vsel vm12, $0x302, v5;
	v10 =	vsel vm3, $0x78C, v4  }
0x37: {  	v4 =	vunpack.c.0.s8.s32 v8;
	v43 =	vsel vm9, $0x85, v3;
	v46 =	vsel vm10, $0x84, v2  }
0x38: {  	v2 =	vsel vm14, $0x780, v61;
	v6 =	vsel vm14, $0xC00, v6;
	v5 =	vsel vm11, $0x383, v5  }
0x39: {  	v10 =	vsel vm1, $0xD, v10;
	v2 =	vsel vm13, $0x1, v2;
	v6 =	vsel vm13, $0xC81, v6  }
0x3a: {  	v8 =	vsel vm10, $0x404, v5;
	v5 =	vunpack.c.0.s8.s32 v9;
	v9 =	vimm.s32 $0x20F  }
0x3b: {  	v10 =	vsel vm0, $0x8E, v10;
	v2 =	vsel vm12, $0x82, v2;
	v8 =	vsel vm9, $0x485, v8  }
0x3c: {  	v9 =	vsel vm14, $0x280, v9;
	v2 =	vsel vm11, $0x103, v2;
	v8 =	vsel vm8, $0x506, v8  }
0x3d: {  	v11 =	vcombine.low v5, v4;
	v9 =	vsel vm13, $0x301, v9;
	v3 =	vcombine.low v4, v5  }
0x3e: {  	v2 =	vsel vm10, $0x184, v2;
	v4 =	vimm.s32 $0xA8F;
	v5 =	vimm.s32 $0xB0F  }
0x3f: {  	v8 =	vsel vm7, $0x587, v8;
	v9 =	vsel vm12, $0x382, v9;
	v32 =	vsel vm9, $0x205, v2  }
0x40: {  	v2 =	vsel vm14, $0x880, v34;
	v4 =	vsel vm14, $0xB00, v4;
	v5 =	vsel vm14, $0xB80, v5  }
0x41: {  	[tilespmem:$0x1FB20] =	vst v10;
	v34 =	vimm.s32 $0x1A8F;
	v8 =	vsel vm5, $0x608, v8;
	v10 =	vand.u32 $0xF, v11  }
0x42: {  	v9 =	vsel vm11, $0x403, v9;
	v11 =	vimm.s32 $0xCBA98765;
	v47 =	vand.u32 $0xF, v3  }
0x43: {  	v3 =	vimm.s32 $0x68F;
	v2 =	vsel vm13, $0x901, v2;
	v34 =	vsel vm14, $0x1B00, v34  }
0x44: {  	v4 =	vsel vm13, $0xB81, v4;
	v5 =	vsel vm13, $0xC01, v5;
	v8 =	vsel vm6, $0x689, v8  }
0x45: {  	[tilespmem:$0x1FB40] =	vst v10;
	v10 =	vimm.s32 $0x43210FED;
	v9 =	vsel vm10, $0x484, v9;
	v11 =	vunpack.c.l.s4.s8 v11  }
0x46: {  	[tilespmem:$0x1FB80] =	vst v47;
	v60 =	vsel vm14, $0x700, v3;
	v2 =	vsel vm12, $0x982, v2;
	v47 =	vimm.s32 $0x1D1C1B1A  }
0x47: {  	v34 =	vsel vm13, $0x1B81, v34;
	v8 =	vsel vm4, $0x70A, v8;
	v10 =	vunpack.c.l.s4.s8 v10  }
0x48: {  	v9 =	vsel vm9, $0x505, v9;
	v2 =	vsel vm11, $0xA03, v2;
	v58 =	vunpack.c.0.s8.s32 v47  }
0x49: {  	v8 =	vsel vm2, $0x78B, v8;
	v9 =	vsel vm8, $0x586, v9;
	v36 =	vsel vm10, $0xA84, v2  }
0x4a: {  	v12 =	vsel vm3, $0xC, v8;
	v8 =	vunpack.c.0.s8.s32 v10;
	v10 =	vsel vm7, $0x607, v9  }
0x4b: {  	v9 =	vunpack.c.0.s8.s32 v11;
	v11 =	vimm.s32 $0x28F;
	v10 =	vsel vm5, $0x688, v10  }
0x4c: {  	v12 =	vsel vm1, $0x8D, v12;
	v11 =	vsel vm14, $0x300, v11;
	v10 =	vsel vm6, $0x709, v10  }
0x4d: {  	v13 =	vcombine.low v9, v8;
	v11 =	vsel vm13, $0x381, v11;
	v12 =	vsel vm0, $0x10E, v12  }
0x4e: {  	v48 =	vcombine.low v8, v9;
	v8 =	vimm.s32 $0xC8F;
	v9 =	vimm.s32 $0xD0F  }
0x4f: {  	v10 =	vsel vm4, $0x78A, v10;
	v11 =	vsel vm12, $0x402, v11;
	v8 =	vsel vm14, $0xD00, v8  }
0x50: {  	[tilespmem:$0x1FB60] =	vst v12;
	v9 =	vsel vm14, $0xD80, v9;
	v10 =	vsel vm2, $0xB, v10;
	v12 =	vand.u32 $0xF, v13  }
0x51: {  	v11 =	vsel vm11, $0x483, v11;
	v13 =	vimm.s32 $0xDCBA9876;
	v10 =	vsel vm3, $0x8C, v10  }
0x52: {  	v56 =	vand.u32 $0xF, v48;
	v48 =	vimm.s32 $0x11101F1E;
	v10 =	vsel vm1, $0x10D, v10  }
0x53: {  	v8 =	vsel vm13, $0xD81, v8;
	[tilespmem:$0x1F7F0] =	vst v12;
	v11 =	vsel vm10, $0x504, v11;
	v10 =	vsel vm0, $0x18E, v10  }
0x54: {  	v12 =	vimm.s32 $0x30F;
	v13 =	vunpack.c.l.s4.s8 v13;
	[tilespmem:$0x1F800] =	vst v10;
	v10 =	vsel vm9, $0x585, v11  }
0x55: {  	v11 =	vsel vm14, $0x380, v12;
	v12 =	vimm.s32 $0x543210FE;
	v10 =	vsel vm8, $0x606, v10  }
0x56: {  	v11 =	vsel vm13, $0x401, v11;
	v12 =	vunpack.c.l.s4.s8 v12;
	v10 =	vsel vm7, $0x687, v10  }
0x57: {  	v13 =	vunpack.c.0.s8.s32 v13;
	v11 =	vsel vm12, $0x482, v11;
	v10 =	vsel vm5, $0x708, v10  }
0x58: {  	v11 =	vsel vm11, $0x503, v11;
	v12 =	vunpack.c.0.s8.s32 v12;
	v10 =	vsel vm6, $0x789, v10  }
0x59: {  	v9 =	vsel vm13, $0xE01, v9;
	v11 =	vsel vm10, $0x584, v11;
	v10 =	vsel vm4, $0xA, v10  }
0x5a: {  	v11 =	vsel vm9, $0x605, v11;
	v16 =	vcombine.low v13, v12;
	v3 =	vcombine.low v12, v13  }
0x5b: {  	v12 =	vimm.s32 $0xE8F;
	v13 =	vimm.s32 $0xF0F;
	v10 =	vsel vm2, $0x8B, v10  }
0x5c: {  	v11 =	vsel vm8, $0x686, v11;
	v12 =	vsel vm14, $0xF00, v12;
	v13 =	vsel vm14, $0xF80, v13  }
0x5d: {  	v11 =	vsel vm7, $0x707, v11;
	v17 =	vsel vm3, $0x10C, v10;
	v10 =	vunpack.c.0.s8.s32 v14  }
0x5e: {  	v33 =	vand.u32 $0xF, v3;
	v12 =	vsel vm13, $0xF81, v12;
	v11 =	vsel vm5, $0x788, v11  }
0x5f: {  	v13 =	vsel vm13, $0x801, v13;
	[tilespmem:$0x1F840] =	vst v33;
	v33 =	vimm.s32 $0x1A0F;
	v18 =	vsel vm6, $0x9, v11  }
0x60: {  	v11 =	vunpack.c.0.s8.s32 v15;
	v15 =	vand.u32 $0xF, v16;
	v33 =	vsel vm14, $0x1A80, v33  }
0x61: {  	v14 =	vsel vm4, $0x8A, v18;
	[tilespmem:$0x1F810] =	vst v15;
	v15 =	vsel vm1, $0x18D, v17;
	v17 =	vimm.s32 $0x38F  }
0x62: {  	v18 =	vimm.s32 $0x120F;
	v33 =	vsel vm13, $0x1B01, v33;
	v14 =	vsel vm2, $0x10B, v14  }
0x63: {  	v16 =	vcombine.low v11, v10;
	v15 =	vsel vm0, $0x20E, v15;
	v3 =	vcombine.low v10, v11  }
0x64: {  	v10 =	vimm.s32 $0xD8F;
	v11 =	vimm.s32 $0xE0F;
	v18 =	vsel vm14, $0x1280, v18  }
0x65: {  	v14 =	vsel vm3, $0x18C, v14;
	[tilespmem:$0x1F820] =	vst v15;
	v15 =	vsel vm14, $0x400, v17;
	v17 =	vimm.s32 $0xFEDCBA98  }
0x66: {  	v10 =	vsel vm14, $0xE00, v10;
	v11 =	vsel vm14, $0xE80, v11;
	v18 =	vsel vm13, $0x1301, v18  }
0x67: {  	v14 =	vsel vm1, $0x20D, v14;
	v16 =	vand.u32 $0xF, v16;
	v17 =	vunpack.c.l.s4.s8 v17  }
0x68: {  	v10 =	vsel vm13, $0xE81, v10;
	v11 =	vsel vm13, $0xF01, v11;
	[tilespmem:$0x1FB10] =	vst v16;
	v14 =	vsel vm0, $0x28E, v14  }
0x69: {  	v16 =	vimm.s32 $0x40F;
	[tilespmem:$0x1FB30] =	vst v14;
	v14 =	vsel vm13, $0x481, v15;
	v15 =	vimm.s32 $0x76543210  }
0x6a: {  	v16 =	vsel vm14, $0x480, v16;
	v14 =	vsel vm12, $0x502, v14;
	v15 =	vunpack.c.l.s4.s8 v15  }
0x6b: {  	v17 =	vunpack.c.0.s8.s32 v17;
	v16 =	vsel vm13, $0x501, v16;
	v14 =	vsel vm11, $0x583, v14  }
0x6c: {  	v16 =	vsel vm12, $0x582, v16;
	v14 =	vsel vm10, $0x604, v14;
	v15 =	vunpack.c.0.s8.s32 v15  }
0x6d: {  	v17 =	vand.u32 $0xF, v17;
	v16 =	vsel vm11, $0x603, v16;
	v14 =	vsel vm9, $0x685, v14  }
0x6e: {  	v16 =	vsel vm10, $0x684, v16;
	v14 =	vsel vm8, $0x706, v14;
	v15 =	vcombine.low v17, v15  }
0x6f: {  	v16 =	vsel vm9, $0x705, v16;
	v17 =	vimm.s32 $0x118F;
	v14 =	vsel vm7, $0x787, v14  }
0x70: {  	v17 =	vsel vm14, $0x1200, v17;
	v14 =	vsel vm5, $0x8, v14;
	[tilespmem:$0x1FB50] =	vst v15;
	v15 =	vsel vm8, $0x786, v16  }
0x71: {  	v16 =	vimm.s32 $0x48F;
	v14 =	vsel vm6, $0x89, v14;
	v15 =	vsel vm7, $0x7, v15  }
0x72: {  	v17 =	vsel vm13, $0x1281, v17;
	v14 =	vsel vm4, $0x10A, v14;
	v15 =	vsel vm5, $0x88, v15  }
0x73: {  	v16 =	vsel vm14, $0x500, v16;
	v14 =	vsel vm2, $0x18B, v14;
	v15 =	vsel vm6, $0x109, v15  }
0x74: {  	v16 =	vsel vm13, $0x581, v16;
	v14 =	vsel vm3, $0x20C, v14;
	v15 =	vsel vm4, $0x18A, v15  }
0x75: {  	v16 =	vsel vm12, $0x602, v16;
	v14 =	vsel vm1, $0x28D, v14;
	v37 =	vsel vm2, $0x20B, v15  }
0x76: {  	v15 =	vsel vm11, $0x683, v16;
	v16 =	vimm.s32 $0x110F;
	v52 =	vsel vm0, $0x30E, v14  }
0x77: {  	v1 =	vsel vm3, $0x28C, v37;
	v14 =	vsel vm10, $0x704, v15;
	v37 =	vand.u32 $0xF, v3  }
0x78: {  	v3 =	vimm.s32 $0xA0F;
	v15 =	vimm.s32 $0x108F;
	v16 =	vsel vm14, $0x1180, v16  }
0x79: {  	v38 =	vsel vm1, $0x30D, v1;
	v39 =	vsel vm9, $0x785, v14;
	v3 =	vsel vm14, $0xA80, v3  }
0x7a: {  	[tilespmem:$0x1F860] =	vst v37;
	v14 =	vimm.s32 $0x100F;
	v15 =	vsel vm14, $0x1100, v15;
	v37 =	vimm.s32 $0x1C0F  }
0x7b: {  	v16 =	vsel vm13, $0x1201, v16;
	v1 =	vsel vm8, $0x6, v39;
	v54 =	vsel vm0, $0x38E, v38  }
0x7c: {  	v38 =	vimm.s32 $0x1C1B1A19;
	v39 =	vimm.s32 $0x101F1E1D;
	v14 =	vsel vm14, $0x1080, v14  }
0x7d: {  	v37 =	vsel vm14, $0x1C80, v37;
	v3 =	vsel vm13, $0xB01, v3;
	v15 =	vsel vm13, $0x1181, v15  }
0x7e: {  	v40 =	vsel vm7, $0x87, v1;
	v1 =	vsel vm13, $0x601, v41;
	v61 =	vunpack.c.0.s8.s32 v39  }
0x7f: {  	v41 =	vimm.s32 $0x88F;
	v0 =	vsel vm5, $0x108, v40;
	v1 =	vsel vm12, $0x682, v1  }
0x80: {  	v39 =	vimm.s32 $0x1D0F;
	v0 =	vsel vm6, $0x189, v0;
	v1 =	vsel vm11, $0x703, v1  }
0x81: {  	v14 =	vsel vm13, $0x1101, v14;
	v0 =	vsel vm4, $0x20A, v0;
	v1 =	vsel vm10, $0x784, v1  }
0x82: {  	v37 =	vsel vm13, $0x1D01, v37;
	v0 =	vsel vm2, $0x28B, v0;
	v1 =	vsel vm9, $0x5, v1  }
0x83: {  	v39 =	vsel vm14, $0x1D80, v39;
	v0 =	vsel vm3, $0x30C, v0;
	v1 =	vsel vm8, $0x86, v1  }
0x84: {  	v39 =	vsel vm13, $0x1E01, v39;
	v0 =	vsel vm1, $0x38D, v0;
	v1 =	vsel vm7, $0x107, v1  }
0x85: {  	v51 =	vsel vm0, $0x40E, v0;
	v42 =	vsel vm5, $0x188, v1;
	v1 =	vsel vm8, $0x106, v43  }
0x86: {  	v43 =	vimm.s32 $0x18171615;
	v0 =	vsel vm6, $0x209, v42;
	v1 =	vsel vm7, $0x187, v1  }
0x87: {  	v42 =	vimm.s32 $0x14131211;
	v0 =	vsel vm4, $0x28A, v0;
	v1 =	vsel vm5, $0x208, v1  }
0x88: {  	v59 =	vunpack.c.0.s8.s32 v43;
	v0 =	vsel vm2, $0x30B, v0;
	v1 =	vsel vm6, $0x289, v1  }
0x89: {  	v43 =	vimm.s32 $0x1F0F;
	v0 =	vsel vm3, $0x38C, v0;
	v1 =	vsel vm4, $0x30A, v1  }
0x8a: {  	v43 =	vsel vm14, $0x1F80, v43;
	v0 =	vsel vm1, $0x40D, v0;
	v1 =	vsel vm2, $0x38B, v1  }
0x8b: {  	v43 =	vsel vm13, $0x1801, v43;
	v0 =	vsel vm0, $0x48E, v0;
	v45 =	vsel vm3, $0x40C, v1  }
0x8c: {  	v1 =	vsel vm9, $0x105, v46;
	v46 =	vsel vm14, $0x980, v44;
	v44 =	vimm.s32 $0x15141312  }
0x8d: {  	[tilespmem:$0x1FB70] =	vst v0;
	v0 =	vsel vm1, $0x48D, v45;
	v1 =	vsel vm8, $0x186, v1;
	v47 =	vunpack.c.0.s8.s32 v44  }
0x8e: {  	v55 =	vsel vm0, $0x50E, v0;
	v49 =	vsel vm7, $0x207, v1;
	v1 =	vsel vm13, $0x781, v60  }
0x8f: {  	v60 =	vunpack.c.0.s8.s32 v42;
	v42 =	vimm.s32 $0x1E8F;
	v1 =	vsel vm12, $0x2, v1  }
0x90: {  	v0 =	vsel vm5, $0x288, v49;
	v49 =	vimm.s32 $0x98F;
	v1 =	vsel vm11, $0x83, v1  }
0x91: {  	v42 =	vsel vm14, $0x1F00, v42;
	v0 =	vsel vm6, $0x309, v0;
	v1 =	vsel vm10, $0x104, v1  }
0x92: {  	v2 =	vsel vm14, $0xA00, v49;
	v0 =	vsel vm4, $0x38A, v0;
	v1 =	vsel vm9, $0x185, v1  }
0x93: {  	v42 =	vsel vm13, $0x1F81, v42;
	v0 =	vsel vm2, $0x40B, v0;
	v1 =	vsel vm8, $0x206, v1  }
0x94: {  	v49 =	vsel vm12, $0x1882, v43;
	v0 =	vsel vm3, $0x48C, v0;
	v1 =	vsel vm7, $0x287, v1  }
0x95: {  	v0 =	vsel vm1, $0x50D, v0;
	v63 =	vsel vm5, $0x308, v1;
	v1 =	vsel vm8, $0x286, v32  }
0x96: {  	v57 =	vsel vm0, $0x58E, v0;
	v0 =	vsel vm6, $0x389, v63;
	v1 =	vsel vm7, $0x307, v1  }
0x97: {  	v2 =	vsel vm13, $0xA81, v2;
	v0 =	vsel vm4, $0x40A, v0;
	v1 =	vsel vm5, $0x388, v1  }
0x98: {  	v32 =	vimm.s32 $0x198F;
	v0 =	vsel vm2, $0x48B, v0;
	v1 =	vsel vm6, $0x409, v1  }
0x99: {  	v32 =	vsel vm14, $0x1A00, v32;
	v0 =	vsel vm3, $0x50C, v0;
	v1 =	vsel vm4, $0x48A, v1  }
0x9a: {  	v63 =	vimm.s32 $0x19181716;
	v0 =	vsel vm1, $0x58D, v0;
	v1 =	vsel vm2, $0x50B, v1  }
0x9b: {  	v32 =	vsel vm13, $0x1A81, v32;
	v0 =	vsel vm0, $0x60E, v0;
	v35 =	vsel vm3, $0x58C, v1  }
0x9c: {  	v1 =	vsel vm9, $0xB05, v36;
	v36 =	vimm.s32 $0x1B8F;
	[tilespmem:$0x1F850] =	vst v0;
	v0 =	vsel vm1, $0x60D, v35  }
0x9d: {  	v1 =	vsel vm8, $0xB86, v1;
	v35 =	vimm.s32 $0x1B0F;
	v0 =	vsel vm0, $0x68E, v0  }
0x9e: {  	v36 =	vsel vm14, $0x1C00, v36;
	v1 =	vsel vm7, $0xC07, v1;
	[tilespmem:$0x1F870] =	vst v0;
	v0 =	vunpack.c.0.s8.s32 v38  }
0x9f: {  	v35 =	vsel vm14, $0x1B80, v35;
	v36 =	vsel vm13, $0x1C81, v36;
	v40 =	vsel vm5, $0xC88, v1  }
0xa0: {  	v1 =	vsel vm14, $0x900, v41;
	v38 =	vimm.s32 $0x1C8F;
	[tilespmem:$0x1FD60] =	vst v0;
	v0 =	vsel vm6, $0xD09, v40  }
0xa1: {  	v41 =	vimm.s32 $0x1E0F;
	v1 =	vsel vm13, $0x981, v1;
	v0 =	vsel vm4, $0xD8A, v0  }
0xa2: {  	v35 =	vsel vm13, $0x1C01, v35;
	v1 =	vsel vm12, $0xA02, v1;
	v0 =	vsel vm2, $0xE0B, v0  }
0xa3: {  	v38 =	vsel vm14, $0x1D00, v38;
	v1 =	vsel vm11, $0xA83, v1;
	v0 =	vsel vm3, $0xE8C, v0  }
0xa4: {  	v41 =	vsel vm14, $0x1E80, v41;
	v1 =	vsel vm10, $0xB04, v1;
	v0 =	vsel vm1, $0xF0D, v0  }
0xa5: {  	v40 =	vimm.s32 $0x1D8F;
	v45 =	vsel vm9, $0xB85, v1;
	v0 =	vsel vm0, $0xF8E, v0  }
0xa6: {  	v38 =	vsel vm13, $0x1D81, v38;
	v1 =	vsel vm13, $0xA01, v46;
	[tilespmem:$0x1F880] =	vst v0;
	v0 =	vsel vm8, $0xC06, v45  }
0xa7: {  	v41 =	vsel vm13, $0x1F01, v41;
	v1 =	vsel vm12, $0xA82, v1;
	v0 =	vsel vm7, $0xC87, v0  }
0xa8: {  	v40 =	vsel vm14, $0x1E00, v40;
	v1 =	vsel vm11, $0xB03, v1;
	v0 =	vsel vm5, $0xD08, v0  }
0xa9: {  	v40 =	vsel vm13, $0x1E81, v40;
	v1 =	vsel vm10, $0xB84, v1;
	v0 =	vsel vm6, $0xD89, v0  }
0xaa: {  	v46 =	vunpack.c.0.s8.s32 v63;
	v1 =	vsel vm9, $0xC05, v1;
	v0 =	vsel vm4, $0xE0A, v0  }
0xab: {  	v63 =	vimm.s32 $0x1E1D1C1B;
	v1 =	vsel vm8, $0xC86, v1;
	v0 =	vsel vm2, $0xE8B, v0  }
0xac: {  	v43 =	vunpack.c.0.s8.s32 v63;
	v1 =	vsel vm7, $0xD07, v1;
	v0 =	vsel vm3, $0xF0C, v0  }
0xad: {  	v63 =	vimm.s32 $0x16151413;
	v1 =	vsel vm5, $0xD88, v1;
	v0 =	vsel vm1, $0xF8D, v0  }
0xae: {  	v45 =	vsel vm0, $0x80E, v0;
	v0 =	vsel vm6, $0xE09, v1;
	v1 =	vsel vm12, $0xB02, v2  }
0xaf: {  	v2 =	vsel vm12, $0xB82, v3;
	v3 =	vsel vm12, $0xC02, v4;
	v4 =	vsel vm12, $0xC82, v5  }
0xb0: {  	v5 =	vsel vm12, $0xD02, v6;
	v6 =	vsel vm12, $0xD82, v7;
	v7 =	vsel vm12, $0xE02, v8  }
0xb1: {  	v8 =	vsel vm12, $0xE82, v9;
	v9 =	vsel vm12, $0xF02, v10;
	v10 =	vsel vm12, $0xF82, v11  }
0xb2: {  	v11 =	vsel vm12, $0x802, v12;
	v12 =	vsel vm12, $0x882, v13;
	v13 =	vsel vm12, $0x1182, v14  }
0xb3: {  	v14 =	vsel vm12, $0x1202, v15;
	v15 =	vsel vm12, $0x1282, v16;
	v16 =	vsel vm12, $0x1302, v17  }
0xb4: {  	v17 =	vsel vm12, $0x1382, v18;
	v18 =	vsel vm12, $0x1402, v19;
	v19 =	vsel vm12, $0x1482, v20  }
0xb5: {  	v20 =	vsel vm12, $0x1502, v21;
	v21 =	vsel vm12, $0x1582, v22;
	v22 =	vsel vm12, $0x1602, v23  }
0xb6: {  	v23 =	vsel vm12, $0x1682, v24;
	v24 =	vsel vm12, $0x1702, v25;
	v25 =	vsel vm12, $0x1782, v26  }
0xb7: {  	v26 =	vsel vm12, $0x1002, v27;
	v27 =	vsel vm12, $0x1082, v28;
	v28 =	vsel vm12, $0x1982, v29  }
0xb8: {  	v29 =	vsel vm12, $0x1A02, v30;
	v30 =	vsel vm12, $0x1A82, v31;
	v31 =	vsel vm12, $0x1B02, v32  }
0xb9: {  	v32 =	vsel vm12, $0x1B82, v33;
	v33 =	vsel vm12, $0x1C02, v34;
	v34 =	vsel vm12, $0x1C82, v35  }
0xba: {  	v35 =	vsel vm12, $0x1D02, v36;
	v36 =	vsel vm12, $0x1D82, v37;
	v37 =	vsel vm12, $0x1E02, v38  }
0xbb: {  	v38 =	vsel vm12, $0x1E82, v39;
	v39 =	vsel vm12, $0x1F02, v40;
	v40 =	vsel vm12, $0x1F82, v41  }
0xbc: {  	v41 =	vsel vm12, $0x1802, v42;
	v42 =	vsel vm11, $0x1903, v49;
	v49 =	vimm.s32 $0x1211101F  }
0xbd: {  	v0 =	vsel vm4, $0xE8A, v0;
	v1 =	vsel vm11, $0xB83, v1;
	v2 =	vsel vm11, $0xC03, v2  }
0xbe: {  	v3 =	vsel vm11, $0xC83, v3;
	v4 =	vsel vm11, $0xD03, v4;
	v5 =	vsel vm11, $0xD83, v5  }
0xbf: {  	v6 =	vsel vm11, $0xE03, v6;
	v7 =	vsel vm11, $0xE83, v7;
	v8 =	vsel vm11, $0xF03, v8  }
0xc0: {  	v9 =	vsel vm11, $0xF83, v9;
	v10 =	vsel vm11, $0x803, v10;
	v11 =	vsel vm11, $0x883, v11  }
0xc1: {  	v12 =	vsel vm11, $0x903, v12;
	v13 =	vsel vm11, $0x1203, v13;
	v14 =	vsel vm11, $0x1283, v14  }
0xc2: {  	v15 =	vsel vm11, $0x1303, v15;
	v16 =	vsel vm11, $0x1383, v16;
	v17 =	vsel vm11, $0x1403, v17  }
0xc3: {  	v18 =	vsel vm11, $0x1483, v18;
	v19 =	vsel vm11, $0x1503, v19;
	v20 =	vsel vm11, $0x1583, v20  }
0xc4: {  	v21 =	vsel vm11, $0x1603, v21;
	v22 =	vsel vm11, $0x1683, v22;
	v23 =	vsel vm11, $0x1703, v23  }
0xc5: {  	v24 =	vsel vm11, $0x1783, v24;
	v25 =	vsel vm11, $0x1003, v25;
	v26 =	vsel vm11, $0x1083, v26  }
0xc6: {  	v27 =	vsel vm11, $0x1103, v27;
	v28 =	vsel vm11, $0x1A03, v28;
	v29 =	vsel vm11, $0x1A83, v29  }
0xc7: {  	v30 =	vsel vm11, $0x1B03, v30;
	v31 =	vsel vm11, $0x1B83, v31;
	v32 =	vsel vm11, $0x1C03, v32  }
0xc8: {  	v33 =	vsel vm11, $0x1C83, v33;
	v34 =	vsel vm11, $0x1D03, v34;
	v35 =	vsel vm11, $0x1D83, v35  }
0xc9: {  	v36 =	vsel vm11, $0x1E03, v36;
	v37 =	vsel vm11, $0x1E83, v37;
	v38 =	vsel vm11, $0x1F03, v38  }
0xca: {  	v39 =	vsel vm11, $0x1F83, v39;
	v40 =	vsel vm11, $0x1803, v40;
	v41 =	vsel vm11, $0x1883, v41  }
0xcb: {  	[tilespmem:$0x1F890] =	vst v43;
	v43 =	vunpack.c.0.s8.s32 v49;
	v42 =	vsel vm10, $0x1984, v42;
	v49 =	vimm.s32 $0x1A191817  }
0xcc: {  	v0 =	vsel vm2, $0xF0B, v0;
	v1 =	vsel vm10, $0xC04, v1;
	v2 =	vsel vm10, $0xC84, v2  }
0xcd: {  	v3 =	vsel vm10, $0xD04, v3;
	v4 =	vsel vm10, $0xD84, v4;
	v5 =	vsel vm10, $0xE04, v5  }
0xce: {  	v6 =	vsel vm10, $0xE84, v6;
	v7 =	vsel vm10, $0xF04, v7;
	v8 =	vsel vm10, $0xF84, v8  }
0xcf: {  	v9 =	vsel vm10, $0x804, v9;
	v10 =	vsel vm10, $0x884, v10;
	v11 =	vsel vm10, $0x904, v11  }
0xd0: {  	v12 =	vsel vm10, $0x984, v12;
	v13 =	vsel vm10, $0x1284, v13;
	v14 =	vsel vm10, $0x1304, v14  }
0xd1: {  	v15 =	vsel vm10, $0x1384, v15;
	v16 =	vsel vm10, $0x1404, v16;
	v17 =	vsel vm10, $0x1484, v17  }
0xd2: {  	v18 =	vsel vm10, $0x1504, v18;
	v19 =	vsel vm10, $0x1584, v19;
	v20 =	vsel vm10, $0x1604, v20  }
0xd3: {  	v21 =	vsel vm10, $0x1684, v21;
	v22 =	vsel vm10, $0x1704, v22;
	v23 =	vsel vm10, $0x1784, v23  }
0xd4: {  	v24 =	vsel vm10, $0x1004, v24;
	v25 =	vsel vm10, $0x1084, v25;
	v26 =	vsel vm10, $0x1104, v26  }
0xd5: {  	v27 =	vsel vm10, $0x1184, v27;
	v28 =	vsel vm10, $0x1A84, v28;
	v29 =	vsel vm10, $0x1B04, v29  }
0xd6: {  	v30 =	vsel vm10, $0x1B84, v30;
	v31 =	vsel vm10, $0x1C04, v31;
	v32 =	vsel vm10, $0x1C84, v32  }
0xd7: {  	v33 =	vsel vm10, $0x1D04, v33;
	v34 =	vsel vm10, $0x1D84, v34;
	v35 =	vsel vm10, $0x1E04, v35  }
0xd8: {  	v36 =	vsel vm10, $0x1E84, v36;
	v37 =	vsel vm10, $0x1F04, v37;
	v38 =	vsel vm10, $0x1F84, v38  }
0xd9: {  	v39 =	vsel vm10, $0x1804, v39;
	v40 =	vsel vm10, $0x1884, v40;
	v41 =	vsel vm10, $0x1904, v41  }
0xda: {  	v42 =	vsel vm9, $0x1A05, v42;
	[tilespmem:$0x1F8A0] =	vst v43;
	v43 =	vunpack.c.0.s8.s32 v63;
	v0 =	vsel vm3, $0xF8C, v0  }
0xdb: {  	v1 =	vsel vm9, $0xC85, v1;
	v2 =	vsel vm9, $0xD05, v2;
	v3 =	vsel vm9, $0xD85, v3  }
0xdc: {  	v4 =	vsel vm9, $0xE05, v4;
	v5 =	vsel vm9, $0xE85, v5;
	v6 =	vsel vm9, $0xF05, v6  }
0xdd: {  	v7 =	vsel vm9, $0xF85, v7;
	v8 =	vsel vm9, $0x805, v8;
	v9 =	vsel vm9, $0x885, v9  }
0xde: {  	v10 =	vsel vm9, $0x905, v10;
	v11 =	vsel vm9, $0x985, v11;
	v12 =	vsel vm9, $0xA05, v12  }
0xdf: {  	v13 =	vsel vm9, $0x1305, v13;
	v14 =	vsel vm9, $0x1385, v14;
	v15 =	vsel vm9, $0x1405, v15  }
0xe0: {  	v16 =	vsel vm9, $0x1485, v16;
	v17 =	vsel vm9, $0x1505, v17;
	v18 =	vsel vm9, $0x1585, v18  }
0xe1: {  	v19 =	vsel vm9, $0x1605, v19;
	v20 =	vsel vm9, $0x1685, v20;
	v21 =	vsel vm9, $0x1705, v21  }
0xe2: {  	v22 =	vsel vm9, $0x1785, v22;
	v23 =	vsel vm9, $0x1005, v23;
	v24 =	vsel vm9, $0x1085, v24  }
0xe3: {  	v25 =	vsel vm9, $0x1105, v25;
	v26 =	vsel vm9, $0x1185, v26;
	v27 =	vsel vm9, $0x1205, v27  }
0xe4: {  	v28 =	vsel vm9, $0x1B05, v28;
	v29 =	vsel vm9, $0x1B85, v29;
	v30 =	vsel vm9, $0x1C05, v30  }
0xe5: {  	v31 =	vsel vm9, $0x1C85, v31;
	v32 =	vsel vm9, $0x1D05, v32;
	v33 =	vsel vm9, $0x1D85, v33  }
0xe6: {  	v34 =	vsel vm9, $0x1E05, v34;
	v35 =	vsel vm9, $0x1E85, v35;
	v36 =	vsel vm9, $0x1F05, v36  }
0xe7: {  	v37 =	vsel vm9, $0x1F85, v37;
	v38 =	vsel vm9, $0x1805, v38;
	v39 =	vsel vm9, $0x1885, v39  }
0xe8: {  	v40 =	vsel vm9, $0x1905, v40;
	v41 =	vsel vm9, $0x1985, v41;
	v42 =	vsel vm8, $0x1A86, v42  }
0xe9: {  	v63 =	vimm.s32 $0x1F1E1D1C;
	v0 =	vsel vm1, $0x80D, v0;
	v1 =	vsel vm8, $0xD06, v1  }
0xea: {  	v2 =	vsel vm8, $0xD86, v2;
	v3 =	vsel vm8, $0xE06, v3;
	v4 =	vsel vm8, $0xE86, v4  }
0xeb: {  	v5 =	vsel vm8, $0xF06, v5;
	v6 =	vsel vm8, $0xF86, v6;
	v7 =	vsel vm8, $0x806, v7  }
0xec: {  	v8 =	vsel vm8, $0x886, v8;
	v9 =	vsel vm8, $0x906, v9;
	v10 =	vsel vm8, $0x986, v10  }
0xed: {  	v11 =	vsel vm8, $0xA06, v11;
	v12 =	vsel vm8, $0xA86, v12;
	v13 =	vsel vm8, $0x1386, v13  }
0xee: {  	v14 =	vsel vm8, $0x1406, v14;
	v15 =	vsel vm8, $0x1486, v15;
	v16 =	vsel vm8, $0x1506, v16  }
0xef: {  	v17 =	vsel vm8, $0x1586, v17;
	v18 =	vsel vm8, $0x1606, v18;
	v19 =	vsel vm8, $0x1686, v19  }
0xf0: {  	v20 =	vsel vm8, $0x1706, v20;
	v21 =	vsel vm8, $0x1786, v21;
	v22 =	vsel vm8, $0x1006, v22  }
0xf1: {  	v23 =	vsel vm8, $0x1086, v23;
	v24 =	vsel vm8, $0x1106, v24;
	v25 =	vsel vm8, $0x1186, v25  }
0xf2: {  	v26 =	vsel vm8, $0x1206, v26;
	v27 =	vsel vm8, $0x1286, v27;
	v28 =	vsel vm8, $0x1B86, v28  }
0xf3: {  	v29 =	vsel vm8, $0x1C06, v29;
	v30 =	vsel vm8, $0x1C86, v30;
	v31 =	vsel vm8, $0x1D06, v31  }
0xf4: {  	v32 =	vsel vm8, $0x1D86, v32;
	v33 =	vsel vm8, $0x1E06, v33;
	v34 =	vsel vm8, $0x1E86, v34  }
0xf5: {  	v35 =	vsel vm8, $0x1F06, v35;
	v36 =	vsel vm8, $0x1F86, v36;
	v37 =	vsel vm8, $0x1806, v37  }
0xf6: {  	v38 =	vsel vm8, $0x1886, v38;
	v39 =	vsel vm8, $0x1906, v39;
	v40 =	vsel vm8, $0x1986, v40  }
0xf7: {  	v41 =	vsel vm8, $0x1A06, v41;
	[tilespmem:$0x1F8B0] =	vst v43;
	v43 =	vunpack.c.0.s8.s32 v49;
	v0 =	vsel vm0, $0x88E, v0  }
0xf8: {  	v49 =	vunpack.c.0.s8.s32 v63;
	v63 =	vsel vm7, $0x1B07, v42;
	[tilespmem:$0x1F8D0] =	vst v0;
	v0 =	vsel vm7, $0xD87, v1  }
0xf9: {  	v1 =	vsel vm7, $0xE07, v2;
	v2 =	vsel vm7, $0xE87, v3;
	v3 =	vsel vm7, $0xF07, v4  }
0xfa: {  	v4 =	vsel vm7, $0xF87, v5;
	v5 =	vsel vm7, $0x807, v6;
	v6 =	vsel vm7, $0x887, v7  }
0xfb: {  	v7 =	vsel vm7, $0x907, v8;
	v8 =	vsel vm7, $0x987, v9;
	v9 =	vsel vm7, $0xA07, v10  }
0xfc: {  	v10 =	vsel vm7, $0xA87, v11;
	v11 =	vsel vm7, $0xB07, v12;
	v12 =	vsel vm7, $0x1407, v13  }
0xfd: {  	v13 =	vsel vm7, $0x1487, v14;
	v14 =	vsel vm7, $0x1507, v15;
	v15 =	vsel vm7, $0x1587, v16  }
0xfe: {  	v16 =	vsel vm7, $0x1607, v17;
	v17 =	vsel vm7, $0x1687, v18;
	v18 =	vsel vm7, $0x1707, v19  }
0xff: {  	v19 =	vsel vm7, $0x1787, v20;
	v20 =	vsel vm7, $0x1007, v21;
	v21 =	vsel vm7, $0x1087, v22  }
0x100: {  	v22 =	vsel vm7, $0x1107, v23;
	v23 =	vsel vm7, $0x1187, v24;
	v24 =	vsel vm7, $0x1207, v25  }
0x101: {  	v25 =	vsel vm7, $0x1287, v26;
	v26 =	vsel vm7, $0x1307, v27;
	v27 =	vsel vm7, $0x1C07, v28  }
0x102: {  	v28 =	vsel vm7, $0x1C87, v29;
	v29 =	vsel vm7, $0x1D07, v30;
	v30 =	vsel vm7, $0x1D87, v31  }
0x103: {  	v31 =	vsel vm7, $0x1E07, v32;
	v32 =	vsel vm7, $0x1E87, v33;
	v33 =	vsel vm7, $0x1F07, v34  }
0x104: {  	v34 =	vsel vm7, $0x1F87, v35;
	v35 =	vsel vm7, $0x1807, v36;
	v36 =	vsel vm7, $0x1887, v37  }
0x105: {  	v37 =	vsel vm7, $0x1907, v38;
	v38 =	vsel vm7, $0x1987, v39;
	v39 =	vsel vm7, $0x1A07, v40  }
0x106: {  	v40 =	vsel vm7, $0x1A87, v41;
	v41 =	vsel vm5, $0x1B88, v63;
	v63 =	vimm.s32 $0x17161514  }
0x107: {  	[tilespmem:$0x1F8E0] =	vst v49;
	v49 =	vimm.s32 $0x13121110;
	v0 =	vsel vm5, $0xE08, v0;
	v1 =	vsel vm5, $0xE88, v1  }
0x108: {  	v2 =	vsel vm5, $0xF08, v2;
	v3 =	vsel vm5, $0xF88, v3;
	v4 =	vsel vm5, $0x808, v4  }
0x109: {  	v5 =	vsel vm5, $0x888, v5;
	v6 =	vsel vm5, $0x908, v6;
	v7 =	vsel vm5, $0x988, v7  }
0x10a: {  	v8 =	vsel vm5, $0xA08, v8;
	v9 =	vsel vm5, $0xA88, v9;
	v10 =	vsel vm5, $0xB08, v10  }
0x10b: {  	v11 =	vsel vm5, $0xB88, v11;
	v12 =	vsel vm5, $0x1488, v12;
	v13 =	vsel vm5, $0x1508, v13  }
0x10c: {  	v14 =	vsel vm5, $0x1588, v14;
	v15 =	vsel vm5, $0x1608, v15;
	v16 =	vsel vm5, $0x1688, v16  }
0x10d: {  	v17 =	vsel vm5, $0x1708, v17;
	v18 =	vsel vm5, $0x1788, v18;
	v19 =	vsel vm5, $0x1008, v19  }
0x10e: {  	v20 =	vsel vm5, $0x1088, v20;
	v21 =	vsel vm5, $0x1108, v21;
	v22 =	vsel vm5, $0x1188, v22  }
0x10f: {  	v23 =	vsel vm5, $0x1208, v23;
	v24 =	vsel vm5, $0x1288, v24;
	v25 =	vsel vm5, $0x1308, v25  }
0x110: {  	v26 =	vsel vm5, $0x1388, v26;
	v27 =	vsel vm5, $0x1C88, v27;
	v28 =	vsel vm5, $0x1D08, v28  }
0x111: {  	v29 =	vsel vm5, $0x1D88, v29;
	v30 =	vsel vm5, $0x1E08, v30;
	v31 =	vsel vm5, $0x1E88, v31  }
0x112: {  	v32 =	vsel vm5, $0x1F08, v32;
	v33 =	vsel vm5, $0x1F88, v33;
	v34 =	vsel vm5, $0x1808, v34  }
0x113: {  	v35 =	vsel vm5, $0x1888, v35;
	v36 =	vsel vm5, $0x1908, v36;
	v37 =	vsel vm5, $0x1988, v37  }
0x114: {  	v38 =	vsel vm5, $0x1A08, v38;
	v39 =	vsel vm5, $0x1A88, v39;
	v40 =	vsel vm5, $0x1B08, v40  }
0x115: {  	v41 =	vsel vm6, $0x1C09, v41;
	v42 =	vunpack.c.0.s8.s32 v49;
	v0 =	vsel vm6, $0xE89, v0  }
0x116: {  	v1 =	vsel vm6, $0xF09, v1;
	v2 =	vsel vm6, $0xF89, v2;
	v3 =	vsel vm6, $0x809, v3  }
0x117: {  	v4 =	vsel vm6, $0x889, v4;
	v5 =	vsel vm6, $0x909, v5;
	v6 =	vsel vm6, $0x989, v6  }
0x118: {  	v7 =	vsel vm6, $0xA09, v7;
	v8 =	vsel vm6, $0xA89, v8;
	v9 =	vsel vm6, $0xB09, v9  }
0x119: {  	v10 =	vsel vm6, $0xB89, v10;
	v11 =	vsel vm6, $0xC09, v11;
	v12 =	vsel vm6, $0x1509, v12  }
0x11a: {  	v13 =	vsel vm6, $0x1589, v13;
	v14 =	vsel vm6, $0x1609, v14;
	v15 =	vsel vm6, $0x1689, v15  }
0x11b: {  	v16 =	vsel vm6, $0x1709, v16;
	v17 =	vsel vm6, $0x1789, v17;
	v18 =	vsel vm6, $0x1009, v18  }
0x11c: {  	v19 =	vsel vm6, $0x1089, v19;
	v20 =	vsel vm6, $0x1109, v20;
	v21 =	vsel vm6, $0x1189, v21  }
0x11d: {  	v22 =	vsel vm6, $0x1209, v22;
	v23 =	vsel vm6, $0x1289, v23;
	v24 =	vsel vm6, $0x1309, v24  }
0x11e: {  	v25 =	vsel vm6, $0x1389, v25;
	v26 =	vsel vm6, $0x1409, v26;
	v27 =	vsel vm6, $0x1D09, v27  }
0x11f: {  	v28 =	vsel vm6, $0x1D89, v28;
	v29 =	vsel vm6, $0x1E09, v29;
	v30 =	vsel vm6, $0x1E89, v30  }
0x120: {  	v31 =	vsel vm6, $0x1F09, v31;
	v32 =	vsel vm6, $0x1F89, v32;
	v33 =	vsel vm6, $0x1809, v33  }
0x121: {  	v34 =	vsel vm6, $0x1889, v34;
	v35 =	vsel vm6, $0x1909, v35;
	v36 =	vsel vm6, $0x1989, v36  }
0x122: {  	v37 =	vsel vm6, $0x1A09, v37;
	v38 =	vsel vm6, $0x1A89, v38;
	v39 =	vsel vm6, $0x1B09, v39  }
0x123: {  	v40 =	vsel vm6, $0x1B89, v40;
	v49 =	vimm.s32 $0x1B1A1918;
	v0 =	vsel vm4, $0xF0A, v0  }
0x124: {  	v1 =	vsel vm4, $0xF8A, v1;
	v2 =	vsel vm4, $0x80A, v2;
	[tilespmem:$0x1F8F0] =	vst v42;
	v42 =	vunpack.c.0.s8.s32 v63  }
0x125: {  	v63 =	vunpack.c.0.s8.s32 v49;
	v0 =	vsel vm2, $0xF8B, v0;
	v1 =	vsel vm2, $0x80B, v1  }
0x126: {  	v2 =	vsel vm2, $0x88B, v2;
	v0 =	vsel vm3, $0x80C, v0;
	v1 =	vsel vm3, $0x88C, v1  }
0x127: {  	[tilespmem:$0x1F8C0] =	vst v43;
	v2 =	vsel vm3, $0x90C, v2;
	v0 =	vsel vm1, $0x88D, v0;
	v44 =	vsel vm1, $0x90D, v1  }
0x128: {  	[tilespmem:$0x1F900] =	vst v42;
	v49 =	vsel vm1, $0x98D, v2;
	v42 =	vsel vm0, $0x90E, v0;
	v43 =	vsel vm0, $0x98E, v44  }
0x129: {  	[tilespmem:$0x1F910] =	vst v63;
	v63 =	vsel vm0, $0xA0E, v49;
	v44 =	vsel vm4, $0x88A, v3;
	v49 =	vsel vm4, $0x90A, v4  }
0x12a: {  	v3 =	vsel vm4, $0x170A, v15;
	v4 =	vsel vm4, $0x178A, v16;
	v15 =	vsel vm4, $0x1D8A, v27  }
0x12b: {  	v16 =	vsel vm4, $0x1E0A, v28;
	v27 =	vsel vm4, $0x1B8A, v39;
	v28 =	vsel vm4, $0x1C0A, v40  }
0x12c: {  	v39 =	vimm.s32 $0x2D2C2B2A;
	[tilespmem:$0x1F920] =	vst v63;
	v0 =	vsel vm2, $0x90B, v44;
	v63 =	vsel vm4, $0x98A, v5  }
0x12d: {  	v1 =	vsel vm2, $0x98B, v49;
	v5 =	vsel vm4, $0x100A, v17;
	v17 =	vsel vm4, $0x1E8A, v29  }
0x12e: {  	v29 =	vsel vm4, $0x1C8A, v41;
	v3 =	vsel vm2, $0x178B, v3;
	v4 =	vsel vm2, $0x100B, v4  }
0x12f: {  	v15 =	vsel vm2, $0x1E0B, v15;
	v0 =	vsel vm3, $0x98C, v0;
	v2 =	vsel vm2, $0xA0B, v63  }
0x130: {  	v1 =	vsel vm3, $0xA0C, v1;
	v3 =	vsel vm3, $0x100C, v3;
	v4 =	vsel vm3, $0x108C, v4  }
0x131: {  	v5 =	vsel vm2, $0x108B, v5;
	v15 =	vsel vm3, $0x1E8C, v15;
	v17 =	vsel vm2, $0x1F0B, v17  }
0x132: {  	v0 =	vsel vm1, $0xA0D, v0;
	v2 =	vsel vm3, $0xA8C, v2;
	v44 =	vsel vm1, $0xA8D, v1  }
0x133: {  	v5 =	vsel vm3, $0x110C, v5;
	v17 =	vsel vm3, $0x1F8C, v17;
	v3 =	vsel vm1, $0x108D, v3  }
0x134: {  	v4 =	vsel vm1, $0x110D, v4;
	v15 =	vsel vm1, $0x1F0D, v15;
	v0 =	vsel vm0, $0xA8E, v0  }
0x135: {  	v49 =	vsel vm1, $0xB0D, v2;
	v5 =	vsel vm1, $0x118D, v5;
	v17 =	vsel vm1, $0x180D, v17  }
0x136: {  	[tilespmem:$0x1F930] =	vst v0;
	v0 =	vsel vm0, $0xB0E, v44;
	v63 =	vsel vm0, $0xB8E, v49;
	v44 =	vsel vm4, $0xA0A, v6  }
0x137: {  	v49 =	vsel vm4, $0xA8A, v7;
	v6 =	vsel vm4, $0x108A, v18;
	v7 =	vsel vm4, $0x110A, v19  }
0x138: {  	v18 =	vsel vm4, $0x1F0A, v30;
	v19 =	vsel vm4, $0x1F8A, v31;
	v30 =	vimm.s32 $0x2C2B2A29;
	[tilespmem:$0x1F940] =	vst v0  }
0x139: {  	v31 =	vimm.s32 $0x24232221;
	[tilespmem:$0x1F950] =	vst v63;
	v0 =	vsel vm2, $0xA8B, v44;
	v63 =	vsel vm4, $0xB0A, v8  }
0x13a: {  	v1 =	vsel vm2, $0xB0B, v49;
	v8 =	vsel vm4, $0x118A, v20;
	v20 =	vsel vm4, $0x180A, v32  }
0x13b: {  	v30 =	vunpack.c.0.s8.s32 v30;
	v6 =	vsel vm2, $0x110B, v6;
	v7 =	vsel vm2, $0x118B, v7  }
0x13c: {  	v18 =	vsel vm2, $0x1F8B, v18;
	v19 =	vsel vm2, $0x180B, v19;
	v0 =	vsel vm3, $0xB0C, v0  }
0x13d: {  	v2 =	vsel vm2, $0xB8B, v63;
	v1 =	vsel vm3, $0xB8C, v1;
	v6 =	vsel vm3, $0x118C, v6  }
0x13e: {  	v7 =	vsel vm3, $0x120C, v7;
	v8 =	vsel vm2, $0x120B, v8;
	v18 =	vsel vm3, $0x180C, v18  }
0x13f: {  	v19 =	vsel vm3, $0x188C, v19;
	v20 =	vsel vm2, $0x188B, v20;
	v0 =	vsel vm1, $0xB8D, v0  }
0x140: {  	v2 =	vsel vm3, $0xC0C, v2;
	v44 =	vsel vm1, $0xC0D, v1;
	v8 =	vsel vm3, $0x128C, v8  }
0x141: {  	[tilespmem:$0x1F9C0] =	vst v30;
	v20 =	vsel vm3, $0x190C, v20;
	v30 =	vimm.s32 $0x202F2E2D;
	v6 =	vsel vm1, $0x120D, v6  }
0x142: {  	v7 =	vsel vm1, $0x128D, v7;
	v18 =	vsel vm1, $0x188D, v18;
	v19 =	vsel vm1, $0x190D, v19  }
0x143: {  	v0 =	vsel vm0, $0xC0E, v0;
	v49 =	vsel vm1, $0xC8D, v2;
	v30 =	vunpack.c.0.s8.s32 v30  }
0x144: {  	v8 =	vsel vm1, $0x130D, v8;
	v20 =	vsel vm1, $0x198D, v20;
	v32 =	vsel vm0, $0x128E, v6  }
0x145: {  	[tilespmem:$0x1F960] =	vst v0;
	v0 =	vsel vm0, $0xC8E, v44;
	v63 =	vsel vm0, $0xD0E, v49;
	v44 =	vsel vm4, $0xB8A, v9  }
0x146: {  	v49 =	vsel vm4, $0xC0A, v10;
	v9 =	vsel vm4, $0x120A, v21;
	v10 =	vsel vm4, $0x128A, v22  }
0x147: {  	v21 =	vsel vm4, $0x188A, v33;
	v22 =	vsel vm4, $0x190A, v34;
	v33 =	vsel vm0, $0x130E, v7;
	[tilespmem:$0x1F970] =	vst v0  }
0x148: {  	v34 =	vsel vm0, $0x138E, v8;
	[tilespmem:$0x1F980] =	vst v63;
	v0 =	vsel vm2, $0xC0B, v44;
	v63 =	vsel vm4, $0xC8A, v11  }
0x149: {  	v1 =	vsel vm2, $0xC8B, v49;
	v11 =	vsel vm4, $0x130A, v23;
	v23 =	vsel vm4, $0x198A, v35  }
0x14a: {  	v9 =	vsel vm2, $0x128B, v9;
	v10 =	vsel vm2, $0x130B, v10;
	v21 =	vsel vm2, $0x190B, v21  }
0x14b: {  	v22 =	vsel vm2, $0x198B, v22;
	[tilespmem:$0x1F9D0] =	vst v30;
	v30 =	vunpack.c.0.s8.s32 v31;
	v0 =	vsel vm3, $0xC8C, v0  }
0x14c: {  	v2 =	vsel vm2, $0xD0B, v63;
	v1 =	vsel vm3, $0xD0C, v1;
	v9 =	vsel vm3, $0x130C, v9  }
0x14d: {  	v10 =	vsel vm3, $0x138C, v10;
	v11 =	vsel vm2, $0x138B, v11;
	v21 =	vsel vm3, $0x198C, v21  }
0x14e: {  	[tilespmem:$0x1FA60] =	vst v32;
	v22 =	vsel vm3, $0x1A0C, v22;
	v23 =	vsel vm2, $0x1A0B, v23;
	v0 =	vsel vm1, $0xD0D, v0  }
0x14f: {  	[tilespmem:$0x1FA70] =	vst v33;
	v2 =	vsel vm3, $0xD8C, v2;
	v44 =	vsel vm1, $0xD8D, v1;
	v11 =	vsel vm3, $0x140C, v11  }
0x150: {  	[tilespmem:$0x1FA80] =	vst v34;
	v23 =	vsel vm3, $0x1A8C, v23;
	v9 =	vsel vm1, $0x138D, v9;
	v10 =	vsel vm1, $0x140D, v10  }
0x151: {  	[tilespmem:$0x1F9E0] =	vst v30;
	v0 =	vsel vm0, $0xD8E, v0;
	v49 =	vsel vm1, $0xE0D, v2;
	v11 =	vsel vm1, $0x148D, v11  }
0x152: {  	[tilespmem:$0x1F990] =	vst v0;
	v0 =	vsel vm0, $0xE0E, v44;
	v63 =	vsel vm0, $0xE8E, v49;
	v44 =	vsel vm4, $0x158A, v12  }
0x153: {  	v49 =	vsel vm4, $0x160A, v13;
	v13 =	vsel vm4, $0x140A, v25;
	[tilespmem:$0x1F9A0] =	vst v0;
	v0 =	vsel vm2, $0x160B, v44  }
0x154: {  	v25 =	vsel vm4, $0x1A8A, v37;
	v37 =	vsel vm0, $0x150E, v11;
	[tilespmem:$0x1F9B0] =	vst v63;
	v0 =	vsel vm3, $0x168C, v0  }
0x155: {  	v1 =	vsel vm2, $0x168B, v49;
	v44 =	vsel vm0, $0x110E, v3;
	[tilespmem:$0x1FAB0] =	vst v37;
	v0 =	vsel vm1, $0x170D, v0  }
0x156: {  	v63 =	vsel vm4, $0x168A, v14;
	v1 =	vsel vm3, $0x170C, v1;
	[tilespmem:$0x1FA30] =	vst v44;
	v0 =	vsel vm0, $0x178E, v0  }
0x157: {  	v2 =	vsel vm2, $0x170B, v63;
	v63 =	vsel vm0, $0x120E, v5;
	[tilespmem:$0x1FA00] =	vst v0;
	v0 =	vunpack.c.0.s8.s32 v39  }
0x158: {  	v21 =	vsel vm1, $0x1A0D, v21;
	v44 =	vimm.s32 $0x25242322;
	v1 =	vsel vm1, $0x178D, v1;
	[tilespmem:$0x1FA50] =	vst v63  }
0x159: {  	v2 =	vsel vm3, $0x178C, v2;
	v40 =	vsel vm0, $0x100E, v1;
	[tilespmem:$0x1FB90] =	vst v0;
	v0 =	vunpack.c.0.s8.s32 v44  }
0x15a: {  	v22 =	vsel vm1, $0x1A8D, v22;
	v63 =	vimm.s32 $0x29282726;
	v2 =	vsel vm1, $0x100D, v2;
	[tilespmem:$0x1FA10] =	vst v40  }
0x15b: {  	v41 =	vsel vm0, $0x108E, v2;
	v40 =	vimm.s32 $0x21202F2E;
	[tilespmem:$0x1FBB0] =	vst v0;
	v0 =	vunpack.c.0.s8.s32 v63  }
0x15c: {  	v30 =	vimm.s32 $0x28272625;
	[tilespmem:$0x1FA20] =	vst v41;
	v41 =	vunpack.c.0.s8.s32 v40;
	v40 =	vimm.s32 $0x2221202F  }
0x15d: {  	v23 =	vsel vm1, $0x1B0D, v23;
	v30 =	vunpack.c.0.s8.s32 v30;
	[tilespmem:$0x1FBC0] =	vst v0;
	v0 =	vunpack.c.0.s8.s32 v40  }
0x15e: {  	v35 =	vsel vm0, $0x140E, v9;
	v9 =	vsel vm0, $0x1F8E, v15;
	[tilespmem:$0x1FBA0] =	vst v41;
	v41 =	vimm.s32 $0x26252423  }
0x15f: {  	v15 =	vsel vm0, $0x1A0E, v20;
	v37 =	vimm.s32 $0x2E2D2C2B;
	[tilespmem:$0x1FBE0] =	vst v0;
	v0 =	vunpack.c.0.s8.s32 v41  }
0x160: {  	v34 =	vsel vm0, $0x1B0E, v22;
	[tilespmem:$0x1FA90] =	vst v35;
	v39 =	vunpack.c.0.s8.s32 v37;
	v37 =	vimm.s32 $0x2F2E2D2C  }
0x161: {  	v12 =	vsel vm4, $0x138A, v24;
	v24 =	vsel vm4, $0x1A0A, v36;
	[tilespmem:$0x1FBF0] =	vst v0;
	v0 =	vunpack.c.0.s8.s32 v37  }
0x162: {  	v36 =	vsel vm0, $0x148E, v10;
	v11 =	vsel vm0, $0x188E, v17;
	[tilespmem:$0x1FBD0] =	vst v39;
	v39 =	vimm.s32 $0x23222120  }
0x163: {  	v35 =	vsel vm0, $0x1B8E, v23;
	v44 =	vimm.s32 $0x2A292827;
	[tilespmem:$0x1FC10] =	vst v0;
	v0 =	vunpack.c.0.s8.s32 v39  }
0x164: {  	v14 =	vsel vm4, $0x148A, v26;
	[tilespmem:$0x1F9F0] =	vst v30;
	v63 =	vunpack.c.0.s8.s32 v44;
	v44 =	vimm.s32 $0x2B2A2928  }
0x165: {  	v26 =	vsel vm4, $0x1B0A, v38;
	v12 =	vsel vm2, $0x140B, v12;
	[tilespmem:$0x1FC20] =	vst v0;
	v0 =	vunpack.c.0.s8.s32 v44  }
0x166: {  	v13 =	vsel vm2, $0x148B, v13;
	v24 =	vsel vm2, $0x1A8B, v24;
	[tilespmem:$0x1FC00] =	vst v63;
	v63 =	vimm.s32 $0x3C3B3A39  }
0x167: {  	v25 =	vsel vm2, $0x1B0B, v25;
	v40 =	vimm.s32 $0x27262524;
	[tilespmem:$0x1FC40] =	vst v0;
	v0 =	vunpack.c.0.s8.s32 v63  }
0x168: {  	v49 =	vsel vm0, $0x118E, v4;
	[tilespmem:$0x1FAA0] =	vst v36;
	v41 =	vunpack.c.0.s8.s32 v40;
	v40 =	vimm.s32 $0x34333231  }
0x169: {  	v30 =	vsel vm0, $0x1A8E, v21;
	v12 =	vsel vm3, $0x148C, v12;
	[tilespmem:$0x1FC50] =	vst v0;
	v0 =	vunpack.c.0.s8.s32 v40  }
0x16a: {  	v13 =	vsel vm3, $0x150C, v13;
	v14 =	vsel vm2, $0x150B, v14;
	[tilespmem:$0x1FC30] =	vst v41;
	v41 =	vimm.s32 $0x38373635  }
0x16b: {  	v24 =	vsel vm3, $0x1B0C, v24;
	v37 =	vimm.s32 $0x303F3E3D;
	[tilespmem:$0x1FC70] =	vst v0;
	v0 =	vunpack.c.0.s8.s32 v41  }
0x16c: {  	v25 =	vsel vm3, $0x1B8C, v25;
	[tilespmem:$0x1FA40] =	vst v49;
	v39 =	vunpack.c.0.s8.s32 v37;
	v37 =	vimm.s32 $0x31303F3E  }
0x16d: {  	v20 =	vld [tilespmem:$0x1FB10];
	v26 =	vsel vm2, $0x1B8B, v26;
	v14 =	vsel vm3, $0x158C, v14;
	[tilespmem:$0x1FC80] =	vst v0;
	v0 =	vunpack.c.0.s8.s32 v37  }
0x16e: {  	v22 =	vld [tilespmem:$0x1FB80];
	v26 =	vsel vm3, $0x1C0C, v26;
	v12 =	vsel vm1, $0x150D, v12;
	[tilespmem:$0x1FC60] =	vst v39;
	v39 =	vimm.s32 $0x35343332  }
0x16f: {  	v17 =	vmovc v62;
	v62 =	vmovc v51;
	v51 =	vld [tilespmem:$0x1FB50];
	v38 =	vsel vm0, $0x158E, v12;
	v44 =	vimm.s32 $0x3D3C3B3A;
	[tilespmem:$0x1FCA0] =	vst v0;
	v0 =	vunpack.c.0.s8.s32 v39  }
0x170: {  	v23 =	vld [tilespmem:$0x1FB70];
	v13 =	vsel vm1, $0x158D, v13;
	[tilespmem:$0x1FAC0] =	vst v38;
	v63 =	vunpack.c.0.s8.s32 v44;
	v44 =	vimm.s32 $0x3E3D3C3B  }
0x171: {  	v21 =	vld [tilespmem:$0x1FB00];
	v24 =	vsel vm1, $0x1B8D, v24;
	v40 =	vimm.s32 $0x39383736;
	[tilespmem:$0x1FCB0] =	vst v0;
	v0 =	vunpack.c.0.s8.s32 v44  }
0x172: {  	v49 =	vld [tilespmem:$0x1FAF0];
	v6 =	vsel vm0, $0x160E, v13;
	[tilespmem:$0x1FC90] =	vst v63;
	v63 =	vimm.s32 $0x3231303F;
	v41 =	vunpack.c.0.s8.s32 v40  }
0x173: {  	v13 =	vsel vm0, $0x190E, v18;
	v18 =	vld [tilespmem:$0x1FAD0];
	v37 =	vimm.s32 $0x36353433;
	[tilespmem:$0x1FCD0] =	vst v0;
	v0 =	vunpack.c.0.s8.s32 v63  }
0x174: {  	v36 =	vsel vm0, $0x1C0E, v24;
	v24 =	vld [tilespmem:$0x1FB20];
	v40 =	vimm.s32 $0x3A393837;
	[tilespmem:$0x1FCC0] =	vst v41;
	v39 =	vunpack.c.0.s8.s32 v37  }
0x175: {  	s4 =	rddreg [dreg:$0x0];
	v25 =	vsel vm1, $0x1C0D, v25;
	v12 =	vld [tilespmem:$0x1FB30];
	v44 =	vimm.s32 $0x33323130;
	[tilespmem:$0x1FCE0] =	vst v0;
	v0 =	vunpack.c.0.s8.s32 v40  }
0x176: {  	s2 =	rddreg [dreg:$0x1];
	s3 =	simm.s32 $0x0;
	v14 =	vsel vm1, $0x160D, v14;
	v31 =	vsel vm0, $0x1C8E, v25;
	v25 =	vld [tilespmem:$0x1FB40];
	[tilespmem:$0x1FCF0] =	vst v39;
	v63 =	vunpack.c.0.s8.s32 v44  }
0x177: {  	s1 =	srdreg.scid;
	[smem:$0x7FF] =	sst s3;
	v26 =	vsel vm1, $0x1C8D, v26;
	v7 =	vsel vm0, $0x168E, v14;
	v14 =	vsel vm0, $0x198E, v19;
	v19 =	vld [tilespmem:$0x1FAE0];
	[tilespmem:$0x1FD00] =	vst v0  }
0x178: {  	s5 =	sand.u32 $0x1, s1;
	s1 =	rddreg [dreg:$0x2];
	v48 =	vunpack.c.0.s8.s32 v48;
	v32 =	vsel vm0, $0x1D0E, v26;
	v26 =	vld [tilespmem:$0x1FB60];
	_ =	strace $0x80000047;
	[tilespmem:$0x1FD20] =	vst v63  }
0x179: {  	v16 =	vsel vm2, $0x1E8B, v16;
	v27 =	vsel vm2, $0x1C0B, v27;
	v28 =	vsel vm2, $0x1C8B, v28;
	[tilespmem:$0x1FD70] =	vst v61  }
0x17a: {  	v16 =	vsel vm3, $0x1F0C, v16;
	v27 =	vsel vm3, $0x1C8C, v27;
	v29 =	vsel vm2, $0x1D0B, v29;
	[tilespmem:$0x1FD80] =	vst v60  }
0x17b: {  	v28 =	vsel vm3, $0x1D0C, v28;
	v29 =	vsel vm3, $0x1D8C, v29;
	v16 =	vsel vm1, $0x1F8D, v16;
	[tilespmem:$0x1FD90] =	vst v59  }
0x17c: {  	v27 =	vsel vm1, $0x1D0D, v27;
	v28 =	vsel vm1, $0x1D8D, v28;
	v29 =	vsel vm1, $0x1E0D, v29;
	[tilespmem:$0x1FDA0] =	vst v58  }
0x17d: {  	v33 =	vsel vm0, $0x1D8E, v27;
	v10 =	vsel vm0, $0x180E, v16;
	v4 =	vsel vm0, $0x1E8E, v29;
	[tilespmem:$0x1FDB0] =	vst v48  }
0x17e: {  	v38 =	vsel vm0, $0x1E0E, v28;
	vm0 =	vcmask $0x1F10;
	v39 =	vlaneseq.u32;
	[tilespmem:$0x1FDC0] =	vst v47  }
0x17f: {  	v3 =	vsel vm0, v46, v47;
	v5 =	vmul.u32 $0x81, v39;
	[tilespmem:$0x1FDD0] =	vst v46  }
0x180: {  	[tilespmem:$0x1FE10] =	vst v3  }
0x181: {  	v16 =	vor.u32 $0x10, v39;
	[tilespmem:$0x1FE20] =	vst v5  }
0x182: {  	[tilespmem:$0x1FE30] =	vst v16  }
0x183: {  	v8 =	vor.u32 $0x800, v5;
	[tilespmem:$0x1FE40] =	vst v4  }
0x184: {  	[tilespmem:$0x1FE50] =	vst v8  }
0x185: {  	[tilespmem:$0x1FE60] =	vst v6  }
0x186: {  	[tilespmem:$0x1FE70] =	vst v7  }
0x187: {  	[tilespmem:$0x1FE80] =	vst v9  }
0x188: {  	[tilespmem:$0x1FE90] =	vst v10  }
0x189: {  	[tilespmem:$0x1FEA0] =	vst v11  }
0x18a: {  	[tilespmem:$0x1FEB0] =	vst v13  }
0x18b: {  	[tilespmem:$0x1FEC0] =	vst v14  }
0x18c: {  	[tilespmem:$0x1FED0] =	vst v15  }
0x18d: {  	[tilespmem:$0x1FEE0] =	vst v30  }
0x18e: {  	[tilespmem:$0x1FEF0] =	vst v31  }
0x18f: {  	[tilespmem:$0x1FF00] =	vst v45  }
0x190: {  	[tilespmem:$0x1FF10] =	vst v42  }
0x191: {  	[tilespmem:$0x1FF20] =	vst v43  }
0x192: {  	[tilespmem:$0x1FF30] =	vst v32  }
0x193: {  	[tilespmem:$0x1FF40] =	vst v33  }
0x194: {  	[tilespmem:$0x1FF50] =	vst v38  }
0x195: {  	[tilespmem:$0x1FF80] =	vst v55  }
0x196: {  	[tilespmem:$0x1FF90] =	vst v62  }
0x197: {  	[tilespmem:$0x1FFA0] =	vst v50  }
0x198: {  	v27 =	vmov v56;
	[tilespmem:$0x1FFB0] =	vst v57  }
0x199: {  	[tilespmem:$0x1FFC0] =	vst v27  }
0x19a: {  	v41 =	vimm.s32 $0x3F3E3D3C;
	[tilespmem:$0x1FFD0] =	vst v34  }
0x19b: {  	v0 =	vunpack.c.0.s8.s32 v41;
	[tilespmem:$0x1FFE0] =	vst v35  }
0x19c: {  	v41 =	vmul.u32 $0x80, v39;
	[tilespmem:$0x1FFF0] =	vst v36  }
0x19d: {  	v37 =	vimm.s32 $0x37363534;
	[tilespmem:$0x1FD10] =	vst v0;
	v44 =	vld [tilespmem:$0x1FD60]  }
0x19e: {  	s0 =	stileid.u32;
	v63 =	vsel vm0, v48, v58;
	v0 =	vunpack.c.0.s8.s32 v37;
	[tilespmem:$0x1FD50] =	vst v41  }
0x19f: {  	s9 =	simm.s32 $0x80;
	s10 =	simm.s32 $0x1900;
	s11 =	simm.s32 $0x1;
	v40 =	vimm.s32 $0x3B3A3938;
	[tilespmem:$0x1FE00] =	vst v63;
	v29 =	vcombine.low v3, v63  }
0x1a0: {  	s12 =	simm.s32 $0x5900;
	s13 =	simm.s32 $0x9900;
	s31 =	sshll.u32 s0, $0x1;
	[tilespmem:$0x1FD30] =	vst v0;
	v0 =	vunpack.c.0.s8.s32 v40  }
0x1a1: {  	s14 =	simm.s32 $0x400;
	s15 =	simm.s32 $0x8000;
	s6 =	sor.u32 s5, s31;
	[tilespmem:$0x1FF60] =	vst v29  }
0x1a2: {  	s16 =	simm.s32 $0x2;
	s5 =	ssub.s32 $0x2, s5;
	s7 =	smul.u32 $0x320, s6;
	[tilespmem:$0x1FD40] =	vst v0;
	v0 =	vsel vm0, v61, v44;
	v61 =	vsel vm0, v59, v60  }
0x1a3: {  	s17 =	simm.s32 $0x0;
	s8 =	sshrl.u32 s5, $0x1;
	s6 =	sshll.u32 s6, $0xA;
	[tilespmem:$0x1FDE0] =	vst v0;
	v40 =	vcombine.low v61, v0  }
0x1a4: {  	s8 =	ssub.s32 s5, s8;
	s7 =	sadd.s32 s7, s4;
	s4 =	sadd.s32 $0x6800, s4;
	[tilespmem:$0x1FDF0] =	vst v61  }
0x1a5: {  	s5 =	sadd.s32 $0x400, s7;
	s7 =	smax.u32 s8, $0x1;
	s8 =	simm.s32 $0x3;
	v56 =	vmov v55;
	[tilespmem:$0x1FF70] =	vst v40  }
.LBB2_1:
0x1a6: {  	[tilespmem:s3], [sflag:$0x3] =	stream.linear.gather [hbm4b:s5+s3], $0x1900, $0x38;
	[tilespmem:$0xB900] =	vst v63  }
0x1a7: {  	_ =	swait.ge [sflag:s8], $0x1900  }
0x1a8: {  	[sflag:s8] =	ssyncset.done $0x0  }
0x1a9: {  	s18 =	simm.s32 $0x0;
	[sflag:s8] =	ssyncadd.s32 $0xFFFFE700  }
0x1aa: {  	v46 =	vmov v57;
	v28 =	vld [tilespmem:$0x1FD50];
	[tilespmem:s10], [sflag:$0x1] =	stream.indirect.gather [hbm4b:s4+s9], $0x80, s3, s9, $0xb8  }
.LBB2_2:
0x1ab: {  	_ = 	snop  }
0x1ac: {  	s21 =	simm.s32 $0x10  }
0x1ad: {  	s20 =	simm.s32 $0x0;
	v0 =	vmov s21  }
0x1ae: {  	v1 =	vmov s20;
	v0 =	vshll.u32 v0, $0x7  }
0x1af: {  	v41 =	vlaneseq.u32;
	v2 =	vshll.u32 v1, $0x7;
	v1 =	vor.u32 v28, v0  }
0x1b0: {  	v0 =	vor.u32 v28, v2;
	v2 =	vor.u32 v41, v1  }
0x1b1: {  	_ =	swait.ge [sflag:s11], $0x4000;
	s19 =	sshllo.u32 s18, $0x1;
	v3 =	vor.u32 v41, v0  }
0x1b2: {  	[sflag:s11] =	ssyncset.done $0x0;
	s22 =	sshll.u32 s19, $0x7  }
0x1b3: {  	[sflag:s11] =	ssyncadd.s32 $0xFFFFC000;
	s22 =	sand.u32 $0x3FFFFF80, s22  }
0x1b4: {  	[tilespmem:s12], [sflag:$0x2] =	stream.indirect.gather [hbm4b:s4+s9], $0x80, s22, s9, $0xb8;
	[tilespmem:$0xB900] =	vst v63  }
0x1b5: {  	v4 =	vor.u32 s21, v5;
	v2 =	vld.idx.msk [tilespmem:v2+s10+$0x0], $0xffff  }
0x1b6: {  	v5 =	vor.u32 s20, v5;
	v6 =	vor.u32 v17, v1;
	v3 =	vld.idx.msk [tilespmem:v3+s10+$0x0], $0xffff  }
0x1b7: {  	v7 =	vor.u32 v17, v0;
	_ =	sdelay $0x2  }
0x1b8: {  	[tilespmem:v4+s13+$0x0] =	vst.idx.msk $0xffff, v2  }
0x1b9: {  	[tilespmem:v5+s13+$0x0] =	vst.idx.msk $0xffff, v3;
	v3 =	vor.u32 s21, v18;
	v2 =	vld.idx.msk [tilespmem:v6+s10+$0x0], $0xffff  }
0x1ba: {  	v5 =	vor.u32 s20, v18;
	v4 =	vld.idx.msk [tilespmem:v7+s10+$0x0], $0xffff;
	v6 =	vor.u32 v19, v1  }
0x1bb: {  	v7 =	vor.u32 v19, v0;
	_ =	sdelay $0x2  }
0x1bc: {  	[tilespmem:v3+s13+$0x0] =	vst.idx.msk $0xffff, v2  }
0x1bd: {  	[tilespmem:v5+s13+$0x0] =	vst.idx.msk $0xffff, v4;
	v3 =	vor.u32 s21, v49;
	v2 =	vld.idx.msk [tilespmem:v6+s10+$0x0], $0xffff  }
0x1be: {  	v5 =	vor.u32 s20, v49;
	v4 =	vld.idx.msk [tilespmem:v7+s10+$0x0], $0xffff;
	v6 =	vor.u32 v21, v1  }
0x1bf: {  	v7 =	vor.u32 v21, v0;
	_ =	sdelay $0x2  }
0x1c0: {  	[tilespmem:v3+s13+$0x0] =	vst.idx.msk $0xffff, v2  }
0x1c1: {  	[tilespmem:v5+s13+$0x0] =	vst.idx.msk $0xffff, v4;
	v3 =	vor.u32 s21, v24;
	v2 =	vld.idx.msk [tilespmem:v6+s10+$0x0], $0xffff  }
0x1c2: {  	v5 =	vor.u32 s20, v24;
	v4 =	vld.idx.msk [tilespmem:v7+s10+$0x0], $0xffff;
	v6 =	vor.u32 v25, v1  }
0x1c3: {  	v7 =	vor.u32 v25, v0;
	_ =	sdelay $0x2  }
0x1c4: {  	[tilespmem:v3+s13+$0x0] =	vst.idx.msk $0xffff, v2  }
0x1c5: {  	[tilespmem:v5+s13+$0x0] =	vst.idx.msk $0xffff, v4;
	v3 =	vor.u32 s21, v26;
	v2 =	vld.idx.msk [tilespmem:v6+s10+$0x0], $0xffff  }
0x1c6: {  	v5 =	vor.u32 s20, v26;
	v4 =	vld.idx.msk [tilespmem:v7+s10+$0x0], $0xffff  }
0x1c7: {  	v7 =	vld [tilespmem:$0x1F7F0];
	_ =	sdelay $0x2  }
0x1c8: {  	[tilespmem:v3+s13+$0x0] =	vst.idx.msk $0xffff, v2  }
0x1c9: {  	[tilespmem:v5+s13+$0x0] =	vst.idx.msk $0xffff, v4  }
0x1ca: {  	v6 =	vor.u32 v7, v1;
	v5 =	vld [tilespmem:$0x1F800]  }
0x1cb: {  	v7 =	vor.u32 v7, v0;
	_ =	sdelay $0x3  }
0x1cc: {  	v2 =	vld.idx.msk [tilespmem:v6+s10+$0x0], $0xffff;
	v3 =	vor.u32 s21, v5  }
0x1cd: {  	v4 =	vld.idx.msk [tilespmem:v7+s10+$0x0], $0xffff;
	v5 =	vor.u32 s20, v5  }
0x1ce: {  	v7 =	vld [tilespmem:$0x1F810];
	_ =	sdelay $0x2  }
0x1cf: {  	[tilespmem:v3+s13+$0x0] =	vst.idx.msk $0xffff, v2  }
0x1d0: {  	[tilespmem:v5+s13+$0x0] =	vst.idx.msk $0xffff, v4  }
0x1d1: {  	v6 =	vor.u32 v7, v1;
	v7 =	vor.u32 v7, v0;
	v5 =	vld [tilespmem:$0x1F820];
	_ =	sdelay $0x4  }
0x1d2: {  	v4 =	vld.idx.msk [tilespmem:v7+s10+$0x0], $0xffff;
	v3 =	vor.u32 s21, v5;
	v5 =	vor.u32 s20, v5  }
0x1d3: {  	v2 =	vld.idx.msk [tilespmem:v6+s10+$0x0], $0xffff;
	v7 =	vor.u32 v20, v0  }
0x1d4: {  	v6 =	vor.u32 v20, v1;
	_ =	sdelay $0x2  }
0x1d5: {  	[tilespmem:v5+s13+$0x0] =	vst.idx.msk $0xffff, v4  }
0x1d6: {  	[tilespmem:v3+s13+$0x0] =	vst.idx.msk $0xffff, v2;
	v5 =	vor.u32 s20, v12;
	v4 =	vld.idx.msk [tilespmem:v7+s10+$0x0], $0xffff  }
0x1d7: {  	v3 =	vor.u32 s21, v12;
	v2 =	vld.idx.msk [tilespmem:v6+s10+$0x0], $0xffff;
	v7 =	vor.u32 v51, v0  }
0x1d8: {  	v6 =	vor.u32 v51, v1;
	_ =	sdelay $0x2  }
0x1d9: {  	[tilespmem:v5+s13+$0x0] =	vst.idx.msk $0xffff, v4  }
0x1da: {  	[tilespmem:v3+s13+$0x0] =	vst.idx.msk $0xffff, v2;
	v5 =	vor.u32 s20, v52;
	v4 =	vld.idx.msk [tilespmem:v7+s10+$0x0], $0xffff  }
0x1db: {  	v3 =	vor.u32 s21, v52;
	v2 =	vld.idx.msk [tilespmem:v6+s10+$0x0], $0xffff;
	v7 =	vor.u32 v53, v0;
	_ =	sdelay $0x3  }
0x1dc: {  	[tilespmem:v5+s13+$0x0] =	vst.idx.msk $0xffff, v4  }
0x1dd: {  	v6 =	vor.u32 v53, v1;
	[tilespmem:v3+s13+$0x0] =	vst.idx.msk $0xffff, v2;
	v4 =	vld.idx.msk [tilespmem:v7+s10+$0x0], $0xffff  }
0x1de: {  	v7 =	vld [tilespmem:$0x1F830];
	_ =	sdelay $0x3  }
0x1df: {  	v3 =	vor.u32 s21, v54;
	v2 =	vld.idx.msk [tilespmem:v6+s10+$0x0], $0xffff  }
0x1e0: {  	v5 =	vor.u32 s20, v54;
	v6 =	vor.u32 v7, v1  }
0x1e1: {  	v7 =	vor.u32 v7, v0;
	_ =	sdelay $0x2  }
0x1e2: {  	[tilespmem:v3+s13+$0x0] =	vst.idx.msk $0xffff, v2  }
0x1e3: {  	[tilespmem:v5+s13+$0x0] =	vst.idx.msk $0xffff, v4;
	v3 =	vor.u32 s21, v62;
	v2 =	vld.idx.msk [tilespmem:v6+s10+$0x0], $0xffff  }
0x1e4: {  	v5 =	vor.u32 s20, v62;
	v4 =	vld.idx.msk [tilespmem:v7+s10+$0x0], $0xffff;
	v6 =	vor.u32 v50, v1  }
0x1e5: {  	v7 =	vor.u32 v50, v0;
	_ =	sdelay $0x2  }
0x1e6: {  	[tilespmem:v3+s13+$0x0] =	vst.idx.msk $0xffff, v2  }
0x1e7: {  	[tilespmem:v5+s13+$0x0] =	vst.idx.msk $0xffff, v4;
	v3 =	vor.u32 s21, v23;
	v2 =	vld.idx.msk [tilespmem:v6+s10+$0x0], $0xffff  }
0x1e8: {  	v5 =	vor.u32 s20, v23;
	v4 =	vld.idx.msk [tilespmem:v7+s10+$0x0], $0xffff;
	v6 =	vor.u32 v22, v1  }
0x1e9: {  	v7 =	vor.u32 v22, v0;
	_ =	sdelay $0x2  }
0x1ea: {  	[tilespmem:v3+s13+$0x0] =	vst.idx.msk $0xffff, v2  }
0x1eb: {  	[tilespmem:v5+s13+$0x0] =	vst.idx.msk $0xffff, v4;
	v3 =	vor.u32 s21, v56;
	v2 =	vld.idx.msk [tilespmem:v6+s10+$0x0], $0xffff  }
0x1ec: {  	v5 =	vor.u32 s20, v56;
	v4 =	vld.idx.msk [tilespmem:v7+s10+$0x0], $0xffff;
	v6 =	vor.u32 v27, v1  }
0x1ed: {  	v7 =	vor.u32 v27, v0;
	_ =	sdelay $0x2  }
0x1ee: {  	[tilespmem:v3+s13+$0x0] =	vst.idx.msk $0xffff, v2  }
0x1ef: {  	[tilespmem:v5+s13+$0x0] =	vst.idx.msk $0xffff, v4;
	v3 =	vor.u32 s21, v46;
	v2 =	vld.idx.msk [tilespmem:v6+s10+$0x0], $0xffff  }
0x1f0: {  	v5 =	vor.u32 s20, v46;
	v4 =	vld.idx.msk [tilespmem:v7+s10+$0x0], $0xffff  }
0x1f1: {  	v7 =	vld [tilespmem:$0x1F840];
	_ =	sdelay $0x2  }
0x1f2: {  	[tilespmem:v3+s13+$0x0] =	vst.idx.msk $0xffff, v2  }
0x1f3: {  	[tilespmem:v5+s13+$0x0] =	vst.idx.msk $0xffff, v4  }
0x1f4: {  	v6 =	vor.u32 v7, v1;
	v5 =	vld [tilespmem:$0x1F850]  }
0x1f5: {  	v7 =	vor.u32 v7, v0;
	_ =	sdelay $0x3  }
0x1f6: {  	v2 =	vld.idx.msk [tilespmem:v6+s10+$0x0], $0xffff;
	v3 =	vor.u32 s21, v5  }
0x1f7: {  	v4 =	vld.idx.msk [tilespmem:v7+s10+$0x0], $0xffff;
	v5 =	vor.u32 s20, v5  }
0x1f8: {  	v7 =	vld [tilespmem:$0x1F860];
	_ =	sdelay $0x2  }
0x1f9: {  	[tilespmem:v3+s13+$0x0] =	vst.idx.msk $0xffff, v2  }
0x1fa: {  	[tilespmem:v5+s13+$0x0] =	vst.idx.msk $0xffff, v4  }
0x1fb: {  	v6 =	vor.u32 v7, v1;
	v5 =	vld [tilespmem:$0x1F870]  }
0x1fc: {  	v7 =	vor.u32 v7, v0;
	_ =	sdelay $0x3  }
0x1fd: {  	v2 =	vld.idx.msk [tilespmem:v6+s10+$0x0], $0xffff;
	v3 =	vor.u32 s21, v5  }
0x1fe: {  	v4 =	vld.idx.msk [tilespmem:v7+s10+$0x0], $0xffff;
	v6 =	vor.u32 v16, v1;
	v5 =	vor.u32 s20, v5  }
0x1ff: {  	v7 =	vor.u32 v16, v0;
	_ =	sdelay $0x2  }
0x200: {  	[tilespmem:v3+s13+$0x0] =	vst.idx.msk $0xffff, v2  }
0x201: {  	[tilespmem:v5+s13+$0x0] =	vst.idx.msk $0xffff, v4;
	v3 =	vor.u32 s21, v8;
	v2 =	vld.idx.msk [tilespmem:v6+s10+$0x0], $0xffff  }
0x202: {  	v5 =	vor.u32 s20, v8;
	v4 =	vld.idx.msk [tilespmem:v7+s10+$0x0], $0xffff;
	_ =	sdelay $0x2  }
0x203: {  	v6 =	vor.u32 v40, v1  }
0x204: {  	v7 =	vor.u32 v40, v0;
	[tilespmem:v3+s13+$0x0] =	vst.idx.msk $0xffff, v2  }
0x205: {  	[tilespmem:v5+s13+$0x0] =	vst.idx.msk $0xffff, v4  }
0x206: {  	v5 =	vld [tilespmem:$0x1F880];
	_ =	sdelay $0x1  }
0x207: {  	v2 =	vld.idx.msk [tilespmem:v6+s10+$0x0], $0xffff  }
0x208: {  	v4 =	vld.idx.msk [tilespmem:v7+s10+$0x0], $0xffff  }
0x209: {  	v16 =	vld [tilespmem:$0x1F890]  }
0x20a: {  	v30 =	vld [tilespmem:$0x1F8A0];
	v3 =	vor.u32 s21, v5  }
0x20b: {  	v6 =	vor.u32 v29, v1;
	v31 =	vld [tilespmem:$0x1F8B0];
	v5 =	vor.u32 s20, v5  }
0x20c: {  	v7 =	vor.u32 v29, v0;
	v32 =	vld [tilespmem:$0x1F8C0];
	_ =	sdelay $0x2  }
0x20d: {  	[tilespmem:v3+s13+$0x0] =	vst.idx.msk $0xffff, v2  }
0x20e: {  	[tilespmem:v5+s13+$0x0] =	vst.idx.msk $0xffff, v4;
	v2 =	vld.idx.msk [tilespmem:v6+s10+$0x0], $0xffff  }
0x20f: {  	v8 =	vsel vm0, v30, v16;
	v9 =	vsel vm0, v32, v31;
	v4 =	vld.idx.msk [tilespmem:v7+s10+$0x0], $0xffff  }
0x210: {  	v10 =	vcombine.low v9, v8;
	v33 =	vld [tilespmem:$0x1F8E0]  }
0x211: {  	v3 =	vor.u32 s21, v45;
	v35 =	vld [tilespmem:$0x1F8F0]  }
0x212: {  	v5 =	vor.u32 v10, v1;
	v6 =	vor.u32 s20, v45;
	v36 =	vld [tilespmem:$0x1F900]  }
0x213: {  	v37 =	vld [tilespmem:$0x1F910]  }
0x214: {  	v7 =	vor.u32 v10, v0  }
0x215: {  	[tilespmem:$0x1F710] =	vst v10  }
0x216: {  	[tilespmem:v3+s13+$0x0] =	vst.idx.msk $0xffff, v2  }
0x217: {  	[tilespmem:v6+s13+$0x0] =	vst.idx.msk $0xffff, v4;
	v2 =	vld.idx.msk [tilespmem:v5+s10+$0x0], $0xffff  }
0x218: {  	v10 =	vsel vm0, v35, v33;
	v11 =	vsel vm0, v37, v36;
	v6 =	vld [tilespmem:$0x1F8D0]  }
0x219: {  	v13 =	vcombine.low v11, v10;
	v4 =	vld.idx.msk [tilespmem:v7+s10+$0x0], $0xffff  }
0x21a: {  	v14 =	vld [tilespmem:$0x1FD80]  }
0x21b: {  	v5 =	vor.u32 v13, v1;
	[tilespmem:$0x1F720] =	vst v13;
	v7 =	vor.u32 v13, v0;
	v13 =	vld [tilespmem:$0x1FD70];
	_ =	sdelay $0x3  }
0x21c: {  	v15 =	vld [tilespmem:$0x1FD90];
	v3 =	vor.u32 s21, v6  }
0x21d: {  	v6 =	vor.u32 s20, v6;
	v13 =	vsel vm0, v14, v13;
	v14 =	vld [tilespmem:$0x1FD60];
	_ =	sdelay $0x3  }
0x21e: {  	[tilespmem:v3+s13+$0x0] =	vst.idx.msk $0xffff, v2  }
0x21f: {  	[tilespmem:v6+s13+$0x0] =	vst.idx.msk $0xffff, v4;
	v2 =	vld.idx.msk [tilespmem:v5+s10+$0x0], $0xffff;
	v27 =	vsel vm0, v14, v15  }
0x220: {  	v4 =	vld.idx.msk [tilespmem:v7+s10+$0x0], $0xffff;
	v14 =	vcombine.low v27, v13  }
0x221: {  	v15 =	vld [tilespmem:$0x1FDC0]  }
0x222: {  	v5 =	vor.u32 v14, v1;
	[tilespmem:$0x1F730] =	vst v14;
	v7 =	vor.u32 v14, v0;
	v14 =	vld [tilespmem:$0x1FDB0];
	_ =	sdelay $0x3  }
0x223: {  	v3 =	vor.u32 s21, v42  }
0x224: {  	v6 =	vor.u32 s20, v42;
	v38 =	vsel vm0, v15, v14;
	v14 =	vld [tilespmem:$0x1FDA0]  }
0x225: {  	v15 =	vld [tilespmem:$0x1FDD0];
	_ =	sdelay $0x2  }
0x226: {  	[tilespmem:v3+s13+$0x0] =	vst.idx.msk $0xffff, v2  }
0x227: {  	[tilespmem:v6+s13+$0x0] =	vst.idx.msk $0xffff, v4;
	v3 =	vor.u32 s21, v43;
	v2 =	vld.idx.msk [tilespmem:v5+s10+$0x0], $0xffff  }
0x228: {  	v6 =	vor.u32 s20, v43;
	v4 =	vld.idx.msk [tilespmem:v7+s10+$0x0], $0xffff;
	v62 =	vsel vm0, v14, v15  }
0x229: {  	v14 =	vcombine.low v62, v38;
	_ =	sdelay $0x1  }
0x22a: {  	[tilespmem:$0x1F740] =	vst v14  }
0x22b: {  	[tilespmem:v3+s13+$0x0] =	vst.idx.msk $0xffff, v2  }
0x22c: {  	[tilespmem:v6+s13+$0x0] =	vst.idx.msk $0xffff, v4  }
0x22d: {  	v5 =	vor.u32 v14, v1;
	v6 =	vld [tilespmem:$0x1F920]  }
0x22e: {  	v7 =	vor.u32 v14, v0;
	_ =	sdelay $0x3  }
0x22f: {  	v2 =	vld.idx.msk [tilespmem:v5+s10+$0x0], $0xffff;
	v3 =	vor.u32 s21, v6  }
0x230: {  	v30 =	vsel vm0, v31, v30;
	v63 =	vsel vm0, v16, v32;
	v4 =	vld.idx.msk [tilespmem:v7+s10+$0x0], $0xffff;
	v6 =	vor.u32 s20, v6  }
0x231: {  	v14 =	vcombine.low v63, v30;
	_ =	sdelay $0x1  }
0x232: {  	[tilespmem:$0x1F750] =	vst v14  }
0x233: {  	[tilespmem:v3+s13+$0x0] =	vst.idx.msk $0xffff, v2  }
0x234: {  	[tilespmem:v6+s13+$0x0] =	vst.idx.msk $0xffff, v4  }
0x235: {  	v5 =	vor.u32 v14, v1;
	v6 =	vld [tilespmem:$0x1F930];
	_ =	sdelay $0x1  }
0x236: {  	v7 =	vor.u32 v14, v0;
	_ =	sdelay $0x2  }
0x237: {  	v2 =	vld.idx.msk [tilespmem:v5+s10+$0x0], $0xffff;
	v3 =	vor.u32 s21, v6  }
0x238: {  	v15 =	vsel vm0, v33, v37;
	v14 =	vsel vm0, v36, v35  }
0x239: {  	v14 =	vcombine.low v15, v14;
	v4 =	vld.idx.msk [tilespmem:v7+s10+$0x0], $0xffff;
	v6 =	vor.u32 s20, v6;
	_ =	sdelay $0x1  }
0x23a: {  	[tilespmem:$0x1F760] =	vst v14  }
0x23b: {  	[tilespmem:v3+s13+$0x0] =	vst.idx.msk $0xffff, v2  }
0x23c: {  	v2 =	vld [tilespmem:$0x1FDE0]  }
0x23d: {  	v3 =	vld [tilespmem:$0x1FDF0];
	[tilespmem:v6+s13+$0x0] =	vst.idx.msk $0xffff, v4  }
0x23e: {  	v5 =	vor.u32 v14, v1;
	v6 =	vld [tilespmem:$0x1F940];
	_ =	sdelay $0x1  }
0x23f: {  	v7 =	vor.u32 v14, v0;
	_ =	sdelay $0x2  }
0x240: {  	v14 =	vcombine.low v2, v3;
	v2 =	vld.idx.msk [tilespmem:v5+s10+$0x0], $0xffff;
	v3 =	vor.u32 s21, v6;
	_ =	sdelay $0x1  }
0x241: {  	v4 =	vld.idx.msk [tilespmem:v7+s10+$0x0], $0xffff;
	v6 =	vor.u32 s20, v6;
	_ =	sdelay $0x1  }
0x242: {  	[tilespmem:$0x1F770] =	vst v14  }
0x243: {  	[tilespmem:v3+s13+$0x0] =	vst.idx.msk $0xffff, v2  }
0x244: {  	v2 =	vld [tilespmem:$0x1FE00]  }
0x245: {  	v3 =	vld [tilespmem:$0x1FE10];
	[tilespmem:v6+s13+$0x0] =	vst.idx.msk $0xffff, v4  }
0x246: {  	v5 =	vor.u32 v14, v1;
	v6 =	vld [tilespmem:$0x1F950]  }
0x247: {  	v7 =	vor.u32 v14, v0;
	_ =	sdelay $0x3  }
0x248: {  	v14 =	vcombine.low v2, v3;
	v2 =	vld.idx.msk [tilespmem:v5+s10+$0x0], $0xffff;
	v3 =	vor.u32 s21, v6  }
0x249: {  	v4 =	vld.idx.msk [tilespmem:v7+s10+$0x0], $0xffff;
	v6 =	vor.u32 s20, v6;
	_ =	sdelay $0x2  }
0x24a: {  	[tilespmem:$0x1F780] =	vst v14  }
0x24b: {  	[tilespmem:v3+s13+$0x0] =	vst.idx.msk $0xffff, v2  }
0x24c: {  	[tilespmem:v6+s13+$0x0] =	vst.idx.msk $0xffff, v4  }
0x24d: {  	v5 =	vor.u32 v14, v1;
	v6 =	vld [tilespmem:$0x1F960]  }
0x24e: {  	v7 =	vor.u32 v14, v0;
	_ =	sdelay $0x3  }
0x24f: {  	v2 =	vld.idx.msk [tilespmem:v5+s10+$0x0], $0xffff;
	v3 =	vor.u32 s21, v6  }
0x250: {  	v4 =	vld.idx.msk [tilespmem:v7+s10+$0x0], $0xffff;
	v6 =	vor.u32 s20, v6  }
0x251: {  	v8 =	vcombine.low v8, v9;
	_ =	sdelay $0x1  }
0x252: {  	[tilespmem:$0x1F790] =	vst v8  }
0x253: {  	[tilespmem:v3+s13+$0x0] =	vst.idx.msk $0xffff, v2  }
0x254: {  	[tilespmem:v6+s13+$0x0] =	vst.idx.msk $0xffff, v4  }
0x255: {  	v5 =	vor.u32 v8, v1;
	v6 =	vld [tilespmem:$0x1F970]  }
0x256: {  	v7 =	vor.u32 v8, v0;
	_ =	sdelay $0x3  }
0x257: {  	v2 =	vld.idx.msk [tilespmem:v5+s10+$0x0], $0xffff;
	v3 =	vor.u32 s21, v6  }
0x258: {  	v4 =	vld.idx.msk [tilespmem:v7+s10+$0x0], $0xffff;
	v6 =	vor.u32 s20, v6  }
0x259: {  	v8 =	vcombine.low v10, v11;
	_ =	sdelay $0x1  }
0x25a: {  	[tilespmem:$0x1F7A0] =	vst v8  }
0x25b: {  	[tilespmem:v3+s13+$0x0] =	vst.idx.msk $0xffff, v2  }
0x25c: {  	[tilespmem:v6+s13+$0x0] =	vst.idx.msk $0xffff, v4  }
0x25d: {  	v5 =	vor.u32 v8, v1;
	v6 =	vld [tilespmem:$0x1F980]  }
0x25e: {  	v7 =	vor.u32 v8, v0;
	_ =	sdelay $0x3  }
0x25f: {  	v2 =	vld.idx.msk [tilespmem:v5+s10+$0x0], $0xffff;
	v3 =	vor.u32 s21, v6  }
0x260: {  	v4 =	vld.idx.msk [tilespmem:v7+s10+$0x0], $0xffff;
	v6 =	vor.u32 s20, v6  }
0x261: {  	v8 =	vcombine.low v13, v27;
	_ =	sdelay $0x1  }
0x262: {  	[tilespmem:$0x1F7B0] =	vst v8  }
0x263: {  	[tilespmem:v3+s13+$0x0] =	vst.idx.msk $0xffff, v2  }
0x264: {  	[tilespmem:v6+s13+$0x0] =	vst.idx.msk $0xffff, v4  }
0x265: {  	v5 =	vor.u32 v8, v1;
	v6 =	vld [tilespmem:$0x1F990]  }
0x266: {  	v7 =	vor.u32 v8, v0;
	_ =	sdelay $0x3  }
0x267: {  	v2 =	vld.idx.msk [tilespmem:v5+s10+$0x0], $0xffff;
	v3 =	vor.u32 s21, v6  }
0x268: {  	v4 =	vld.idx.msk [tilespmem:v7+s10+$0x0], $0xffff;
	v6 =	vor.u32 s20, v6  }
0x269: {  	v8 =	vcombine.low v38, v62;
	_ =	sdelay $0x1  }
0x26a: {  	[tilespmem:$0x1F7C0] =	vst v8  }
0x26b: {  	[tilespmem:v3+s13+$0x0] =	vst.idx.msk $0xffff, v2  }
0x26c: {  	[tilespmem:v6+s13+$0x0] =	vst.idx.msk $0xffff, v4  }
0x26d: {  	v5 =	vor.u32 v8, v1;
	v6 =	vld [tilespmem:$0x1F9A0]  }
0x26e: {  	v7 =	vor.u32 v8, v0;
	_ =	sdelay $0x3  }
0x26f: {  	v2 =	vld.idx.msk [tilespmem:v5+s10+$0x0], $0xffff;
	v3 =	vor.u32 s21, v6  }
0x270: {  	v4 =	vld.idx.msk [tilespmem:v7+s10+$0x0], $0xffff;
	v6 =	vor.u32 s20, v6  }
0x271: {  	v8 =	vcombine.low v30, v63;
	_ =	sdelay $0x1  }
0x272: {  	[tilespmem:$0x1F7D0] =	vst v8  }
0x273: {  	[tilespmem:v3+s13+$0x0] =	vst.idx.msk $0xffff, v2  }
0x274: {  	v5 =	vor.u32 v8, v1;
	[tilespmem:v6+s13+$0x0] =	vst.idx.msk $0xffff, v4  }
0x275: {  	v8 =	vor.u32 v8, v0;
	v4 =	vld [tilespmem:$0x1F9B0];
	_ =	sdelay $0x1  }
0x276: {  	s22 =	simm.s32 $0x20  }
0x277: {  	v3 =	vor.u32 $0x20, v41;
	v2 =	vmov s22  }
0x278: {  	v7 =	vld.idx.msk [tilespmem:v5+s10+$0x0], $0xffff;
	v5 =	vor.u32 v3, v0;
	v2 =	vshll.u32 v2, $0x7;
	v10 =	vor.u32 v3, v1  }
0x279: {  	s23 =	simm.s32 $0x30;
	s24 =	simm.s32 $0x40;
	v14 =	vmovc v28;
	v8 =	vld.idx.msk [tilespmem:v8+s10+$0x0], $0xffff;
	[tilespmem:$0x1F7E0] =	vst v3;
	v2 =	vor.u32 v28, v2;
	v9 =	vor.u32 s21, v4;
	v11 =	vor.u32 s20, v4  }
.LBB2_3:
0x27a: {  	v23 =	vld [tilespmem:$0x1F9C0]  }
0x27b: {  	v15 =	vld [tilespmem:$0x1FE20]  }
0x27c: {  	v27 =	vld [tilespmem:$0x1F9D0]  }
0x27d: {  	v28 =	vld [tilespmem:$0x1F9E0]  }
0x27e: {  	v3 =	vmov s23;
	v29 =	vld [tilespmem:$0x1F9F0]  }
0x27f: {  	v22 =	vlaneseq.u32;
	v3 =	vshll.u32 v3, $0x7  }
0x280: {  	v46 =	vld [tilespmem:$0x1FB90];
	v13 =	vor.u32 v22, v2;
	v3 =	vor.u32 v14, v3;
	[tilespmem:v11+s13+$0x0] =	vst.idx.msk $0xffff, v8;
	v14 =	vor.u32 $0x1000, v15  }
0x281: {  	v11 =	vld.idx.msk [tilespmem:v5+s10+$0x0], $0xffff;
	v8 =	vor.u32 s20, v14  }
0x282: {  	v47 =	vld [tilespmem:$0x1FBA0]  }
0x283: {  	v48 =	vld [tilespmem:$0x1FBB0];
	[tilespmem:v9+s13+$0x0] =	vst.idx.msk $0xffff, v7;
	v4 =	vsel vm0, v27, v23;
	v6 =	vsel vm0, v29, v28  }
0x284: {  	v9 =	vld.idx.msk [tilespmem:v10+s10+$0x0], $0xffff;
	v16 =	vcombine.low v6, v4  }
0x285: {  	v7 =	vor.u32 v22, v3;
	v10 =	vor.u32 s21, v14;
	v13 =	vld.idx.msk [tilespmem:v13+s10+$0x0], $0xffff  }
0x286: {  	v31 =	vor.u32 v16, v1;
	[tilespmem:v8+s13+$0x0] =	vst.idx.msk $0xffff, v11;
	v8 =	vld [tilespmem:$0x1FA00]  }
0x287: {  	v56 =	vld [tilespmem:$0x1FBC0]  }
0x288: {  	v57 =	vld [tilespmem:$0x1FBD0]  }
0x289: {  	v61 =	vld [tilespmem:$0x1FBE0]  }
0x28a: {  	v33 =	vld.idx.msk [tilespmem:v7+s10+$0x0], $0xffff;
	[tilespmem:v10+s13+$0x0] =	vst.idx.msk $0xffff, v9;
	v10 =	vor.u32 s23, v15  }
0x28b: {  	v35 =	vor.u32 v17, v3;
	v31 =	vld.idx.msk [tilespmem:v31+s10+$0x0], $0xffff;
	v11 =	vor.u32 s21, v8  }
0x28c: {  	v62 =	vld [tilespmem:$0x1FBF0]  }
0x28d: {  	v63 =	vld [tilespmem:$0x1FC00];
	v5 =	vsel vm0, v47, v46;
	v7 =	vsel vm0, v56, v48  }
0x28e: {  	v44 =	vld [tilespmem:$0x1FC10];
	v32 =	vor.u32 s22, v15;
	[tilespmem:$0x1F5F0] =	vst v14;
	v30 =	vor.u32 v16, v0;
	v14 =	vcombine.low v7, v5  }
0x28f: {  	v39 =	vld [tilespmem:$0x1FC20];
	v9 =	vor.u32 v17, v2;
	[tilespmem:v10+s13+$0x0] =	vst.idx.msk $0xffff, v33  }
0x290: {  	v37 =	vor.u32 v14, v1;
	v10 =	vld.idx.msk [tilespmem:v35+s10+$0x0], $0xffff;
	[tilespmem:v11+s13+$0x0] =	vst.idx.msk $0xffff, v31;
	v31 =	vor.u32 s23, v18  }
0x291: {  	v34 =	vld [tilespmem:$0x1FC40];
	v55 =	vor.u32 v19, v3  }
0x292: {  	v36 =	vor.u32 v14, v0;
	[tilespmem:$0x1F610] =	vst v14;
	v14 =	vld [tilespmem:$0x1FA10]  }
0x293: {  	v30 =	vld.idx.msk [tilespmem:v30+s10+$0x0], $0xffff;
	[tilespmem:v32+s13+$0x0] =	vst.idx.msk $0xffff, v13;
	v38 =	vor.u32 s20, v8  }
0x294: {  	v13 =	vld.idx.msk [tilespmem:v9+s10+$0x0], $0xffff  }
0x295: {  	v33 =	vld.idx.msk [tilespmem:v37+s10+$0x0], $0xffff;
	[tilespmem:v31+s13+$0x0] =	vst.idx.msk $0xffff, v10  }
0x296: {  	v50 =	vor.u32 s22, v18;
	v8 =	vsel vm0, v61, v57;
	v9 =	vsel vm0, v63, v62;
	v10 =	vld.idx.msk [tilespmem:v55+s10+$0x0], $0xffff  }
0x297: {  	[tilespmem:$0x1F600] =	vst v16;
	v16 =	vcombine.low v9, v8;
	v11 =	vor.u32 v19, v2;
	v55 =	vld [tilespmem:$0x1FC30]  }
0x298: {  	v58 =	vor.u32 s21, v14;
	v41 =	vor.u32 s20, v14;
	v14 =	vld [tilespmem:$0x1FA20];
	[tilespmem:v38+s13+$0x0] =	vst.idx.msk $0xffff, v30  }
0x299: {  	v40 =	vor.u32 v16, v1;
	v36 =	vld.idx.msk [tilespmem:v36+s10+$0x0], $0xffff  }
0x29a: {  	v59 =	vor.u32 v16, v0  }
0x29b: {  	[tilespmem:v50+s13+$0x0] =	vst.idx.msk $0xffff, v13  }
0x29c: {  	[tilespmem:$0x1F620] =	vst v16;
	v30 =	vsel vm0, v39, v44;
	v13 =	vor.u32 s22, v49;
	v11 =	vld.idx.msk [tilespmem:v11+s10+$0x0], $0xffff;
	v31 =	vsel vm0, v34, v55  }
0x29d: {  	v32 =	vor.u32 v21, v2;
	[tilespmem:v58+s13+$0x0] =	vst.idx.msk $0xffff, v33;
	v33 =	vor.u32 s23, v49;
	v16 =	vcombine.low v31, v30  }
0x29e: {  	v60 =	vor.u32 s21, v14;
	v58 =	vor.u32 v21, v3;
	[tilespmem:v41+s13+$0x0] =	vst.idx.msk $0xffff, v36;
	v35 =	vld.idx.msk [tilespmem:v40+s10+$0x0], $0xffff  }
0x29f: {  	v42 =	vor.u32 s20, v14;
	v38 =	vld.idx.msk [tilespmem:v59+s10+$0x0], $0xffff;
	v59 =	vor.u32 v16, v1  }
0x2a0: {  	v45 =	vor.u32 v16, v0  }
0x2a1: {  	v14 =	vld [tilespmem:$0x1FA30];
	[tilespmem:v13+s13+$0x0] =	vst.idx.msk $0xffff, v11  }
0x2a2: {  	v11 =	vld.idx.msk [tilespmem:v32+s10+$0x0], $0xffff;
	[tilespmem:v33+s13+$0x0] =	vst.idx.msk $0xffff, v10  }
0x2a3: {  	v33 =	vld.idx.msk [tilespmem:v58+s10+$0x0], $0xffff;
	[tilespmem:v60+s13+$0x0] =	vst.idx.msk $0xffff, v35  }
0x2a4: {  	v36 =	vor.u32 s23, v24;
	[tilespmem:v42+s13+$0x0] =	vst.idx.msk $0xffff, v38;
	v37 =	vld.idx.msk [tilespmem:v59+s10+$0x0], $0xffff  }
0x2a5: {  	v60 =	vor.u32 v25, v3;
	v40 =	vld.idx.msk [tilespmem:v45+s10+$0x0], $0xffff  }
0x2a6: {  	v58 =	vor.u32 s21, v14;
	v45 =	vor.u32 s20, v14;
	v14 =	vld [tilespmem:$0x1F7F0]  }
0x2a7: {  	v32 =	vsel vm0, v28, v27;
	v10 =	vsel vm0, v23, v29  }
0x2a8: {  	v13 =	vor.u32 s22, v24;
	[tilespmem:$0x1F630] =	vst v16;
	v16 =	vcombine.low v10, v32  }
0x2a9: {  	v35 =	vor.u32 v25, v2;
	[tilespmem:v36+s13+$0x0] =	vst.idx.msk $0xffff, v33  }
0x2aa: {  	v59 =	vor.u32 v16, v0;
	v36 =	vld.idx.msk [tilespmem:v60+s10+$0x0], $0xffff  }
0x2ab: {  	[tilespmem:v58+s13+$0x0] =	vst.idx.msk $0xffff, v37;
	v37 =	vor.u32 v14, v2;
	v60 =	vor.u32 v14, v3;
	v14 =	vld [tilespmem:$0x1FA40];
	_ =	sdelay $0x1  }
0x2ac: {  	[tilespmem:v13+s13+$0x0] =	vst.idx.msk $0xffff, v11  }
0x2ad: {  	v38 =	vor.u32 s23, v26;
	v43 =	vor.u32 v16, v1;
	v11 =	vld.idx.msk [tilespmem:v35+s10+$0x0], $0xffff;
	[tilespmem:v45+s13+$0x0] =	vst.idx.msk $0xffff, v40  }
0x2ae: {  	v33 =	vsel vm0, v48, v47;
	v35 =	vsel vm0, v46, v56;
	v42 =	vld.idx.msk [tilespmem:v59+s10+$0x0], $0xffff  }
0x2af: {  	[tilespmem:$0x1F640] =	vst v16;
	v16 =	vcombine.low v35, v33;
	v48 =	vor.u32 s21, v14;
	v59 =	vor.u32 s20, v14;
	v14 =	vld [tilespmem:$0x1F810];
	_ =	sdelay $0x1  }
0x2b0: {  	v13 =	vor.u32 s22, v26;
	v56 =	vor.u32 v16, v0;
	[tilespmem:$0x1F650] =	vst v16;
	v58 =	vor.u32 v16, v1;
	v16 =	vld [tilespmem:$0x1F800]  }
0x2b1: {  	v41 =	vld.idx.msk [tilespmem:v43+s10+$0x0], $0xffff;
	[tilespmem:v38+s13+$0x0] =	vst.idx.msk $0xffff, v36  }
0x2b2: {  	v38 =	vld.idx.msk [tilespmem:v60+s10+$0x0], $0xffff  }
0x2b3: {  	v40 =	vor.u32 v14, v2;
	v60 =	vor.u32 v14, v3;
	v14 =	vld [tilespmem:$0x1FA50];
	_ =	sdelay $0x1  }
0x2b4: {  	[tilespmem:v13+s13+$0x0] =	vst.idx.msk $0xffff, v11  }
0x2b5: {  	v13 =	vld.idx.msk [tilespmem:v37+s10+$0x0], $0xffff;
	[tilespmem:v48+s13+$0x0] =	vst.idx.msk $0xffff, v41;
	v41 =	vor.u32 s23, v16  }
0x2b6: {  	v11 =	vsel vm0, v62, v61;
	v37 =	vor.u32 s22, v16;
	v43 =	vld.idx.msk [tilespmem:v58+s10+$0x0], $0xffff  }
0x2b7: {  	v36 =	vsel vm0, v57, v63;
	v61 =	vor.u32 s21, v14;
	v63 =	vor.u32 s20, v14;
	v14 =	vld [tilespmem:$0x1F820];
	_ =	sdelay $0x1  }
0x2b8: {  	[tilespmem:v59+s13+$0x0] =	vst.idx.msk $0xffff, v42  }
0x2b9: {  	v16 =	vcombine.low v36, v11;
	v45 =	vld.idx.msk [tilespmem:v56+s10+$0x0], $0xffff;
	[tilespmem:v41+s13+$0x0] =	vst.idx.msk $0xffff, v38  }
0x2ba: {  	[tilespmem:v37+s13+$0x0] =	vst.idx.msk $0xffff, v13;
	v38 =	vld.idx.msk [tilespmem:v60+s10+$0x0], $0xffff  }
0x2bb: {  	v62 =	vor.u32 v16, v1;
	v37 =	vor.u32 s22, v14;
	[tilespmem:v61+s13+$0x0] =	vst.idx.msk $0xffff, v43;
	v43 =	vor.u32 s23, v14;
	v14 =	vld [tilespmem:$0x1FA60]  }
0x2bc: {  	v47 =	vor.u32 v16, v0;
	_ =	sdelay $0x1  }
0x2bd: {  	v59 =	vsel vm0, v44, v34;
	v58 =	vsel vm0, v55, v39;
	v13 =	vld.idx.msk [tilespmem:v40+s10+$0x0], $0xffff  }
0x2be: {  	v42 =	vor.u32 v20, v2;
	[tilespmem:$0x1F660] =	vst v16;
	v16 =	vcombine.low v59, v58  }
0x2bf: {  	v61 =	vor.u32 v20, v3;
	[tilespmem:v63+s13+$0x0] =	vst.idx.msk $0xffff, v45;
	v60 =	vld.idx.msk [tilespmem:v62+s10+$0x0], $0xffff;
	v62 =	vor.u32 s21, v14  }
0x2c0: {  	v44 =	vor.u32 v16, v1;
	v63 =	vld.idx.msk [tilespmem:v47+s10+$0x0], $0xffff;
	v55 =	vor.u32 s20, v14  }
0x2c1: {  	v34 =	vor.u32 v16, v0;
	[tilespmem:$0x1F670] =	vst v16  }
0x2c2: {  	[tilespmem:v37+s13+$0x0] =	vst.idx.msk $0xffff, v13;
	v14 =	vld [tilespmem:$0x1FA70]  }
0x2c3: {  	[tilespmem:v43+s13+$0x0] =	vst.idx.msk $0xffff, v38;
	v13 =	vld.idx.msk [tilespmem:v42+s10+$0x0], $0xffff  }
0x2c4: {  	v56 =	vor.u32 s22, v12;
	v58 =	vor.u32 v51, v2;
	v38 =	vld.idx.msk [tilespmem:v61+s10+$0x0], $0xffff;
	[tilespmem:v62+s13+$0x0] =	vst.idx.msk $0xffff, v60  }
0x2c5: {  	v59 =	vor.u32 s23, v12;
	v16 =	vcombine.low v4, v6;
	[tilespmem:v55+s13+$0x0] =	vst.idx.msk $0xffff, v63;
	v4 =	vld.idx.msk [tilespmem:v44+s10+$0x0], $0xffff  }
0x2c6: {  	v6 =	vor.u32 v51, v3;
	v61 =	vld.idx.msk [tilespmem:v34+s10+$0x0], $0xffff  }
0x2c7: {  	v60 =	vor.u32 s21, v14;
	v34 =	vor.u32 s20, v14;
	v14 =	vld [tilespmem:$0x1FA80]  }
0x2c8: {  	v63 =	vor.u32 v16, v1  }
0x2c9: {  	[tilespmem:v56+s13+$0x0] =	vst.idx.msk $0xffff, v13  }
0x2ca: {  	v48 =	vor.u32 s22, v52;
	[tilespmem:v59+s13+$0x0] =	vst.idx.msk $0xffff, v38;
	v13 =	vld.idx.msk [tilespmem:v58+s10+$0x0], $0xffff  }
0x2cb: {  	[tilespmem:$0x1F680] =	vst v16;
	v62 =	vor.u32 v16, v0;
	v55 =	vor.u32 s23, v52;
	v16 =	vcombine.low v5, v7;
	v6 =	vld.idx.msk [tilespmem:v6+s10+$0x0], $0xffff  }
0x2cc: {  	v7 =	vor.u32 v53, v3;
	[tilespmem:v60+s13+$0x0] =	vst.idx.msk $0xffff, v4;
	v56 =	vor.u32 s21, v14;
	v60 =	vor.u32 s20, v14;
	v14 =	vld [tilespmem:$0x1F830]  }
0x2cd: {  	v5 =	vld.idx.msk [tilespmem:v63+s10+$0x0], $0xffff  }
0x2ce: {  	[tilespmem:$0x1F690] =	vst v16  }
0x2cf: {  	[tilespmem:v34+s13+$0x0] =	vst.idx.msk $0xffff, v61  }
0x2d0: {  	v58 =	vor.u32 v16, v0;
	v4 =	vor.u32 v53, v2;
	v57 =	vld.idx.msk [tilespmem:v62+s10+$0x0], $0xffff;
	[tilespmem:v55+s13+$0x0] =	vst.idx.msk $0xffff, v6  }
0x2d1: {  	v59 =	vor.u32 v16, v1;
	v16 =	vcombine.low v8, v9;
	[tilespmem:v48+s13+$0x0] =	vst.idx.msk $0xffff, v13;
	v7 =	vld.idx.msk [tilespmem:v7+s10+$0x0], $0xffff  }
0x2d2: {  	v13 =	vor.u32 s23, v54;
	v9 =	vor.u32 v14, v3;
	[tilespmem:v56+s13+$0x0] =	vst.idx.msk $0xffff, v5;
	v5 =	vor.u32 v14, v2;
	v14 =	vld [tilespmem:$0x1FA90];
	_ =	sdelay $0x2  }
0x2d3: {  	v4 =	vld.idx.msk [tilespmem:v4+s10+$0x0], $0xffff  }
0x2d4: {  	v6 =	vor.u32 s22, v54;
	v8 =	vld.idx.msk [tilespmem:v59+s10+$0x0], $0xffff  }
0x2d5: {  	[tilespmem:v13+s13+$0x0] =	vst.idx.msk $0xffff, v7;
	v13 =	vld [tilespmem:$0x1FF90];
	v61 =	vor.u32 s21, v14  }
0x2d6: {  	v39 =	vor.u32 s20, v14;
	v14 =	vld [tilespmem:$0x1FFA0];
	_ =	sdelay $0x1  }
0x2d7: {  	[tilespmem:v60+s13+$0x0] =	vst.idx.msk $0xffff, v57  }
0x2d8: {  	v34 =	vor.u32 v16, v1;
	v62 =	vld.idx.msk [tilespmem:v58+s10+$0x0], $0xffff;
	[tilespmem:v6+s13+$0x0] =	vst.idx.msk $0xffff, v4  }
0x2d9: {  	v6 =	vld.idx.msk [tilespmem:v9+s10+$0x0], $0xffff;
	[tilespmem:v61+s13+$0x0] =	vst.idx.msk $0xffff, v8;
	v8 =	vor.u32 s23, v13  }
0x2da: {  	v4 =	vld.idx.msk [tilespmem:v5+s10+$0x0], $0xffff;
	v5 =	vor.u32 s22, v13;
	v13 =	vor.u32 v14, v3;
	_ =	sdelay $0x1  }
0x2db: {  	v7 =	vor.u32 v14, v2;
	v14 =	vld [tilespmem:$0x1FAA0]  }
0x2dc: {  	v9 =	vld.idx.msk [tilespmem:v34+s10+$0x0], $0xffff  }
0x2dd: {  	[tilespmem:v8+s13+$0x0] =	vst.idx.msk $0xffff, v6;
	v8 =	vld [tilespmem:$0x1FB70]  }
0x2de: {  	v63 =	vor.u32 v16, v0;
	v6 =	vld.idx.msk [tilespmem:v13+s10+$0x0], $0xffff  }
0x2df: {  	v13 =	vld [tilespmem:$0x1FB80]  }
0x2e0: {  	[tilespmem:$0x1F6A0] =	vst v16;
	v16 =	vcombine.low v30, v31  }
0x2e1: {  	v30 =	vor.u32 s21, v14  }
0x2e2: {  	v45 =	vor.u32 v16, v1;
	[tilespmem:v39+s13+$0x0] =	vst.idx.msk $0xffff, v62  }
0x2e3: {  	v31 =	vld.idx.msk [tilespmem:v63+s10+$0x0], $0xffff;
	[tilespmem:v5+s13+$0x0] =	vst.idx.msk $0xffff, v4;
	v5 =	vor.u32 s22, v8;
	v8 =	vor.u32 s23, v8  }
0x2e4: {  	v44 =	vor.u32 v16, v0;
	[tilespmem:$0x1F6B0] =	vst v16;
	v16 =	vcombine.low v32, v10;
	v10 =	vor.u32 v13, v3  }
0x2e5: {  	v4 =	vld.idx.msk [tilespmem:v7+s10+$0x0], $0xffff  }
0x2e6: {  	v46 =	vor.u32 s20, v14;
	v14 =	vld [tilespmem:$0x1FAB0];
	[tilespmem:v30+s13+$0x0] =	vst.idx.msk $0xffff, v9  }
0x2e7: {  	v9 =	vld.idx.msk [tilespmem:v45+s10+$0x0], $0xffff  }
0x2e8: {  	[tilespmem:v8+s13+$0x0] =	vst.idx.msk $0xffff, v6;
	v8 =	vld [tilespmem:$0x1FF80]  }
0x2e9: {  	v6 =	vld.idx.msk [tilespmem:v10+s10+$0x0], $0xffff  }
0x2ea: {  	v7 =	vor.u32 v13, v2;
	v10 =	vld [tilespmem:$0x1FFC0]  }
0x2eb: {  	v50 =	vmov v21;
	v21 =	vld [tilespmem:$0x1FCE0]  }
0x2ec: {  	v23 =	vld [tilespmem:$0x1FC60];
	v13 =	vor.u32 s21, v14  }
0x2ed: {  	v27 =	vld [tilespmem:$0x1FC70];
	v47 =	vor.u32 v16, v1;
	[tilespmem:v46+s13+$0x0] =	vst.idx.msk $0xffff, v31  }
0x2ee: {  	v30 =	vld.idx.msk [tilespmem:v44+s10+$0x0], $0xffff;
	[tilespmem:v5+s13+$0x0] =	vst.idx.msk $0xffff, v4;
	v5 =	vor.u32 s22, v8;
	v8 =	vor.u32 s23, v8  }
0x2ef: {  	v4 =	vld.idx.msk [tilespmem:v7+s10+$0x0], $0xffff;
	v7 =	vor.u32 v10, v2;
	v10 =	vor.u32 v10, v3  }
0x2f0: {  	v28 =	vld [tilespmem:$0x1FC80]  }
0x2f1: {  	v48 =	vor.u32 s20, v14;
	v14 =	vld [tilespmem:$0x1FAC0];
	[tilespmem:v13+s13+$0x0] =	vst.idx.msk $0xffff, v9  }
0x2f2: {  	v9 =	vld.idx.msk [tilespmem:v47+s10+$0x0], $0xffff  }
0x2f3: {  	[tilespmem:v8+s13+$0x0] =	vst.idx.msk $0xffff, v6;
	v8 =	vld [tilespmem:$0x1FFB0]  }
0x2f4: {  	v32 =	vor.u32 v16, v0;
	v6 =	vld.idx.msk [tilespmem:v10+s10+$0x0], $0xffff  }
0x2f5: {  	v10 =	vld [tilespmem:$0x1F840]  }
0x2f6: {  	[tilespmem:$0x1F6C0] =	vst v16;
	v16 =	vcombine.low v33, v35;
	v39 =	vld [tilespmem:$0x1FCB0]  }
0x2f7: {  	v13 =	vor.u32 s21, v14;
	v55 =	vor.u32 s20, v14;
	v14 =	vld [tilespmem:$0x1FE60]  }
0x2f8: {  	v35 =	vor.u32 v16, v1;
	v34 =	vld [tilespmem:$0x1FCA0];
	[tilespmem:v48+s13+$0x0] =	vst.idx.msk $0xffff, v30  }
0x2f9: {  	v30 =	vld.idx.msk [tilespmem:v32+s10+$0x0], $0xffff;
	[tilespmem:v5+s13+$0x0] =	vst.idx.msk $0xffff, v4;
	v5 =	vor.u32 s22, v8;
	v8 =	vor.u32 s23, v8  }
0x2fa: {  	v4 =	vld.idx.msk [tilespmem:v7+s10+$0x0], $0xffff;
	v7 =	vor.u32 v10, v2;
	v10 =	vor.u32 v10, v3  }
0x2fb: {  	v33 =	vor.u32 v16, v0;
	[tilespmem:$0x1F6D0] =	vst v16;
	v31 =	vld [tilespmem:$0x1FC90]  }
0x2fc: {  	v16 =	vcombine.low v11, v36;
	v11 =	vor.u32 s21, v14;
	v57 =	vor.u32 s20, v14;
	v14 =	vld [tilespmem:$0x1FE70];
	[tilespmem:v13+s13+$0x0] =	vst.idx.msk $0xffff, v9  }
0x2fd: {  	v9 =	vld.idx.msk [tilespmem:v35+s10+$0x0], $0xffff  }
0x2fe: {  	[tilespmem:v8+s13+$0x0] =	vst.idx.msk $0xffff, v6;
	v8 =	vld [tilespmem:$0x1F850]  }
0x2ff: {  	v6 =	vld.idx.msk [tilespmem:v10+s10+$0x0], $0xffff  }
0x300: {  	[tilespmem:v55+s13+$0x0] =	vst.idx.msk $0xffff, v30;
	v10 =	vld [tilespmem:$0x1F860]  }
0x301: {  	v56 =	vor.u32 v16, v1;
	v13 =	vld.idx.msk [tilespmem:v33+s10+$0x0], $0xffff  }
0x302: {  	[tilespmem:$0x1F6E0] =	vst v16;
	v44 =	vld [tilespmem:$0x1FCC0];
	v30 =	vor.u32 v16, v0  }
0x303: {  	v16 =	vor.u32 $0x30, v22;
	v22 =	vld [tilespmem:$0x1FC50];
	[tilespmem:v5+s13+$0x0] =	vst.idx.msk $0xffff, v4  }
0x304: {  	v59 =	vor.u32 s20, v14;
	v4 =	vld.idx.msk [tilespmem:v7+s10+$0x0], $0xffff;
	v5 =	vor.u32 s22, v8  }
0x305: {  	[tilespmem:v11+s13+$0x0] =	vst.idx.msk $0xffff, v9;
	v11 =	vor.u32 s21, v14;
	v14 =	vld [tilespmem:$0x1F870];
	v8 =	vor.u32 s23, v8;
	v7 =	vor.u32 v10, v2  }
0x306: {  	v15 =	vor.u32 $0x1800, v15;
	[tilespmem:v57+s13+$0x0] =	vst.idx.msk $0xffff, v13;
	v9 =	vld.idx.msk [tilespmem:v56+s10+$0x0], $0xffff;
	v10 =	vor.u32 v10, v3  }
0x307: {  	[tilespmem:$0x1F700] =	vst v15;
	v13 =	vld.idx.msk [tilespmem:v30+s10+$0x0], $0xffff  }
0x308: {  	[tilespmem:$0x1F6F0] =	vst v16;
	v57 =	vld [tilespmem:$0x1FCD0]  }
0x309: {  	v58 =	vor.u32 v16, v1;
	v30 =	vor.u32 v16, v0;
	v16 =	vld [tilespmem:$0x1FE30];
	[tilespmem:v5+s13+$0x0] =	vst.idx.msk $0xffff, v4  }
0x30a: {  	[tilespmem:v8+s13+$0x0] =	vst.idx.msk $0xffff, v6;
	v4 =	vsel vm0, v23, v22;
	v6 =	vsel vm0, v28, v27;
	v5 =	vld.idx.msk [tilespmem:v7+s10+$0x0], $0xffff  }
0x30b: {  	v7 =	vor.u32 s22, v14;
	v8 =	vld.idx.msk [tilespmem:v10+s10+$0x0], $0xffff;
	[tilespmem:v11+s13+$0x0] =	vst.idx.msk $0xffff, v9;
	v9 =	vor.u32 s23, v14;
	v14 =	vcombine.low v6, v4  }
0x30c: {  	v61 =	vor.u32 s21, v15;
	[tilespmem:v59+s13+$0x0] =	vst.idx.msk $0xffff, v13;
	v13 =	vor.u32 s20, v15;
	v15 =	vld [tilespmem:$0x1FF70]  }
0x30d: {  	v62 =	vor.u32 v14, v0;
	v36 =	vmov v14;
	v63 =	vor.u32 v14, v1;
	v14 =	vld [tilespmem:$0x1FE50]  }
0x30e: {  	v60 =	vor.u32 v16, v2;
	v59 =	vld [tilespmem:$0x1FD00]  }
0x30f: {  	v11 =	vor.u32 v16, v3;
	v10 =	vld.idx.msk [tilespmem:v58+s10+$0x0], $0xffff  }
0x310: {  	v30 =	vld.idx.msk [tilespmem:v30+s10+$0x0], $0xffff  }
0x311: {  	v58 =	vld [tilespmem:$0x1FCF0]  }
0x312: {  	[tilespmem:v7+s13+$0x0] =	vst.idx.msk $0xffff, v5;
	v7 =	vor.u32 s22, v14;
	v37 =	vor.u32 s23, v14;
	v14 =	vld [tilespmem:$0x1FE80]  }
0x313: {  	[tilespmem:v9+s13+$0x0] =	vst.idx.msk $0xffff, v8;
	v5 =	vld.idx.msk [tilespmem:v60+s10+$0x0], $0xffff  }
0x314: {  	v11 =	vld.idx.msk [tilespmem:v11+s10+$0x0], $0xffff  }
0x315: {  	v48 =	vor.u32 v15, v3;
	[tilespmem:v61+s13+$0x0] =	vst.idx.msk $0xffff, v10;
	v10 =	vor.u32 v15, v2;
	v15 =	vld [tilespmem:$0x1FF60]  }
0x316: {  	v8 =	vsel vm0, v34, v31;
	v9 =	vsel vm0, v44, v39;
	v41 =	vld.idx.msk [tilespmem:v63+s10+$0x0], $0xffff  }
0x317: {  	v16 =	vcombine.low v9, v8;
	[tilespmem:v13+s13+$0x0] =	vst.idx.msk $0xffff, v30;
	v13 =	vor.u32 s21, v14;
	v33 =	vor.u32 s20, v14;
	v14 =	vld [tilespmem:$0x1F880]  }
0x318: {  	v30 =	vld.idx.msk [tilespmem:v62+s10+$0x0], $0xffff  }
0x319: {  	v60 =	vld [tilespmem:$0x1FD10];
	v32 =	vor.u32 v16, v1;
	[tilespmem:v7+s13+$0x0] =	vst.idx.msk $0xffff, v5  }
0x31a: {  	v55 =	vor.u32 v16, v0;
	[tilespmem:v37+s13+$0x0] =	vst.idx.msk $0xffff, v11;
	v5 =	vld.idx.msk [tilespmem:v10+s10+$0x0], $0xffff  }
0x31b: {  	v10 =	vld.idx.msk [tilespmem:v48+s10+$0x0], $0xffff  }
0x31c: {  	v7 =	vor.u32 s22, v14;
	[tilespmem:v13+s13+$0x0] =	vst.idx.msk $0xffff, v41;
	v13 =	vor.u32 s23, v14;
	v14 =	vld [tilespmem:$0x1FE90]  }
0x31d: {  	[tilespmem:v33+s13+$0x0] =	vst.idx.msk $0xffff, v30;
	v33 =	vld [tilespmem:$0x1FD30]  }
0x31e: {  	v37 =	vor.u32 v15, v3;
	v40 =	vld.idx.msk [tilespmem:v32+s10+$0x0], $0xffff  }
0x31f: {  	v42 =	vld.idx.msk [tilespmem:v55+s10+$0x0], $0xffff  }
0x320: {  	v32 =	vld [tilespmem:$0x1FD20]  }
0x321: {  	[tilespmem:v7+s13+$0x0] =	vst.idx.msk $0xffff, v5;
	v7 =	vld [tilespmem:$0x1F710]  }
0x322: {  	v30 =	vor.u32 s21, v14;
	v56 =	vor.u32 s20, v14;
	[tilespmem:v13+s13+$0x0] =	vst.idx.msk $0xffff, v10;
	v14 =	vld [tilespmem:$0x1FF00]  }
0x323: {  	v61 =	vsel vm0, v59, v58;
	v48 =	vsel vm0, v21, v57;
	v10 =	vld.idx.msk [tilespmem:v37+s10+$0x0], $0xffff  }
0x324: {  	v38 =	vcombine.low v61, v48;
	v37 =	vld [tilespmem:$0x1FD40]  }
0x325: {  	v11 =	vor.u32 v15, v2  }
0x326: {  	v55 =	vor.u32 v38, v1;
	v45 =	vor.u32 v7, v2;
	v63 =	vor.u32 v7, v3;
	v7 =	vld [tilespmem:$0x1FEA0]  }
0x327: {  	v13 =	vor.u32 s23, v14;
	_ =	sdelay $0x1  }
0x328: {  	v5 =	vsel vm0, v32, v60;
	v62 =	vsel vm0, v37, v33  }
0x329: {  	v11 =	vld.idx.msk [tilespmem:v11+s10+$0x0], $0xffff;
	[tilespmem:v30+s13+$0x0] =	vst.idx.msk $0xffff, v40;
	v40 =	vcombine.low v62, v5  }
0x32a: {  	v43 =	vor.u32 v38, v0;
	[tilespmem:v56+s13+$0x0] =	vst.idx.msk $0xffff, v42;
	v30 =	vld.idx.msk [tilespmem:v55+s10+$0x0], $0xffff;
	v42 =	vor.u32 s21, v7  }
0x32b: {  	v55 =	vor.u32 s22, v14;
	v14 =	vor.u32 v40, v1;
	[tilespmem:v13+s13+$0x0] =	vst.idx.msk $0xffff, v10  }
0x32c: {  	v10 =	vld.idx.msk [tilespmem:v63+s10+$0x0], $0xffff  }
0x32d: {  	v63 =	vsel vm0, v22, v28;
	v22 =	vld [tilespmem:$0x1F720]  }
0x32e: {  	v35 =	vmov v16;
	v16 =	vld [tilespmem:$0x1F8D0]  }
0x32f: {  	v43 =	vld.idx.msk [tilespmem:v43+s10+$0x0], $0xffff;
	[tilespmem:v42+s13+$0x0] =	vst.idx.msk $0xffff, v30  }
0x330: {  	[tilespmem:v55+s13+$0x0] =	vst.idx.msk $0xffff, v11;
	v13 =	vld.idx.msk [tilespmem:v14+s10+$0x0], $0xffff  }
0x331: {  	v14 =	vld.idx.msk [tilespmem:v45+s10+$0x0], $0xffff  }
0x332: {  	v15 =	vor.u32 s20, v7;
	v45 =	vor.u32 v22, v2;
	v42 =	vor.u32 v22, v3;
	v22 =	vld [tilespmem:$0x1FEB0]  }
0x333: {  	v11 =	vor.u32 s23, v16  }
0x334: {  	v56 =	vor.u32 v40, v0  }
0x335: {  	v7 =	vsel vm0, v27, v23  }
0x336: {  	v16 =	vor.u32 s22, v16;
	v41 =	vcombine.low v63, v7  }
0x337: {  	[tilespmem:v15+s13+$0x0] =	vst.idx.msk $0xffff, v43;
	v46 =	vor.u32 s21, v22  }
0x338: {  	v43 =	vor.u32 v41, v1;
	[tilespmem:v11+s13+$0x0] =	vst.idx.msk $0xffff, v10;
	v10 =	vld [tilespmem:$0x1F730]  }
0x339: {  	v47 =	vld.idx.msk [tilespmem:v56+s10+$0x0], $0xffff  }
0x33a: {  	v30 =	vsel vm0, v39, v34;
	v34 =	vmov v25;
	v25 =	vmov v18;
	v18 =	vld.idx.msk [tilespmem:v42+s10+$0x0], $0xffff  }
0x33b: {  	v29 =	vmov v24;
	v24 =	vmov v17;
	v17 =	vor.u32 s20, v22;
	[tilespmem:v16+s13+$0x0] =	vst.idx.msk $0xffff, v14;
	v22 =	vld [tilespmem:$0x1FF10]  }
0x33c: {  	v16 =	vld.idx.msk [tilespmem:v45+s10+$0x0], $0xffff;
	[tilespmem:v46+s13+$0x0] =	vst.idx.msk $0xffff, v13  }
0x33d: {  	v14 =	vld.idx.msk [tilespmem:v43+s10+$0x0], $0xffff  }
0x33e: {  	v45 =	vor.u32 v10, v2;
	v43 =	vor.u32 v10, v3;
	v10 =	vld [tilespmem:$0x1FEC0];
	_ =	sdelay $0x2  }
0x33f: {  	v15 =	vor.u32 v41, v0;
	v11 =	vsel vm0, v31, v44;
	v56 =	vmovc v54;
	v13 =	vor.u32 s23, v22  }
0x340: {  	v54 =	vmovc v52;
	v52 =	vmovc v12;
	v12 =	vmov v26;
	v26 =	vmov v19;
	v19 =	vor.u32 s22, v22;
	v22 =	vld [tilespmem:$0x1F740]  }
0x341: {  	v23 =	vld [tilespmem:$0x1FF20];
	v42 =	vcombine.low v11, v30;
	v46 =	vor.u32 s21, v10;
	_ =	sdelay $0x1  }
0x342: {  	v55 =	vmov v53;
	v53 =	vmov v51;
	v39 =	vor.u32 v42, v1;
	[tilespmem:v17+s13+$0x0] =	vst.idx.msk $0xffff, v47  }
0x343: {  	v51 =	vmov v20;
	v17 =	vor.u32 v42, v0;
	v15 =	vld.idx.msk [tilespmem:v15+s10+$0x0], $0xffff;
	[tilespmem:v13+s13+$0x0] =	vst.idx.msk $0xffff, v18;
	v20 =	vor.u32 s20, v10  }
0x344: {  	v13 =	vsel vm0, v57, v59;
	[tilespmem:v19+s13+$0x0] =	vst.idx.msk $0xffff, v16;
	v57 =	vor.u32 v22, v2;
	v18 =	vld.idx.msk [tilespmem:v43+s10+$0x0], $0xffff  }
0x345: {  	v10 =	vsel vm0, v58, v21;
	v58 =	vor.u32 v22, v3;
	v22 =	vld [tilespmem:$0x1FED0];
	[tilespmem:v46+s13+$0x0] =	vst.idx.msk $0xffff, v14;
	v14 =	vor.u32 s23, v23  }
0x346: {  	v19 =	vld.idx.msk [tilespmem:v45+s10+$0x0], $0xffff;
	v21 =	vor.u32 s22, v23;
	_ =	sdelay $0x1  }
0x347: {  	[tilespmem:v20+s13+$0x0] =	vst.idx.msk $0xffff, v15;
	v16 =	vld.idx.msk [tilespmem:v39+s10+$0x0], $0xffff  }
0x348: {  	v43 =	vcombine.low v13, v10;
	v17 =	vld.idx.msk [tilespmem:v17+s10+$0x0], $0xffff  }
0x349: {  	v59 =	vor.u32 s21, v22;
	[tilespmem:v14+s13+$0x0] =	vst.idx.msk $0xffff, v18;
	v18 =	vsel vm0, v60, v37;
	v37 =	vld [tilespmem:$0x1F920]  }
0x34a: {  	v20 =	vor.u32 v43, v1;
	[tilespmem:v21+s13+$0x0] =	vst.idx.msk $0xffff, v19;
	v21 =	vld [tilespmem:$0x1F750];
	_ =	sdelay $0x2  }
0x34b: {  	v15 =	vor.u32 v43, v0;
	v22 =	vor.u32 s20, v22  }
0x34c: {  	v23 =	vsel vm0, v33, v32;
	v14 =	vld.idx.msk [tilespmem:v58+s10+$0x0], $0xffff;
	[tilespmem:v59+s13+$0x0] =	vst.idx.msk $0xffff, v16;
	v16 =	vor.u32 s23, v37  }
0x34d: {  	v45 =	vcombine.low v18, v23;
	v18 =	vld.idx.msk [tilespmem:v20+s10+$0x0], $0xffff;
	v20 =	vor.u32 v21, v2;
	v21 =	vor.u32 v21, v3  }
0x34e: {  	v39 =	vld [tilespmem:$0x1FEE0]  }
0x34f: {  	v19 =	vld.idx.msk [tilespmem:v57+s10+$0x0], $0xffff;
	v57 =	vor.u32 s22, v37  }
0x350: {  	[tilespmem:v22+s13+$0x0] =	vst.idx.msk $0xffff, v17  }
0x351: {  	v15 =	vld.idx.msk [tilespmem:v15+s10+$0x0], $0xffff;
	[tilespmem:v16+s13+$0x0] =	vst.idx.msk $0xffff, v14  }
0x352: {  	v14 =	vld.idx.msk [tilespmem:v21+s10+$0x0], $0xffff  }
0x353: {  	v21 =	vld [tilespmem:$0x1F930]  }
0x354: {  	v23 =	vor.u32 s21, v39;
	[tilespmem:v57+s13+$0x0] =	vst.idx.msk $0xffff, v19;
	v19 =	vld [tilespmem:$0x1F760]  }
0x355: {  	v59 =	vld [tilespmem:$0x1FFD0];
	v22 =	vor.u32 v45, v1;
	_ =	sdelay $0x2  }
0x356: {  	v46 =	vcombine.low v4, v6;
	v16 =	vor.u32 s23, v21  }
0x357: {  	[tilespmem:v23+s13+$0x0] =	vst.idx.msk $0xffff, v18;
	v6 =	vld.idx.msk [tilespmem:v20+s10+$0x0], $0xffff;
	v18 =	vor.u32 v19, v2;
	v19 =	vor.u32 v19, v3  }
0x358: {  	v20 =	vor.u32 s21, v59;
	v4 =	vld.idx.msk [tilespmem:v22+s10+$0x0], $0xffff;
	_ =	sdelay $0x2  }
0x359: {  	v58 =	vor.u32 s20, v39;
	[tilespmem:v16+s13+$0x0] =	vst.idx.msk $0xffff, v14  }
0x35a: {  	v17 =	vor.u32 v45, v0;
	v14 =	vld.idx.msk [tilespmem:v19+s10+$0x0], $0xffff  }
0x35b: {  	v22 =	vor.u32 v46, v1;
	v21 =	vor.u32 s22, v21;
	[tilespmem:v20+s13+$0x0] =	vst.idx.msk $0xffff, v4;
	v4 =	vld [tilespmem:$0x1F940]  }
0x35c: {  	v16 =	vld [tilespmem:$0x1F770];
	_ =	sdelay $0x1  }
0x35d: {  	v60 =	vld [tilespmem:$0x1FFE0];
	[tilespmem:v58+s13+$0x0] =	vst.idx.msk $0xffff, v15  }
0x35e: {  	v23 =	vor.u32 s20, v59;
	v17 =	vld.idx.msk [tilespmem:v17+s10+$0x0], $0xffff  }
0x35f: {  	[tilespmem:v21+s13+$0x0] =	vst.idx.msk $0xffff, v6;
	v6 =	vld.idx.msk [tilespmem:v22+s10+$0x0], $0xffff;
	v4 =	vor.u32 s23, v4  }
0x360: {  	v47 =	vcombine.low v8, v9;
	v22 =	vld [tilespmem:$0x1F940];
	v9 =	vor.u32 v16, v2;
	v16 =	vor.u32 v16, v3;
	_ =	sdelay $0x2  }
0x361: {  	v8 =	vld.idx.msk [tilespmem:v18+s10+$0x0], $0xffff;
	[tilespmem:v23+s13+$0x0] =	vst.idx.msk $0xffff, v17  }
0x362: {  	v15 =	vor.u32 v46, v0;
	v18 =	vor.u32 s21, v60;
	v23 =	vld [tilespmem:$0x1F950];
	[tilespmem:v4+s13+$0x0] =	vst.idx.msk $0xffff, v14  }
0x363: {  	v19 =	vor.u32 s22, v22;
	v4 =	vld.idx.msk [tilespmem:v16+s10+$0x0], $0xffff  }
0x364: {  	v16 =	vld [tilespmem:$0x1F780]  }
0x365: {  	v31 =	vld [tilespmem:$0x1FFF0];
	v20 =	vor.u32 v47, v1;
	_ =	sdelay $0x1  }
0x366: {  	v21 =	vor.u32 s20, v60;
	v15 =	vld.idx.msk [tilespmem:v15+s10+$0x0], $0xffff;
	[tilespmem:v18+s13+$0x0] =	vst.idx.msk $0xffff, v6  }
0x367: {  	v17 =	vor.u32 v47, v0;
	[tilespmem:v19+s13+$0x0] =	vst.idx.msk $0xffff, v8;
	v6 =	vor.u32 s23, v23  }
0x368: {  	v19 =	vor.u32 s22, v23;
	v9 =	vld.idx.msk [tilespmem:v9+s10+$0x0], $0xffff;
	v14 =	vor.u32 v16, v2;
	v16 =	vor.u32 v16, v3  }
0x369: {  	v18 =	vor.u32 s21, v31;
	v8 =	vld.idx.msk [tilespmem:v20+s10+$0x0], $0xffff  }
0x36a: {  	v48 =	vcombine.low v48, v61  }
0x36b: {  	[tilespmem:v21+s13+$0x0] =	vst.idx.msk $0xffff, v15  }
0x36c: {  	v20 =	vor.u32 v48, v1;
	v17 =	vld.idx.msk [tilespmem:v17+s10+$0x0], $0xffff;
	[tilespmem:v6+s13+$0x0] =	vst.idx.msk $0xffff, v4  }
0x36d: {  	[tilespmem:v19+s13+$0x0] =	vst.idx.msk $0xffff, v9;
	v4 =	vld.idx.msk [tilespmem:v16+s10+$0x0], $0xffff  }
0x36e: {  	[tilespmem:v18+s13+$0x0] =	vst.idx.msk $0xffff, v8;
	v18 =	vld [tilespmem:$0x1F960]  }
0x36f: {  	v8 =	vld.idx.msk [tilespmem:v14+s10+$0x0], $0xffff  }
0x370: {  	v14 =	vld [tilespmem:$0x1F790]  }
0x371: {  	v61 =	vcombine.low v5, v62;
	v5 =	vld.idx.msk [tilespmem:v20+s10+$0x0], $0xffff  }
0x372: {  	v20 =	vld [tilespmem:$0x1FEF0];
	_ =	sdelay $0x1  }
0x373: {  	v21 =	vor.u32 s20, v31  }
0x374: {  	v15 =	vor.u32 v48, v0;
	v6 =	vor.u32 s23, v18  }
0x375: {  	v9 =	vor.u32 v14, v2;
	v14 =	vor.u32 v14, v3;
	v18 =	vor.u32 s22, v18  }
0x376: {  	v16 =	vor.u32 s21, v20;
	_ =	sdelay $0x1  }
0x377: {  	[tilespmem:v21+s13+$0x0] =	vst.idx.msk $0xffff, v17  }
0x378: {  	v19 =	vor.u32 v61, v1;
	v15 =	vld.idx.msk [tilespmem:v15+s10+$0x0], $0xffff;
	[tilespmem:v6+s13+$0x0] =	vst.idx.msk $0xffff, v4  }
0x379: {  	[tilespmem:v18+s13+$0x0] =	vst.idx.msk $0xffff, v8;
	v4 =	vld.idx.msk [tilespmem:v14+s10+$0x0], $0xffff  }
0x37a: {  	[tilespmem:v16+s13+$0x0] =	vst.idx.msk $0xffff, v5;
	v16 =	vld [tilespmem:$0x1F970]  }
0x37b: {  	v62 =	vcombine.low v7, v63;
	v7 =	vld.idx.msk [tilespmem:v9+s10+$0x0], $0xffff  }
0x37c: {  	v9 =	vld [tilespmem:$0x1F7A0]  }
0x37d: {  	v6 =	vld.idx.msk [tilespmem:v19+s10+$0x0], $0xffff  }
0x37e: {  	v19 =	vld [tilespmem:$0x1FF30];
	_ =	sdelay $0x1  }
0x37f: {  	v5 =	vor.u32 s23, v16  }
0x380: {  	v8 =	vor.u32 v9, v2;
	v9 =	vor.u32 v9, v3  }
0x381: {  	v20 =	vor.u32 s20, v20  }
0x382: {  	v17 =	vor.u32 v61, v0;
	v14 =	vor.u32 s21, v19  }
0x383: {  	v18 =	vor.u32 v62, v1  }
0x384: {  	v27 =	vld [tilespmem:$0x1F980];
	[tilespmem:v5+s13+$0x0] =	vst.idx.msk $0xffff, v4  }
0x385: {  	v16 =	vor.u32 s22, v16;
	v4 =	vld.idx.msk [tilespmem:v9+s10+$0x0], $0xffff  }
0x386: {  	[tilespmem:v20+s13+$0x0] =	vst.idx.msk $0xffff, v15;
	v9 =	vld [tilespmem:$0x1F7B0]  }
0x387: {  	v17 =	vld.idx.msk [tilespmem:v17+s10+$0x0], $0xffff;
	[tilespmem:v14+s13+$0x0] =	vst.idx.msk $0xffff, v6  }
0x388: {  	v6 =	vld.idx.msk [tilespmem:v18+s10+$0x0], $0xffff  }
0x389: {  	v19 =	vor.u32 s20, v19;
	v18 =	vld [tilespmem:$0x1FF40]  }
0x38a: {  	v15 =	vor.u32 v62, v0;
	[tilespmem:v16+s13+$0x0] =	vst.idx.msk $0xffff, v7;
	v5 =	vor.u32 s23, v27  }
0x38b: {  	v7 =	vld.idx.msk [tilespmem:v8+s10+$0x0], $0xffff;
	v8 =	vor.u32 v9, v2;
	v9 =	vor.u32 v9, v3;
	_ =	sdelay $0x1  }
0x38c: {  	v14 =	vor.u32 s22, v27  }
0x38d: {  	v28 =	vld [tilespmem:$0x1F990];
	v63 =	vcombine.low v30, v11;
	[tilespmem:v19+s13+$0x0] =	vst.idx.msk $0xffff, v17;
	v11 =	vor.u32 s21, v18  }
0x38e: {  	v15 =	vld.idx.msk [tilespmem:v15+s10+$0x0], $0xffff;
	[tilespmem:v5+s13+$0x0] =	vst.idx.msk $0xffff, v4  }
0x38f: {  	v17 =	vor.u32 v63, v1;
	v18 =	vor.u32 s20, v18;
	v4 =	vld.idx.msk [tilespmem:v9+s10+$0x0], $0xffff  }
0x390: {  	v9 =	vld [tilespmem:$0x1F7C0]  }
0x391: {  	v31 =	vld [tilespmem:$0x1FF50];
	v16 =	vor.u32 v63, v0;
	[tilespmem:v14+s13+$0x0] =	vst.idx.msk $0xffff, v7  }
0x392: {  	v7 =	vld.idx.msk [tilespmem:v8+s10+$0x0], $0xffff;
	[tilespmem:v11+s13+$0x0] =	vst.idx.msk $0xffff, v6;
	v11 =	vor.u32 s22, v28;
	_ =	sdelay $0x1  }
0x393: {  	v30 =	vcombine.low v10, v13;
	v5 =	vor.u32 s23, v28;
	[tilespmem:v18+s13+$0x0] =	vst.idx.msk $0xffff, v15;
	v6 =	vld.idx.msk [tilespmem:v17+s10+$0x0], $0xffff  }
0x394: {  	v17 =	vmovc v24;
	v24 =	vmov v29;
	v29 =	vld [tilespmem:$0x1F9A0];
	v8 =	vor.u32 v9, v2;
	v9 =	vor.u32 v9, v3  }
0x395: {  	v10 =	vor.u32 s21, v31;
	v15 =	vld.idx.msk [tilespmem:v16+s10+$0x0], $0xffff  }
0x396: {  	v14 =	vor.u32 v30, v1;
	[tilespmem:v11+s13+$0x0] =	vst.idx.msk $0xffff, v7;
	v7 =	vld [tilespmem:$0x1F7D0]  }
0x397: {  	v13 =	vor.u32 v30, v0;
	v0 =	vmov v2;
	v2 =	vor.u32 s20, v31;
	v11 =	vld [tilespmem:$0x1FE40]  }
0x398: {  	v19 =	vmovc v26;
	v26 =	vmovc v12;
	v12 =	vmov v52;
	v52 =	vmov v54;
	v54 =	vmov v56;
	v56 =	vld [tilespmem:$0x1F9B0];
	[tilespmem:v5+s13+$0x0] =	vst.idx.msk $0xffff, v4  }
0x399: {  	v1 =	vmov v3;
	v4 =	vor.u32 s23, v29;
	v3 =	vld.idx.msk [tilespmem:v9+s10+$0x0], $0xffff  }
0x39a: {  	[tilespmem:v10+s13+$0x0] =	vst.idx.msk $0xffff, v6;
	v6 =	vld.idx.msk [tilespmem:v8+s10+$0x0], $0xffff  }
0x39b: {  	v10 =	vor.u32 s22, v29;
	v5 =	vld.idx.msk [tilespmem:v14+s10+$0x0], $0xffff  }
0x39c: {  	[tilespmem:v2+s13+$0x0] =	vst.idx.msk $0xffff, v15;
	v14 =	vld [tilespmem:$0x1FD50];
	v8 =	vor.u32 v7, v0;
	v7 =	vor.u32 v7, v1;
	v9 =	vor.u32 s21, v11  }
0x39d: {  	v2 =	vld.idx.msk [tilespmem:v13+s10+$0x0], $0xffff;
	v13 =	vor.u32 s20, v11  }
0x39e: {  	p0 =	slt.u32 s24, $0x60;
	[tilespmem:v4+s13+$0x0] =	vst.idx.msk $0xffff, v3;
	v4 =	vld [tilespmem:$0x1F7E0]  }
.Ltmp0:
0x39f: {  	_ = 	snop;
	(pc) =	sbr.rel @p0 .LBB2_3-.Ltmp0, $4  }
0x3a0: {  	[tilespmem:v10+s13+$0x0] =	vst.idx.msk $0xffff, v6  }
0x3a1: {  	v21 =	vmovc v50;
	v20 =	vmovc v51;
	v51 =	vmov v53;
	v53 =	vmov v55;
	s21 =	smov.u32 s23;
	s20 =	smov.u32 s22;
	v3 =	vmov s24;
	v7 =	vld.idx.msk [tilespmem:v7+s10+$0x0], $0xffff;
	[tilespmem:v9+s13+$0x0] =	vst.idx.msk $0xffff, v5  }
0x3a2: {  	v18 =	vmovc v25;
	s22 =	smov.u32 s24;
	v11 =	vor.u32 s20, v56;
	v9 =	vor.u32 s21, v56;
	v8 =	vld.idx.msk [tilespmem:v8+s10+$0x0], $0xffff;
	v3 =	vshll.u32 v3, $0x7;
	[tilespmem:v13+s13+$0x0] =	vst.idx.msk $0xffff, v2  }
0x3a3: {  	v25 =	vmovc v34;
	s23 =	sadd.s32 $0x10, s22;
	s24 =	sadd.s32 $0x20, s24;
	v2 =	vor.u32 v14, v3;
	v5 =	vor.u32 v4, v0;
	v10 =	vor.u32 v4, v1  }
0x3a4: {  	_ =	sdelay $0x3  }
0x3a5: {  	[tilespmem:v9+s13+$0x0] =	vst.idx.msk $0xffff, v7  }
0x3a6: {  	[tilespmem:v11+s13+$0x0] =	vst.idx.msk $0xffff, v8  }
0x3a7: {  	v33 =	vld [tilespmem:$0x1F5F0];
	_ =	sdelay $0x4  }
0x3a8: {  	v3 =	vmov s23;
	v7 =	vld.idx.msk [tilespmem:v10+s10+$0x0], $0xffff;
	v8 =	vor.u32 s21, v33  }
0x3a9: {  	v3 =	vshll.u32 v3, $0x7;
	v5 =	vld.idx.msk [tilespmem:v5+s10+$0x0], $0xffff;
	v9 =	vor.u32 s20, v33  }
0x3aa: {  	v57 =	vor.u32 v14, v3;
	v3 =	vld [tilespmem:$0x1F600]  }
0x3ab: {  	v6 =	vlaneseq.u32  }
0x3ac: {  	v4 =	vor.u32 v6, v2  }
0x3ad: {  	v6 =	vor.u32 v6, v57;
	v37 =	vld [tilespmem:$0x1FE20];
	[tilespmem:v8+s13+$0x0] =	vst.idx.msk $0xffff, v7  }
0x3ae: {  	[tilespmem:v9+s13+$0x0] =	vst.idx.msk $0xffff, v5  }
0x3af: {  	v10 =	vor.u32 v3, v1;
	v31 =	vld [tilespmem:$0x1FA00];
	_ =	sdelay $0x1  }
0x3b0: {  	v4 =	vld.idx.msk [tilespmem:v4+s10+$0x0], $0xffff  }
0x3b1: {  	v6 =	vld.idx.msk [tilespmem:v6+s10+$0x0], $0xffff;
	v15 =	vor.u32 s23, v37  }
0x3b2: {  	v13 =	vor.u32 s22, v37;
	v7 =	vor.u32 v17, v57;
	v32 =	vld [tilespmem:$0x1F610]  }
0x3b3: {  	v14 =	vor.u32 v17, v2;
	v8 =	vld.idx.msk [tilespmem:v10+s10+$0x0], $0xffff;
	v5 =	vor.u32 s21, v31  }
0x3b4: {  	v11 =	vor.u32 v3, v0;
	_ =	sdelay $0x1  }
0x3b5: {  	[tilespmem:v15+s13+$0x0] =	vst.idx.msk $0xffff, v6  }
0x3b6: {  	[tilespmem:v13+s13+$0x0] =	vst.idx.msk $0xffff, v4;
	v6 =	vld.idx.msk [tilespmem:v7+s10+$0x0], $0xffff;
	v7 =	vor.u32 s23, v18;
	v10 =	vor.u32 v32, v1  }
0x3b7: {  	v13 =	vld.idx.msk [tilespmem:v14+s10+$0x0], $0xffff;
	v14 =	vor.u32 s22, v18;
	[tilespmem:v5+s13+$0x0] =	vst.idx.msk $0xffff, v8;
	v8 =	vor.u32 v19, v57  }
0x3b8: {  	v9 =	vld.idx.msk [tilespmem:v11+s10+$0x0], $0xffff;
	v15 =	vor.u32 v19, v2;
	v11 =	vor.u32 s20, v31;
	_ =	sdelay $0x2  }
0x3b9: {  	[tilespmem:v7+s13+$0x0] =	vst.idx.msk $0xffff, v6;
	v4 =	vld.idx.msk [tilespmem:v10+s10+$0x0], $0xffff  }
0x3ba: {  	[tilespmem:v14+s13+$0x0] =	vst.idx.msk $0xffff, v13;
	v7 =	vor.u32 s23, v49;
	v6 =	vld.idx.msk [tilespmem:v8+s10+$0x0], $0xffff  }
0x3bb: {  	[tilespmem:v11+s13+$0x0] =	vst.idx.msk $0xffff, v9;
	v9 =	vor.u32 s22, v49;
	v10 =	vor.u32 v21, v57;
	v8 =	vld.idx.msk [tilespmem:v15+s10+$0x0], $0xffff  }
0x3bc: {  	v11 =	vor.u32 v21, v2;
	_ =	sdelay $0x2  }
0x3bd: {  	[tilespmem:v7+s13+$0x0] =	vst.idx.msk $0xffff, v6  }
0x3be: {  	[tilespmem:v9+s13+$0x0] =	vst.idx.msk $0xffff, v8;
	v7 =	vor.u32 s23, v24;
	v6 =	vld.idx.msk [tilespmem:v10+s10+$0x0], $0xffff  }
0x3bf: {  	v9 =	vor.u32 s22, v24;
	v8 =	vld.idx.msk [tilespmem:v11+s10+$0x0], $0xffff;
	v10 =	vor.u32 v25, v57  }
0x3c0: {  	v11 =	vor.u32 v25, v2;
	_ =	sdelay $0x2  }
0x3c1: {  	[tilespmem:v7+s13+$0x0] =	vst.idx.msk $0xffff, v6  }
0x3c2: {  	[tilespmem:v9+s13+$0x0] =	vst.idx.msk $0xffff, v8;
	v7 =	vor.u32 s23, v26;
	v6 =	vld.idx.msk [tilespmem:v10+s10+$0x0], $0xffff  }
0x3c3: {  	v9 =	vor.u32 s22, v26;
	v8 =	vld.idx.msk [tilespmem:v11+s10+$0x0], $0xffff  }
0x3c4: {  	v44 =	vld [tilespmem:$0x1F7F0];
	_ =	sdelay $0x2  }
0x3c5: {  	[tilespmem:v7+s13+$0x0] =	vst.idx.msk $0xffff, v6  }
0x3c6: {  	[tilespmem:v9+s13+$0x0] =	vst.idx.msk $0xffff, v8  }
0x3c7: {  	v10 =	vor.u32 v44, v57;
	v9 =	vld [tilespmem:$0x1F800]  }
0x3c8: {  	v11 =	vor.u32 v44, v2;
	_ =	sdelay $0x3  }
0x3c9: {  	v6 =	vld.idx.msk [tilespmem:v10+s10+$0x0], $0xffff;
	v7 =	vor.u32 s23, v9  }
0x3ca: {  	v8 =	vld.idx.msk [tilespmem:v11+s10+$0x0], $0xffff;
	v9 =	vor.u32 s22, v9  }
0x3cb: {  	v39 =	vld [tilespmem:$0x1F810];
	_ =	sdelay $0x2  }
0x3cc: {  	[tilespmem:v7+s13+$0x0] =	vst.idx.msk $0xffff, v6  }
0x3cd: {  	[tilespmem:v9+s13+$0x0] =	vst.idx.msk $0xffff, v8  }
0x3ce: {  	v10 =	vor.u32 v39, v57;
	v9 =	vld [tilespmem:$0x1F820]  }
0x3cf: {  	v11 =	vor.u32 v39, v2;
	_ =	sdelay $0x3  }
0x3d0: {  	v6 =	vld.idx.msk [tilespmem:v10+s10+$0x0], $0xffff;
	v7 =	vor.u32 s23, v9  }
0x3d1: {  	v8 =	vld.idx.msk [tilespmem:v11+s10+$0x0], $0xffff;
	v10 =	vor.u32 v20, v57;
	v9 =	vor.u32 s22, v9  }
0x3d2: {  	v11 =	vor.u32 v20, v2;
	_ =	sdelay $0x2  }
0x3d3: {  	[tilespmem:v7+s13+$0x0] =	vst.idx.msk $0xffff, v6  }
0x3d4: {  	[tilespmem:v9+s13+$0x0] =	vst.idx.msk $0xffff, v8;
	v7 =	vor.u32 s23, v12;
	v6 =	vld.idx.msk [tilespmem:v10+s10+$0x0], $0xffff  }
0x3d5: {  	v9 =	vor.u32 s22, v12;
	v8 =	vld.idx.msk [tilespmem:v11+s10+$0x0], $0xffff;
	v10 =	vor.u32 v51, v57  }
0x3d6: {  	v11 =	vor.u32 v51, v2;
	_ =	sdelay $0x2  }
0x3d7: {  	[tilespmem:v7+s13+$0x0] =	vst.idx.msk $0xffff, v6  }
0x3d8: {  	[tilespmem:v9+s13+$0x0] =	vst.idx.msk $0xffff, v8;
	v7 =	vor.u32 s23, v52;
	v6 =	vld.idx.msk [tilespmem:v10+s10+$0x0], $0xffff  }
0x3d9: {  	v9 =	vor.u32 s22, v52;
	v8 =	vld.idx.msk [tilespmem:v11+s10+$0x0], $0xffff;
	v10 =	vor.u32 v53, v57;
	_ =	sdelay $0x1  }
0x3da: {  	v11 =	vor.u32 v53, v2;
	_ =	sdelay $0x1  }
0x3db: {  	[tilespmem:v7+s13+$0x0] =	vst.idx.msk $0xffff, v6  }
0x3dc: {  	[tilespmem:v9+s13+$0x0] =	vst.idx.msk $0xffff, v8;
	v6 =	vld.idx.msk [tilespmem:v10+s10+$0x0], $0xffff  }
0x3dd: {  	v7 =	vor.u32 s23, v54;
	v55 =	vld [tilespmem:$0x1F830]  }
0x3de: {  	v9 =	vor.u32 s22, v54;
	v8 =	vld.idx.msk [tilespmem:v11+s10+$0x0], $0xffff;
	_ =	sdelay $0x3  }
0x3df: {  	v10 =	vor.u32 v55, v57;
	[tilespmem:v7+s13+$0x0] =	vst.idx.msk $0xffff, v6  }
0x3e0: {  	v11 =	vor.u32 v55, v2;
	[tilespmem:v9+s13+$0x0] =	vst.idx.msk $0xffff, v8  }
0x3e1: {  	v9 =	vld [tilespmem:$0x1FF90];
	_ =	sdelay $0x2  }
0x3e2: {  	v6 =	vld.idx.msk [tilespmem:v10+s10+$0x0], $0xffff  }
0x3e3: {  	v8 =	vld.idx.msk [tilespmem:v11+s10+$0x0], $0xffff  }
0x3e4: {  	v11 =	vld [tilespmem:$0x1FFA0];
	v7 =	vor.u32 s23, v9  }
0x3e5: {  	v9 =	vor.u32 s22, v9;
	_ =	sdelay $0x3  }
0x3e6: {  	v10 =	vor.u32 v11, v57;
	[tilespmem:v7+s13+$0x0] =	vst.idx.msk $0xffff, v6  }
0x3e7: {  	v11 =	vor.u32 v11, v2;
	[tilespmem:v9+s13+$0x0] =	vst.idx.msk $0xffff, v8  }
0x3e8: {  	v9 =	vld [tilespmem:$0x1FB70];
	_ =	sdelay $0x2  }
0x3e9: {  	v6 =	vld.idx.msk [tilespmem:v10+s10+$0x0], $0xffff  }
0x3ea: {  	v8 =	vld.idx.msk [tilespmem:v11+s10+$0x0], $0xffff  }
0x3eb: {  	v11 =	vld [tilespmem:$0x1FB80];
	v7 =	vor.u32 s23, v9  }
0x3ec: {  	v9 =	vor.u32 s22, v9;
	_ =	sdelay $0x3  }
0x3ed: {  	v10 =	vor.u32 v11, v57;
	[tilespmem:v7+s13+$0x0] =	vst.idx.msk $0xffff, v6  }
0x3ee: {  	v11 =	vor.u32 v11, v2;
	[tilespmem:v9+s13+$0x0] =	vst.idx.msk $0xffff, v8  }
0x3ef: {  	v9 =	vld [tilespmem:$0x1FF80];
	_ =	sdelay $0x2  }
0x3f0: {  	v6 =	vld.idx.msk [tilespmem:v10+s10+$0x0], $0xffff  }
0x3f1: {  	v8 =	vld.idx.msk [tilespmem:v11+s10+$0x0], $0xffff  }
0x3f2: {  	v11 =	vld [tilespmem:$0x1FFC0];
	v7 =	vor.u32 s23, v9  }
0x3f3: {  	v9 =	vor.u32 s22, v9;
	_ =	sdelay $0x3  }
0x3f4: {  	v10 =	vor.u32 v11, v57;
	[tilespmem:v7+s13+$0x0] =	vst.idx.msk $0xffff, v6  }
0x3f5: {  	v11 =	vor.u32 v11, v2;
	[tilespmem:v9+s13+$0x0] =	vst.idx.msk $0xffff, v8  }
0x3f6: {  	v9 =	vld [tilespmem:$0x1FFB0];
	_ =	sdelay $0x2  }
0x3f7: {  	v6 =	vld.idx.msk [tilespmem:v10+s10+$0x0], $0xffff  }
0x3f8: {  	v8 =	vld.idx.msk [tilespmem:v11+s10+$0x0], $0xffff  }
0x3f9: {  	v11 =	vld [tilespmem:$0x1F840];
	v7 =	vor.u32 s23, v9  }
0x3fa: {  	v9 =	vor.u32 s22, v9;
	_ =	sdelay $0x3  }
0x3fb: {  	v10 =	vor.u32 v11, v57;
	[tilespmem:v7+s13+$0x0] =	vst.idx.msk $0xffff, v6  }
0x3fc: {  	v11 =	vor.u32 v11, v2;
	[tilespmem:v9+s13+$0x0] =	vst.idx.msk $0xffff, v8  }
0x3fd: {  	v9 =	vld [tilespmem:$0x1F850];
	_ =	sdelay $0x2  }
0x3fe: {  	v6 =	vld.idx.msk [tilespmem:v10+s10+$0x0], $0xffff  }
0x3ff: {  	v8 =	vld.idx.msk [tilespmem:v11+s10+$0x0], $0xffff  }
0x400: {  	v11 =	vld [tilespmem:$0x1F860];
	v7 =	vor.u32 s23, v9  }
0x401: {  	v9 =	vor.u32 s22, v9;
	_ =	sdelay $0x3  }
0x402: {  	v10 =	vor.u32 v11, v57;
	v11 =	vor.u32 v11, v2;
	[tilespmem:v7+s13+$0x0] =	vst.idx.msk $0xffff, v6  }
0x403: {  	[tilespmem:v9+s13+$0x0] =	vst.idx.msk $0xffff, v8  }
0x404: {  	v9 =	vld [tilespmem:$0x1F870];
	_ =	sdelay $0x2  }
0x405: {  	v8 =	vld.idx.msk [tilespmem:v11+s10+$0x0], $0xffff  }
0x406: {  	v11 =	vld [tilespmem:$0x1FE30]  }
0x407: {  	v6 =	vld.idx.msk [tilespmem:v10+s10+$0x0], $0xffff;
	v7 =	vor.u32 s23, v9  }
0x408: {  	v9 =	vor.u32 s22, v9;
	_ =	sdelay $0x2  }
0x409: {  	v10 =	vor.u32 v11, v57;
	v11 =	vor.u32 v11, v2  }
0x40a: {  	[tilespmem:v7+s13+$0x0] =	vst.idx.msk $0xffff, v6  }
0x40b: {  	[tilespmem:v9+s13+$0x0] =	vst.idx.msk $0xffff, v8  }
0x40c: {  	v9 =	vld [tilespmem:$0x1FE50];
	_ =	sdelay $0x1  }
0x40d: {  	v8 =	vld.idx.msk [tilespmem:v11+s10+$0x0], $0xffff  }
0x40e: {  	v11 =	vld [tilespmem:$0x1FF70];
	_ =	sdelay $0x1  }
0x40f: {  	v6 =	vld.idx.msk [tilespmem:v10+s10+$0x0], $0xffff;
	v7 =	vor.u32 s23, v9  }
0x410: {  	v9 =	vor.u32 s22, v9;
	_ =	sdelay $0x1  }
0x411: {  	v10 =	vor.u32 v11, v57;
	v11 =	vor.u32 v11, v2;
	_ =	sdelay $0x1  }
0x412: {  	[tilespmem:v7+s13+$0x0] =	vst.idx.msk $0xffff, v6  }
0x413: {  	[tilespmem:v9+s13+$0x0] =	vst.idx.msk $0xffff, v8  }
0x414: {  	v9 =	vld [tilespmem:$0x1F880]  }
0x415: {  	v8 =	vld.idx.msk [tilespmem:v11+s10+$0x0], $0xffff  }
0x416: {  	v11 =	vld [tilespmem:$0x1FF60];
	_ =	sdelay $0x3  }
0x417: {  	v6 =	vld.idx.msk [tilespmem:v10+s10+$0x0], $0xffff;
	v7 =	vor.u32 s23, v9  }
0x418: {  	v9 =	vor.u32 s22, v9;
	v10 =	vor.u32 v11, v57;
	_ =	sdelay $0x3  }
0x419: {  	[tilespmem:v7+s13+$0x0] =	vst.idx.msk $0xffff, v6  }
0x41a: {  	v11 =	vor.u32 v11, v2;
	[tilespmem:v9+s13+$0x0] =	vst.idx.msk $0xffff, v8;
	v6 =	vld.idx.msk [tilespmem:v10+s10+$0x0], $0xffff  }
0x41b: {  	v10 =	vld [tilespmem:$0x1FF00];
	_ =	sdelay $0x3  }
0x41c: {  	v8 =	vld.idx.msk [tilespmem:v11+s10+$0x0], $0xffff  }
0x41d: {  	v11 =	vld [tilespmem:$0x1F710];
	v7 =	vor.u32 s23, v10  }
0x41e: {  	v10 =	vor.u32 s22, v10;
	_ =	sdelay $0x3  }
0x41f: {  	v9 =	vor.u32 v11, v57;
	[tilespmem:v7+s13+$0x0] =	vst.idx.msk $0xffff, v6  }
0x420: {  	v11 =	vor.u32 v11, v2;
	[tilespmem:v10+s13+$0x0] =	vst.idx.msk $0xffff, v8  }
0x421: {  	v10 =	vld [tilespmem:$0x1F8D0];
	_ =	sdelay $0x2  }
0x422: {  	v6 =	vld.idx.msk [tilespmem:v9+s10+$0x0], $0xffff  }
0x423: {  	v8 =	vld.idx.msk [tilespmem:v11+s10+$0x0], $0xffff  }
0x424: {  	v11 =	vld [tilespmem:$0x1F720];
	v7 =	vor.u32 s23, v10  }
0x425: {  	v10 =	vor.u32 s22, v10;
	_ =	sdelay $0x3  }
0x426: {  	v9 =	vor.u32 v11, v57;
	[tilespmem:v7+s13+$0x0] =	vst.idx.msk $0xffff, v6  }
0x427: {  	v11 =	vor.u32 v11, v2;
	[tilespmem:v10+s13+$0x0] =	vst.idx.msk $0xffff, v8  }
0x428: {  	v10 =	vld [tilespmem:$0x1FF10];
	_ =	sdelay $0x2  }
0x429: {  	v6 =	vld.idx.msk [tilespmem:v9+s10+$0x0], $0xffff  }
0x42a: {  	v8 =	vld.idx.msk [tilespmem:v11+s10+$0x0], $0xffff  }
0x42b: {  	v11 =	vld [tilespmem:$0x1F730];
	v7 =	vor.u32 s23, v10  }
0x42c: {  	v10 =	vor.u32 s22, v10;
	_ =	sdelay $0x3  }
0x42d: {  	v9 =	vor.u32 v11, v57;
	v11 =	vor.u32 v11, v2;
	[tilespmem:v7+s13+$0x0] =	vst.idx.msk $0xffff, v6  }
0x42e: {  	[tilespmem:v10+s13+$0x0] =	vst.idx.msk $0xffff, v8  }
0x42f: {  	v10 =	vld [tilespmem:$0x1FF20];
	_ =	sdelay $0x2  }
0x430: {  	v8 =	vld.idx.msk [tilespmem:v11+s10+$0x0], $0xffff  }
0x431: {  	v11 =	vld [tilespmem:$0x1F740]  }
0x432: {  	v6 =	vld.idx.msk [tilespmem:v9+s10+$0x0], $0xffff;
	v7 =	vor.u32 s23, v10  }
0x433: {  	v10 =	vor.u32 s22, v10;
	_ =	sdelay $0x2  }
0x434: {  	v9 =	vor.u32 v11, v57;
	v11 =	vor.u32 v11, v2  }
0x435: {  	[tilespmem:v7+s13+$0x0] =	vst.idx.msk $0xffff, v6  }
0x436: {  	[tilespmem:v10+s13+$0x0] =	vst.idx.msk $0xffff, v8  }
0x437: {  	v10 =	vld [tilespmem:$0x1F920];
	_ =	sdelay $0x1  }
0x438: {  	v8 =	vld.idx.msk [tilespmem:v11+s10+$0x0], $0xffff  }
0x439: {  	v11 =	vld [tilespmem:$0x1F750];
	_ =	sdelay $0x1  }
0x43a: {  	v6 =	vld.idx.msk [tilespmem:v9+s10+$0x0], $0xffff;
	v7 =	vor.u32 s23, v10  }
0x43b: {  	v10 =	vor.u32 s22, v10;
	_ =	sdelay $0x1  }
0x43c: {  	v9 =	vor.u32 v11, v57;
	v11 =	vor.u32 v11, v2;
	_ =	sdelay $0x1  }
0x43d: {  	[tilespmem:v7+s13+$0x0] =	vst.idx.msk $0xffff, v6  }
0x43e: {  	[tilespmem:v10+s13+$0x0] =	vst.idx.msk $0xffff, v8  }
0x43f: {  	v10 =	vld [tilespmem:$0x1F930]  }
0x440: {  	v8 =	vld.idx.msk [tilespmem:v11+s10+$0x0], $0xffff  }
0x441: {  	v11 =	vld [tilespmem:$0x1F760];
	_ =	sdelay $0x3  }
0x442: {  	v7 =	vor.u32 s23, v10;
	v10 =	vor.u32 s22, v10  }
0x443: {  	v6 =	vld.idx.msk [tilespmem:v9+s10+$0x0], $0xffff;
	v9 =	vor.u32 v11, v57;
	v11 =	vor.u32 v11, v2;
	_ =	sdelay $0x3  }
0x444: {  	[tilespmem:v10+s13+$0x0] =	vst.idx.msk $0xffff, v8  }
0x445: {  	[tilespmem:v7+s13+$0x0] =	vst.idx.msk $0xffff, v6;
	v8 =	vld.idx.msk [tilespmem:v11+s10+$0x0], $0xffff  }
0x446: {  	v11 =	vld [tilespmem:$0x1F770];
	_ =	sdelay $0x3  }
0x447: {  	v16 =	vor.u32 v32, v0;
	v7 =	vor.u32 s23, v22;
	v6 =	vld.idx.msk [tilespmem:v9+s10+$0x0], $0xffff  }
0x448: {  	v10 =	vor.u32 s22, v22;
	v9 =	vor.u32 v11, v57  }
0x449: {  	v11 =	vor.u32 v11, v2;
	_ =	sdelay $0x2  }
0x44a: {  	v5 =	vld.idx.msk [tilespmem:v16+s10+$0x0], $0xffff;
	[tilespmem:v7+s13+$0x0] =	vst.idx.msk $0xffff, v6  }
0x44b: {  	v6 =	vld.idx.msk [tilespmem:v9+s10+$0x0], $0xffff;
	[tilespmem:v10+s13+$0x0] =	vst.idx.msk $0xffff, v8  }
0x44c: {  	v8 =	vld.idx.msk [tilespmem:v11+s10+$0x0], $0xffff  }
0x44d: {  	v11 =	vld [tilespmem:$0x1F780]  }
0x44e: {  	v7 =	vor.u32 s23, v23  }
0x44f: {  	v10 =	vor.u32 s22, v23;
	_ =	sdelay $0x2  }
0x450: {  	v9 =	vor.u32 v11, v57;
	v11 =	vor.u32 v11, v2  }
0x451: {  	[tilespmem:v7+s13+$0x0] =	vst.idx.msk $0xffff, v6  }
0x452: {  	[tilespmem:v10+s13+$0x0] =	vst.idx.msk $0xffff, v8  }
0x453: {  	v10 =	vld [tilespmem:$0x1F960];
	_ =	sdelay $0x1  }
0x454: {  	v8 =	vld.idx.msk [tilespmem:v11+s10+$0x0], $0xffff  }
0x455: {  	v11 =	vld [tilespmem:$0x1F790];
	_ =	sdelay $0x1  }
0x456: {  	v6 =	vld.idx.msk [tilespmem:v9+s10+$0x0], $0xffff;
	v7 =	vor.u32 s23, v10  }
0x457: {  	v10 =	vor.u32 s22, v10;
	_ =	sdelay $0x1  }
0x458: {  	v9 =	vor.u32 v11, v57;
	v11 =	vor.u32 v11, v2;
	_ =	sdelay $0x1  }
0x459: {  	[tilespmem:v7+s13+$0x0] =	vst.idx.msk $0xffff, v6  }
0x45a: {  	[tilespmem:v10+s13+$0x0] =	vst.idx.msk $0xffff, v8  }
0x45b: {  	v10 =	vld [tilespmem:$0x1F970]  }
0x45c: {  	v8 =	vld.idx.msk [tilespmem:v11+s10+$0x0], $0xffff  }
0x45d: {  	v11 =	vld [tilespmem:$0x1F7A0];
	_ =	sdelay $0x3  }
0x45e: {  	v7 =	vor.u32 s23, v10;
	v10 =	vor.u32 s22, v10  }
0x45f: {  	v6 =	vld.idx.msk [tilespmem:v9+s10+$0x0], $0xffff;
	v9 =	vor.u32 v11, v57;
	v11 =	vor.u32 v11, v2;
	_ =	sdelay $0x3  }
0x460: {  	[tilespmem:v10+s13+$0x0] =	vst.idx.msk $0xffff, v8  }
0x461: {  	[tilespmem:v7+s13+$0x0] =	vst.idx.msk $0xffff, v6;
	v8 =	vld.idx.msk [tilespmem:v11+s10+$0x0], $0xffff  }
0x462: {  	v11 =	vld [tilespmem:$0x1F7B0];
	_ =	sdelay $0x3  }
0x463: {  	v10 =	vor.u32 s22, v27  }
0x464: {  	v7 =	vor.u32 s23, v27;
	v6 =	vld.idx.msk [tilespmem:v9+s10+$0x0], $0xffff;
	v9 =	vor.u32 v11, v57;
	v11 =	vor.u32 v11, v2;
	_ =	sdelay $0x3  }
0x465: {  	[tilespmem:v10+s13+$0x0] =	vst.idx.msk $0xffff, v8  }
0x466: {  	[tilespmem:v7+s13+$0x0] =	vst.idx.msk $0xffff, v6;
	v8 =	vld.idx.msk [tilespmem:v11+s10+$0x0], $0xffff  }
0x467: {  	v11 =	vld [tilespmem:$0x1F7C0];
	_ =	sdelay $0x3  }
0x468: {  	v7 =	vor.u32 s23, v28;
	v6 =	vld.idx.msk [tilespmem:v9+s10+$0x0], $0xffff  }
0x469: {  	v10 =	vor.u32 s22, v28;
	v9 =	vor.u32 v11, v57  }
0x46a: {  	v11 =	vor.u32 v11, v2;
	_ =	sdelay $0x2  }
0x46b: {  	[tilespmem:v7+s13+$0x0] =	vst.idx.msk $0xffff, v6  }
0x46c: {  	[tilespmem:v10+s13+$0x0] =	vst.idx.msk $0xffff, v8;
	v6 =	vld.idx.msk [tilespmem:v9+s10+$0x0], $0xffff  }
0x46d: {  	v7 =	vor.u32 s23, v29;
	v8 =	vld.idx.msk [tilespmem:v11+s10+$0x0], $0xffff  }
0x46e: {  	v10 =	vor.u32 s22, v29;
	v11 =	vld [tilespmem:$0x1F7D0];
	_ =	sdelay $0x3  }
0x46f: {  	[tilespmem:v7+s13+$0x0] =	vst.idx.msk $0xffff, v6  }
0x470: {  	v9 =	vor.u32 v11, v57;
	[tilespmem:v10+s13+$0x0] =	vst.idx.msk $0xffff, v8  }
0x471: {  	v11 =	vor.u32 v11, v2;
	v60 =	vld [tilespmem:$0x1F7E0];
	_ =	sdelay $0x3  }
0x472: {  	v7 =	vor.u32 s23, v56;
	v6 =	vld.idx.msk [tilespmem:v9+s10+$0x0], $0xffff  }
0x473: {  	v10 =	vor.u32 s22, v56;
	v8 =	vld.idx.msk [tilespmem:v11+s10+$0x0], $0xffff;
	v9 =	vor.u32 v60, v57  }
0x474: {  	v11 =	vor.u32 v60, v2;
	_ =	sdelay $0x2  }
0x475: {  	[tilespmem:v7+s13+$0x0] =	vst.idx.msk $0xffff, v6  }
0x476: {  	[tilespmem:v10+s13+$0x0] =	vst.idx.msk $0xffff, v8;
	v7 =	vor.u32 s23, v33;
	v6 =	vld.idx.msk [tilespmem:v9+s10+$0x0], $0xffff  }
0x477: {  	v8 =	vor.u32 s22, v33;
	v9 =	vld.idx.msk [tilespmem:v11+s10+$0x0], $0xffff;
	_ =	sdelay $0x3  }
0x478: {  	v10 =	vor.u32 v3, v57;
	[tilespmem:v7+s13+$0x0] =	vst.idx.msk $0xffff, v6  }
0x479: {  	v11 =	vor.u32 v3, v2;
	[tilespmem:v8+s13+$0x0] =	vst.idx.msk $0xffff, v9  }
0x47a: {  	v3 =	vld [tilespmem:$0x1FA10];
	_ =	sdelay $0x2  }
0x47b: {  	v7 =	vor.u32 s23, v31;
	v6 =	vld.idx.msk [tilespmem:v10+s10+$0x0], $0xffff  }
0x47c: {  	v8 =	vld.idx.msk [tilespmem:v11+s10+$0x0], $0xffff;
	v10 =	vor.u32 s22, v31  }
0x47d: {  	v9 =	vor.u32 v32, v57;
	v13 =	vor.u32 s21, v3  }
0x47e: {  	v11 =	vor.u32 v32, v2;
	v15 =	vor.u32 s20, v3  }
0x47f: {  	v16 =	vld [tilespmem:$0x1F620]  }
0x480: {  	[tilespmem:v7+s13+$0x0] =	vst.idx.msk $0xffff, v6  }
0x481: {  	[tilespmem:v10+s13+$0x0] =	vst.idx.msk $0xffff, v8  }
0x482: {  	v7 =	vld.idx.msk [tilespmem:v9+s10+$0x0], $0xffff;
	[tilespmem:v13+s13+$0x0] =	vst.idx.msk $0xffff, v4  }
0x483: {  	v9 =	vld.idx.msk [tilespmem:v11+s10+$0x0], $0xffff;
	[tilespmem:v15+s13+$0x0] =	vst.idx.msk $0xffff, v5  }
0x484: {  	v14 =	vor.u32 v16, v1;
	v8 =	vor.u32 s23, v3;
	v11 =	vor.u32 s22, v3;
	v3 =	vld [tilespmem:$0x1FA20]  }
0x485: {  	v6 =	vor.u32 v16, v0;
	_ =	sdelay $0x3  }
0x486: {  	v4 =	vld.idx.msk [tilespmem:v14+s10+$0x0], $0xffff;
	v5 =	vor.u32 s21, v3  }
0x487: {  	v6 =	vld.idx.msk [tilespmem:v6+s10+$0x0], $0xffff;
	v14 =	vor.u32 s20, v3  }
0x488: {  	v31 =	vld [tilespmem:$0x1F630]  }
0x489: {  	[tilespmem:v8+s13+$0x0] =	vst.idx.msk $0xffff, v7  }
0x48a: {  	[tilespmem:v11+s13+$0x0] =	vst.idx.msk $0xffff, v9  }
0x48b: {  	v10 =	vor.u32 v16, v57;
	[tilespmem:v5+s13+$0x0] =	vst.idx.msk $0xffff, v4  }
0x48c: {  	v16 =	vor.u32 v16, v2;
	[tilespmem:v14+s13+$0x0] =	vst.idx.msk $0xffff, v6  }
0x48d: {  	v13 =	vor.u32 v31, v1;
	v9 =	vor.u32 s23, v3;
	v15 =	vor.u32 s22, v3;
	v3 =	vld [tilespmem:$0x1FA30]  }
0x48e: {  	v7 =	vor.u32 v31, v0;
	_ =	sdelay $0x1  }
0x48f: {  	v8 =	vld.idx.msk [tilespmem:v10+s10+$0x0], $0xffff  }
0x490: {  	v10 =	vld.idx.msk [tilespmem:v16+s10+$0x0], $0xffff  }
0x491: {  	v4 =	vld.idx.msk [tilespmem:v13+s10+$0x0], $0xffff;
	v5 =	vor.u32 s21, v3  }
0x492: {  	v6 =	vld.idx.msk [tilespmem:v7+s10+$0x0], $0xffff;
	v13 =	vor.u32 s20, v3  }
0x493: {  	v11 =	vor.u32 v31, v57;
	v16 =	vor.u32 v31, v2;
	v31 =	vld [tilespmem:$0x1F640]  }
0x494: {  	[tilespmem:v9+s13+$0x0] =	vst.idx.msk $0xffff, v8  }
0x495: {  	[tilespmem:v15+s13+$0x0] =	vst.idx.msk $0xffff, v10  }
0x496: {  	[tilespmem:v5+s13+$0x0] =	vst.idx.msk $0xffff, v4  }
0x497: {  	[tilespmem:v13+s13+$0x0] =	vst.idx.msk $0xffff, v6  }
0x498: {  	v7 =	vor.u32 v31, v1;
	v10 =	vor.u32 s23, v3;
	v15 =	vor.u32 s22, v3;
	v3 =	vld [tilespmem:$0x1FA40]  }
0x499: {  	v8 =	vor.u32 v31, v0;
	_ =	sdelay $0x1  }
0x49a: {  	v9 =	vld.idx.msk [tilespmem:v11+s10+$0x0], $0xffff  }
0x49b: {  	v11 =	vld.idx.msk [tilespmem:v16+s10+$0x0], $0xffff  }
0x49c: {  	v4 =	vld.idx.msk [tilespmem:v7+s10+$0x0], $0xffff;
	v5 =	vor.u32 s21, v3  }
0x49d: {  	v6 =	vld.idx.msk [tilespmem:v8+s10+$0x0], $0xffff;
	v8 =	vor.u32 s20, v3  }
0x49e: {  	v14 =	vor.u32 v31, v57;
	v16 =	vor.u32 v31, v2;
	v31 =	vld [tilespmem:$0x1F650]  }
0x49f: {  	[tilespmem:v10+s13+$0x0] =	vst.idx.msk $0xffff, v9  }
0x4a0: {  	[tilespmem:v15+s13+$0x0] =	vst.idx.msk $0xffff, v11  }
0x4a1: {  	[tilespmem:v5+s13+$0x0] =	vst.idx.msk $0xffff, v4  }
0x4a2: {  	[tilespmem:v8+s13+$0x0] =	vst.idx.msk $0xffff, v6  }
0x4a3: {  	v7 =	vor.u32 v31, v1;
	v11 =	vor.u32 s23, v3;
	v15 =	vor.u32 s22, v3;
	v3 =	vld [tilespmem:$0x1FA50]  }
0x4a4: {  	v9 =	vor.u32 v31, v0;
	_ =	sdelay $0x1  }
0x4a5: {  	v10 =	vld.idx.msk [tilespmem:v14+s10+$0x0], $0xffff  }
0x4a6: {  	v13 =	vld.idx.msk [tilespmem:v16+s10+$0x0], $0xffff  }
0x4a7: {  	v4 =	vld.idx.msk [tilespmem:v7+s10+$0x0], $0xffff;
	v5 =	vor.u32 s21, v3  }
0x4a8: {  	v6 =	vld.idx.msk [tilespmem:v9+s10+$0x0], $0xffff;
	v8 =	vor.u32 s20, v3  }
0x4a9: {  	v14 =	vor.u32 v31, v57;
	v16 =	vor.u32 v31, v2;
	v31 =	vld [tilespmem:$0x1F660]  }
0x4aa: {  	[tilespmem:v11+s13+$0x0] =	vst.idx.msk $0xffff, v10  }
0x4ab: {  	[tilespmem:v15+s13+$0x0] =	vst.idx.msk $0xffff, v13  }
0x4ac: {  	[tilespmem:v5+s13+$0x0] =	vst.idx.msk $0xffff, v4  }
0x4ad: {  	[tilespmem:v8+s13+$0x0] =	vst.idx.msk $0xffff, v6  }
0x4ae: {  	v7 =	vor.u32 v31, v1;
	v11 =	vor.u32 s23, v3;
	v15 =	vor.u32 s22, v3;
	v3 =	vld [tilespmem:$0x1FA60]  }
0x4af: {  	v9 =	vor.u32 v31, v0;
	_ =	sdelay $0x1  }
0x4b0: {  	v10 =	vld.idx.msk [tilespmem:v14+s10+$0x0], $0xffff  }
0x4b1: {  	v13 =	vld.idx.msk [tilespmem:v16+s10+$0x0], $0xffff  }
0x4b2: {  	v4 =	vld.idx.msk [tilespmem:v7+s10+$0x0], $0xffff;
	v5 =	vor.u32 s21, v3  }
0x4b3: {  	v6 =	vld.idx.msk [tilespmem:v9+s10+$0x0], $0xffff;
	v8 =	vor.u32 s20, v3  }
0x4b4: {  	v14 =	vor.u32 v31, v57;
	v16 =	vor.u32 v31, v2;
	v31 =	vld [tilespmem:$0x1F670]  }
0x4b5: {  	[tilespmem:v11+s13+$0x0] =	vst.idx.msk $0xffff, v10  }
0x4b6: {  	[tilespmem:v15+s13+$0x0] =	vst.idx.msk $0xffff, v13  }
0x4b7: {  	[tilespmem:v5+s13+$0x0] =	vst.idx.msk $0xffff, v4  }
0x4b8: {  	[tilespmem:v8+s13+$0x0] =	vst.idx.msk $0xffff, v6  }
0x4b9: {  	v7 =	vor.u32 v31, v1;
	v11 =	vor.u32 s23, v3;
	v15 =	vor.u32 s22, v3;
	v3 =	vld [tilespmem:$0x1FA70]  }
0x4ba: {  	v9 =	vor.u32 v31, v0;
	_ =	sdelay $0x1  }
0x4bb: {  	v10 =	vld.idx.msk [tilespmem:v14+s10+$0x0], $0xffff  }
0x4bc: {  	v13 =	vld.idx.msk [tilespmem:v16+s10+$0x0], $0xffff  }
0x4bd: {  	v4 =	vld.idx.msk [tilespmem:v7+s10+$0x0], $0xffff;
	v5 =	vor.u32 s21, v3  }
0x4be: {  	v6 =	vld.idx.msk [tilespmem:v9+s10+$0x0], $0xffff;
	v8 =	vor.u32 s20, v3  }
0x4bf: {  	v14 =	vor.u32 v31, v57;
	v16 =	vor.u32 v31, v2;
	v31 =	vld [tilespmem:$0x1F680]  }
0x4c0: {  	[tilespmem:v11+s13+$0x0] =	vst.idx.msk $0xffff, v10  }
0x4c1: {  	[tilespmem:v15+s13+$0x0] =	vst.idx.msk $0xffff, v13  }
0x4c2: {  	[tilespmem:v5+s13+$0x0] =	vst.idx.msk $0xffff, v4  }
0x4c3: {  	[tilespmem:v8+s13+$0x0] =	vst.idx.msk $0xffff, v6  }
0x4c4: {  	v7 =	vor.u32 v31, v1;
	v11 =	vor.u32 s23, v3;
	v15 =	vor.u32 s22, v3;
	v3 =	vld [tilespmem:$0x1FA80]  }
0x4c5: {  	v9 =	vor.u32 v31, v0;
	_ =	sdelay $0x1  }
0x4c6: {  	v10 =	vld.idx.msk [tilespmem:v14+s10+$0x0], $0xffff  }
0x4c7: {  	v13 =	vld.idx.msk [tilespmem:v16+s10+$0x0], $0xffff  }
0x4c8: {  	v4 =	vld.idx.msk [tilespmem:v7+s10+$0x0], $0xffff;
	v5 =	vor.u32 s21, v3  }
0x4c9: {  	v6 =	vld.idx.msk [tilespmem:v9+s10+$0x0], $0xffff;
	v8 =	vor.u32 s20, v3  }
0x4ca: {  	v14 =	vor.u32 v31, v57;
	v16 =	vor.u32 v31, v2;
	v31 =	vld [tilespmem:$0x1F690]  }
0x4cb: {  	[tilespmem:v11+s13+$0x0] =	vst.idx.msk $0xffff, v10  }
0x4cc: {  	[tilespmem:v15+s13+$0x0] =	vst.idx.msk $0xffff, v13  }
0x4cd: {  	[tilespmem:v5+s13+$0x0] =	vst.idx.msk $0xffff, v4  }
0x4ce: {  	[tilespmem:v8+s13+$0x0] =	vst.idx.msk $0xffff, v6  }
0x4cf: {  	v7 =	vor.u32 v31, v1;
	v11 =	vor.u32 s23, v3;
	v15 =	vor.u32 s22, v3;
	v3 =	vld [tilespmem:$0x1FA90]  }
0x4d0: {  	v9 =	vor.u32 v31, v0;
	_ =	sdelay $0x1  }
0x4d1: {  	v10 =	vld.idx.msk [tilespmem:v14+s10+$0x0], $0xffff  }
0x4d2: {  	v13 =	vld.idx.msk [tilespmem:v16+s10+$0x0], $0xffff  }
0x4d3: {  	v4 =	vld.idx.msk [tilespmem:v7+s10+$0x0], $0xffff;
	v5 =	vor.u32 s21, v3  }
0x4d4: {  	v6 =	vld.idx.msk [tilespmem:v9+s10+$0x0], $0xffff;
	v8 =	vor.u32 s20, v3  }
0x4d5: {  	v14 =	vor.u32 v31, v57;
	v16 =	vor.u32 v31, v2;
	v31 =	vld [tilespmem:$0x1F6A0]  }
0x4d6: {  	[tilespmem:v11+s13+$0x0] =	vst.idx.msk $0xffff, v10  }
0x4d7: {  	[tilespmem:v15+s13+$0x0] =	vst.idx.msk $0xffff, v13  }
0x4d8: {  	[tilespmem:v5+s13+$0x0] =	vst.idx.msk $0xffff, v4  }
0x4d9: {  	[tilespmem:v8+s13+$0x0] =	vst.idx.msk $0xffff, v6  }
0x4da: {  	v7 =	vor.u32 v31, v1;
	v11 =	vor.u32 s23, v3;
	v15 =	vor.u32 s22, v3;
	v3 =	vld [tilespmem:$0x1FAA0]  }
0x4db: {  	v9 =	vor.u32 v31, v0;
	_ =	sdelay $0x1  }
0x4dc: {  	v10 =	vld.idx.msk [tilespmem:v14+s10+$0x0], $0xffff  }
0x4dd: {  	v13 =	vld.idx.msk [tilespmem:v16+s10+$0x0], $0xffff  }
0x4de: {  	v4 =	vld.idx.msk [tilespmem:v7+s10+$0x0], $0xffff;
	v5 =	vor.u32 s21, v3  }
0x4df: {  	v6 =	vld.idx.msk [tilespmem:v9+s10+$0x0], $0xffff;
	v8 =	vor.u32 s20, v3  }
0x4e0: {  	v14 =	vor.u32 v31, v57;
	v16 =	vor.u32 v31, v2;
	v31 =	vld [tilespmem:$0x1F6B0]  }
0x4e1: {  	[tilespmem:v11+s13+$0x0] =	vst.idx.msk $0xffff, v10  }
0x4e2: {  	[tilespmem:v15+s13+$0x0] =	vst.idx.msk $0xffff, v13  }
0x4e3: {  	[tilespmem:v5+s13+$0x0] =	vst.idx.msk $0xffff, v4  }
0x4e4: {  	[tilespmem:v8+s13+$0x0] =	vst.idx.msk $0xffff, v6  }
0x4e5: {  	v7 =	vor.u32 v31, v1;
	v11 =	vor.u32 s23, v3;
	v15 =	vor.u32 s22, v3;
	v3 =	vld [tilespmem:$0x1FAB0]  }
0x4e6: {  	v9 =	vor.u32 v31, v0;
	_ =	sdelay $0x1  }
0x4e7: {  	v10 =	vld.idx.msk [tilespmem:v14+s10+$0x0], $0xffff  }
0x4e8: {  	v13 =	vld.idx.msk [tilespmem:v16+s10+$0x0], $0xffff  }
0x4e9: {  	v4 =	vld.idx.msk [tilespmem:v7+s10+$0x0], $0xffff;
	v5 =	vor.u32 s21, v3  }
0x4ea: {  	v6 =	vld.idx.msk [tilespmem:v9+s10+$0x0], $0xffff;
	v8 =	vor.u32 s20, v3  }
0x4eb: {  	v14 =	vor.u32 v31, v57;
	v16 =	vor.u32 v31, v2;
	v31 =	vld [tilespmem:$0x1F6C0]  }
0x4ec: {  	[tilespmem:v11+s13+$0x0] =	vst.idx.msk $0xffff, v10  }
0x4ed: {  	[tilespmem:v15+s13+$0x0] =	vst.idx.msk $0xffff, v13  }
0x4ee: {  	[tilespmem:v5+s13+$0x0] =	vst.idx.msk $0xffff, v4  }
0x4ef: {  	[tilespmem:v8+s13+$0x0] =	vst.idx.msk $0xffff, v6  }
0x4f0: {  	v7 =	vor.u32 v31, v1;
	v11 =	vor.u32 s23, v3;
	v15 =	vor.u32 s22, v3;
	v3 =	vld [tilespmem:$0x1FAC0]  }
0x4f1: {  	v9 =	vor.u32 v31, v0;
	_ =	sdelay $0x1  }
0x4f2: {  	v10 =	vld.idx.msk [tilespmem:v14+s10+$0x0], $0xffff  }
0x4f3: {  	v13 =	vld.idx.msk [tilespmem:v16+s10+$0x0], $0xffff  }
0x4f4: {  	v4 =	vld.idx.msk [tilespmem:v7+s10+$0x0], $0xffff;
	v5 =	vor.u32 s21, v3  }
0x4f5: {  	v6 =	vld.idx.msk [tilespmem:v9+s10+$0x0], $0xffff;
	v8 =	vor.u32 s20, v3  }
0x4f6: {  	v14 =	vor.u32 v31, v57;
	v16 =	vor.u32 v31, v2;
	v31 =	vld [tilespmem:$0x1F6D0]  }
0x4f7: {  	[tilespmem:v11+s13+$0x0] =	vst.idx.msk $0xffff, v10  }
0x4f8: {  	[tilespmem:v15+s13+$0x0] =	vst.idx.msk $0xffff, v13  }
0x4f9: {  	[tilespmem:v5+s13+$0x0] =	vst.idx.msk $0xffff, v4  }
0x4fa: {  	[tilespmem:v8+s13+$0x0] =	vst.idx.msk $0xffff, v6  }
0x4fb: {  	v7 =	vor.u32 v31, v1;
	v11 =	vor.u32 s23, v3;
	v15 =	vor.u32 s22, v3;
	v3 =	vld [tilespmem:$0x1FE60]  }
0x4fc: {  	v9 =	vor.u32 v31, v0;
	_ =	sdelay $0x1  }
0x4fd: {  	v10 =	vld.idx.msk [tilespmem:v14+s10+$0x0], $0xffff  }
0x4fe: {  	v13 =	vld.idx.msk [tilespmem:v16+s10+$0x0], $0xffff  }
0x4ff: {  	v4 =	vld.idx.msk [tilespmem:v7+s10+$0x0], $0xffff;
	v5 =	vor.u32 s21, v3  }
0x500: {  	v6 =	vld.idx.msk [tilespmem:v9+s10+$0x0], $0xffff;
	v8 =	vor.u32 s20, v3  }
0x501: {  	v32 =	vld [tilespmem:$0x1F6E0]  }
0x502: {  	[tilespmem:v11+s13+$0x0] =	vst.idx.msk $0xffff, v10  }
0x503: {  	[tilespmem:v15+s13+$0x0] =	vst.idx.msk $0xffff, v13  }
0x504: {  	v14 =	vor.u32 v31, v57;
	[tilespmem:v5+s13+$0x0] =	vst.idx.msk $0xffff, v4  }
0x505: {  	v16 =	vor.u32 v31, v2;
	[tilespmem:v8+s13+$0x0] =	vst.idx.msk $0xffff, v6  }
0x506: {  	v7 =	vor.u32 v32, v1;
	v11 =	vor.u32 s23, v3;
	v15 =	vor.u32 s22, v3;
	v3 =	vld [tilespmem:$0x1FE70]  }
0x507: {  	v9 =	vor.u32 v32, v0;
	_ =	sdelay $0x1  }
0x508: {  	v10 =	vld.idx.msk [tilespmem:v14+s10+$0x0], $0xffff  }
0x509: {  	v13 =	vld.idx.msk [tilespmem:v16+s10+$0x0], $0xffff  }
0x50a: {  	v4 =	vld.idx.msk [tilespmem:v7+s10+$0x0], $0xffff;
	v5 =	vor.u32 s21, v3  }
0x50b: {  	v6 =	vld.idx.msk [tilespmem:v9+s10+$0x0], $0xffff;
	v8 =	vor.u32 s20, v3  }
0x50c: {  	v59 =	vld [tilespmem:$0x1F6F0]  }
0x50d: {  	[tilespmem:v11+s13+$0x0] =	vst.idx.msk $0xffff, v10  }
0x50e: {  	[tilespmem:v15+s13+$0x0] =	vst.idx.msk $0xffff, v13  }
0x50f: {  	v14 =	vor.u32 v32, v57;
	[tilespmem:v5+s13+$0x0] =	vst.idx.msk $0xffff, v4  }
0x510: {  	v16 =	vor.u32 v32, v2;
	[tilespmem:v8+s13+$0x0] =	vst.idx.msk $0xffff, v6  }
0x511: {  	v7 =	vor.u32 v59, v1;
	v58 =	vld [tilespmem:$0x1F700]  }
0x512: {  	v9 =	vor.u32 v59, v0;
	_ =	sdelay $0x1  }
0x513: {  	v10 =	vld.idx.msk [tilespmem:v14+s10+$0x0], $0xffff;
	v11 =	vor.u32 s23, v3  }
0x514: {  	v13 =	vld.idx.msk [tilespmem:v16+s10+$0x0], $0xffff;
	v15 =	vor.u32 s22, v3  }
0x515: {  	v4 =	vld.idx.msk [tilespmem:v7+s10+$0x0], $0xffff;
	v5 =	vor.u32 s21, v58  }
0x516: {  	v7 =	vld.idx.msk [tilespmem:v9+s10+$0x0], $0xffff;
	v6 =	vor.u32 s20, v58;
	_ =	sdelay $0x1  }
0x517: {  	[tilespmem:v11+s13+$0x0] =	vst.idx.msk $0xffff, v10  }
0x518: {  	[tilespmem:v15+s13+$0x0] =	vst.idx.msk $0xffff, v13  }
0x519: {  	v14 =	vor.u32 v59, v57;
	[tilespmem:v5+s13+$0x0] =	vst.idx.msk $0xffff, v4  }
0x51a: {  	v16 =	vor.u32 v59, v2;
	[tilespmem:v6+s13+$0x0] =	vst.idx.msk $0xffff, v7  }
0x51b: {  	v8 =	vor.u32 v36, v1;
	v3 =	vld [tilespmem:$0x1FE80]  }
0x51c: {  	v9 =	vor.u32 v36, v0;
	_ =	sdelay $0x1  }
0x51d: {  	v10 =	vld.idx.msk [tilespmem:v14+s10+$0x0], $0xffff;
	v11 =	vor.u32 s23, v58  }
0x51e: {  	v14 =	vld.idx.msk [tilespmem:v16+s10+$0x0], $0xffff;
	v13 =	vor.u32 s22, v58  }
0x51f: {  	v4 =	vld.idx.msk [tilespmem:v8+s10+$0x0], $0xffff;
	v5 =	vor.u32 s21, v3  }
0x520: {  	v15 =	vor.u32 v36, v57;
	v6 =	vld.idx.msk [tilespmem:v9+s10+$0x0], $0xffff;
	v8 =	vor.u32 s20, v3;
	_ =	sdelay $0x1  }
0x521: {  	[tilespmem:v11+s13+$0x0] =	vst.idx.msk $0xffff, v10  }
0x522: {  	[tilespmem:v13+s13+$0x0] =	vst.idx.msk $0xffff, v14  }
0x523: {  	[tilespmem:v5+s13+$0x0] =	vst.idx.msk $0xffff, v4  }
0x524: {  	v16 =	vor.u32 v36, v2;
	v10 =	vld.idx.msk [tilespmem:v15+s10+$0x0], $0xffff;
	[tilespmem:v8+s13+$0x0] =	vst.idx.msk $0xffff, v6  }
0x525: {  	v7 =	vor.u32 v35, v1;
	v11 =	vor.u32 s23, v3;
	v15 =	vor.u32 s22, v3;
	v3 =	vld [tilespmem:$0x1FE90]  }
0x526: {  	v9 =	vor.u32 v35, v0;
	_ =	sdelay $0x2  }
0x527: {  	v13 =	vld.idx.msk [tilespmem:v16+s10+$0x0], $0xffff  }
0x528: {  	v4 =	vld.idx.msk [tilespmem:v7+s10+$0x0], $0xffff;
	v5 =	vor.u32 s21, v3  }
0x529: {  	v6 =	vld.idx.msk [tilespmem:v9+s10+$0x0], $0xffff;
	v8 =	vor.u32 s20, v3;
	_ =	sdelay $0x1  }
0x52a: {  	[tilespmem:v11+s13+$0x0] =	vst.idx.msk $0xffff, v10  }
0x52b: {  	[tilespmem:v15+s13+$0x0] =	vst.idx.msk $0xffff, v13  }
0x52c: {  	v14 =	vor.u32 v35, v57;
	[tilespmem:v5+s13+$0x0] =	vst.idx.msk $0xffff, v4  }
0x52d: {  	v16 =	vor.u32 v35, v2;
	[tilespmem:v8+s13+$0x0] =	vst.idx.msk $0xffff, v6  }
0x52e: {  	v7 =	vor.u32 v38, v1;
	v11 =	vor.u32 s23, v3;
	v15 =	vor.u32 s22, v3;
	v3 =	vld [tilespmem:$0x1FEA0];
	_ =	sdelay $0x2  }
0x52f: {  	v10 =	vld.idx.msk [tilespmem:v14+s10+$0x0], $0xffff  }
0x530: {  	v13 =	vld.idx.msk [tilespmem:v16+s10+$0x0], $0xffff  }
0x531: {  	v4 =	vld.idx.msk [tilespmem:v7+s10+$0x0], $0xffff;
	v5 =	vor.u32 s21, v3;
	_ =	sdelay $0x2  }
0x532: {  	v9 =	vor.u32 v38, v0;
	[tilespmem:v11+s13+$0x0] =	vst.idx.msk $0xffff, v10  }
0x533: {  	v14 =	vor.u32 v38, v57;
	[tilespmem:v15+s13+$0x0] =	vst.idx.msk $0xffff, v13  }
0x534: {  	v16 =	vor.u32 v38, v2;
	v7 =	vor.u32 v40, v1;
	[tilespmem:v5+s13+$0x0] =	vst.idx.msk $0xffff, v4  }
0x535: {  	v8 =	vor.u32 s20, v3;
	v11 =	vor.u32 s23, v3;
	v15 =	vor.u32 s22, v3;
	v3 =	vld [tilespmem:$0x1FEB0];
	_ =	sdelay $0x1  }
0x536: {  	v6 =	vld.idx.msk [tilespmem:v9+s10+$0x0], $0xffff  }
0x537: {  	v10 =	vld.idx.msk [tilespmem:v14+s10+$0x0], $0xffff  }
0x538: {  	v13 =	vld.idx.msk [tilespmem:v16+s10+$0x0], $0xffff  }
0x539: {  	v4 =	vld.idx.msk [tilespmem:v7+s10+$0x0], $0xffff;
	v5 =	vor.u32 s21, v3;
	_ =	sdelay $0x1  }
0x53a: {  	[tilespmem:v8+s13+$0x0] =	vst.idx.msk $0xffff, v6  }
0x53b: {  	v9 =	vor.u32 v40, v0;
	[tilespmem:v11+s13+$0x0] =	vst.idx.msk $0xffff, v10  }
0x53c: {  	v14 =	vor.u32 v40, v57;
	[tilespmem:v15+s13+$0x0] =	vst.idx.msk $0xffff, v13  }
0x53d: {  	v16 =	vor.u32 v40, v2;
	v6 =	vor.u32 v41, v1;
	[tilespmem:v5+s13+$0x0] =	vst.idx.msk $0xffff, v4  }
0x53e: {  	v8 =	vor.u32 s20, v3;
	v11 =	vor.u32 s23, v3;
	v15 =	vor.u32 s22, v3;
	v3 =	vld [tilespmem:$0x1FEC0];
	_ =	sdelay $0x1  }
0x53f: {  	v7 =	vld.idx.msk [tilespmem:v9+s10+$0x0], $0xffff  }
0x540: {  	v10 =	vld.idx.msk [tilespmem:v14+s10+$0x0], $0xffff  }
0x541: {  	v14 =	vld.idx.msk [tilespmem:v16+s10+$0x0], $0xffff  }
0x542: {  	v4 =	vld.idx.msk [tilespmem:v6+s10+$0x0], $0xffff;
	v5 =	vor.u32 s21, v3;
	_ =	sdelay $0x1  }
0x543: {  	[tilespmem:v8+s13+$0x0] =	vst.idx.msk $0xffff, v7  }
0x544: {  	v9 =	vor.u32 v41, v0;
	[tilespmem:v11+s13+$0x0] =	vst.idx.msk $0xffff, v10  }
0x545: {  	v13 =	vor.u32 v41, v57;
	[tilespmem:v15+s13+$0x0] =	vst.idx.msk $0xffff, v14  }
0x546: {  	v16 =	vor.u32 v41, v2;
	v6 =	vor.u32 v42, v1;
	[tilespmem:v5+s13+$0x0] =	vst.idx.msk $0xffff, v4  }
0x547: {  	v8 =	vor.u32 s20, v3;
	v11 =	vor.u32 s23, v3;
	v15 =	vor.u32 s22, v3;
	v3 =	vld [tilespmem:$0x1FED0];
	_ =	sdelay $0x1  }
0x548: {  	v7 =	vld.idx.msk [tilespmem:v9+s10+$0x0], $0xffff  }
0x549: {  	v10 =	vld.idx.msk [tilespmem:v13+s10+$0x0], $0xffff  }
0x54a: {  	v14 =	vld.idx.msk [tilespmem:v16+s10+$0x0], $0xffff  }
0x54b: {  	v4 =	vld.idx.msk [tilespmem:v6+s10+$0x0], $0xffff;
	v5 =	vor.u32 s21, v3;
	_ =	sdelay $0x1  }
0x54c: {  	[tilespmem:v8+s13+$0x0] =	vst.idx.msk $0xffff, v7  }
0x54d: {  	v9 =	vor.u32 v42, v0;
	[tilespmem:v11+s13+$0x0] =	vst.idx.msk $0xffff, v10  }
0x54e: {  	v13 =	vor.u32 v42, v57;
	[tilespmem:v15+s13+$0x0] =	vst.idx.msk $0xffff, v14  }
0x54f: {  	v16 =	vor.u32 v42, v2;
	v6 =	vor.u32 v43, v1;
	[tilespmem:v5+s13+$0x0] =	vst.idx.msk $0xffff, v4  }
0x550: {  	v8 =	vor.u32 s20, v3;
	v11 =	vor.u32 s23, v3;
	v15 =	vor.u32 s22, v3;
	v3 =	vld [tilespmem:$0x1FEE0];
	_ =	sdelay $0x1  }
0x551: {  	v7 =	vld.idx.msk [tilespmem:v9+s10+$0x0], $0xffff  }
0x552: {  	v10 =	vld.idx.msk [tilespmem:v13+s10+$0x0], $0xffff  }
0x553: {  	v14 =	vld.idx.msk [tilespmem:v16+s10+$0x0], $0xffff  }
0x554: {  	v4 =	vld.idx.msk [tilespmem:v6+s10+$0x0], $0xffff;
	v5 =	vor.u32 s21, v3;
	_ =	sdelay $0x1  }
0x555: {  	[tilespmem:v8+s13+$0x0] =	vst.idx.msk $0xffff, v7  }
0x556: {  	v9 =	vor.u32 v43, v0;
	[tilespmem:v11+s13+$0x0] =	vst.idx.msk $0xffff, v10  }
0x557: {  	v13 =	vor.u32 v43, v57;
	[tilespmem:v15+s13+$0x0] =	vst.idx.msk $0xffff, v14  }
0x558: {  	v16 =	vor.u32 v43, v2;
	v6 =	vor.u32 v45, v1;
	[tilespmem:v5+s13+$0x0] =	vst.idx.msk $0xffff, v4  }
0x559: {  	v8 =	vor.u32 s20, v3;
	v11 =	vor.u32 s23, v3;
	v15 =	vor.u32 s22, v3;
	v3 =	vld [tilespmem:$0x1FFD0];
	_ =	sdelay $0x1  }
0x55a: {  	v7 =	vld.idx.msk [tilespmem:v9+s10+$0x0], $0xffff  }
0x55b: {  	v10 =	vld.idx.msk [tilespmem:v13+s10+$0x0], $0xffff  }
0x55c: {  	v14 =	vld.idx.msk [tilespmem:v16+s10+$0x0], $0xffff  }
0x55d: {  	v4 =	vld.idx.msk [tilespmem:v6+s10+$0x0], $0xffff;
	v5 =	vor.u32 s21, v3;
	_ =	sdelay $0x1  }
0x55e: {  	[tilespmem:v8+s13+$0x0] =	vst.idx.msk $0xffff, v7  }
0x55f: {  	v9 =	vor.u32 v45, v0;
	[tilespmem:v11+s13+$0x0] =	vst.idx.msk $0xffff, v10  }
0x560: {  	v13 =	vor.u32 v45, v57;
	[tilespmem:v15+s13+$0x0] =	vst.idx.msk $0xffff, v14  }
0x561: {  	v16 =	vor.u32 v45, v2;
	v6 =	vor.u32 v46, v1;
	[tilespmem:v5+s13+$0x0] =	vst.idx.msk $0xffff, v4  }
0x562: {  	v8 =	vor.u32 s20, v3;
	v11 =	vor.u32 s23, v3;
	v15 =	vor.u32 s22, v3;
	v3 =	vld [tilespmem:$0x1FFE0];
	_ =	sdelay $0x1  }
0x563: {  	v7 =	vld.idx.msk [tilespmem:v9+s10+$0x0], $0xffff  }
0x564: {  	v10 =	vld.idx.msk [tilespmem:v13+s10+$0x0], $0xffff  }
0x565: {  	v14 =	vld.idx.msk [tilespmem:v16+s10+$0x0], $0xffff  }
0x566: {  	v4 =	vld.idx.msk [tilespmem:v6+s10+$0x0], $0xffff;
	v5 =	vor.u32 s21, v3;
	_ =	sdelay $0x1  }
0x567: {  	[tilespmem:v8+s13+$0x0] =	vst.idx.msk $0xffff, v7  }
0x568: {  	v9 =	vor.u32 v46, v0;
	[tilespmem:v11+s13+$0x0] =	vst.idx.msk $0xffff, v10  }
0x569: {  	v13 =	vor.u32 v46, v57;
	[tilespmem:v15+s13+$0x0] =	vst.idx.msk $0xffff, v14  }
0x56a: {  	v16 =	vor.u32 v46, v2;
	v6 =	vor.u32 v47, v1;
	[tilespmem:v5+s13+$0x0] =	vst.idx.msk $0xffff, v4  }
0x56b: {  	v8 =	vor.u32 s20, v3;
	v11 =	vor.u32 s23, v3;
	v15 =	vor.u32 s22, v3;
	v3 =	vld [tilespmem:$0x1FFF0];
	_ =	sdelay $0x1  }
0x56c: {  	v7 =	vld.idx.msk [tilespmem:v9+s10+$0x0], $0xffff  }
0x56d: {  	v10 =	vld.idx.msk [tilespmem:v13+s10+$0x0], $0xffff  }
0x56e: {  	v14 =	vld.idx.msk [tilespmem:v16+s10+$0x0], $0xffff  }
0x56f: {  	v4 =	vld.idx.msk [tilespmem:v6+s10+$0x0], $0xffff;
	v5 =	vor.u32 s21, v3;
	_ =	sdelay $0x1  }
0x570: {  	[tilespmem:v8+s13+$0x0] =	vst.idx.msk $0xffff, v7  }
0x571: {  	v9 =	vor.u32 v47, v0;
	[tilespmem:v11+s13+$0x0] =	vst.idx.msk $0xffff, v10  }
0x572: {  	v13 =	vor.u32 v47, v57;
	[tilespmem:v15+s13+$0x0] =	vst.idx.msk $0xffff, v14  }
0x573: {  	v16 =	vor.u32 v47, v2;
	v6 =	vor.u32 v48, v1;
	[tilespmem:v5+s13+$0x0] =	vst.idx.msk $0xffff, v4  }
0x574: {  	v8 =	vor.u32 s20, v3;
	v11 =	vor.u32 s23, v3;
	v15 =	vor.u32 s22, v3;
	v3 =	vld [tilespmem:$0x1FEF0];
	_ =	sdelay $0x1  }
0x575: {  	v7 =	vld.idx.msk [tilespmem:v9+s10+$0x0], $0xffff  }
0x576: {  	v10 =	vld.idx.msk [tilespmem:v13+s10+$0x0], $0xffff  }
0x577: {  	v14 =	vld.idx.msk [tilespmem:v16+s10+$0x0], $0xffff  }
0x578: {  	v4 =	vld.idx.msk [tilespmem:v6+s10+$0x0], $0xffff;
	v5 =	vor.u32 s21, v3;
	_ =	sdelay $0x1  }
0x579: {  	[tilespmem:v8+s13+$0x0] =	vst.idx.msk $0xffff, v7  }
0x57a: {  	v9 =	vor.u32 v48, v0;
	[tilespmem:v11+s13+$0x0] =	vst.idx.msk $0xffff, v10  }
0x57b: {  	v13 =	vor.u32 v48, v57;
	[tilespmem:v15+s13+$0x0] =	vst.idx.msk $0xffff, v14  }
0x57c: {  	v16 =	vor.u32 v48, v2;
	v6 =	vor.u32 v61, v1;
	[tilespmem:v5+s13+$0x0] =	vst.idx.msk $0xffff, v4  }
0x57d: {  	v8 =	vor.u32 s20, v3;
	v11 =	vor.u32 s23, v3;
	v15 =	vor.u32 s22, v3;
	v3 =	vld [tilespmem:$0x1FF30];
	_ =	sdelay $0x1  }
0x57e: {  	v7 =	vld.idx.msk [tilespmem:v9+s10+$0x0], $0xffff  }
0x57f: {  	v10 =	vld.idx.msk [tilespmem:v13+s10+$0x0], $0xffff  }
0x580: {  	v14 =	vld.idx.msk [tilespmem:v16+s10+$0x0], $0xffff  }
0x581: {  	v9 =	vor.u32 v61, v0;
	v4 =	vld.idx.msk [tilespmem:v6+s10+$0x0], $0xffff;
	v5 =	vor.u32 s21, v3;
	_ =	sdelay $0x1  }
0x582: {  	[tilespmem:v8+s13+$0x0] =	vst.idx.msk $0xffff, v7  }
0x583: {  	[tilespmem:v11+s13+$0x0] =	vst.idx.msk $0xffff, v10  }
0x584: {  	v13 =	vor.u32 v61, v57;
	[tilespmem:v15+s13+$0x0] =	vst.idx.msk $0xffff, v14  }
0x585: {  	v16 =	vor.u32 v61, v2;
	v6 =	vor.u32 v62, v1;
	v7 =	vld.idx.msk [tilespmem:v9+s10+$0x0], $0xffff;
	[tilespmem:v5+s13+$0x0] =	vst.idx.msk $0xffff, v4  }
0x586: {  	v8 =	vor.u32 s20, v3;
	v11 =	vor.u32 s23, v3;
	v15 =	vor.u32 s22, v3;
	v3 =	vld [tilespmem:$0x1FF40]  }
0x587: {  	v9 =	vor.u32 v62, v0;
	_ =	sdelay $0x1  }
0x588: {  	v10 =	vld.idx.msk [tilespmem:v13+s10+$0x0], $0xffff  }
0x589: {  	v14 =	vld.idx.msk [tilespmem:v16+s10+$0x0], $0xffff  }
0x58a: {  	v4 =	vld.idx.msk [tilespmem:v6+s10+$0x0], $0xffff;
	[tilespmem:v8+s13+$0x0] =	vst.idx.msk $0xffff, v7;
	v5 =	vor.u32 s21, v3  }
0x58b: {  	v7 =	vld.idx.msk [tilespmem:v9+s10+$0x0], $0xffff;
	v8 =	vor.u32 s20, v3;
	_ =	sdelay $0x1  }
0x58c: {  	[tilespmem:v11+s13+$0x0] =	vst.idx.msk $0xffff, v10  }
0x58d: {  	[tilespmem:v15+s13+$0x0] =	vst.idx.msk $0xffff, v14  }
0x58e: {  	v13 =	vor.u32 v62, v57;
	[tilespmem:v5+s13+$0x0] =	vst.idx.msk $0xffff, v4  }
0x58f: {  	v16 =	vor.u32 v62, v2;
	[tilespmem:v8+s13+$0x0] =	vst.idx.msk $0xffff, v7  }
0x590: {  	v6 =	vor.u32 v63, v1;
	v8 =	vld [tilespmem:$0x1FF50]  }
0x591: {  	v9 =	vor.u32 v63, v0;
	_ =	sdelay $0x1  }
0x592: {  	v10 =	vld.idx.msk [tilespmem:v13+s10+$0x0], $0xffff;
	v11 =	vor.u32 s23, v3  }
0x593: {  	v14 =	vld.idx.msk [tilespmem:v16+s10+$0x0], $0xffff;
	v15 =	vor.u32 s22, v3  }
0x594: {  	v4 =	vld.idx.msk [tilespmem:v6+s10+$0x0], $0xffff;
	v5 =	vor.u32 s21, v8  }
0x595: {  	v6 =	vld.idx.msk [tilespmem:v9+s10+$0x0], $0xffff;
	v7 =	vor.u32 s20, v8;
	_ =	sdelay $0x1  }
0x596: {  	v13 =	vor.u32 v63, v57;
	[tilespmem:v11+s13+$0x0] =	vst.idx.msk $0xffff, v10  }
0x597: {  	v16 =	vor.u32 v63, v2;
	[tilespmem:v15+s13+$0x0] =	vst.idx.msk $0xffff, v14  }
0x598: {  	v14 =	vld [tilespmem:$0x1FD50];
	[tilespmem:v5+s13+$0x0] =	vst.idx.msk $0xffff, v4  }
0x599: {  	[tilespmem:v7+s13+$0x0] =	vst.idx.msk $0xffff, v6  }
0x59a: {  	v1 =	vor.u32 v30, v1;
	v7 =	vld [tilespmem:$0x1FE40]  }
0x59b: {  	v0 =	vor.u32 v30, v0;
	v13 =	vld.idx.msk [tilespmem:v13+s10+$0x0], $0xffff;
	v9 =	vor.u32 s23, v8  }
0x59c: {  	v3 =	vor.u32 v30, v57;
	v10 =	vld.idx.msk [tilespmem:v16+s10+$0x0], $0xffff;
	v11 =	vor.u32 s22, v8  }
0x59d: {  	v2 =	vor.u32 v30, v2;
	_ =	sdelay $0x1  }
0x59e: {  	v1 =	vld.idx.msk [tilespmem:v1+s10+$0x0], $0xffff;
	v4 =	vor.u32 s21, v7  }
0x59f: {  	v0 =	vld.idx.msk [tilespmem:v0+s10+$0x0], $0xffff;
	[tilespmem:v9+s13+$0x0] =	vst.idx.msk $0xffff, v13;
	v5 =	vor.u32 s20, v7  }
0x5a0: {  	[tilespmem:v11+s13+$0x0] =	vst.idx.msk $0xffff, v10;
	v3 =	vld.idx.msk [tilespmem:v3+s10+$0x0], $0xffff;
	v6 =	vor.u32 s23, v7  }
0x5a1: {  	v2 =	vld.idx.msk [tilespmem:v2+s10+$0x0], $0xffff;
	v7 =	vor.u32 s22, v7;
	_ =	sdelay $0x1  }
0x5a2: {  	s31 =	sshll.u32 s18, $0x13;
	[tilespmem:v4+s13+$0x0] =	vst.idx.msk $0xffff, v1  }
0x5a3: {  	s20 =	sor.u32 s6, s31;
	[tilespmem:v5+s13+$0x0] =	vst.idx.msk $0xffff, v0  }
0x5a4: {  	s20 =	sshrl.u32 s20, $0x3;
	[tilespmem:v6+s13+$0x0] =	vst.idx.msk $0xffff, v3  }
0x5a5: {  	s21 =	simm.s32 $0x0;
	s20 =	sadd.s32 s2, s20;
	[tilespmem:v7+s13+$0x0] =	vst.idx.msk $0xffff, v2  }
0x5a6: {  	[hbm4b:s20+s14] =	stream.strided.scatter [tilespmem:s13], [sflag:$0x3], $0x2000, s15, s14, $0x38;
	[tilespmem:$0xB900] =	vst v63  }
0x5a7: {  	v0 =	vmov s21;
	s20 =	simm.s32 $0x10  }
0x5a8: {  	v0 =	vshll.u32 v0, $0x7;
	_ =	swait.ge [sflag:s8], $0x2000;
	v1 =	vmov s20  }
0x5a9: {  	v3 =	vlaneseq.u32;
	v0 =	vor.u32 v14, v0;
	[sflag:s8] =	ssyncset.done $0x0;
	v1 =	vshll.u32 v1, $0x7  }
0x5aa: {  	p0 =	seq.s32 s18, $0x18;
	v2 =	vor.u32 v3, v0;
	[sflag:s8] =	ssyncadd.s32 $0xFFFFE000;
	v1 =	vor.u32 v14, v1  }
0x5ab: {  	s22 =	sshll.u32 @!p0 s18, $0x8;
	_ =	swait.ge [sflag:s16], $0x4000;
	v3 =	vor.u32 v3, v1  }
0x5ac: {  	s24 =	simm.s32 @!p0 $0x1900;
	s22 =	sand.u32 @!p0 $0x3FFFFF00, s22;
	[sflag:s16] =	ssyncset.done $0x0  }
0x5ad: {  	s23 =	simm.s32 @!p0 $0x80;
	s22 =	sadd.s32 @!p0 $0x100, s22;
	[sflag:s16] =	ssyncadd.s32 $0xFFFFC000  }
0x5ae: {  	[tilespmem:s24], [sflag:$0x1] =	stream.indirect.gather @!p0 [hbm4b:s4+s23], $0x80, s22, s23, $0xb8;
	[tilespmem:$0xB900] =	vst v63  }
0x5af: {  	v4 =	vor.u32 s21, v37;
	v2 =	vld.idx.msk [tilespmem:v2+s12+$0x0], $0xffff  }
0x5b0: {  	v6 =	vor.u32 s20, v37;
	v5 =	vor.u32 v17, v0;
	v3 =	vld.idx.msk [tilespmem:v3+s12+$0x0], $0xffff  }
0x5b1: {  	v7 =	vor.u32 v17, v1;
	_ =	sdelay $0x2  }
0x5b2: {  	[tilespmem:v4+s13+$0x0] =	vst.idx.msk $0xffff, v2  }
0x5b3: {  	v2 =	vld.idx.msk [tilespmem:v5+s12+$0x0], $0xffff;
	[tilespmem:v6+s13+$0x0] =	vst.idx.msk $0xffff, v3;
	v3 =	vor.u32 s21, v18  }
0x5b4: {  	v5 =	vor.u32 v19, v0;
	v6 =	vor.u32 s20, v18;
	v4 =	vld.idx.msk [tilespmem:v7+s12+$0x0], $0xffff  }
0x5b5: {  	v7 =	vor.u32 v19, v1;
	_ =	sdelay $0x2  }
0x5b6: {  	[tilespmem:v3+s13+$0x0] =	vst.idx.msk $0xffff, v2  }
0x5b7: {  	v3 =	vor.u32 s21, v49;
	v2 =	vld.idx.msk [tilespmem:v5+s12+$0x0], $0xffff;
	[tilespmem:v6+s13+$0x0] =	vst.idx.msk $0xffff, v4  }
0x5b8: {  	v5 =	vor.u32 v21, v0;
	v6 =	vor.u32 s20, v49;
	v4 =	vld.idx.msk [tilespmem:v7+s12+$0x0], $0xffff  }
0x5b9: {  	v7 =	vor.u32 v21, v1;
	_ =	sdelay $0x2  }
0x5ba: {  	[tilespmem:v3+s13+$0x0] =	vst.idx.msk $0xffff, v2  }
0x5bb: {  	v3 =	vor.u32 s21, v24;
	v2 =	vld.idx.msk [tilespmem:v5+s12+$0x0], $0xffff;
	[tilespmem:v6+s13+$0x0] =	vst.idx.msk $0xffff, v4  }
0x5bc: {  	v5 =	vor.u32 v25, v0;
	v6 =	vor.u32 s20, v24;
	v4 =	vld.idx.msk [tilespmem:v7+s12+$0x0], $0xffff  }
0x5bd: {  	v7 =	vor.u32 v25, v1;
	_ =	sdelay $0x2  }
0x5be: {  	[tilespmem:v3+s13+$0x0] =	vst.idx.msk $0xffff, v2  }
0x5bf: {  	v3 =	vor.u32 s21, v26;
	v2 =	vld.idx.msk [tilespmem:v5+s12+$0x0], $0xffff;
	[tilespmem:v6+s13+$0x0] =	vst.idx.msk $0xffff, v4  }
0x5c0: {  	v6 =	vor.u32 s20, v26;
	v4 =	vld.idx.msk [tilespmem:v7+s12+$0x0], $0xffff;
	_ =	sdelay $0x3  }
0x5c1: {  	[tilespmem:v3+s13+$0x0] =	vst.idx.msk $0xffff, v2  }
0x5c2: {  	[tilespmem:v6+s13+$0x0] =	vst.idx.msk $0xffff, v4  }
0x5c3: {  	v5 =	vor.u32 v44, v0;
	v6 =	vld [tilespmem:$0x1F800]  }
0x5c4: {  	v7 =	vor.u32 v44, v1;
	_ =	sdelay $0x3  }
0x5c5: {  	v2 =	vld.idx.msk [tilespmem:v5+s12+$0x0], $0xffff;
	v3 =	vor.u32 s21, v6  }
0x5c6: {  	v4 =	vld.idx.msk [tilespmem:v7+s12+$0x0], $0xffff;
	v6 =	vor.u32 s20, v6;
	_ =	sdelay $0x3  }
0x5c7: {  	[tilespmem:v3+s13+$0x0] =	vst.idx.msk $0xffff, v2  }
0x5c8: {  	[tilespmem:v6+s13+$0x0] =	vst.idx.msk $0xffff, v4  }
0x5c9: {  	v5 =	vor.u32 v39, v0;
	v6 =	vld [tilespmem:$0x1F820]  }
0x5ca: {  	v7 =	vor.u32 v39, v1;
	_ =	sdelay $0x3  }
0x5cb: {  	v2 =	vld.idx.msk [tilespmem:v5+s12+$0x0], $0xffff;
	v3 =	vor.u32 s21, v6  }
0x5cc: {  	v4 =	vld.idx.msk [tilespmem:v7+s12+$0x0], $0xffff;
	v5 =	vor.u32 v20, v0;
	v6 =	vor.u32 s20, v6  }
0x5cd: {  	v7 =	vor.u32 v20, v1;
	_ =	sdelay $0x2  }
0x5ce: {  	[tilespmem:v3+s13+$0x0] =	vst.idx.msk $0xffff, v2  }
0x5cf: {  	[tilespmem:v6+s13+$0x0] =	vst.idx.msk $0xffff, v4;
	v3 =	vor.u32 s21, v12;
	v2 =	vld.idx.msk [tilespmem:v5+s12+$0x0], $0xffff  }
0x5d0: {  	v6 =	vor.u32 s20, v12;
	v4 =	vld.idx.msk [tilespmem:v7+s12+$0x0], $0xffff;
	v5 =	vor.u32 v51, v0  }
0x5d1: {  	v7 =	vor.u32 v51, v1;
	_ =	sdelay $0x2  }
0x5d2: {  	[tilespmem:v3+s13+$0x0] =	vst.idx.msk $0xffff, v2  }
0x5d3: {  	[tilespmem:v6+s13+$0x0] =	vst.idx.msk $0xffff, v4;
	v3 =	vor.u32 s21, v52;
	v2 =	vld.idx.msk [tilespmem:v5+s12+$0x0], $0xffff  }
0x5d4: {  	v6 =	vor.u32 s20, v52;
	v4 =	vld.idx.msk [tilespmem:v7+s12+$0x0], $0xffff;
	v5 =	vor.u32 v53, v0  }
0x5d5: {  	v7 =	vor.u32 v53, v1;
	_ =	sdelay $0x2  }
0x5d6: {  	[tilespmem:v3+s13+$0x0] =	vst.idx.msk $0xffff, v2  }
0x5d7: {  	[tilespmem:v6+s13+$0x0] =	vst.idx.msk $0xffff, v4;
	v3 =	vor.u32 s21, v54;
	v2 =	vld.idx.msk [tilespmem:v5+s12+$0x0], $0xffff  }
0x5d8: {  	v6 =	vor.u32 s20, v54;
	v4 =	vld.idx.msk [tilespmem:v7+s12+$0x0], $0xffff;
	_ =	sdelay $0x3  }
0x5d9: {  	[tilespmem:v3+s13+$0x0] =	vst.idx.msk $0xffff, v2  }
0x5da: {  	v5 =	vor.u32 v55, v0;
	[tilespmem:v6+s13+$0x0] =	vst.idx.msk $0xffff, v4  }
0x5db: {  	v7 =	vor.u32 v55, v1;
	v6 =	vld [tilespmem:$0x1FF90];
	_ =	sdelay $0x3  }
0x5dc: {  	v2 =	vld.idx.msk [tilespmem:v5+s12+$0x0], $0xffff  }
0x5dd: {  	v4 =	vld.idx.msk [tilespmem:v7+s12+$0x0], $0xffff;
	v3 =	vor.u32 s21, v6  }
0x5de: {  	v7 =	vld [tilespmem:$0x1FFA0];
	v6 =	vor.u32 s20, v6;
	_ =	sdelay $0x3  }
0x5df: {  	[tilespmem:v3+s13+$0x0] =	vst.idx.msk $0xffff, v2  }
0x5e0: {  	v5 =	vor.u32 v7, v0;
	[tilespmem:v6+s13+$0x0] =	vst.idx.msk $0xffff, v4  }
0x5e1: {  	v7 =	vor.u32 v7, v1;
	v10 =	vld [tilespmem:$0x1FB70];
	_ =	sdelay $0x3  }
0x5e2: {  	v2 =	vld.idx.msk [tilespmem:v5+s12+$0x0], $0xffff  }
0x5e3: {  	v4 =	vld.idx.msk [tilespmem:v7+s12+$0x0], $0xffff;
	v3 =	vor.u32 s21, v10  }
0x5e4: {  	v11 =	vld [tilespmem:$0x1FB80];
	v6 =	vor.u32 s20, v10;
	_ =	sdelay $0x3  }
0x5e5: {  	[tilespmem:v3+s13+$0x0] =	vst.idx.msk $0xffff, v2  }
0x5e6: {  	v5 =	vor.u32 v11, v0;
	[tilespmem:v6+s13+$0x0] =	vst.idx.msk $0xffff, v4  }
0x5e7: {  	v7 =	vor.u32 v11, v1;
	v13 =	vld [tilespmem:$0x1FF80];
	_ =	sdelay $0x3  }
0x5e8: {  	v2 =	vld.idx.msk [tilespmem:v5+s12+$0x0], $0xffff  }
0x5e9: {  	v4 =	vld.idx.msk [tilespmem:v7+s12+$0x0], $0xffff;
	v3 =	vor.u32 s21, v13  }
0x5ea: {  	v15 =	vld [tilespmem:$0x1FFC0];
	v6 =	vor.u32 s20, v13;
	_ =	sdelay $0x3  }
0x5eb: {  	[tilespmem:v3+s13+$0x0] =	vst.idx.msk $0xffff, v2  }
0x5ec: {  	v5 =	vor.u32 v15, v0;
	[tilespmem:v6+s13+$0x0] =	vst.idx.msk $0xffff, v4  }
0x5ed: {  	v16 =	vld [tilespmem:$0x1FFB0]  }
0x5ee: {  	v7 =	vor.u32 v15, v1;
	_ =	sdelay $0x2  }
0x5ef: {  	v2 =	vld.idx.msk [tilespmem:v5+s12+$0x0], $0xffff  }
0x5f0: {  	v31 =	vld [tilespmem:$0x1F840];
	v3 =	vor.u32 s21, v16  }
0x5f1: {  	v4 =	vld.idx.msk [tilespmem:v7+s12+$0x0], $0xffff;
	v6 =	vor.u32 s20, v16;
	_ =	sdelay $0x3  }
0x5f2: {  	v5 =	vor.u32 v31, v0;
	[tilespmem:v3+s13+$0x0] =	vst.idx.msk $0xffff, v2  }
0x5f3: {  	v7 =	vor.u32 v31, v1;
	[tilespmem:v6+s13+$0x0] =	vst.idx.msk $0xffff, v4  }
0x5f4: {  	v6 =	vld [tilespmem:$0x1F850];
	_ =	sdelay $0x2  }
0x5f5: {  	v2 =	vld.idx.msk [tilespmem:v5+s12+$0x0], $0xffff  }
0x5f6: {  	v4 =	vld.idx.msk [tilespmem:v7+s12+$0x0], $0xffff  }
0x5f7: {  	v7 =	vld [tilespmem:$0x1F860];
	v3 =	vor.u32 s21, v6  }
0x5f8: {  	v6 =	vor.u32 s20, v6;
	_ =	sdelay $0x3  }
0x5f9: {  	v5 =	vor.u32 v7, v0;
	[tilespmem:v3+s13+$0x0] =	vst.idx.msk $0xffff, v2  }
0x5fa: {  	v7 =	vor.u32 v7, v1;
	[tilespmem:v6+s13+$0x0] =	vst.idx.msk $0xffff, v4  }
0x5fb: {  	v6 =	vld [tilespmem:$0x1F870];
	_ =	sdelay $0x2  }
0x5fc: {  	v2 =	vld.idx.msk [tilespmem:v5+s12+$0x0], $0xffff  }
0x5fd: {  	v4 =	vld.idx.msk [tilespmem:v7+s12+$0x0], $0xffff  }
0x5fe: {  	v7 =	vld [tilespmem:$0x1FE30];
	v3 =	vor.u32 s21, v6  }
0x5ff: {  	v6 =	vor.u32 s20, v6;
	_ =	sdelay $0x3  }
0x600: {  	v5 =	vor.u32 v7, v0;
	[tilespmem:v3+s13+$0x0] =	vst.idx.msk $0xffff, v2  }
0x601: {  	v7 =	vor.u32 v7, v1;
	[tilespmem:v6+s13+$0x0] =	vst.idx.msk $0xffff, v4  }
0x602: {  	v6 =	vld [tilespmem:$0x1FE50];
	_ =	sdelay $0x2  }
0x603: {  	v2 =	vld.idx.msk [tilespmem:v5+s12+$0x0], $0xffff  }
0x604: {  	v4 =	vld.idx.msk [tilespmem:v7+s12+$0x0], $0xffff  }
0x605: {  	v7 =	vld [tilespmem:$0x1FF70];
	v3 =	vor.u32 s21, v6  }
0x606: {  	v6 =	vor.u32 s20, v6;
	_ =	sdelay $0x3  }
0x607: {  	v5 =	vor.u32 v7, v0;
	[tilespmem:v3+s13+$0x0] =	vst.idx.msk $0xffff, v2  }
0x608: {  	v7 =	vor.u32 v7, v1;
	[tilespmem:v6+s13+$0x0] =	vst.idx.msk $0xffff, v4  }
0x609: {  	v6 =	vld [tilespmem:$0x1F880];
	_ =	sdelay $0x2  }
0x60a: {  	v2 =	vld.idx.msk [tilespmem:v5+s12+$0x0], $0xffff  }
0x60b: {  	v4 =	vld.idx.msk [tilespmem:v7+s12+$0x0], $0xffff  }
0x60c: {  	v7 =	vld [tilespmem:$0x1FF60];
	v3 =	vor.u32 s21, v6  }
0x60d: {  	v6 =	vor.u32 s20, v6;
	_ =	sdelay $0x3  }
0x60e: {  	v5 =	vor.u32 v7, v0;
	[tilespmem:v3+s13+$0x0] =	vst.idx.msk $0xffff, v2  }
0x60f: {  	v7 =	vor.u32 v7, v1;
	[tilespmem:v6+s13+$0x0] =	vst.idx.msk $0xffff, v4  }
0x610: {  	v6 =	vld [tilespmem:$0x1FF00];
	_ =	sdelay $0x2  }
0x611: {  	v2 =	vld.idx.msk [tilespmem:v5+s12+$0x0], $0xffff  }
0x612: {  	v4 =	vld.idx.msk [tilespmem:v7+s12+$0x0], $0xffff  }
0x613: {  	v7 =	vld [tilespmem:$0x1F710];
	v3 =	vor.u32 s21, v6  }
0x614: {  	v6 =	vor.u32 s20, v6;
	_ =	sdelay $0x3  }
0x615: {  	v5 =	vor.u32 v7, v0;
	[tilespmem:v3+s13+$0x0] =	vst.idx.msk $0xffff, v2  }
0x616: {  	v7 =	vor.u32 v7, v1;
	[tilespmem:v6+s13+$0x0] =	vst.idx.msk $0xffff, v4  }
0x617: {  	v6 =	vld [tilespmem:$0x1F8D0];
	_ =	sdelay $0x2  }
0x618: {  	v2 =	vld.idx.msk [tilespmem:v5+s12+$0x0], $0xffff  }
0x619: {  	v4 =	vld.idx.msk [tilespmem:v7+s12+$0x0], $0xffff  }
0x61a: {  	v7 =	vld [tilespmem:$0x1F720];
	v3 =	vor.u32 s21, v6  }
0x61b: {  	v6 =	vor.u32 s20, v6;
	_ =	sdelay $0x3  }
0x61c: {  	v5 =	vor.u32 v7, v0;
	[tilespmem:v3+s13+$0x0] =	vst.idx.msk $0xffff, v2  }
0x61d: {  	v7 =	vor.u32 v7, v1;
	[tilespmem:v6+s13+$0x0] =	vst.idx.msk $0xffff, v4  }
0x61e: {  	v6 =	vld [tilespmem:$0x1FF10];
	_ =	sdelay $0x2  }
0x61f: {  	v2 =	vld.idx.msk [tilespmem:v5+s12+$0x0], $0xffff  }
0x620: {  	v4 =	vld.idx.msk [tilespmem:v7+s12+$0x0], $0xffff  }
0x621: {  	v7 =	vld [tilespmem:$0x1F730];
	v3 =	vor.u32 s21, v6  }
0x622: {  	v6 =	vor.u32 s20, v6;
	_ =	sdelay $0x3  }
0x623: {  	v5 =	vor.u32 v7, v0;
	v7 =	vor.u32 v7, v1;
	[tilespmem:v3+s13+$0x0] =	vst.idx.msk $0xffff, v2  }
0x624: {  	[tilespmem:v6+s13+$0x0] =	vst.idx.msk $0xffff, v4  }
0x625: {  	v6 =	vld [tilespmem:$0x1FF20];
	_ =	sdelay $0x2  }
0x626: {  	v4 =	vld.idx.msk [tilespmem:v7+s12+$0x0], $0xffff  }
0x627: {  	v7 =	vld [tilespmem:$0x1F740]  }
0x628: {  	v2 =	vld.idx.msk [tilespmem:v5+s12+$0x0], $0xffff;
	v3 =	vor.u32 s21, v6  }
0x629: {  	v6 =	vor.u32 s20, v6;
	_ =	sdelay $0x2  }
0x62a: {  	v5 =	vor.u32 v7, v0;
	v7 =	vor.u32 v7, v1  }
0x62b: {  	[tilespmem:v3+s13+$0x0] =	vst.idx.msk $0xffff, v2  }
0x62c: {  	[tilespmem:v6+s13+$0x0] =	vst.idx.msk $0xffff, v4  }
0x62d: {  	v6 =	vld [tilespmem:$0x1F920];
	_ =	sdelay $0x1  }
0x62e: {  	v4 =	vld.idx.msk [tilespmem:v7+s12+$0x0], $0xffff  }
0x62f: {  	v7 =	vld [tilespmem:$0x1F750];
	_ =	sdelay $0x1  }
0x630: {  	v2 =	vld.idx.msk [tilespmem:v5+s12+$0x0], $0xffff;
	v3 =	vor.u32 s21, v6  }
0x631: {  	v6 =	vor.u32 s20, v6;
	_ =	sdelay $0x1  }
0x632: {  	v5 =	vor.u32 v7, v0;
	v7 =	vor.u32 v7, v1;
	_ =	sdelay $0x1  }
0x633: {  	[tilespmem:v3+s13+$0x0] =	vst.idx.msk $0xffff, v2  }
0x634: {  	[tilespmem:v6+s13+$0x0] =	vst.idx.msk $0xffff, v4  }
0x635: {  	v6 =	vld [tilespmem:$0x1F930]  }
0x636: {  	v4 =	vld.idx.msk [tilespmem:v7+s12+$0x0], $0xffff  }
0x637: {  	v7 =	vld [tilespmem:$0x1F760];
	_ =	sdelay $0x3  }
0x638: {  	v3 =	vor.u32 s21, v6;
	v6 =	vor.u32 s20, v6  }
0x639: {  	v2 =	vld.idx.msk [tilespmem:v5+s12+$0x0], $0xffff;
	v5 =	vor.u32 v7, v0;
	v7 =	vor.u32 v7, v1;
	_ =	sdelay $0x3  }
0x63a: {  	[tilespmem:v6+s13+$0x0] =	vst.idx.msk $0xffff, v4  }
0x63b: {  	[tilespmem:v3+s13+$0x0] =	vst.idx.msk $0xffff, v2;
	v4 =	vld.idx.msk [tilespmem:v7+s12+$0x0], $0xffff  }
0x63c: {  	v7 =	vld [tilespmem:$0x1F770];
	_ =	sdelay $0x3  }
0x63d: {  	v6 =	vor.u32 s20, v22  }
0x63e: {  	v3 =	vor.u32 s21, v22;
	v2 =	vld.idx.msk [tilespmem:v5+s12+$0x0], $0xffff;
	v5 =	vor.u32 v7, v0;
	v7 =	vor.u32 v7, v1;
	_ =	sdelay $0x3  }
0x63f: {  	[tilespmem:v6+s13+$0x0] =	vst.idx.msk $0xffff, v4  }
0x640: {  	[tilespmem:v3+s13+$0x0] =	vst.idx.msk $0xffff, v2;
	v4 =	vld.idx.msk [tilespmem:v7+s12+$0x0], $0xffff  }
0x641: {  	v7 =	vld [tilespmem:$0x1F780]  }
0x642: {  	v3 =	vor.u32 s21, v23;
	v2 =	vld.idx.msk [tilespmem:v5+s12+$0x0], $0xffff  }
0x643: {  	v6 =	vor.u32 s20, v23;
	_ =	sdelay $0x2  }
0x644: {  	v5 =	vor.u32 v7, v0;
	v7 =	vor.u32 v7, v1  }
0x645: {  	[tilespmem:v3+s13+$0x0] =	vst.idx.msk $0xffff, v2  }
0x646: {  	[tilespmem:v6+s13+$0x0] =	vst.idx.msk $0xffff, v4  }
0x647: {  	v6 =	vld [tilespmem:$0x1F960];
	_ =	sdelay $0x1  }
0x648: {  	v4 =	vld.idx.msk [tilespmem:v7+s12+$0x0], $0xffff  }
0x649: {  	v7 =	vld [tilespmem:$0x1F790];
	_ =	sdelay $0x1  }
0x64a: {  	v2 =	vld.idx.msk [tilespmem:v5+s12+$0x0], $0xffff;
	v3 =	vor.u32 s21, v6  }
0x64b: {  	v6 =	vor.u32 s20, v6;
	_ =	sdelay $0x1  }
0x64c: {  	v5 =	vor.u32 v7, v0;
	v7 =	vor.u32 v7, v1;
	_ =	sdelay $0x1  }
0x64d: {  	[tilespmem:v3+s13+$0x0] =	vst.idx.msk $0xffff, v2  }
0x64e: {  	[tilespmem:v6+s13+$0x0] =	vst.idx.msk $0xffff, v4  }
0x64f: {  	v6 =	vld [tilespmem:$0x1F970]  }
0x650: {  	v4 =	vld.idx.msk [tilespmem:v7+s12+$0x0], $0xffff  }
0x651: {  	v7 =	vld [tilespmem:$0x1F7A0];
	_ =	sdelay $0x3  }
0x652: {  	v3 =	vor.u32 s21, v6;
	v6 =	vor.u32 s20, v6  }
0x653: {  	v2 =	vld.idx.msk [tilespmem:v5+s12+$0x0], $0xffff;
	v5 =	vor.u32 v7, v0;
	v7 =	vor.u32 v7, v1;
	_ =	sdelay $0x3  }
0x654: {  	[tilespmem:v6+s13+$0x0] =	vst.idx.msk $0xffff, v4  }
0x655: {  	[tilespmem:v3+s13+$0x0] =	vst.idx.msk $0xffff, v2;
	v4 =	vld.idx.msk [tilespmem:v7+s12+$0x0], $0xffff  }
0x656: {  	v7 =	vld [tilespmem:$0x1F7B0];
	_ =	sdelay $0x3  }
0x657: {  	v6 =	vor.u32 s20, v27  }
0x658: {  	v3 =	vor.u32 s21, v27;
	v2 =	vld.idx.msk [tilespmem:v5+s12+$0x0], $0xffff;
	v5 =	vor.u32 v7, v0;
	v7 =	vor.u32 v7, v1;
	_ =	sdelay $0x3  }
0x659: {  	[tilespmem:v6+s13+$0x0] =	vst.idx.msk $0xffff, v4  }
0x65a: {  	[tilespmem:v3+s13+$0x0] =	vst.idx.msk $0xffff, v2;
	v4 =	vld.idx.msk [tilespmem:v7+s12+$0x0], $0xffff  }
0x65b: {  	v7 =	vld [tilespmem:$0x1F7C0];
	_ =	sdelay $0x3  }
0x65c: {  	v3 =	vor.u32 s21, v28;
	v2 =	vld.idx.msk [tilespmem:v5+s12+$0x0], $0xffff  }
0x65d: {  	v6 =	vor.u32 s20, v28;
	v5 =	vor.u32 v7, v0  }
0x65e: {  	v7 =	vor.u32 v7, v1;
	_ =	sdelay $0x2  }
0x65f: {  	[tilespmem:v3+s13+$0x0] =	vst.idx.msk $0xffff, v2  }
0x660: {  	[tilespmem:v6+s13+$0x0] =	vst.idx.msk $0xffff, v4;
	v2 =	vld.idx.msk [tilespmem:v5+s12+$0x0], $0xffff  }
0x661: {  	v5 =	vld.idx.msk [tilespmem:v7+s12+$0x0], $0xffff  }
0x662: {  	v7 =	vld [tilespmem:$0x1F7D0];
	_ =	sdelay $0x1  }
0x663: {  	v3 =	vor.u32 s21, v29  }
0x664: {  	v6 =	vor.u32 s20, v29;
	_ =	sdelay $0x1  }
0x665: {  	v4 =	vor.u32 v7, v0  }
0x666: {  	v8 =	vor.u32 v7, v1  }
0x667: {  	[tilespmem:v3+s13+$0x0] =	vst.idx.msk $0xffff, v2  }
0x668: {  	[tilespmem:v6+s13+$0x0] =	vst.idx.msk $0xffff, v5  }
0x669: {  	v27 =	vmov v16;
	v16 =	vmov v31;
	v31 =	vld [tilespmem:$0x1F5F0]  }
0x66a: {  	v9 =	vor.u32 v60, v1;
	s22 =	simm.s32 $0x20;
	v22 =	vmovc v11;
	v11 =	vlaneseq.u32;
	v23 =	vmovc v10;
	v6 =	vor.u32 s21, v56;
	v4 =	vld.idx.msk [tilespmem:v4+s12+$0x0], $0xffff  }
0x66b: {  	s23 =	simm.s32 $0x30;
	s24 =	simm.s32 $0x40;
	v28 =	vmovc v15;
	v7 =	vor.u32 v60, v0;
	v2 =	vmov s22;
	v5 =	vld.idx.msk [tilespmem:v8+s12+$0x0], $0xffff;
	v8 =	vor.u32 s20, v56;
	v56 =	vmovc v13  }
.LBB2_5:
0x66c: {  	_ =	sdelay $0x1  }
0x66d: {  	v3 =	vmov s23  }
0x66e: {  	v2 =	vshll.u32 v2, $0x7;
	v3 =	vshll.u32 v3, $0x7  }
0x66f: {  	v2 =	vor.u32 v14, v2;
	v3 =	vor.u32 v14, v3  }
0x670: {  	[tilespmem:v6+s13+$0x0] =	vst.idx.msk $0xffff, v4;
	v10 =	vor.u32 v11, v2;
	v4 =	vor.u32 v11, v3;
	v11 =	vld [tilespmem:$0x1F600];
	_ =	sdelay $0x2  }
0x671: {  	v15 =	vld [tilespmem:$0x1FE20]  }
0x672: {  	[tilespmem:v8+s13+$0x0] =	vst.idx.msk $0xffff, v5;
	v5 =	vor.u32 s21, v31;
	v6 =	vld.idx.msk [tilespmem:v7+s12+$0x0], $0xffff  }
0x673: {  	v7 =	vld.idx.msk [tilespmem:v9+s12+$0x0], $0xffff;
	v9 =	vor.u32 s20, v31;
	v8 =	vor.u32 v11, v0  }
0x674: {  	v29 =	vld [tilespmem:$0x1FA00];
	v11 =	vor.u32 v11, v1  }
0x675: {  	v57 =	vmov v27;
	v27 =	vld [tilespmem:$0x1F610]  }
0x676: {  	v10 =	vld.idx.msk [tilespmem:v10+s12+$0x0], $0xffff  }
0x677: {  	v13 =	vor.u32 s22, v15;
	v15 =	vor.u32 s23, v15;
	v4 =	vld.idx.msk [tilespmem:v4+s12+$0x0], $0xffff;
	[tilespmem:v5+s13+$0x0] =	vst.idx.msk $0xffff, v6  }
0x678: {  	v5 =	vor.u32 v17, v3;
	[tilespmem:v9+s13+$0x0] =	vst.idx.msk $0xffff, v7;
	v6 =	vld.idx.msk [tilespmem:v8+s12+$0x0], $0xffff  }
0x679: {  	v8 =	vld.idx.msk [tilespmem:v11+s12+$0x0], $0xffff;
	v11 =	vor.u32 s20, v29;
	_ =	sdelay $0x2  }
0x67a: {  	v14 =	vor.u32 v17, v2;
	v7 =	vor.u32 s21, v29;
	[tilespmem:v15+s13+$0x0] =	vst.idx.msk $0xffff, v4  }
0x67b: {  	v9 =	vor.u32 v27, v0;
	[tilespmem:v13+s13+$0x0] =	vst.idx.msk $0xffff, v10;
	v5 =	vld.idx.msk [tilespmem:v5+s12+$0x0], $0xffff  }
0x67c: {  	v10 =	vor.u32 v27, v1;
	[tilespmem:v11+s13+$0x0] =	vst.idx.msk $0xffff, v8;
	v11 =	vld [tilespmem:$0x1FA10];
	_ =	sdelay $0x1  }
0x67d: {  	v27 =	vld [tilespmem:$0x1F620]  }
0x67e: {  	v15 =	vor.u32 s23, v18;
	v13 =	vld.idx.msk [tilespmem:v14+s12+$0x0], $0xffff;
	[tilespmem:v7+s13+$0x0] =	vst.idx.msk $0xffff, v6  }
0x67f: {  	v4 =	vor.u32 s22, v18;
	v6 =	vor.u32 v19, v3;
	v7 =	vld.idx.msk [tilespmem:v9+s12+$0x0], $0xffff  }
0x680: {  	v9 =	vld.idx.msk [tilespmem:v10+s12+$0x0], $0xffff;
	v8 =	vor.u32 s21, v11;
	v11 =	vor.u32 s20, v11;
	_ =	sdelay $0x2  }
0x681: {  	[tilespmem:v15+s13+$0x0] =	vst.idx.msk $0xffff, v5  }
0x682: {  	v14 =	vor.u32 v19, v2;
	[tilespmem:v4+s13+$0x0] =	vst.idx.msk $0xffff, v13;
	v6 =	vld.idx.msk [tilespmem:v6+s12+$0x0], $0xffff  }
0x683: {  	v4 =	vor.u32 v27, v1;
	[tilespmem:v11+s13+$0x0] =	vst.idx.msk $0xffff, v9;
	v11 =	vld [tilespmem:$0x1FA20];
	_ =	sdelay $0x2  }
0x684: {  	v10 =	vor.u32 v27, v0;
	v15 =	vor.u32 s23, v49;
	v27 =	vld [tilespmem:$0x1F630]  }
0x685: {  	v5 =	vor.u32 s22, v49;
	v13 =	vld.idx.msk [tilespmem:v14+s12+$0x0], $0xffff;
	[tilespmem:v8+s13+$0x0] =	vst.idx.msk $0xffff, v7;
	v7 =	vor.u32 v21, v3  }
0x686: {  	v4 =	vld.idx.msk [tilespmem:v4+s12+$0x0], $0xffff;
	v9 =	vor.u32 s21, v11;
	v11 =	vor.u32 s20, v11;
	_ =	sdelay $0x1  }
0x687: {  	v14 =	vor.u32 v21, v2  }
0x688: {  	v8 =	vld.idx.msk [tilespmem:v10+s12+$0x0], $0xffff;
	[tilespmem:v15+s13+$0x0] =	vst.idx.msk $0xffff, v6  }
0x689: {  	[tilespmem:v5+s13+$0x0] =	vst.idx.msk $0xffff, v13;
	v7 =	vld.idx.msk [tilespmem:v7+s12+$0x0], $0xffff  }
0x68a: {  	v5 =	vor.u32 v27, v1;
	[tilespmem:v11+s13+$0x0] =	vst.idx.msk $0xffff, v4;
	v11 =	vld [tilespmem:$0x1FA30];
	_ =	sdelay $0x1  }
0x68b: {  	v10 =	vor.u32 v27, v0;
	v6 =	vor.u32 s22, v24;
	v13 =	vld.idx.msk [tilespmem:v14+s12+$0x0], $0xffff  }
0x68c: {  	v15 =	vor.u32 s23, v24;
	v27 =	vld [tilespmem:$0x1F640]  }
0x68d: {  	[tilespmem:v9+s13+$0x0] =	vst.idx.msk $0xffff, v8;
	v8 =	vor.u32 v25, v3  }
0x68e: {  	v5 =	vld.idx.msk [tilespmem:v5+s12+$0x0], $0xffff;
	v4 =	vor.u32 s21, v11;
	v11 =	vor.u32 s20, v11;
	_ =	sdelay $0x1  }
0x68f: {  	v14 =	vor.u32 v25, v2;
	v9 =	vld.idx.msk [tilespmem:v10+s12+$0x0], $0xffff;
	[tilespmem:v6+s13+$0x0] =	vst.idx.msk $0xffff, v13  }
0x690: {  	v10 =	vor.u32 v27, v0;
	v6 =	vor.u32 v27, v1;
	[tilespmem:v15+s13+$0x0] =	vst.idx.msk $0xffff, v7;
	v27 =	vld [tilespmem:$0x1F7F0]  }
0x691: {  	v8 =	vld.idx.msk [tilespmem:v8+s12+$0x0], $0xffff  }
0x692: {  	[tilespmem:v11+s13+$0x0] =	vst.idx.msk $0xffff, v5;
	v11 =	vld [tilespmem:$0x1FA40];
	_ =	sdelay $0x1  }
0x693: {  	v15 =	vor.u32 s23, v26  }
0x694: {  	v13 =	vld.idx.msk [tilespmem:v14+s12+$0x0], $0xffff;
	[tilespmem:v4+s13+$0x0] =	vst.idx.msk $0xffff, v9;
	v4 =	vor.u32 v27, v3  }
0x695: {  	v7 =	vor.u32 s22, v26;
	v14 =	vor.u32 v27, v2;
	v27 =	vld [tilespmem:$0x1F650]  }
0x696: {  	v6 =	vld.idx.msk [tilespmem:v6+s12+$0x0], $0xffff;
	v5 =	vor.u32 s21, v11;
	v11 =	vor.u32 s20, v11  }
0x697: {  	v9 =	vld.idx.msk [tilespmem:v10+s12+$0x0], $0xffff  }
0x698: {  	[tilespmem:v15+s13+$0x0] =	vst.idx.msk $0xffff, v8;
	v15 =	vld [tilespmem:$0x1F800]  }
0x699: {  	v4 =	vld.idx.msk [tilespmem:v4+s12+$0x0], $0xffff  }
0x69a: {  	[tilespmem:v7+s13+$0x0] =	vst.idx.msk $0xffff, v13;
	v10 =	vor.u32 v27, v0;
	v7 =	vor.u32 v27, v1;
	v27 =	vld [tilespmem:$0x1F810]  }
0x69b: {  	[tilespmem:v11+s13+$0x0] =	vst.idx.msk $0xffff, v6;
	v11 =	vld [tilespmem:$0x1FA50];
	_ =	sdelay $0x2  }
0x69c: {  	v13 =	vld.idx.msk [tilespmem:v14+s12+$0x0], $0xffff;
	v8 =	vor.u32 s22, v15;
	v15 =	vor.u32 s23, v15  }
0x69d: {  	v14 =	vor.u32 v27, v2;
	[tilespmem:v5+s13+$0x0] =	vst.idx.msk $0xffff, v9;
	v5 =	vor.u32 v27, v3;
	v27 =	vld [tilespmem:$0x1F660]  }
0x69e: {  	v7 =	vld.idx.msk [tilespmem:v7+s12+$0x0], $0xffff;
	v6 =	vor.u32 s21, v11;
	v11 =	vor.u32 s20, v11;
	_ =	sdelay $0x1  }
0x69f: {  	v9 =	vld.idx.msk [tilespmem:v10+s12+$0x0], $0xffff  }
0x6a0: {  	[tilespmem:v15+s13+$0x0] =	vst.idx.msk $0xffff, v4;
	v15 =	vld [tilespmem:$0x1F820]  }
0x6a1: {  	[tilespmem:v8+s13+$0x0] =	vst.idx.msk $0xffff, v13;
	v5 =	vld.idx.msk [tilespmem:v5+s12+$0x0], $0xffff  }
0x6a2: {  	v8 =	vor.u32 v27, v1;
	[tilespmem:v11+s13+$0x0] =	vst.idx.msk $0xffff, v7;
	v11 =	vld [tilespmem:$0x1FA60];
	_ =	sdelay $0x2  }
0x6a3: {  	v10 =	vor.u32 v27, v0;
	v13 =	vld.idx.msk [tilespmem:v14+s12+$0x0], $0xffff;
	v4 =	vor.u32 s22, v15;
	v15 =	vor.u32 s23, v15  }
0x6a4: {  	v27 =	vld [tilespmem:$0x1F670];
	[tilespmem:v6+s13+$0x0] =	vst.idx.msk $0xffff, v9;
	v6 =	vor.u32 v20, v3  }
0x6a5: {  	v8 =	vld.idx.msk [tilespmem:v8+s12+$0x0], $0xffff;
	v7 =	vor.u32 s21, v11;
	v11 =	vor.u32 s20, v11;
	_ =	sdelay $0x2  }
0x6a6: {  	v9 =	vld.idx.msk [tilespmem:v10+s12+$0x0], $0xffff;
	[tilespmem:v15+s13+$0x0] =	vst.idx.msk $0xffff, v5  }
0x6a7: {  	v14 =	vor.u32 v20, v2;
	[tilespmem:v4+s13+$0x0] =	vst.idx.msk $0xffff, v13;
	v6 =	vld.idx.msk [tilespmem:v6+s12+$0x0], $0xffff  }
0x6a8: {  	v4 =	vor.u32 v27, v1;
	[tilespmem:v11+s13+$0x0] =	vst.idx.msk $0xffff, v8;
	v11 =	vld [tilespmem:$0x1FA70];
	_ =	sdelay $0x2  }
0x6a9: {  	v10 =	vor.u32 v27, v0;
	v15 =	vor.u32 s23, v12;
	v27 =	vld [tilespmem:$0x1F680]  }
0x6aa: {  	v5 =	vor.u32 s22, v12;
	v13 =	vld.idx.msk [tilespmem:v14+s12+$0x0], $0xffff;
	[tilespmem:v7+s13+$0x0] =	vst.idx.msk $0xffff, v9;
	v7 =	vor.u32 v51, v3  }
0x6ab: {  	v4 =	vld.idx.msk [tilespmem:v4+s12+$0x0], $0xffff;
	v8 =	vor.u32 s21, v11;
	v11 =	vor.u32 s20, v11;
	_ =	sdelay $0x1  }
0x6ac: {  	v14 =	vor.u32 v51, v2  }
0x6ad: {  	v9 =	vld.idx.msk [tilespmem:v10+s12+$0x0], $0xffff;
	[tilespmem:v15+s13+$0x0] =	vst.idx.msk $0xffff, v6  }
0x6ae: {  	[tilespmem:v5+s13+$0x0] =	vst.idx.msk $0xffff, v13;
	v7 =	vld.idx.msk [tilespmem:v7+s12+$0x0], $0xffff  }
0x6af: {  	v5 =	vor.u32 v27, v1;
	[tilespmem:v11+s13+$0x0] =	vst.idx.msk $0xffff, v4;
	v11 =	vld [tilespmem:$0x1FA80];
	_ =	sdelay $0x1  }
0x6b0: {  	v10 =	vor.u32 v27, v0;
	v6 =	vor.u32 s22, v52;
	v13 =	vld.idx.msk [tilespmem:v14+s12+$0x0], $0xffff  }
0x6b1: {  	v15 =	vor.u32 s23, v52;
	v27 =	vld [tilespmem:$0x1F690]  }
0x6b2: {  	[tilespmem:v8+s13+$0x0] =	vst.idx.msk $0xffff, v9;
	v8 =	vor.u32 v53, v3  }
0x6b3: {  	v5 =	vld.idx.msk [tilespmem:v5+s12+$0x0], $0xffff;
	v4 =	vor.u32 s21, v11;
	v11 =	vor.u32 s20, v11;
	_ =	sdelay $0x1  }
0x6b4: {  	v14 =	vor.u32 v53, v2;
	v9 =	vld.idx.msk [tilespmem:v10+s12+$0x0], $0xffff;
	[tilespmem:v6+s13+$0x0] =	vst.idx.msk $0xffff, v13  }
0x6b5: {  	v10 =	vor.u32 v27, v0;
	v6 =	vor.u32 v27, v1;
	[tilespmem:v15+s13+$0x0] =	vst.idx.msk $0xffff, v7;
	v27 =	vld [tilespmem:$0x1F830]  }
0x6b6: {  	v8 =	vld.idx.msk [tilespmem:v8+s12+$0x0], $0xffff  }
0x6b7: {  	[tilespmem:v11+s13+$0x0] =	vst.idx.msk $0xffff, v5;
	v11 =	vld [tilespmem:$0x1FA90];
	_ =	sdelay $0x1  }
0x6b8: {  	v15 =	vor.u32 s23, v54  }
0x6b9: {  	v13 =	vld.idx.msk [tilespmem:v14+s12+$0x0], $0xffff;
	[tilespmem:v4+s13+$0x0] =	vst.idx.msk $0xffff, v9;
	v4 =	vor.u32 v27, v3  }
0x6ba: {  	v7 =	vor.u32 s22, v54;
	v14 =	vor.u32 v27, v2;
	v27 =	vld [tilespmem:$0x1F6A0]  }
0x6bb: {  	v6 =	vld.idx.msk [tilespmem:v6+s12+$0x0], $0xffff;
	v5 =	vor.u32 s21, v11;
	v11 =	vor.u32 s20, v11  }
0x6bc: {  	v9 =	vld.idx.msk [tilespmem:v10+s12+$0x0], $0xffff  }
0x6bd: {  	[tilespmem:v15+s13+$0x0] =	vst.idx.msk $0xffff, v8;
	v15 =	vld [tilespmem:$0x1FF90]  }
0x6be: {  	v4 =	vld.idx.msk [tilespmem:v4+s12+$0x0], $0xffff  }
0x6bf: {  	[tilespmem:v7+s13+$0x0] =	vst.idx.msk $0xffff, v13;
	v10 =	vor.u32 v27, v0;
	v7 =	vor.u32 v27, v1;
	v27 =	vld [tilespmem:$0x1FFA0]  }
0x6c0: {  	[tilespmem:v11+s13+$0x0] =	vst.idx.msk $0xffff, v6;
	v11 =	vld [tilespmem:$0x1FAA0];
	_ =	sdelay $0x2  }
0x6c1: {  	v13 =	vld.idx.msk [tilespmem:v14+s12+$0x0], $0xffff;
	v8 =	vor.u32 s22, v15;
	v15 =	vor.u32 s23, v15  }
0x6c2: {  	v14 =	vor.u32 v27, v2;
	[tilespmem:v5+s13+$0x0] =	vst.idx.msk $0xffff, v9;
	v5 =	vor.u32 v27, v3;
	v27 =	vld [tilespmem:$0x1F6B0]  }
0x6c3: {  	v7 =	vld.idx.msk [tilespmem:v7+s12+$0x0], $0xffff;
	v6 =	vor.u32 s21, v11;
	v11 =	vor.u32 s20, v11;
	_ =	sdelay $0x2  }
0x6c4: {  	v9 =	vld.idx.msk [tilespmem:v10+s12+$0x0], $0xffff;
	[tilespmem:v15+s13+$0x0] =	vst.idx.msk $0xffff, v4  }
0x6c5: {  	[tilespmem:v8+s13+$0x0] =	vst.idx.msk $0xffff, v13;
	v5 =	vld.idx.msk [tilespmem:v5+s12+$0x0], $0xffff  }
0x6c6: {  	v8 =	vor.u32 v27, v1;
	[tilespmem:v11+s13+$0x0] =	vst.idx.msk $0xffff, v7;
	v11 =	vld [tilespmem:$0x1FAB0];
	_ =	sdelay $0x2  }
0x6c7: {  	v15 =	vor.u32 s23, v23;
	v10 =	vor.u32 v27, v0;
	v13 =	vld.idx.msk [tilespmem:v14+s12+$0x0], $0xffff  }
0x6c8: {  	v4 =	vor.u32 s22, v23;
	v27 =	vld [tilespmem:$0x1F6C0];
	[tilespmem:v6+s13+$0x0] =	vst.idx.msk $0xffff, v9;
	v6 =	vor.u32 v22, v3  }
0x6c9: {  	v8 =	vld.idx.msk [tilespmem:v8+s12+$0x0], $0xffff;
	v7 =	vor.u32 s21, v11;
	v11 =	vor.u32 s20, v11  }
0x6ca: {  	v14 =	vor.u32 v22, v2;
	_ =	sdelay $0x1  }
0x6cb: {  	v9 =	vld.idx.msk [tilespmem:v10+s12+$0x0], $0xffff;
	[tilespmem:v15+s13+$0x0] =	vst.idx.msk $0xffff, v5  }
0x6cc: {  	[tilespmem:v4+s13+$0x0] =	vst.idx.msk $0xffff, v13;
	v6 =	vld.idx.msk [tilespmem:v6+s12+$0x0], $0xffff  }
0x6cd: {  	v4 =	vor.u32 v27, v1;
	[tilespmem:v11+s13+$0x0] =	vst.idx.msk $0xffff, v8;
	v11 =	vld [tilespmem:$0x1FAC0]  }
0x6ce: {  	v10 =	vor.u32 v27, v0;
	v5 =	vor.u32 s22, v56;
	v13 =	vld.idx.msk [tilespmem:v14+s12+$0x0], $0xffff  }
0x6cf: {  	v15 =	vor.u32 s23, v56;
	v27 =	vld [tilespmem:$0x1F6D0]  }
0x6d0: {  	[tilespmem:v7+s13+$0x0] =	vst.idx.msk $0xffff, v9;
	v7 =	vor.u32 v28, v3;
	_ =	sdelay $0x1  }
0x6d1: {  	v4 =	vld.idx.msk [tilespmem:v4+s12+$0x0], $0xffff;
	v8 =	vor.u32 s21, v11;
	v11 =	vor.u32 s20, v11  }
0x6d2: {  	v14 =	vor.u32 v28, v2;
	v9 =	vld.idx.msk [tilespmem:v10+s12+$0x0], $0xffff;
	[tilespmem:v5+s13+$0x0] =	vst.idx.msk $0xffff, v13  }
0x6d3: {  	v5 =	vor.u32 v27, v1;
	[tilespmem:v15+s13+$0x0] =	vst.idx.msk $0xffff, v6  }
0x6d4: {  	v15 =	vor.u32 s23, v57;
	v7 =	vld.idx.msk [tilespmem:v7+s12+$0x0], $0xffff;
	_ =	sdelay $0x1  }
0x6d5: {  	[tilespmem:v11+s13+$0x0] =	vst.idx.msk $0xffff, v4;
	v11 =	vld [tilespmem:$0x1FE60]  }
0x6d6: {  	v13 =	vld.idx.msk [tilespmem:v14+s12+$0x0], $0xffff  }
0x6d7: {  	v10 =	vor.u32 v27, v0;
	v6 =	vor.u32 s22, v57;
	[tilespmem:v8+s13+$0x0] =	vst.idx.msk $0xffff, v9;
	v5 =	vld.idx.msk [tilespmem:v5+s12+$0x0], $0xffff  }
0x6d8: {  	v8 =	vor.u32 v16, v3;
	[tilespmem:v15+s13+$0x0] =	vst.idx.msk $0xffff, v7;
	v15 =	vld [tilespmem:$0x1F850];
	_ =	sdelay $0x1  }
0x6d9: {  	v4 =	vor.u32 s21, v11;
	v11 =	vor.u32 s20, v11  }
0x6da: {  	v29 =	vld [tilespmem:$0x1F860];
	v14 =	vor.u32 v16, v2  }
0x6db: {  	v9 =	vld.idx.msk [tilespmem:v10+s12+$0x0], $0xffff;
	[tilespmem:v6+s13+$0x0] =	vst.idx.msk $0xffff, v13;
	v6 =	vor.u32 v32, v1  }
0x6dc: {  	v8 =	vld.idx.msk [tilespmem:v8+s12+$0x0], $0xffff;
	v7 =	vor.u32 s22, v15;
	v15 =	vor.u32 s23, v15;
	_ =	sdelay $0x1  }
0x6dd: {  	v10 =	vor.u32 v32, v0;
	[tilespmem:v11+s13+$0x0] =	vst.idx.msk $0xffff, v5;
	v11 =	vld [tilespmem:$0x1FE70]  }
0x6de: {  	v13 =	vld.idx.msk [tilespmem:v14+s12+$0x0], $0xffff  }
0x6df: {  	[tilespmem:v4+s13+$0x0] =	vst.idx.msk $0xffff, v9;
	v6 =	vld.idx.msk [tilespmem:v6+s12+$0x0], $0xffff  }
0x6e0: {  	v4 =	vor.u32 v29, v3;
	[tilespmem:v15+s13+$0x0] =	vst.idx.msk $0xffff, v8;
	v15 =	vld [tilespmem:$0x1F870];
	_ =	sdelay $0x1  }
0x6e1: {  	v14 =	vor.u32 v29, v2;
	v9 =	vld.idx.msk [tilespmem:v10+s12+$0x0], $0xffff;
	v5 =	vor.u32 s21, v11  }
0x6e2: {  	v29 =	vld [tilespmem:$0x1FE30];
	v11 =	vor.u32 s20, v11  }
0x6e3: {  	[tilespmem:v7+s13+$0x0] =	vst.idx.msk $0xffff, v13;
	v7 =	vor.u32 v59, v1  }
0x6e4: {  	v4 =	vld.idx.msk [tilespmem:v4+s12+$0x0], $0xffff;
	v8 =	vor.u32 s22, v15;
	v15 =	vor.u32 s23, v15;
	_ =	sdelay $0x1  }
0x6e5: {  	v10 =	vor.u32 v59, v0;
	v13 =	vld.idx.msk [tilespmem:v14+s12+$0x0], $0xffff;
	[tilespmem:v5+s13+$0x0] =	vst.idx.msk $0xffff, v9  }
0x6e6: {  	v5 =	vor.u32 v29, v3;
	[tilespmem:v11+s13+$0x0] =	vst.idx.msk $0xffff, v6  }
0x6e7: {  	v11 =	vor.u32 s20, v58;
	v7 =	vld.idx.msk [tilespmem:v7+s12+$0x0], $0xffff  }
0x6e8: {  	[tilespmem:v15+s13+$0x0] =	vst.idx.msk $0xffff, v4;
	v15 =	vld [tilespmem:$0x1FE50]  }
0x6e9: {  	v14 =	vor.u32 v29, v2;
	v29 =	vld [tilespmem:$0x1FF70]  }
0x6ea: {  	v9 =	vld.idx.msk [tilespmem:v10+s12+$0x0], $0xffff  }
0x6eb: {  	v6 =	vor.u32 s21, v58;
	[tilespmem:v8+s13+$0x0] =	vst.idx.msk $0xffff, v13;
	v5 =	vld.idx.msk [tilespmem:v5+s12+$0x0], $0xffff  }
0x6ec: {  	v8 =	vor.u32 v36, v1;
	[tilespmem:v11+s13+$0x0] =	vst.idx.msk $0xffff, v7;
	v11 =	vld [tilespmem:$0x1FE80]  }
0x6ed: {  	v4 =	vor.u32 s22, v15;
	v15 =	vor.u32 s23, v15;
	_ =	sdelay $0x1  }
0x6ee: {  	v10 =	vor.u32 v36, v0  }
0x6ef: {  	v13 =	vld.idx.msk [tilespmem:v14+s12+$0x0], $0xffff;
	[tilespmem:v6+s13+$0x0] =	vst.idx.msk $0xffff, v9;
	v6 =	vor.u32 v29, v3  }
0x6f0: {  	v8 =	vld.idx.msk [tilespmem:v8+s12+$0x0], $0xffff;
	v7 =	vor.u32 s21, v11;
	v11 =	vor.u32 s20, v11  }
0x6f1: {  	[tilespmem:v15+s13+$0x0] =	vst.idx.msk $0xffff, v5;
	v15 =	vld [tilespmem:$0x1F880]  }
0x6f2: {  	v14 =	vor.u32 v29, v2;
	v29 =	vld [tilespmem:$0x1FF60]  }
0x6f3: {  	v9 =	vld.idx.msk [tilespmem:v10+s12+$0x0], $0xffff  }
0x6f4: {  	[tilespmem:v4+s13+$0x0] =	vst.idx.msk $0xffff, v13;
	v6 =	vld.idx.msk [tilespmem:v6+s12+$0x0], $0xffff  }
0x6f5: {  	v4 =	vor.u32 v35, v1;
	[tilespmem:v11+s13+$0x0] =	vst.idx.msk $0xffff, v8;
	v11 =	vld [tilespmem:$0x1FE90]  }
0x6f6: {  	v5 =	vor.u32 s22, v15;
	v15 =	vor.u32 s23, v15;
	_ =	sdelay $0x1  }
0x6f7: {  	v10 =	vor.u32 v35, v0  }
0x6f8: {  	v13 =	vld.idx.msk [tilespmem:v14+s12+$0x0], $0xffff;
	[tilespmem:v7+s13+$0x0] =	vst.idx.msk $0xffff, v9;
	v7 =	vor.u32 v29, v3  }
0x6f9: {  	v4 =	vld.idx.msk [tilespmem:v4+s12+$0x0], $0xffff;
	v8 =	vor.u32 s21, v11;
	v11 =	vor.u32 s20, v11  }
0x6fa: {  	[tilespmem:v15+s13+$0x0] =	vst.idx.msk $0xffff, v6;
	v15 =	vld [tilespmem:$0x1FF00]  }
0x6fb: {  	v14 =	vor.u32 v29, v2;
	v29 =	vld [tilespmem:$0x1F710]  }
0x6fc: {  	v9 =	vld.idx.msk [tilespmem:v10+s12+$0x0], $0xffff  }
0x6fd: {  	[tilespmem:v5+s13+$0x0] =	vst.idx.msk $0xffff, v13;
	v7 =	vld.idx.msk [tilespmem:v7+s12+$0x0], $0xffff  }
0x6fe: {  	v5 =	vor.u32 v38, v1;
	[tilespmem:v11+s13+$0x0] =	vst.idx.msk $0xffff, v4;
	v11 =	vld [tilespmem:$0x1FEA0]  }
0x6ff: {  	v6 =	vor.u32 s22, v15;
	v15 =	vor.u32 s23, v15;
	_ =	sdelay $0x1  }
0x700: {  	v10 =	vor.u32 v38, v0  }
0x701: {  	v13 =	vld.idx.msk [tilespmem:v14+s12+$0x0], $0xffff;
	[tilespmem:v8+s13+$0x0] =	vst.idx.msk $0xffff, v9;
	v8 =	vor.u32 v29, v3  }
0x702: {  	v5 =	vld.idx.msk [tilespmem:v5+s12+$0x0], $0xffff;
	v4 =	vor.u32 s21, v11;
	v11 =	vor.u32 s20, v11  }
0x703: {  	[tilespmem:v15+s13+$0x0] =	vst.idx.msk $0xffff, v7;
	v15 =	vld [tilespmem:$0x1F8D0]  }
0x704: {  	v14 =	vor.u32 v29, v2;
	v29 =	vld [tilespmem:$0x1F720]  }
0x705: {  	v9 =	vld.idx.msk [tilespmem:v10+s12+$0x0], $0xffff  }
0x706: {  	[tilespmem:v6+s13+$0x0] =	vst.idx.msk $0xffff, v13;
	v8 =	vld.idx.msk [tilespmem:v8+s12+$0x0], $0xffff  }
0x707: {  	v6 =	vor.u32 v40, v1;
	[tilespmem:v11+s13+$0x0] =	vst.idx.msk $0xffff, v5;
	v11 =	vld [tilespmem:$0x1FEB0]  }
0x708: {  	v7 =	vor.u32 s22, v15;
	v15 =	vor.u32 s23, v15;
	_ =	sdelay $0x1  }
0x709: {  	v10 =	vor.u32 v40, v0  }
0x70a: {  	v13 =	vld.idx.msk [tilespmem:v14+s12+$0x0], $0xffff;
	[tilespmem:v4+s13+$0x0] =	vst.idx.msk $0xffff, v9;
	v4 =	vor.u32 v29, v3  }
0x70b: {  	v6 =	vld.idx.msk [tilespmem:v6+s12+$0x0], $0xffff;
	v5 =	vor.u32 s21, v11;
	v11 =	vor.u32 s20, v11  }
0x70c: {  	[tilespmem:v15+s13+$0x0] =	vst.idx.msk $0xffff, v8;
	v15 =	vld [tilespmem:$0x1FF10]  }
0x70d: {  	v14 =	vor.u32 v29, v2;
	v29 =	vld [tilespmem:$0x1F730]  }
0x70e: {  	v9 =	vld.idx.msk [tilespmem:v10+s12+$0x0], $0xffff  }
0x70f: {  	[tilespmem:v7+s13+$0x0] =	vst.idx.msk $0xffff, v13;
	v4 =	vld.idx.msk [tilespmem:v4+s12+$0x0], $0xffff  }
0x710: {  	v7 =	vor.u32 v41, v1;
	[tilespmem:v11+s13+$0x0] =	vst.idx.msk $0xffff, v6;
	v11 =	vld [tilespmem:$0x1FEC0]  }
0x711: {  	v8 =	vor.u32 s22, v15;
	v15 =	vor.u32 s23, v15;
	_ =	sdelay $0x1  }
0x712: {  	v10 =	vor.u32 v41, v0  }
0x713: {  	v13 =	vld.idx.msk [tilespmem:v14+s12+$0x0], $0xffff;
	[tilespmem:v5+s13+$0x0] =	vst.idx.msk $0xffff, v9;
	v5 =	vor.u32 v29, v3  }
0x714: {  	v7 =	vld.idx.msk [tilespmem:v7+s12+$0x0], $0xffff;
	v6 =	vor.u32 s21, v11;
	v11 =	vor.u32 s20, v11  }
0x715: {  	[tilespmem:v15+s13+$0x0] =	vst.idx.msk $0xffff, v4;
	v15 =	vld [tilespmem:$0x1FF20]  }
0x716: {  	v14 =	vor.u32 v29, v2;
	v29 =	vld [tilespmem:$0x1F740]  }
0x717: {  	v9 =	vld.idx.msk [tilespmem:v10+s12+$0x0], $0xffff  }
0x718: {  	[tilespmem:v8+s13+$0x0] =	vst.idx.msk $0xffff, v13;
	v5 =	vld.idx.msk [tilespmem:v5+s12+$0x0], $0xffff  }
0x719: {  	v8 =	vor.u32 v42, v1;
	[tilespmem:v11+s13+$0x0] =	vst.idx.msk $0xffff, v7;
	v11 =	vld [tilespmem:$0x1FED0]  }
0x71a: {  	v4 =	vor.u32 s22, v15;
	v15 =	vor.u32 s23, v15;
	_ =	sdelay $0x1  }
0x71b: {  	v10 =	vor.u32 v42, v0  }
0x71c: {  	v13 =	vld.idx.msk [tilespmem:v14+s12+$0x0], $0xffff;
	[tilespmem:v6+s13+$0x0] =	vst.idx.msk $0xffff, v9;
	v6 =	vor.u32 v29, v3  }
0x71d: {  	v8 =	vld.idx.msk [tilespmem:v8+s12+$0x0], $0xffff;
	v7 =	vor.u32 s21, v11;
	v11 =	vor.u32 s20, v11  }
0x71e: {  	[tilespmem:v15+s13+$0x0] =	vst.idx.msk $0xffff, v5;
	v15 =	vld [tilespmem:$0x1F920]  }
0x71f: {  	v14 =	vor.u32 v29, v2;
	v29 =	vld [tilespmem:$0x1F750]  }
0x720: {  	v9 =	vld.idx.msk [tilespmem:v10+s12+$0x0], $0xffff  }
0x721: {  	[tilespmem:v4+s13+$0x0] =	vst.idx.msk $0xffff, v13;
	v6 =	vld.idx.msk [tilespmem:v6+s12+$0x0], $0xffff  }
0x722: {  	v4 =	vor.u32 v43, v1;
	[tilespmem:v11+s13+$0x0] =	vst.idx.msk $0xffff, v8;
	v11 =	vld [tilespmem:$0x1FEE0]  }
0x723: {  	v5 =	vor.u32 s22, v15;
	v15 =	vor.u32 s23, v15;
	_ =	sdelay $0x1  }
0x724: {  	v10 =	vor.u32 v43, v0  }
0x725: {  	v13 =	vld.idx.msk [tilespmem:v14+s12+$0x0], $0xffff;
	[tilespmem:v7+s13+$0x0] =	vst.idx.msk $0xffff, v9;
	v7 =	vor.u32 v29, v3  }
0x726: {  	v4 =	vld.idx.msk [tilespmem:v4+s12+$0x0], $0xffff;
	v8 =	vor.u32 s21, v11;
	v11 =	vor.u32 s20, v11  }
0x727: {  	[tilespmem:v15+s13+$0x0] =	vst.idx.msk $0xffff, v6;
	v15 =	vld [tilespmem:$0x1F930]  }
0x728: {  	v14 =	vor.u32 v29, v2;
	v29 =	vld [tilespmem:$0x1F760]  }
0x729: {  	v9 =	vld.idx.msk [tilespmem:v10+s12+$0x0], $0xffff  }
0x72a: {  	[tilespmem:v5+s13+$0x0] =	vst.idx.msk $0xffff, v13;
	v7 =	vld.idx.msk [tilespmem:v7+s12+$0x0], $0xffff  }
0x72b: {  	v5 =	vor.u32 v45, v1;
	[tilespmem:v11+s13+$0x0] =	vst.idx.msk $0xffff, v4;
	v11 =	vld [tilespmem:$0x1FFD0]  }
0x72c: {  	v6 =	vor.u32 s22, v15;
	v15 =	vor.u32 s23, v15;
	_ =	sdelay $0x1  }
0x72d: {  	v10 =	vor.u32 v45, v0  }
0x72e: {  	v13 =	vld.idx.msk [tilespmem:v14+s12+$0x0], $0xffff;
	[tilespmem:v8+s13+$0x0] =	vst.idx.msk $0xffff, v9;
	v8 =	vor.u32 v29, v3  }
0x72f: {  	v5 =	vld.idx.msk [tilespmem:v5+s12+$0x0], $0xffff;
	v4 =	vor.u32 s21, v11;
	v11 =	vor.u32 s20, v11  }
0x730: {  	[tilespmem:v15+s13+$0x0] =	vst.idx.msk $0xffff, v7;
	v15 =	vld [tilespmem:$0x1F940]  }
0x731: {  	v14 =	vor.u32 v29, v2;
	v29 =	vld [tilespmem:$0x1F770]  }
0x732: {  	v9 =	vld.idx.msk [tilespmem:v10+s12+$0x0], $0xffff  }
0x733: {  	[tilespmem:v6+s13+$0x0] =	vst.idx.msk $0xffff, v13;
	v8 =	vld.idx.msk [tilespmem:v8+s12+$0x0], $0xffff  }
0x734: {  	v6 =	vor.u32 v46, v1;
	[tilespmem:v11+s13+$0x0] =	vst.idx.msk $0xffff, v5;
	v11 =	vld [tilespmem:$0x1FFE0]  }
0x735: {  	v7 =	vor.u32 s22, v15;
	v15 =	vor.u32 s23, v15;
	_ =	sdelay $0x1  }
0x736: {  	v10 =	vor.u32 v46, v0  }
0x737: {  	v13 =	vld.idx.msk [tilespmem:v14+s12+$0x0], $0xffff;
	[tilespmem:v4+s13+$0x0] =	vst.idx.msk $0xffff, v9;
	v4 =	vor.u32 v29, v3  }
0x738: {  	v6 =	vld.idx.msk [tilespmem:v6+s12+$0x0], $0xffff;
	v5 =	vor.u32 s21, v11;
	v11 =	vor.u32 s20, v11  }
0x739: {  	[tilespmem:v15+s13+$0x0] =	vst.idx.msk $0xffff, v8;
	v15 =	vld [tilespmem:$0x1F950]  }
0x73a: {  	v14 =	vor.u32 v29, v2;
	v29 =	vld [tilespmem:$0x1F780]  }
0x73b: {  	v9 =	vld.idx.msk [tilespmem:v10+s12+$0x0], $0xffff  }
0x73c: {  	[tilespmem:v7+s13+$0x0] =	vst.idx.msk $0xffff, v13;
	v4 =	vld.idx.msk [tilespmem:v4+s12+$0x0], $0xffff  }
0x73d: {  	v7 =	vor.u32 v47, v1;
	[tilespmem:v11+s13+$0x0] =	vst.idx.msk $0xffff, v6;
	v11 =	vld [tilespmem:$0x1FFF0]  }
0x73e: {  	v8 =	vor.u32 s22, v15;
	v15 =	vor.u32 s23, v15;
	_ =	sdelay $0x1  }
0x73f: {  	v10 =	vor.u32 v47, v0  }
0x740: {  	v13 =	vld.idx.msk [tilespmem:v14+s12+$0x0], $0xffff;
	[tilespmem:v5+s13+$0x0] =	vst.idx.msk $0xffff, v9;
	v5 =	vor.u32 v29, v3  }
0x741: {  	v7 =	vld.idx.msk [tilespmem:v7+s12+$0x0], $0xffff;
	v6 =	vor.u32 s21, v11;
	v11 =	vor.u32 s20, v11  }
0x742: {  	[tilespmem:v15+s13+$0x0] =	vst.idx.msk $0xffff, v4;
	v15 =	vld [tilespmem:$0x1F960]  }
0x743: {  	v14 =	vor.u32 v29, v2;
	v29 =	vld [tilespmem:$0x1F790]  }
0x744: {  	v9 =	vld.idx.msk [tilespmem:v10+s12+$0x0], $0xffff  }
0x745: {  	[tilespmem:v8+s13+$0x0] =	vst.idx.msk $0xffff, v13;
	v5 =	vld.idx.msk [tilespmem:v5+s12+$0x0], $0xffff  }
0x746: {  	v8 =	vor.u32 v48, v1;
	[tilespmem:v11+s13+$0x0] =	vst.idx.msk $0xffff, v7;
	v11 =	vld [tilespmem:$0x1FEF0]  }
0x747: {  	v4 =	vor.u32 s22, v15;
	v15 =	vor.u32 s23, v15;
	_ =	sdelay $0x1  }
0x748: {  	v10 =	vor.u32 v48, v0  }
0x749: {  	v13 =	vld.idx.msk [tilespmem:v14+s12+$0x0], $0xffff;
	[tilespmem:v6+s13+$0x0] =	vst.idx.msk $0xffff, v9;
	v6 =	vor.u32 v29, v3  }
0x74a: {  	v8 =	vld.idx.msk [tilespmem:v8+s12+$0x0], $0xffff;
	v7 =	vor.u32 s21, v11;
	v11 =	vor.u32 s20, v11  }
0x74b: {  	[tilespmem:v15+s13+$0x0] =	vst.idx.msk $0xffff, v5;
	v15 =	vld [tilespmem:$0x1F970]  }
0x74c: {  	v14 =	vor.u32 v29, v2;
	v29 =	vld [tilespmem:$0x1F7A0]  }
0x74d: {  	v9 =	vld.idx.msk [tilespmem:v10+s12+$0x0], $0xffff  }
0x74e: {  	[tilespmem:v4+s13+$0x0] =	vst.idx.msk $0xffff, v13;
	v6 =	vld.idx.msk [tilespmem:v6+s12+$0x0], $0xffff  }
0x74f: {  	v4 =	vor.u32 v61, v1;
	[tilespmem:v11+s13+$0x0] =	vst.idx.msk $0xffff, v8;
	v11 =	vld [tilespmem:$0x1FF30]  }
0x750: {  	v5 =	vor.u32 s22, v15;
	v15 =	vor.u32 s23, v15;
	_ =	sdelay $0x1  }
0x751: {  	v10 =	vor.u32 v61, v0  }
0x752: {  	v13 =	vld.idx.msk [tilespmem:v14+s12+$0x0], $0xffff;
	[tilespmem:v7+s13+$0x0] =	vst.idx.msk $0xffff, v9;
	v7 =	vor.u32 v29, v3  }
0x753: {  	v4 =	vld.idx.msk [tilespmem:v4+s12+$0x0], $0xffff;
	v8 =	vor.u32 s21, v11;
	v11 =	vor.u32 s20, v11  }
0x754: {  	[tilespmem:v15+s13+$0x0] =	vst.idx.msk $0xffff, v6;
	v15 =	vld [tilespmem:$0x1F980]  }
0x755: {  	v14 =	vor.u32 v29, v2;
	v29 =	vld [tilespmem:$0x1F7B0]  }
0x756: {  	v9 =	vld.idx.msk [tilespmem:v10+s12+$0x0], $0xffff  }
0x757: {  	[tilespmem:v5+s13+$0x0] =	vst.idx.msk $0xffff, v13;
	v7 =	vld.idx.msk [tilespmem:v7+s12+$0x0], $0xffff  }
0x758: {  	v5 =	vor.u32 v62, v1;
	[tilespmem:v11+s13+$0x0] =	vst.idx.msk $0xffff, v4;
	v11 =	vld [tilespmem:$0x1FF40]  }
0x759: {  	v6 =	vor.u32 s22, v15;
	v15 =	vor.u32 s23, v15;
	_ =	sdelay $0x1  }
0x75a: {  	v10 =	vor.u32 v62, v0  }
0x75b: {  	v13 =	vld.idx.msk [tilespmem:v14+s12+$0x0], $0xffff;
	[tilespmem:v8+s13+$0x0] =	vst.idx.msk $0xffff, v9;
	v8 =	vor.u32 v29, v3  }
0x75c: {  	v5 =	vld.idx.msk [tilespmem:v5+s12+$0x0], $0xffff;
	v4 =	vor.u32 s21, v11;
	v11 =	vor.u32 s20, v11  }
0x75d: {  	v14 =	vor.u32 v29, v2;
	[tilespmem:v15+s13+$0x0] =	vst.idx.msk $0xffff, v7;
	v15 =	vld [tilespmem:$0x1F990]  }
0x75e: {  	v29 =	vld [tilespmem:$0x1F7C0]  }
0x75f: {  	v9 =	vld.idx.msk [tilespmem:v10+s12+$0x0], $0xffff  }
0x760: {  	v10 =	vor.u32 v63, v0;
	[tilespmem:v6+s13+$0x0] =	vst.idx.msk $0xffff, v13;
	v8 =	vld.idx.msk [tilespmem:v8+s12+$0x0], $0xffff  }
0x761: {  	v6 =	vor.u32 v63, v1;
	[tilespmem:v11+s13+$0x0] =	vst.idx.msk $0xffff, v5;
	v11 =	vld [tilespmem:$0x1FF50]  }
0x762: {  	v13 =	vld.idx.msk [tilespmem:v14+s12+$0x0], $0xffff;
	v7 =	vor.u32 s22, v15  }
0x763: {  	v14 =	vor.u32 v29, v2;
	v15 =	vor.u32 s23, v15  }
0x764: {  	[tilespmem:v4+s13+$0x0] =	vst.idx.msk $0xffff, v9;
	v4 =	vor.u32 v29, v3  }
0x765: {  	v9 =	vld.idx.msk [tilespmem:v10+s12+$0x0], $0xffff  }
0x766: {  	v6 =	vld.idx.msk [tilespmem:v6+s12+$0x0], $0xffff;
	v5 =	vor.u32 s21, v11;
	v11 =	vor.u32 s20, v11  }
0x767: {  	v10 =	vor.u32 v30, v0;
	[tilespmem:v7+s13+$0x0] =	vst.idx.msk $0xffff, v13;
	v13 =	vld [tilespmem:$0x1F9A0]  }
0x768: {  	v0 =	vmov v2;
	v2 =	vor.u32 v30, v1;
	v1 =	vmov v3;
	[tilespmem:v15+s13+$0x0] =	vst.idx.msk $0xffff, v8;
	v3 =	vld.idx.msk [tilespmem:v14+s12+$0x0], $0xffff  }
0x769: {  	v8 =	vld.idx.msk [tilespmem:v4+s12+$0x0], $0xffff  }
0x76a: {  	v14 =	vld [tilespmem:$0x1F7D0]  }
0x76b: {  	[tilespmem:v11+s13+$0x0] =	vst.idx.msk $0xffff, v6;
	v6 =	vld [tilespmem:$0x1FE40]  }
0x76c: {  	v7 =	vor.u32 s22, v13;
	_ =	sdelay $0x1  }
0x76d: {  	v11 =	vld.idx.msk [tilespmem:v2+s12+$0x0], $0xffff  }
0x76e: {  	v13 =	vor.u32 s23, v13;
	[tilespmem:v5+s13+$0x0] =	vst.idx.msk $0xffff, v9;
	v4 =	vor.u32 v14, v0;
	v2 =	vld [tilespmem:$0x1F9B0]  }
0x76f: {  	v5 =	vor.u32 v14, v1;
	v9 =	vld.idx.msk [tilespmem:v10+s12+$0x0], $0xffff;
	v10 =	vor.u32 s21, v6  }
0x770: {  	p0 =	slt.u32 s24, $0x60;
	v14 =	vor.u32 s20, v6;
	[tilespmem:v7+s13+$0x0] =	vst.idx.msk $0xffff, v3;
	v3 =	vld [tilespmem:$0x1F7E0]  }
.Ltmp1:
0x771: {  	_ = 	snop;
	(pc) =	sbr.rel @p0 .LBB2_5-.Ltmp1, $4  }
0x772: {  	s21 =	smov.u32 s22  }
0x773: {  	s22 =	smov.u32 s24;
	s20 =	smov.u32 s23;
	[tilespmem:v13+s13+$0x0] =	vst.idx.msk $0xffff, v8;
	v4 =	vld.idx.msk [tilespmem:v4+s12+$0x0], $0xffff;
	v6 =	vor.u32 s21, v2  }
0x774: {  	v5 =	vld.idx.msk [tilespmem:v5+s12+$0x0], $0xffff;
	v8 =	vor.u32 s20, v2;
	v2 =	vmov s22;
	[tilespmem:v10+s13+$0x0] =	vst.idx.msk $0xffff, v9  }
0x775: {  	v27 =	vmovc v57;
	s24 =	sadd.s32 $0x20, s24;
	s23 =	sadd.s32 $0x10, s22;
	v7 =	vor.u32 v3, v0;
	v9 =	vor.u32 v3, v1;
	[tilespmem:v14+s13+$0x0] =	vst.idx.msk $0xffff, v11;
	v14 =	vld [tilespmem:$0x1FD50];
	v11 =	vlaneseq.u32  }
0x776: {  	_ =	sdelay $0x2  }
0x777: {  	v2 =	vshll.u32 v2, $0x7;
	v3 =	vmov s23  }
0x778: {  	v3 =	vshll.u32 v3, $0x7;
	v29 =	vor.u32 v14, v2  }
0x779: {  	v39 =	vlaneseq.u32;
	v55 =	vld [tilespmem:$0x1FE20];
	v3 =	vor.u32 v14, v3;
	v10 =	vor.u32 v11, v29  }
0x77a: {  	v11 =	vor.u32 v39, v3;
	_ =	sdelay $0x3  }
0x77b: {  	v13 =	vor.u32 s22, v55;
	v10 =	vld.idx.msk [tilespmem:v10+s12+$0x0], $0xffff  }
0x77c: {  	v14 =	vor.u32 v17, v29;
	v15 =	vor.u32 s23, v55;
	v11 =	vld.idx.msk [tilespmem:v11+s12+$0x0], $0xffff  }
0x77d: {  	v44 =	vmov v16;
	v16 =	vor.u32 v17, v3;
	_ =	sdelay $0x2  }
0x77e: {  	[tilespmem:v13+s13+$0x0] =	vst.idx.msk $0xffff, v10  }
0x77f: {  	[tilespmem:v15+s13+$0x0] =	vst.idx.msk $0xffff, v11;
	v11 =	vor.u32 s22, v18;
	v10 =	vld.idx.msk [tilespmem:v14+s12+$0x0], $0xffff  }
0x780: {  	v15 =	vor.u32 s23, v18;
	v13 =	vld.idx.msk [tilespmem:v16+s12+$0x0], $0xffff;
	v14 =	vor.u32 v19, v29  }
0x781: {  	v16 =	vor.u32 v19, v3;
	_ =	sdelay $0x2  }
0x782: {  	[tilespmem:v11+s13+$0x0] =	vst.idx.msk $0xffff, v10  }
0x783: {  	[tilespmem:v15+s13+$0x0] =	vst.idx.msk $0xffff, v13;
	v11 =	vor.u32 s22, v49;
	v10 =	vld.idx.msk [tilespmem:v14+s12+$0x0], $0xffff  }
0x784: {  	v15 =	vor.u32 s23, v49;
	v13 =	vld.idx.msk [tilespmem:v16+s12+$0x0], $0xffff;
	v14 =	vor.u32 v21, v29  }
0x785: {  	v16 =	vor.u32 v21, v3;
	_ =	sdelay $0x2  }
0x786: {  	[tilespmem:v11+s13+$0x0] =	vst.idx.msk $0xffff, v10  }
0x787: {  	[tilespmem:v15+s13+$0x0] =	vst.idx.msk $0xffff, v13;
	v11 =	vor.u32 s22, v24;
	v10 =	vld.idx.msk [tilespmem:v14+s12+$0x0], $0xffff  }
0x788: {  	v15 =	vor.u32 s23, v24;
	v13 =	vld.idx.msk [tilespmem:v16+s12+$0x0], $0xffff;
	v14 =	vor.u32 v25, v29  }
0x789: {  	v16 =	vor.u32 v25, v3;
	_ =	sdelay $0x2  }
0x78a: {  	[tilespmem:v11+s13+$0x0] =	vst.idx.msk $0xffff, v10  }
0x78b: {  	[tilespmem:v15+s13+$0x0] =	vst.idx.msk $0xffff, v13;
	v11 =	vor.u32 s22, v26;
	v10 =	vld.idx.msk [tilespmem:v14+s12+$0x0], $0xffff  }
0x78c: {  	v15 =	vor.u32 s23, v26;
	v13 =	vld.idx.msk [tilespmem:v16+s12+$0x0], $0xffff  }
0x78d: {  	v16 =	vld [tilespmem:$0x1F7F0];
	_ =	sdelay $0x2  }
0x78e: {  	[tilespmem:v11+s13+$0x0] =	vst.idx.msk $0xffff, v10  }
0x78f: {  	[tilespmem:v15+s13+$0x0] =	vst.idx.msk $0xffff, v13  }
0x790: {  	v14 =	vor.u32 v16, v29;
	v15 =	vld [tilespmem:$0x1F800]  }
0x791: {  	v16 =	vor.u32 v16, v3;
	_ =	sdelay $0x3  }
0x792: {  	v10 =	vld.idx.msk [tilespmem:v14+s12+$0x0], $0xffff;
	v11 =	vor.u32 s22, v15  }
0x793: {  	v13 =	vld.idx.msk [tilespmem:v16+s12+$0x0], $0xffff;
	v15 =	vor.u32 s23, v15  }
0x794: {  	v16 =	vld [tilespmem:$0x1F810];
	_ =	sdelay $0x2  }
0x795: {  	[tilespmem:v11+s13+$0x0] =	vst.idx.msk $0xffff, v10  }
0x796: {  	[tilespmem:v15+s13+$0x0] =	vst.idx.msk $0xffff, v13  }
0x797: {  	v14 =	vor.u32 v16, v29;
	v16 =	vor.u32 v16, v3;
	v15 =	vld [tilespmem:$0x1F820];
	_ =	sdelay $0x4  }
0x798: {  	v13 =	vld.idx.msk [tilespmem:v16+s12+$0x0], $0xffff;
	v11 =	vor.u32 s22, v15;
	v15 =	vor.u32 s23, v15  }
0x799: {  	v10 =	vld.idx.msk [tilespmem:v14+s12+$0x0], $0xffff;
	v16 =	vor.u32 v20, v3  }
0x79a: {  	v14 =	vor.u32 v20, v29;
	_ =	sdelay $0x2  }
0x79b: {  	[tilespmem:v15+s13+$0x0] =	vst.idx.msk $0xffff, v13  }
0x79c: {  	[tilespmem:v11+s13+$0x0] =	vst.idx.msk $0xffff, v10;
	v15 =	vor.u32 s23, v12;
	v13 =	vld.idx.msk [tilespmem:v16+s12+$0x0], $0xffff  }
0x79d: {  	v11 =	vor.u32 s22, v12;
	v10 =	vld.idx.msk [tilespmem:v14+s12+$0x0], $0xffff;
	v16 =	vor.u32 v51, v3  }
0x79e: {  	v14 =	vor.u32 v51, v29;
	_ =	sdelay $0x2  }
0x79f: {  	[tilespmem:v15+s13+$0x0] =	vst.idx.msk $0xffff, v13  }
0x7a0: {  	[tilespmem:v11+s13+$0x0] =	vst.idx.msk $0xffff, v10;
	v15 =	vor.u32 s23, v52;
	v13 =	vld.idx.msk [tilespmem:v16+s12+$0x0], $0xffff  }
0x7a1: {  	v11 =	vor.u32 s22, v52;
	v10 =	vld.idx.msk [tilespmem:v14+s12+$0x0], $0xffff;
	v16 =	vor.u32 v53, v3;
	_ =	sdelay $0x2  }
0x7a2: {  	v14 =	vor.u32 v53, v29  }
0x7a3: {  	[tilespmem:v15+s13+$0x0] =	vst.idx.msk $0xffff, v13  }
0x7a4: {  	[tilespmem:v11+s13+$0x0] =	vst.idx.msk $0xffff, v10;
	v13 =	vld.idx.msk [tilespmem:v16+s12+$0x0], $0xffff  }
0x7a5: {  	v16 =	vld [tilespmem:$0x1F830];
	_ =	sdelay $0x1  }
0x7a6: {  	v11 =	vor.u32 s22, v54;
	v10 =	vld.idx.msk [tilespmem:v14+s12+$0x0], $0xffff  }
0x7a7: {  	v15 =	vor.u32 s23, v54;
	_ =	sdelay $0x1  }
0x7a8: {  	v14 =	vor.u32 v16, v29;
	v16 =	vor.u32 v16, v3;
	_ =	sdelay $0x1  }
0x7a9: {  	[tilespmem:v11+s13+$0x0] =	vst.idx.msk $0xffff, v10  }
0x7aa: {  	[tilespmem:v15+s13+$0x0] =	vst.idx.msk $0xffff, v13  }
0x7ab: {  	v60 =	vld [tilespmem:$0x1FF90]  }
0x7ac: {  	v13 =	vld.idx.msk [tilespmem:v16+s12+$0x0], $0xffff  }
0x7ad: {  	v16 =	vld [tilespmem:$0x1FFA0];
	_ =	sdelay $0x3  }
0x7ae: {  	v10 =	vld.idx.msk [tilespmem:v14+s12+$0x0], $0xffff;
	v11 =	vor.u32 s22, v60  }
0x7af: {  	v15 =	vor.u32 s23, v60;
	v14 =	vor.u32 v16, v29  }
0x7b0: {  	v16 =	vor.u32 v16, v3;
	_ =	sdelay $0x2  }
0x7b1: {  	[tilespmem:v11+s13+$0x0] =	vst.idx.msk $0xffff, v10  }
0x7b2: {  	[tilespmem:v15+s13+$0x0] =	vst.idx.msk $0xffff, v13;
	v11 =	vor.u32 s22, v23;
	v10 =	vld.idx.msk [tilespmem:v14+s12+$0x0], $0xffff  }
0x7b3: {  	v15 =	vor.u32 s23, v23;
	v13 =	vld.idx.msk [tilespmem:v16+s12+$0x0], $0xffff;
	v14 =	vor.u32 v22, v29  }
0x7b4: {  	v16 =	vor.u32 v22, v3;
	_ =	sdelay $0x2  }
0x7b5: {  	[tilespmem:v11+s13+$0x0] =	vst.idx.msk $0xffff, v10  }
0x7b6: {  	[tilespmem:v15+s13+$0x0] =	vst.idx.msk $0xffff, v13;
	v11 =	vor.u32 s22, v56;
	v10 =	vld.idx.msk [tilespmem:v14+s12+$0x0], $0xffff  }
0x7b7: {  	v15 =	vor.u32 s23, v56;
	v13 =	vld.idx.msk [tilespmem:v16+s12+$0x0], $0xffff;
	v14 =	vor.u32 v28, v29  }
0x7b8: {  	v16 =	vor.u32 v28, v3;
	_ =	sdelay $0x2  }
0x7b9: {  	[tilespmem:v11+s13+$0x0] =	vst.idx.msk $0xffff, v10  }
0x7ba: {  	[tilespmem:v15+s13+$0x0] =	vst.idx.msk $0xffff, v13;
	v11 =	vor.u32 s22, v27;
	v10 =	vld.idx.msk [tilespmem:v14+s12+$0x0], $0xffff  }
0x7bb: {  	v15 =	vor.u32 s23, v27;
	v13 =	vld.idx.msk [tilespmem:v16+s12+$0x0], $0xffff;
	_ =	sdelay $0x3  }
0x7bc: {  	[tilespmem:v11+s13+$0x0] =	vst.idx.msk $0xffff, v10  }
0x7bd: {  	v14 =	vor.u32 v44, v29;
	[tilespmem:v15+s13+$0x0] =	vst.idx.msk $0xffff, v13  }
0x7be: {  	v16 =	vor.u32 v44, v3;
	v15 =	vld [tilespmem:$0x1F850];
	_ =	sdelay $0x3  }
0x7bf: {  	v10 =	vld.idx.msk [tilespmem:v14+s12+$0x0], $0xffff  }
0x7c0: {  	v13 =	vld.idx.msk [tilespmem:v16+s12+$0x0], $0xffff;
	v11 =	vor.u32 s22, v15  }
0x7c1: {  	v16 =	vld [tilespmem:$0x1F860];
	v15 =	vor.u32 s23, v15;
	_ =	sdelay $0x3  }
0x7c2: {  	[tilespmem:v11+s13+$0x0] =	vst.idx.msk $0xffff, v10  }
0x7c3: {  	v14 =	vor.u32 v16, v29;
	[tilespmem:v15+s13+$0x0] =	vst.idx.msk $0xffff, v13  }
0x7c4: {  	v16 =	vor.u32 v16, v3;
	v15 =	vld [tilespmem:$0x1F870];
	_ =	sdelay $0x3  }
0x7c5: {  	v10 =	vld.idx.msk [tilespmem:v14+s12+$0x0], $0xffff  }
0x7c6: {  	v13 =	vld.idx.msk [tilespmem:v16+s12+$0x0], $0xffff;
	v11 =	vor.u32 s22, v15  }
0x7c7: {  	v50 =	vld [tilespmem:$0x1FE30];
	v15 =	vor.u32 s23, v15;
	_ =	sdelay $0x3  }
0x7c8: {  	[tilespmem:v11+s13+$0x0] =	vst.idx.msk $0xffff, v10  }
0x7c9: {  	v14 =	vor.u32 v50, v29;
	[tilespmem:v15+s13+$0x0] =	vst.idx.msk $0xffff, v13  }
0x7ca: {  	v16 =	vor.u32 v50, v3;
	v15 =	vld [tilespmem:$0x1FE50];
	_ =	sdelay $0x3  }
0x7cb: {  	v10 =	vld.idx.msk [tilespmem:v14+s12+$0x0], $0xffff  }
0x7cc: {  	v13 =	vld.idx.msk [tilespmem:v16+s12+$0x0], $0xffff;
	v11 =	vor.u32 s22, v15  }
0x7cd: {  	v33 =	vld [tilespmem:$0x1FF70];
	v15 =	vor.u32 s23, v15;
	_ =	sdelay $0x3  }
0x7ce: {  	[tilespmem:v11+s13+$0x0] =	vst.idx.msk $0xffff, v10  }
0x7cf: {  	v14 =	vor.u32 v33, v29;
	[tilespmem:v15+s13+$0x0] =	vst.idx.msk $0xffff, v13  }
0x7d0: {  	v15 =	vld [tilespmem:$0x1F880]  }
0x7d1: {  	v16 =	vor.u32 v33, v3;
	_ =	sdelay $0x2  }
0x7d2: {  	v10 =	vld.idx.msk [tilespmem:v14+s12+$0x0], $0xffff  }
0x7d3: {  	v34 =	vld [tilespmem:$0x1FF60];
	v11 =	vor.u32 s22, v15  }
0x7d4: {  	v13 =	vld.idx.msk [tilespmem:v16+s12+$0x0], $0xffff;
	v15 =	vor.u32 s23, v15;
	_ =	sdelay $0x3  }
0x7d5: {  	v14 =	vor.u32 v34, v29;
	[tilespmem:v11+s13+$0x0] =	vst.idx.msk $0xffff, v10  }
0x7d6: {  	v16 =	vor.u32 v34, v3;
	[tilespmem:v15+s13+$0x0] =	vst.idx.msk $0xffff, v13  }
0x7d7: {  	v37 =	vld [tilespmem:$0x1FF00];
	_ =	sdelay $0x2  }
0x7d8: {  	v10 =	vld.idx.msk [tilespmem:v14+s12+$0x0], $0xffff  }
0x7d9: {  	v13 =	vld.idx.msk [tilespmem:v16+s12+$0x0], $0xffff  }
0x7da: {  	v16 =	vld [tilespmem:$0x1F710];
	v11 =	vor.u32 s22, v37  }
0x7db: {  	v15 =	vor.u32 s23, v37;
	_ =	sdelay $0x3  }
0x7dc: {  	v14 =	vor.u32 v16, v29;
	[tilespmem:v11+s13+$0x0] =	vst.idx.msk $0xffff, v10  }
0x7dd: {  	v16 =	vor.u32 v16, v3;
	[tilespmem:v15+s13+$0x0] =	vst.idx.msk $0xffff, v13  }
0x7de: {  	v15 =	vld [tilespmem:$0x1F8D0];
	_ =	sdelay $0x2  }
0x7df: {  	v10 =	vld.idx.msk [tilespmem:v14+s12+$0x0], $0xffff  }
0x7e0: {  	v13 =	vld.idx.msk [tilespmem:v16+s12+$0x0], $0xffff  }
0x7e1: {  	v16 =	vld [tilespmem:$0x1F720];
	v11 =	vor.u32 s22, v15  }
0x7e2: {  	v15 =	vor.u32 s23, v15;
	_ =	sdelay $0x3  }
0x7e3: {  	v14 =	vor.u32 v16, v29;
	[tilespmem:v11+s13+$0x0] =	vst.idx.msk $0xffff, v10  }
0x7e4: {  	v16 =	vor.u32 v16, v3;
	[tilespmem:v15+s13+$0x0] =	vst.idx.msk $0xffff, v13  }
0x7e5: {  	v39 =	vld [tilespmem:$0x1FF10];
	_ =	sdelay $0x2  }
0x7e6: {  	v10 =	vld.idx.msk [tilespmem:v14+s12+$0x0], $0xffff  }
0x7e7: {  	v13 =	vld.idx.msk [tilespmem:v16+s12+$0x0], $0xffff  }
0x7e8: {  	v16 =	vld [tilespmem:$0x1F730];
	v11 =	vor.u32 s22, v39  }
0x7e9: {  	v15 =	vor.u32 s23, v39;
	_ =	sdelay $0x3  }
0x7ea: {  	v14 =	vor.u32 v16, v29;
	[tilespmem:v11+s13+$0x0] =	vst.idx.msk $0xffff, v10  }
0x7eb: {  	v16 =	vor.u32 v16, v3;
	[tilespmem:v15+s13+$0x0] =	vst.idx.msk $0xffff, v13  }
0x7ec: {  	v50 =	vld [tilespmem:$0x1FF20];
	_ =	sdelay $0x2  }
0x7ed: {  	v10 =	vld.idx.msk [tilespmem:v14+s12+$0x0], $0xffff  }
0x7ee: {  	v13 =	vld.idx.msk [tilespmem:v16+s12+$0x0], $0xffff  }
0x7ef: {  	v16 =	vld [tilespmem:$0x1F740];
	v11 =	vor.u32 s22, v50  }
0x7f0: {  	v15 =	vor.u32 s23, v50;
	_ =	sdelay $0x3  }
0x7f1: {  	v14 =	vor.u32 v16, v29;
	[tilespmem:v11+s13+$0x0] =	vst.idx.msk $0xffff, v10  }
0x7f2: {  	v16 =	vor.u32 v16, v3;
	[tilespmem:v15+s13+$0x0] =	vst.idx.msk $0xffff, v13  }
0x7f3: {  	v15 =	vld [tilespmem:$0x1F920];
	_ =	sdelay $0x2  }
0x7f4: {  	v10 =	vld.idx.msk [tilespmem:v14+s12+$0x0], $0xffff  }
0x7f5: {  	v13 =	vld.idx.msk [tilespmem:v16+s12+$0x0], $0xffff  }
0x7f6: {  	v16 =	vld [tilespmem:$0x1F750];
	v11 =	vor.u32 s22, v15  }
0x7f7: {  	v15 =	vor.u32 s23, v15;
	_ =	sdelay $0x3  }
0x7f8: {  	v14 =	vor.u32 v16, v29;
	[tilespmem:v11+s13+$0x0] =	vst.idx.msk $0xffff, v10  }
0x7f9: {  	v16 =	vor.u32 v16, v3;
	[tilespmem:v15+s13+$0x0] =	vst.idx.msk $0xffff, v13  }
0x7fa: {  	v15 =	vld [tilespmem:$0x1F930];
	_ =	sdelay $0x2  }
0x7fb: {  	v10 =	vld.idx.msk [tilespmem:v14+s12+$0x0], $0xffff  }
0x7fc: {  	v13 =	vld.idx.msk [tilespmem:v16+s12+$0x0], $0xffff  }
0x7fd: {  	v16 =	vld [tilespmem:$0x1F760];
	v11 =	vor.u32 s22, v15  }
0x7fe: {  	v15 =	vor.u32 s23, v15;
	_ =	sdelay $0x3  }
0x7ff: {  	v14 =	vor.u32 v16, v29;
	[tilespmem:v11+s13+$0x0] =	vst.idx.msk $0xffff, v10  }
0x800: {  	v16 =	vor.u32 v16, v3;
	[tilespmem:v15+s13+$0x0] =	vst.idx.msk $0xffff, v13  }
0x801: {  	v44 =	vld [tilespmem:$0x1F940];
	_ =	sdelay $0x2  }
0x802: {  	v10 =	vld.idx.msk [tilespmem:v14+s12+$0x0], $0xffff  }
0x803: {  	v13 =	vld.idx.msk [tilespmem:v16+s12+$0x0], $0xffff  }
0x804: {  	v16 =	vld [tilespmem:$0x1F770];
	v11 =	vor.u32 s22, v44  }
0x805: {  	v15 =	vor.u32 s23, v44;
	_ =	sdelay $0x3  }
0x806: {  	v14 =	vor.u32 v16, v29;
	[tilespmem:v11+s13+$0x0] =	vst.idx.msk $0xffff, v10  }
0x807: {  	v16 =	vor.u32 v16, v3;
	[tilespmem:v15+s13+$0x0] =	vst.idx.msk $0xffff, v13  }
0x808: {  	v33 =	vld [tilespmem:$0x1F950];
	_ =	sdelay $0x2  }
0x809: {  	v10 =	vld.idx.msk [tilespmem:v14+s12+$0x0], $0xffff  }
0x80a: {  	v13 =	vld.idx.msk [tilespmem:v16+s12+$0x0], $0xffff  }
0x80b: {  	v16 =	vld [tilespmem:$0x1F780];
	v11 =	vor.u32 s22, v33  }
0x80c: {  	v15 =	vor.u32 s23, v33;
	_ =	sdelay $0x3  }
0x80d: {  	v14 =	vor.u32 v16, v29;
	[tilespmem:v11+s13+$0x0] =	vst.idx.msk $0xffff, v10  }
0x80e: {  	v16 =	vor.u32 v16, v3;
	[tilespmem:v15+s13+$0x0] =	vst.idx.msk $0xffff, v13  }
0x80f: {  	v15 =	vld [tilespmem:$0x1F960];
	_ =	sdelay $0x2  }
0x810: {  	v10 =	vld.idx.msk [tilespmem:v14+s12+$0x0], $0xffff  }
0x811: {  	v13 =	vld.idx.msk [tilespmem:v16+s12+$0x0], $0xffff  }
0x812: {  	v16 =	vld [tilespmem:$0x1F790];
	v11 =	vor.u32 s22, v15  }
0x813: {  	v15 =	vor.u32 s23, v15;
	_ =	sdelay $0x3  }
0x814: {  	v14 =	vor.u32 v16, v29;
	[tilespmem:v11+s13+$0x0] =	vst.idx.msk $0xffff, v10  }
0x815: {  	v16 =	vor.u32 v16, v3;
	[tilespmem:v15+s13+$0x0] =	vst.idx.msk $0xffff, v13  }
0x816: {  	v15 =	vld [tilespmem:$0x1F970];
	_ =	sdelay $0x2  }
0x817: {  	v10 =	vld.idx.msk [tilespmem:v14+s12+$0x0], $0xffff  }
0x818: {  	v13 =	vld.idx.msk [tilespmem:v16+s12+$0x0], $0xffff  }
0x819: {  	v16 =	vld [tilespmem:$0x1F7A0];
	v11 =	vor.u32 s22, v15  }
0x81a: {  	v15 =	vor.u32 s23, v15;
	_ =	sdelay $0x3  }
0x81b: {  	v14 =	vor.u32 v16, v29;
	[tilespmem:v11+s13+$0x0] =	vst.idx.msk $0xffff, v10  }
0x81c: {  	v16 =	vor.u32 v16, v3;
	[tilespmem:v15+s13+$0x0] =	vst.idx.msk $0xffff, v13  }
0x81d: {  	v34 =	vld [tilespmem:$0x1F980];
	_ =	sdelay $0x2  }
0x81e: {  	v10 =	vld.idx.msk [tilespmem:v14+s12+$0x0], $0xffff  }
0x81f: {  	v13 =	vld.idx.msk [tilespmem:v16+s12+$0x0], $0xffff  }
0x820: {  	v16 =	vld [tilespmem:$0x1F7B0];
	v11 =	vor.u32 s22, v34  }
0x821: {  	v15 =	vor.u32 s23, v34;
	_ =	sdelay $0x3  }
0x822: {  	v14 =	vor.u32 v16, v29;
	v16 =	vor.u32 v16, v3;
	[tilespmem:v11+s13+$0x0] =	vst.idx.msk $0xffff, v10  }
0x823: {  	[tilespmem:v15+s13+$0x0] =	vst.idx.msk $0xffff, v13  }
0x824: {  	v37 =	vld [tilespmem:$0x1F990];
	_ =	sdelay $0x2  }
0x825: {  	v13 =	vld.idx.msk [tilespmem:v16+s12+$0x0], $0xffff  }
0x826: {  	v16 =	vld [tilespmem:$0x1F7C0]  }
0x827: {  	v10 =	vld.idx.msk [tilespmem:v14+s12+$0x0], $0xffff;
	v11 =	vor.u32 s22, v37  }
0x828: {  	v15 =	vor.u32 s23, v37;
	_ =	sdelay $0x2  }
0x829: {  	v14 =	vor.u32 v16, v29;
	v16 =	vor.u32 v16, v3  }
0x82a: {  	[tilespmem:v11+s13+$0x0] =	vst.idx.msk $0xffff, v10  }
0x82b: {  	[tilespmem:v15+s13+$0x0] =	vst.idx.msk $0xffff, v13  }
0x82c: {  	v39 =	vld [tilespmem:$0x1F9A0];
	_ =	sdelay $0x1  }
0x82d: {  	v13 =	vld.idx.msk [tilespmem:v16+s12+$0x0], $0xffff  }
0x82e: {  	v16 =	vld [tilespmem:$0x1F7D0];
	_ =	sdelay $0x1  }
0x82f: {  	v10 =	vld.idx.msk [tilespmem:v14+s12+$0x0], $0xffff;
	v11 =	vor.u32 s22, v39  }
0x830: {  	v15 =	vor.u32 s23, v39;
	_ =	sdelay $0x1  }
0x831: {  	v14 =	vor.u32 v16, v29;
	v16 =	vor.u32 v16, v3;
	_ =	sdelay $0x1  }
0x832: {  	[tilespmem:v11+s13+$0x0] =	vst.idx.msk $0xffff, v10  }
0x833: {  	[tilespmem:v15+s13+$0x0] =	vst.idx.msk $0xffff, v13  }
0x834: {  	v44 =	vld [tilespmem:$0x1F9B0]  }
0x835: {  	v13 =	vld.idx.msk [tilespmem:v16+s12+$0x0], $0xffff  }
0x836: {  	v16 =	vld [tilespmem:$0x1F7E0];
	[tilespmem:v6+s13+$0x0] =	vst.idx.msk $0xffff, v4  }
0x837: {  	[tilespmem:v8+s13+$0x0] =	vst.idx.msk $0xffff, v5;
	v5 =	vor.u32 s21, v31;
	v4 =	vld.idx.msk [tilespmem:v7+s12+$0x0], $0xffff  }
0x838: {  	v8 =	vor.u32 s20, v31;
	v6 =	vld.idx.msk [tilespmem:v9+s12+$0x0], $0xffff  }
0x839: {  	v10 =	vld.idx.msk [tilespmem:v14+s12+$0x0], $0xffff;
	v11 =	vor.u32 s22, v44  }
0x83a: {  	v15 =	vor.u32 s23, v44  }
0x83b: {  	v33 =	vld [tilespmem:$0x1F600]  }
0x83c: {  	[tilespmem:v5+s13+$0x0] =	vst.idx.msk $0xffff, v4  }
0x83d: {  	[tilespmem:v8+s13+$0x0] =	vst.idx.msk $0xffff, v6  }
0x83e: {  	v14 =	vor.u32 v16, v29;
	[tilespmem:v11+s13+$0x0] =	vst.idx.msk $0xffff, v10  }
0x83f: {  	v16 =	vor.u32 v16, v3;
	[tilespmem:v15+s13+$0x0] =	vst.idx.msk $0xffff, v13  }
0x840: {  	v7 =	vor.u32 v33, v0;
	v11 =	vor.u32 s22, v31;
	v15 =	vor.u32 s23, v31;
	v31 =	vld [tilespmem:$0x1FA00]  }
0x841: {  	v9 =	vor.u32 v33, v1;
	_ =	sdelay $0x1  }
0x842: {  	v10 =	vld.idx.msk [tilespmem:v14+s12+$0x0], $0xffff  }
0x843: {  	v13 =	vld.idx.msk [tilespmem:v16+s12+$0x0], $0xffff  }
0x844: {  	v4 =	vld.idx.msk [tilespmem:v7+s12+$0x0], $0xffff;
	v5 =	vor.u32 s21, v31  }
0x845: {  	v6 =	vld.idx.msk [tilespmem:v9+s12+$0x0], $0xffff;
	v8 =	vor.u32 s20, v31  }
0x846: {  	v34 =	vld [tilespmem:$0x1F610]  }
0x847: {  	[tilespmem:v11+s13+$0x0] =	vst.idx.msk $0xffff, v10  }
0x848: {  	[tilespmem:v15+s13+$0x0] =	vst.idx.msk $0xffff, v13  }
0x849: {  	v14 =	vor.u32 v33, v29;
	[tilespmem:v5+s13+$0x0] =	vst.idx.msk $0xffff, v4  }
0x84a: {  	v16 =	vor.u32 v33, v3;
	[tilespmem:v8+s13+$0x0] =	vst.idx.msk $0xffff, v6  }
0x84b: {  	v7 =	vor.u32 v34, v0;
	v11 =	vor.u32 s22, v31;
	v15 =	vor.u32 s23, v31;
	v31 =	vld [tilespmem:$0x1FA10]  }
0x84c: {  	v9 =	vor.u32 v34, v1;
	_ =	sdelay $0x1  }
0x84d: {  	v10 =	vld.idx.msk [tilespmem:v14+s12+$0x0], $0xffff  }
0x84e: {  	v13 =	vld.idx.msk [tilespmem:v16+s12+$0x0], $0xffff  }
0x84f: {  	v4 =	vld.idx.msk [tilespmem:v7+s12+$0x0], $0xffff;
	v5 =	vor.u32 s21, v31  }
0x850: {  	v6 =	vld.idx.msk [tilespmem:v9+s12+$0x0], $0xffff;
	v8 =	vor.u32 s20, v31  }
0x851: {  	v37 =	vld [tilespmem:$0x1F620]  }
0x852: {  	[tilespmem:v11+s13+$0x0] =	vst.idx.msk $0xffff, v10  }
0x853: {  	[tilespmem:v15+s13+$0x0] =	vst.idx.msk $0xffff, v13  }
0x854: {  	v14 =	vor.u32 v34, v29;
	[tilespmem:v5+s13+$0x0] =	vst.idx.msk $0xffff, v4  }
0x855: {  	v16 =	vor.u32 v34, v3;
	[tilespmem:v8+s13+$0x0] =	vst.idx.msk $0xffff, v6  }
0x856: {  	v7 =	vor.u32 v37, v0;
	v11 =	vor.u32 s22, v31;
	v15 =	vor.u32 s23, v31;
	v31 =	vld [tilespmem:$0x1FA20]  }
0x857: {  	v9 =	vor.u32 v37, v1;
	_ =	sdelay $0x1  }
0x858: {  	v10 =	vld.idx.msk [tilespmem:v14+s12+$0x0], $0xffff  }
0x859: {  	v13 =	vld.idx.msk [tilespmem:v16+s12+$0x0], $0xffff  }
0x85a: {  	v4 =	vld.idx.msk [tilespmem:v7+s12+$0x0], $0xffff;
	v5 =	vor.u32 s21, v31  }
0x85b: {  	v6 =	vld.idx.msk [tilespmem:v9+s12+$0x0], $0xffff;
	v8 =	vor.u32 s20, v31  }
0x85c: {  	v39 =	vld [tilespmem:$0x1F630]  }
0x85d: {  	[tilespmem:v11+s13+$0x0] =	vst.idx.msk $0xffff, v10  }
0x85e: {  	[tilespmem:v15+s13+$0x0] =	vst.idx.msk $0xffff, v13  }
0x85f: {  	v14 =	vor.u32 v37, v29;
	[tilespmem:v5+s13+$0x0] =	vst.idx.msk $0xffff, v4  }
0x860: {  	v16 =	vor.u32 v37, v3;
	[tilespmem:v8+s13+$0x0] =	vst.idx.msk $0xffff, v6  }
0x861: {  	v7 =	vor.u32 v39, v0;
	v11 =	vor.u32 s22, v31;
	v15 =	vor.u32 s23, v31;
	v31 =	vld [tilespmem:$0x1FA30]  }
0x862: {  	v9 =	vor.u32 v39, v1;
	_ =	sdelay $0x1  }
0x863: {  	v10 =	vld.idx.msk [tilespmem:v14+s12+$0x0], $0xffff  }
0x864: {  	v13 =	vld.idx.msk [tilespmem:v16+s12+$0x0], $0xffff  }
0x865: {  	v4 =	vld.idx.msk [tilespmem:v7+s12+$0x0], $0xffff;
	v5 =	vor.u32 s21, v31  }
0x866: {  	v6 =	vld.idx.msk [tilespmem:v9+s12+$0x0], $0xffff;
	v8 =	vor.u32 s20, v31  }
0x867: {  	v44 =	vld [tilespmem:$0x1F640]  }
0x868: {  	[tilespmem:v11+s13+$0x0] =	vst.idx.msk $0xffff, v10  }
0x869: {  	[tilespmem:v15+s13+$0x0] =	vst.idx.msk $0xffff, v13  }
0x86a: {  	v14 =	vor.u32 v39, v29;
	[tilespmem:v5+s13+$0x0] =	vst.idx.msk $0xffff, v4  }
0x86b: {  	v16 =	vor.u32 v39, v3;
	[tilespmem:v8+s13+$0x0] =	vst.idx.msk $0xffff, v6  }
0x86c: {  	v7 =	vor.u32 v44, v0;
	v11 =	vor.u32 s22, v31;
	v15 =	vor.u32 s23, v31;
	v31 =	vld [tilespmem:$0x1FA40]  }
0x86d: {  	v9 =	vor.u32 v44, v1;
	_ =	sdelay $0x1  }
0x86e: {  	v10 =	vld.idx.msk [tilespmem:v14+s12+$0x0], $0xffff  }
0x86f: {  	v13 =	vld.idx.msk [tilespmem:v16+s12+$0x0], $0xffff  }
0x870: {  	v4 =	vld.idx.msk [tilespmem:v7+s12+$0x0], $0xffff;
	v5 =	vor.u32 s21, v31  }
0x871: {  	v6 =	vld.idx.msk [tilespmem:v9+s12+$0x0], $0xffff;
	v8 =	vor.u32 s20, v31  }
0x872: {  	v33 =	vld [tilespmem:$0x1F650]  }
0x873: {  	[tilespmem:v11+s13+$0x0] =	vst.idx.msk $0xffff, v10  }
0x874: {  	[tilespmem:v15+s13+$0x0] =	vst.idx.msk $0xffff, v13  }
0x875: {  	v14 =	vor.u32 v44, v29;
	[tilespmem:v5+s13+$0x0] =	vst.idx.msk $0xffff, v4  }
0x876: {  	v16 =	vor.u32 v44, v3;
	[tilespmem:v8+s13+$0x0] =	vst.idx.msk $0xffff, v6  }
0x877: {  	v7 =	vor.u32 v33, v0;
	v11 =	vor.u32 s22, v31;
	v15 =	vor.u32 s23, v31;
	v31 =	vld [tilespmem:$0x1FA50]  }
0x878: {  	v9 =	vor.u32 v33, v1;
	_ =	sdelay $0x1  }
0x879: {  	v10 =	vld.idx.msk [tilespmem:v14+s12+$0x0], $0xffff  }
0x87a: {  	v13 =	vld.idx.msk [tilespmem:v16+s12+$0x0], $0xffff  }
0x87b: {  	v4 =	vld.idx.msk [tilespmem:v7+s12+$0x0], $0xffff;
	v5 =	vor.u32 s21, v31  }
0x87c: {  	v6 =	vld.idx.msk [tilespmem:v9+s12+$0x0], $0xffff;
	v8 =	vor.u32 s20, v31  }
0x87d: {  	v34 =	vld [tilespmem:$0x1F660]  }
0x87e: {  	[tilespmem:v11+s13+$0x0] =	vst.idx.msk $0xffff, v10  }
0x87f: {  	[tilespmem:v15+s13+$0x0] =	vst.idx.msk $0xffff, v13  }
0x880: {  	v14 =	vor.u32 v33, v29;
	[tilespmem:v5+s13+$0x0] =	vst.idx.msk $0xffff, v4  }
0x881: {  	v16 =	vor.u32 v33, v3;
	[tilespmem:v8+s13+$0x0] =	vst.idx.msk $0xffff, v6  }
0x882: {  	v7 =	vor.u32 v34, v0;
	v11 =	vor.u32 s22, v31;
	v15 =	vor.u32 s23, v31;
	v31 =	vld [tilespmem:$0x1FA60]  }
0x883: {  	v9 =	vor.u32 v34, v1;
	_ =	sdelay $0x1  }
0x884: {  	v10 =	vld.idx.msk [tilespmem:v14+s12+$0x0], $0xffff  }
0x885: {  	v13 =	vld.idx.msk [tilespmem:v16+s12+$0x0], $0xffff  }
0x886: {  	v4 =	vld.idx.msk [tilespmem:v7+s12+$0x0], $0xffff;
	v5 =	vor.u32 s21, v31  }
0x887: {  	v6 =	vld.idx.msk [tilespmem:v9+s12+$0x0], $0xffff;
	v8 =	vor.u32 s20, v31  }
0x888: {  	v37 =	vld [tilespmem:$0x1F670]  }
0x889: {  	[tilespmem:v11+s13+$0x0] =	vst.idx.msk $0xffff, v10  }
0x88a: {  	[tilespmem:v15+s13+$0x0] =	vst.idx.msk $0xffff, v13  }
0x88b: {  	v14 =	vor.u32 v34, v29;
	[tilespmem:v5+s13+$0x0] =	vst.idx.msk $0xffff, v4  }
0x88c: {  	v16 =	vor.u32 v34, v3;
	[tilespmem:v8+s13+$0x0] =	vst.idx.msk $0xffff, v6  }
0x88d: {  	v7 =	vor.u32 v37, v0;
	v11 =	vor.u32 s22, v31;
	v15 =	vor.u32 s23, v31;
	v31 =	vld [tilespmem:$0x1FA70]  }
0x88e: {  	v9 =	vor.u32 v37, v1;
	_ =	sdelay $0x1  }
0x88f: {  	v10 =	vld.idx.msk [tilespmem:v14+s12+$0x0], $0xffff  }
0x890: {  	v13 =	vld.idx.msk [tilespmem:v16+s12+$0x0], $0xffff  }
0x891: {  	v4 =	vld.idx.msk [tilespmem:v7+s12+$0x0], $0xffff;
	v5 =	vor.u32 s21, v31  }
0x892: {  	v6 =	vld.idx.msk [tilespmem:v9+s12+$0x0], $0xffff;
	v8 =	vor.u32 s20, v31  }
0x893: {  	v39 =	vld [tilespmem:$0x1F680]  }
0x894: {  	[tilespmem:v11+s13+$0x0] =	vst.idx.msk $0xffff, v10  }
0x895: {  	[tilespmem:v15+s13+$0x0] =	vst.idx.msk $0xffff, v13  }
0x896: {  	v14 =	vor.u32 v37, v29;
	[tilespmem:v5+s13+$0x0] =	vst.idx.msk $0xffff, v4  }
0x897: {  	v16 =	vor.u32 v37, v3;
	[tilespmem:v8+s13+$0x0] =	vst.idx.msk $0xffff, v6  }
0x898: {  	v7 =	vor.u32 v39, v0;
	v11 =	vor.u32 s22, v31;
	v15 =	vor.u32 s23, v31;
	v31 =	vld [tilespmem:$0x1FA80]  }
0x899: {  	v9 =	vor.u32 v39, v1;
	_ =	sdelay $0x1  }
0x89a: {  	v10 =	vld.idx.msk [tilespmem:v14+s12+$0x0], $0xffff  }
0x89b: {  	v13 =	vld.idx.msk [tilespmem:v16+s12+$0x0], $0xffff  }
0x89c: {  	v4 =	vld.idx.msk [tilespmem:v7+s12+$0x0], $0xffff;
	v5 =	vor.u32 s21, v31  }
0x89d: {  	v6 =	vld.idx.msk [tilespmem:v9+s12+$0x0], $0xffff;
	v8 =	vor.u32 s20, v31  }
0x89e: {  	v44 =	vld [tilespmem:$0x1F690]  }
0x89f: {  	[tilespmem:v11+s13+$0x0] =	vst.idx.msk $0xffff, v10  }
0x8a0: {  	[tilespmem:v15+s13+$0x0] =	vst.idx.msk $0xffff, v13  }
0x8a1: {  	v14 =	vor.u32 v39, v29;
	[tilespmem:v5+s13+$0x0] =	vst.idx.msk $0xffff, v4  }
0x8a2: {  	v16 =	vor.u32 v39, v3;
	[tilespmem:v8+s13+$0x0] =	vst.idx.msk $0xffff, v6  }
0x8a3: {  	v7 =	vor.u32 v44, v0;
	v11 =	vor.u32 s22, v31;
	v15 =	vor.u32 s23, v31;
	v31 =	vld [tilespmem:$0x1FA90]  }
0x8a4: {  	v9 =	vor.u32 v44, v1;
	_ =	sdelay $0x1  }
0x8a5: {  	v10 =	vld.idx.msk [tilespmem:v14+s12+$0x0], $0xffff  }
0x8a6: {  	v13 =	vld.idx.msk [tilespmem:v16+s12+$0x0], $0xffff  }
0x8a7: {  	v4 =	vld.idx.msk [tilespmem:v7+s12+$0x0], $0xffff;
	v5 =	vor.u32 s21, v31  }
0x8a8: {  	v6 =	vld.idx.msk [tilespmem:v9+s12+$0x0], $0xffff;
	v8 =	vor.u32 s20, v31  }
0x8a9: {  	v33 =	vld [tilespmem:$0x1F6A0]  }
0x8aa: {  	[tilespmem:v11+s13+$0x0] =	vst.idx.msk $0xffff, v10  }
0x8ab: {  	[tilespmem:v15+s13+$0x0] =	vst.idx.msk $0xffff, v13  }
0x8ac: {  	v14 =	vor.u32 v44, v29;
	[tilespmem:v5+s13+$0x0] =	vst.idx.msk $0xffff, v4  }
0x8ad: {  	v16 =	vor.u32 v44, v3;
	[tilespmem:v8+s13+$0x0] =	vst.idx.msk $0xffff, v6  }
0x8ae: {  	v7 =	vor.u32 v33, v0;
	v11 =	vor.u32 s22, v31;
	v15 =	vor.u32 s23, v31;
	v31 =	vld [tilespmem:$0x1FAA0]  }
0x8af: {  	v9 =	vor.u32 v33, v1;
	_ =	sdelay $0x1  }
0x8b0: {  	v10 =	vld.idx.msk [tilespmem:v14+s12+$0x0], $0xffff  }
0x8b1: {  	v13 =	vld.idx.msk [tilespmem:v16+s12+$0x0], $0xffff  }
0x8b2: {  	v4 =	vld.idx.msk [tilespmem:v7+s12+$0x0], $0xffff;
	v5 =	vor.u32 s21, v31  }
0x8b3: {  	v6 =	vld.idx.msk [tilespmem:v9+s12+$0x0], $0xffff;
	v8 =	vor.u32 s20, v31  }
0x8b4: {  	v34 =	vld [tilespmem:$0x1F6B0]  }
0x8b5: {  	[tilespmem:v11+s13+$0x0] =	vst.idx.msk $0xffff, v10  }
0x8b6: {  	[tilespmem:v15+s13+$0x0] =	vst.idx.msk $0xffff, v13  }
0x8b7: {  	v14 =	vor.u32 v33, v29;
	[tilespmem:v5+s13+$0x0] =	vst.idx.msk $0xffff, v4  }
0x8b8: {  	v16 =	vor.u32 v33, v3;
	[tilespmem:v8+s13+$0x0] =	vst.idx.msk $0xffff, v6  }
0x8b9: {  	v7 =	vor.u32 v34, v0;
	v11 =	vor.u32 s22, v31;
	v15 =	vor.u32 s23, v31;
	v31 =	vld [tilespmem:$0x1FAB0]  }
0x8ba: {  	v9 =	vor.u32 v34, v1;
	_ =	sdelay $0x1  }
0x8bb: {  	v10 =	vld.idx.msk [tilespmem:v14+s12+$0x0], $0xffff  }
0x8bc: {  	v13 =	vld.idx.msk [tilespmem:v16+s12+$0x0], $0xffff  }
0x8bd: {  	v4 =	vld.idx.msk [tilespmem:v7+s12+$0x0], $0xffff;
	v5 =	vor.u32 s21, v31  }
0x8be: {  	v6 =	vld.idx.msk [tilespmem:v9+s12+$0x0], $0xffff;
	v8 =	vor.u32 s20, v31  }
0x8bf: {  	v37 =	vld [tilespmem:$0x1F6C0]  }
0x8c0: {  	[tilespmem:v11+s13+$0x0] =	vst.idx.msk $0xffff, v10  }
0x8c1: {  	[tilespmem:v15+s13+$0x0] =	vst.idx.msk $0xffff, v13  }
0x8c2: {  	v14 =	vor.u32 v34, v29;
	[tilespmem:v5+s13+$0x0] =	vst.idx.msk $0xffff, v4  }
0x8c3: {  	v16 =	vor.u32 v34, v3;
	[tilespmem:v8+s13+$0x0] =	vst.idx.msk $0xffff, v6  }
0x8c4: {  	v7 =	vor.u32 v37, v0;
	v11 =	vor.u32 s22, v31;
	v15 =	vor.u32 s23, v31;
	v31 =	vld [tilespmem:$0x1FAC0]  }
0x8c5: {  	v9 =	vor.u32 v37, v1;
	_ =	sdelay $0x1  }
0x8c6: {  	v10 =	vld.idx.msk [tilespmem:v14+s12+$0x0], $0xffff  }
0x8c7: {  	v13 =	vld.idx.msk [tilespmem:v16+s12+$0x0], $0xffff  }
0x8c8: {  	v4 =	vld.idx.msk [tilespmem:v7+s12+$0x0], $0xffff;
	v5 =	vor.u32 s21, v31  }
0x8c9: {  	v6 =	vld.idx.msk [tilespmem:v9+s12+$0x0], $0xffff;
	v8 =	vor.u32 s20, v31  }
0x8ca: {  	v39 =	vld [tilespmem:$0x1F6D0]  }
0x8cb: {  	[tilespmem:v11+s13+$0x0] =	vst.idx.msk $0xffff, v10  }
0x8cc: {  	[tilespmem:v15+s13+$0x0] =	vst.idx.msk $0xffff, v13  }
0x8cd: {  	v14 =	vor.u32 v37, v29;
	[tilespmem:v5+s13+$0x0] =	vst.idx.msk $0xffff, v4  }
0x8ce: {  	v16 =	vor.u32 v37, v3;
	[tilespmem:v8+s13+$0x0] =	vst.idx.msk $0xffff, v6  }
0x8cf: {  	v7 =	vor.u32 v39, v0;
	v11 =	vor.u32 s22, v31;
	v15 =	vor.u32 s23, v31;
	v31 =	vld [tilespmem:$0x1FE60]  }
0x8d0: {  	v9 =	vor.u32 v39, v1;
	_ =	sdelay $0x1  }
0x8d1: {  	v10 =	vld.idx.msk [tilespmem:v14+s12+$0x0], $0xffff  }
0x8d2: {  	v13 =	vld.idx.msk [tilespmem:v16+s12+$0x0], $0xffff  }
0x8d3: {  	v4 =	vld.idx.msk [tilespmem:v7+s12+$0x0], $0xffff;
	v5 =	vor.u32 s21, v31  }
0x8d4: {  	v6 =	vld.idx.msk [tilespmem:v9+s12+$0x0], $0xffff;
	v8 =	vor.u32 s20, v31;
	_ =	sdelay $0x1  }
0x8d5: {  	[tilespmem:v11+s13+$0x0] =	vst.idx.msk $0xffff, v10  }
0x8d6: {  	[tilespmem:v15+s13+$0x0] =	vst.idx.msk $0xffff, v13  }
0x8d7: {  	v14 =	vor.u32 v39, v29;
	[tilespmem:v5+s13+$0x0] =	vst.idx.msk $0xffff, v4  }
0x8d8: {  	v16 =	vor.u32 v39, v3;
	[tilespmem:v8+s13+$0x0] =	vst.idx.msk $0xffff, v6  }
0x8d9: {  	v7 =	vor.u32 v32, v0;
	v44 =	vld [tilespmem:$0x1FE70]  }
0x8da: {  	v9 =	vor.u32 v32, v1;
	_ =	sdelay $0x1  }
0x8db: {  	v10 =	vld.idx.msk [tilespmem:v14+s12+$0x0], $0xffff;
	v11 =	vor.u32 s22, v31  }
0x8dc: {  	v13 =	vld.idx.msk [tilespmem:v16+s12+$0x0], $0xffff;
	v14 =	vor.u32 v32, v29;
	v15 =	vor.u32 s23, v31  }
0x8dd: {  	v16 =	vor.u32 v32, v3;
	v4 =	vld.idx.msk [tilespmem:v7+s12+$0x0], $0xffff;
	v5 =	vor.u32 s21, v44  }
0x8de: {  	v6 =	vld.idx.msk [tilespmem:v9+s12+$0x0], $0xffff;
	v7 =	vor.u32 v59, v0;
	v8 =	vor.u32 s20, v44  }
0x8df: {  	v9 =	vor.u32 v59, v1  }
0x8e0: {  	[tilespmem:v11+s13+$0x0] =	vst.idx.msk $0xffff, v10  }
0x8e1: {  	[tilespmem:v15+s13+$0x0] =	vst.idx.msk $0xffff, v13;
	v10 =	vld.idx.msk [tilespmem:v14+s12+$0x0], $0xffff;
	v11 =	vor.u32 s22, v44  }
0x8e2: {  	v13 =	vld.idx.msk [tilespmem:v16+s12+$0x0], $0xffff;
	v15 =	vor.u32 s23, v44;
	[tilespmem:v5+s13+$0x0] =	vst.idx.msk $0xffff, v4  }
0x8e3: {  	[tilespmem:v8+s13+$0x0] =	vst.idx.msk $0xffff, v6;
	v5 =	vor.u32 s21, v58;
	v4 =	vld.idx.msk [tilespmem:v7+s12+$0x0], $0xffff  }
0x8e4: {  	v8 =	vor.u32 s20, v58;
	v6 =	vld.idx.msk [tilespmem:v9+s12+$0x0], $0xffff;
	_ =	sdelay $0x1  }
0x8e5: {  	[tilespmem:v11+s13+$0x0] =	vst.idx.msk $0xffff, v10  }
0x8e6: {  	[tilespmem:v15+s13+$0x0] =	vst.idx.msk $0xffff, v13  }
0x8e7: {  	v14 =	vor.u32 v59, v29;
	[tilespmem:v5+s13+$0x0] =	vst.idx.msk $0xffff, v4  }
0x8e8: {  	v16 =	vor.u32 v59, v3;
	[tilespmem:v8+s13+$0x0] =	vst.idx.msk $0xffff, v6  }
0x8e9: {  	v7 =	vor.u32 v36, v0;
	v33 =	vld [tilespmem:$0x1FE80]  }
0x8ea: {  	v9 =	vor.u32 v36, v1;
	_ =	sdelay $0x1  }
0x8eb: {  	v11 =	vor.u32 s22, v58;
	v10 =	vld.idx.msk [tilespmem:v14+s12+$0x0], $0xffff  }
0x8ec: {  	v15 =	vor.u32 s23, v58;
	v13 =	vld.idx.msk [tilespmem:v16+s12+$0x0], $0xffff  }
0x8ed: {  	v4 =	vld.idx.msk [tilespmem:v7+s12+$0x0], $0xffff;
	v5 =	vor.u32 s21, v33  }
0x8ee: {  	v6 =	vld.idx.msk [tilespmem:v9+s12+$0x0], $0xffff;
	v8 =	vor.u32 s20, v33;
	_ =	sdelay $0x1  }
0x8ef: {  	[tilespmem:v11+s13+$0x0] =	vst.idx.msk $0xffff, v10  }
0x8f0: {  	[tilespmem:v15+s13+$0x0] =	vst.idx.msk $0xffff, v13  }
0x8f1: {  	v14 =	vor.u32 v36, v29;
	[tilespmem:v5+s13+$0x0] =	vst.idx.msk $0xffff, v4  }
0x8f2: {  	v16 =	vor.u32 v36, v3;
	[tilespmem:v8+s13+$0x0] =	vst.idx.msk $0xffff, v6  }
0x8f3: {  	v7 =	vor.u32 v35, v0;
	v2 =	vld [tilespmem:$0x1FE90]  }
0x8f4: {  	v9 =	vor.u32 v35, v1;
	_ =	sdelay $0x1  }
0x8f5: {  	v10 =	vld.idx.msk [tilespmem:v14+s12+$0x0], $0xffff;
	v11 =	vor.u32 s22, v33  }
0x8f6: {  	v13 =	vld.idx.msk [tilespmem:v16+s12+$0x0], $0xffff;
	v15 =	vor.u32 s23, v33  }
0x8f7: {  	v4 =	vld.idx.msk [tilespmem:v7+s12+$0x0], $0xffff;
	v5 =	vor.u32 s21, v2  }
0x8f8: {  	v6 =	vld.idx.msk [tilespmem:v9+s12+$0x0], $0xffff;
	v8 =	vor.u32 s20, v2;
	_ =	sdelay $0x1  }
0x8f9: {  	[tilespmem:v11+s13+$0x0] =	vst.idx.msk $0xffff, v10  }
0x8fa: {  	[tilespmem:v15+s13+$0x0] =	vst.idx.msk $0xffff, v13  }
0x8fb: {  	v14 =	vor.u32 v35, v29;
	[tilespmem:v5+s13+$0x0] =	vst.idx.msk $0xffff, v4  }
0x8fc: {  	v16 =	vor.u32 v35, v3;
	[tilespmem:v8+s13+$0x0] =	vst.idx.msk $0xffff, v6  }
0x8fd: {  	v7 =	vor.u32 v38, v0;
	v34 =	vld [tilespmem:$0x1FEA0]  }
0x8fe: {  	v9 =	vor.u32 v38, v1;
	_ =	sdelay $0x1  }
0x8ff: {  	v10 =	vld.idx.msk [tilespmem:v14+s12+$0x0], $0xffff;
	v11 =	vor.u32 s22, v2  }
0x900: {  	v13 =	vld.idx.msk [tilespmem:v16+s12+$0x0], $0xffff;
	v15 =	vor.u32 s23, v2  }
0x901: {  	v4 =	vld.idx.msk [tilespmem:v7+s12+$0x0], $0xffff;
	v5 =	vor.u32 s21, v34  }
0x902: {  	v6 =	vld.idx.msk [tilespmem:v9+s12+$0x0], $0xffff;
	v8 =	vor.u32 s20, v34;
	_ =	sdelay $0x1  }
0x903: {  	[tilespmem:v11+s13+$0x0] =	vst.idx.msk $0xffff, v10  }
0x904: {  	[tilespmem:v15+s13+$0x0] =	vst.idx.msk $0xffff, v13  }
0x905: {  	v14 =	vor.u32 v38, v29;
	[tilespmem:v5+s13+$0x0] =	vst.idx.msk $0xffff, v4  }
0x906: {  	v16 =	vor.u32 v38, v3;
	[tilespmem:v8+s13+$0x0] =	vst.idx.msk $0xffff, v6  }
0x907: {  	v7 =	vor.u32 v40, v0;
	v37 =	vld [tilespmem:$0x1FEB0]  }
0x908: {  	v9 =	vor.u32 v40, v1;
	_ =	sdelay $0x1  }
0x909: {  	v10 =	vld.idx.msk [tilespmem:v14+s12+$0x0], $0xffff;
	v11 =	vor.u32 s22, v34  }
0x90a: {  	v13 =	vld.idx.msk [tilespmem:v16+s12+$0x0], $0xffff;
	v15 =	vor.u32 s23, v34  }
0x90b: {  	v4 =	vld.idx.msk [tilespmem:v7+s12+$0x0], $0xffff;
	v5 =	vor.u32 s21, v37  }
0x90c: {  	v6 =	vld.idx.msk [tilespmem:v9+s12+$0x0], $0xffff;
	v8 =	vor.u32 s20, v37;
	_ =	sdelay $0x1  }
0x90d: {  	[tilespmem:v11+s13+$0x0] =	vst.idx.msk $0xffff, v10  }
0x90e: {  	[tilespmem:v15+s13+$0x0] =	vst.idx.msk $0xffff, v13  }
0x90f: {  	v14 =	vor.u32 v40, v29;
	[tilespmem:v5+s13+$0x0] =	vst.idx.msk $0xffff, v4  }
0x910: {  	v16 =	vor.u32 v40, v3;
	[tilespmem:v8+s13+$0x0] =	vst.idx.msk $0xffff, v6  }
0x911: {  	v7 =	vor.u32 v41, v0;
	v35 =	vld [tilespmem:$0x1FEC0]  }
0x912: {  	v9 =	vor.u32 v41, v1;
	_ =	sdelay $0x1  }
0x913: {  	v10 =	vld.idx.msk [tilespmem:v14+s12+$0x0], $0xffff;
	v11 =	vor.u32 s22, v37  }
0x914: {  	v13 =	vld.idx.msk [tilespmem:v16+s12+$0x0], $0xffff;
	v15 =	vor.u32 s23, v37  }
0x915: {  	v4 =	vld.idx.msk [tilespmem:v7+s12+$0x0], $0xffff;
	v5 =	vor.u32 s21, v35  }
0x916: {  	v6 =	vld.idx.msk [tilespmem:v9+s12+$0x0], $0xffff;
	v8 =	vor.u32 s20, v35;
	_ =	sdelay $0x1  }
0x917: {  	[tilespmem:v11+s13+$0x0] =	vst.idx.msk $0xffff, v10  }
0x918: {  	[tilespmem:v15+s13+$0x0] =	vst.idx.msk $0xffff, v13  }
0x919: {  	v14 =	vor.u32 v41, v29;
	[tilespmem:v5+s13+$0x0] =	vst.idx.msk $0xffff, v4  }
0x91a: {  	v16 =	vor.u32 v41, v3;
	[tilespmem:v8+s13+$0x0] =	vst.idx.msk $0xffff, v6  }
0x91b: {  	v7 =	vor.u32 v42, v0;
	v37 =	vld [tilespmem:$0x1FED0]  }
0x91c: {  	v9 =	vor.u32 v42, v1;
	_ =	sdelay $0x1  }
0x91d: {  	v10 =	vld.idx.msk [tilespmem:v14+s12+$0x0], $0xffff;
	v11 =	vor.u32 s22, v35  }
0x91e: {  	v13 =	vld.idx.msk [tilespmem:v16+s12+$0x0], $0xffff;
	v15 =	vor.u32 s23, v35  }
0x91f: {  	v4 =	vld.idx.msk [tilespmem:v7+s12+$0x0], $0xffff;
	v5 =	vor.u32 s21, v37  }
0x920: {  	v6 =	vld.idx.msk [tilespmem:v9+s12+$0x0], $0xffff;
	v8 =	vor.u32 s20, v37;
	_ =	sdelay $0x1  }
0x921: {  	[tilespmem:v11+s13+$0x0] =	vst.idx.msk $0xffff, v10  }
0x922: {  	[tilespmem:v15+s13+$0x0] =	vst.idx.msk $0xffff, v13  }
0x923: {  	v14 =	vor.u32 v42, v29;
	[tilespmem:v5+s13+$0x0] =	vst.idx.msk $0xffff, v4  }
0x924: {  	v16 =	vor.u32 v42, v3;
	[tilespmem:v8+s13+$0x0] =	vst.idx.msk $0xffff, v6  }
0x925: {  	v7 =	vor.u32 v43, v0;
	v38 =	vld [tilespmem:$0x1FEE0]  }
0x926: {  	v9 =	vor.u32 v43, v1;
	_ =	sdelay $0x1  }
0x927: {  	v10 =	vld.idx.msk [tilespmem:v14+s12+$0x0], $0xffff;
	v11 =	vor.u32 s22, v37  }
0x928: {  	v13 =	vld.idx.msk [tilespmem:v16+s12+$0x0], $0xffff;
	v15 =	vor.u32 s23, v37  }
0x929: {  	v4 =	vld.idx.msk [tilespmem:v7+s12+$0x0], $0xffff;
	v5 =	vor.u32 s21, v38  }
0x92a: {  	v6 =	vld.idx.msk [tilespmem:v9+s12+$0x0], $0xffff;
	v8 =	vor.u32 s20, v38;
	_ =	sdelay $0x1  }
0x92b: {  	[tilespmem:v11+s13+$0x0] =	vst.idx.msk $0xffff, v10  }
0x92c: {  	[tilespmem:v15+s13+$0x0] =	vst.idx.msk $0xffff, v13  }
0x92d: {  	v14 =	vor.u32 v43, v29;
	[tilespmem:v5+s13+$0x0] =	vst.idx.msk $0xffff, v4  }
0x92e: {  	v16 =	vor.u32 v43, v3;
	[tilespmem:v8+s13+$0x0] =	vst.idx.msk $0xffff, v6  }
0x92f: {  	v7 =	vor.u32 v45, v0;
	v34 =	vld [tilespmem:$0x1FFD0]  }
0x930: {  	v9 =	vor.u32 v45, v1;
	_ =	sdelay $0x1  }
0x931: {  	v10 =	vld.idx.msk [tilespmem:v14+s12+$0x0], $0xffff;
	v11 =	vor.u32 s22, v38  }
0x932: {  	v13 =	vld.idx.msk [tilespmem:v16+s12+$0x0], $0xffff;
	v15 =	vor.u32 s23, v38  }
0x933: {  	v4 =	vld.idx.msk [tilespmem:v7+s12+$0x0], $0xffff;
	v5 =	vor.u32 s21, v34  }
0x934: {  	v6 =	vld.idx.msk [tilespmem:v9+s12+$0x0], $0xffff;
	v8 =	vor.u32 s20, v34;
	_ =	sdelay $0x1  }
0x935: {  	[tilespmem:v11+s13+$0x0] =	vst.idx.msk $0xffff, v10  }
0x936: {  	[tilespmem:v15+s13+$0x0] =	vst.idx.msk $0xffff, v13  }
0x937: {  	v14 =	vor.u32 v45, v29;
	[tilespmem:v5+s13+$0x0] =	vst.idx.msk $0xffff, v4  }
0x938: {  	v16 =	vor.u32 v45, v3;
	[tilespmem:v8+s13+$0x0] =	vst.idx.msk $0xffff, v6  }
0x939: {  	v7 =	vor.u32 v46, v0;
	v39 =	vld [tilespmem:$0x1FFE0]  }
0x93a: {  	v9 =	vor.u32 v46, v1;
	_ =	sdelay $0x1  }
0x93b: {  	v10 =	vld.idx.msk [tilespmem:v14+s12+$0x0], $0xffff;
	v11 =	vor.u32 s22, v34  }
0x93c: {  	v13 =	vld.idx.msk [tilespmem:v16+s12+$0x0], $0xffff;
	v15 =	vor.u32 s23, v34  }
0x93d: {  	v4 =	vld.idx.msk [tilespmem:v7+s12+$0x0], $0xffff;
	v5 =	vor.u32 s21, v39  }
0x93e: {  	v6 =	vld.idx.msk [tilespmem:v9+s12+$0x0], $0xffff;
	v8 =	vor.u32 s20, v39;
	_ =	sdelay $0x1  }
0x93f: {  	[tilespmem:v11+s13+$0x0] =	vst.idx.msk $0xffff, v10  }
0x940: {  	[tilespmem:v15+s13+$0x0] =	vst.idx.msk $0xffff, v13  }
0x941: {  	v14 =	vor.u32 v46, v29;
	[tilespmem:v5+s13+$0x0] =	vst.idx.msk $0xffff, v4  }
0x942: {  	v16 =	vor.u32 v46, v3;
	[tilespmem:v8+s13+$0x0] =	vst.idx.msk $0xffff, v6  }
0x943: {  	v7 =	vor.u32 v47, v0;
	v44 =	vld [tilespmem:$0x1FFF0]  }
0x944: {  	v9 =	vor.u32 v47, v1;
	_ =	sdelay $0x1  }
0x945: {  	v10 =	vld.idx.msk [tilespmem:v14+s12+$0x0], $0xffff;
	v11 =	vor.u32 s22, v39  }
0x946: {  	v13 =	vld.idx.msk [tilespmem:v16+s12+$0x0], $0xffff;
	v15 =	vor.u32 s23, v39  }
0x947: {  	v4 =	vld.idx.msk [tilespmem:v7+s12+$0x0], $0xffff;
	v5 =	vor.u32 s21, v44  }
0x948: {  	v6 =	vld.idx.msk [tilespmem:v9+s12+$0x0], $0xffff;
	v8 =	vor.u32 s20, v44;
	_ =	sdelay $0x1  }
0x949: {  	[tilespmem:v11+s13+$0x0] =	vst.idx.msk $0xffff, v10  }
0x94a: {  	[tilespmem:v15+s13+$0x0] =	vst.idx.msk $0xffff, v13  }
0x94b: {  	v14 =	vor.u32 v47, v29;
	[tilespmem:v5+s13+$0x0] =	vst.idx.msk $0xffff, v4  }
0x94c: {  	v16 =	vor.u32 v47, v3;
	[tilespmem:v8+s13+$0x0] =	vst.idx.msk $0xffff, v6  }
0x94d: {  	v7 =	vor.u32 v48, v0;
	v42 =	vld [tilespmem:$0x1FEF0]  }
0x94e: {  	v9 =	vor.u32 v48, v1;
	_ =	sdelay $0x1  }
0x94f: {  	v10 =	vld.idx.msk [tilespmem:v14+s12+$0x0], $0xffff;
	v11 =	vor.u32 s22, v44  }
0x950: {  	v13 =	vld.idx.msk [tilespmem:v16+s12+$0x0], $0xffff;
	v15 =	vor.u32 s23, v44  }
0x951: {  	v4 =	vld.idx.msk [tilespmem:v7+s12+$0x0], $0xffff;
	v5 =	vor.u32 s21, v42  }
0x952: {  	v6 =	vld.idx.msk [tilespmem:v9+s12+$0x0], $0xffff;
	v8 =	vor.u32 s20, v42;
	_ =	sdelay $0x1  }
0x953: {  	[tilespmem:v11+s13+$0x0] =	vst.idx.msk $0xffff, v10  }
0x954: {  	[tilespmem:v15+s13+$0x0] =	vst.idx.msk $0xffff, v13  }
0x955: {  	v14 =	vor.u32 v48, v29;
	[tilespmem:v5+s13+$0x0] =	vst.idx.msk $0xffff, v4  }
0x956: {  	v16 =	vor.u32 v48, v3;
	[tilespmem:v8+s13+$0x0] =	vst.idx.msk $0xffff, v6  }
0x957: {  	v7 =	vor.u32 v61, v0;
	v43 =	vld [tilespmem:$0x1FF30]  }
0x958: {  	v9 =	vor.u32 v61, v1;
	_ =	sdelay $0x1  }
0x959: {  	v10 =	vld.idx.msk [tilespmem:v14+s12+$0x0], $0xffff;
	v11 =	vor.u32 s22, v42  }
0x95a: {  	v13 =	vld.idx.msk [tilespmem:v16+s12+$0x0], $0xffff;
	v15 =	vor.u32 s23, v42  }
0x95b: {  	v4 =	vld.idx.msk [tilespmem:v7+s12+$0x0], $0xffff;
	v5 =	vor.u32 s21, v43  }
0x95c: {  	v6 =	vld.idx.msk [tilespmem:v9+s12+$0x0], $0xffff;
	v8 =	vor.u32 s20, v43;
	_ =	sdelay $0x1  }
0x95d: {  	[tilespmem:v11+s13+$0x0] =	vst.idx.msk $0xffff, v10  }
0x95e: {  	[tilespmem:v15+s13+$0x0] =	vst.idx.msk $0xffff, v13  }
0x95f: {  	v14 =	vor.u32 v61, v29;
	[tilespmem:v5+s13+$0x0] =	vst.idx.msk $0xffff, v4  }
0x960: {  	v16 =	vor.u32 v61, v3;
	[tilespmem:v8+s13+$0x0] =	vst.idx.msk $0xffff, v6  }
0x961: {  	v7 =	vor.u32 v62, v0;
	v47 =	vld [tilespmem:$0x1FF40]  }
0x962: {  	v9 =	vor.u32 v62, v1;
	_ =	sdelay $0x1  }
0x963: {  	v10 =	vld.idx.msk [tilespmem:v14+s12+$0x0], $0xffff;
	v11 =	vor.u32 s22, v43  }
0x964: {  	v13 =	vld.idx.msk [tilespmem:v16+s12+$0x0], $0xffff;
	v15 =	vor.u32 s23, v43  }
0x965: {  	v4 =	vld.idx.msk [tilespmem:v7+s12+$0x0], $0xffff;
	v5 =	vor.u32 s21, v47  }
0x966: {  	v6 =	vld.idx.msk [tilespmem:v9+s12+$0x0], $0xffff;
	v8 =	vor.u32 s20, v47;
	_ =	sdelay $0x1  }
0x967: {  	[tilespmem:v11+s13+$0x0] =	vst.idx.msk $0xffff, v10  }
0x968: {  	[tilespmem:v15+s13+$0x0] =	vst.idx.msk $0xffff, v13  }
0x969: {  	v14 =	vor.u32 v62, v29;
	[tilespmem:v5+s13+$0x0] =	vst.idx.msk $0xffff, v4  }
0x96a: {  	v16 =	vor.u32 v62, v3;
	[tilespmem:v8+s13+$0x0] =	vst.idx.msk $0xffff, v6  }
0x96b: {  	v7 =	vor.u32 v63, v0;
	v58 =	vld [tilespmem:$0x1FF50]  }
0x96c: {  	v9 =	vor.u32 v63, v1;
	_ =	sdelay $0x1  }
0x96d: {  	v10 =	vld.idx.msk [tilespmem:v14+s12+$0x0], $0xffff;
	v11 =	vor.u32 s22, v47  }
0x96e: {  	v13 =	vld.idx.msk [tilespmem:v16+s12+$0x0], $0xffff;
	v15 =	vor.u32 s23, v47  }
0x96f: {  	v4 =	vld.idx.msk [tilespmem:v7+s12+$0x0], $0xffff;
	v5 =	vor.u32 s21, v58  }
0x970: {  	v16 =	vor.u32 v63, v3;
	v6 =	vld.idx.msk [tilespmem:v9+s12+$0x0], $0xffff;
	v7 =	vor.u32 s20, v58;
	_ =	sdelay $0x1  }
0x971: {  	v14 =	vor.u32 v63, v29;
	[tilespmem:v11+s13+$0x0] =	vst.idx.msk $0xffff, v10  }
0x972: {  	[tilespmem:v15+s13+$0x0] =	vst.idx.msk $0xffff, v13  }
0x973: {  	[tilespmem:v5+s13+$0x0] =	vst.idx.msk $0xffff, v4  }
0x974: {  	v10 =	vld.idx.msk [tilespmem:v16+s12+$0x0], $0xffff;
	[tilespmem:v7+s13+$0x0] =	vst.idx.msk $0xffff, v6  }
0x975: {  	v59 =	vor.u32 v30, v0;
	v16 =	vld [tilespmem:$0x1FE40]  }
0x976: {  	v61 =	vor.u32 v30, v1;
	v8 =	vld.idx.msk [tilespmem:v14+s12+$0x0], $0xffff;
	v9 =	vor.u32 s22, v58  }
0x977: {  	v62 =	vor.u32 v30, v29;
	v11 =	vor.u32 s23, v58  }
0x978: {  	v3 =	vor.u32 v30, v3;
	_ =	sdelay $0x1  }
0x979: {  	v0 =	vld.idx.msk [tilespmem:v59+s12+$0x0], $0xffff;
	v4 =	vor.u32 s21, v16  }
0x97a: {  	[tilespmem:v9+s13+$0x0] =	vst.idx.msk $0xffff, v8;
	v1 =	vld.idx.msk [tilespmem:v61+s12+$0x0], $0xffff;
	v5 =	vor.u32 s20, v16  }
0x97b: {  	[tilespmem:v11+s13+$0x0] =	vst.idx.msk $0xffff, v10;
	v2 =	vld.idx.msk [tilespmem:v62+s12+$0x0], $0xffff;
	v6 =	vor.u32 s22, v16  }
0x97c: {  	v3 =	vld.idx.msk [tilespmem:v3+s12+$0x0], $0xffff;
	v7 =	vor.u32 s23, v16;
	_ =	sdelay $0x1  }
0x97d: {  	s19 =	sshll.u32 s19, $0x12;
	[tilespmem:v4+s13+$0x0] =	vst.idx.msk $0xffff, v0  }
0x97e: {  	s19 =	sor.u32 s6, s19;
	[tilespmem:v5+s13+$0x0] =	vst.idx.msk $0xffff, v1  }
0x97f: {  	s19 =	sshrl.u32 s19, $0x3;
	[tilespmem:v6+s13+$0x0] =	vst.idx.msk $0xffff, v2  }
0x980: {  	s19 =	sadd.s32 s2, s19;
	[tilespmem:v7+s13+$0x0] =	vst.idx.msk $0xffff, v3  }
0x981: {  	[hbm4b:s19+s14] =	stream.strided.scatter [tilespmem:s13], [sflag:$0x3], $0x2000, s15, s14, $0x38;
	[tilespmem:$0xB900] =	vst v63  }
0x982: {  	_ =	swait.ge [sflag:s8], $0x2000  }
0x983: {  	v45 =	vld [tilespmem:$0x1FF00]  }
0x984: {  	s18 =	sadd.s32 $0x1, s18;
	v42 =	vld [tilespmem:$0x1FF10]  }
0x985: {  	p0 =	sne.s32 s18, $0x19;
	v16 =	vld [tilespmem:$0x1FE30]  }
.Ltmp2:
0x986: {  	v8 =	vld [tilespmem:$0x1FE50];
	(pc) =	sbr.rel @p0 .LBB2_2-.Ltmp2, $4  }
0x987: {  	v40 =	vld [tilespmem:$0x1FF70]  }
0x988: {  	v29 =	vld [tilespmem:$0x1FF60]  }
0x989: {  	v46 =	vmov v27;
	v27 =	vmov v28;
	[sflag:s8] =	ssyncset.done $0x0;
	v28 =	vld [tilespmem:$0x1FD50]  }
0x98a: {  	v43 =	vmov v50;
	v62 =	vmov v60;
	v5 =	vmov v55;
	v50 =	vld [tilespmem:$0x1FFA0];
	[sflag:s8] =	ssyncadd.s32 $0xFFFFE000  }
0x98b: {  	s17 =	sadd.s32 $0x1, s17  }
0x98c: {  	p0 =	sne.s32 s17, s7  }
.Ltmp3:
0x98d: {  	_ = 	snop;
	(pc) =	sbr.rel @p0 .LBB2_1-.Ltmp3, $1  }
0x98e: {  	_ =	sdelay $0x3  }
0x98f: {  	_ =	sfence.sel $0x180000  }
0x990: {  	[bflag:$0x0] =	sbarrier.arrive $0xFFFF  }
0x991: {  	p0 =	sne.s32 s0, $0x0;
	_ =	strace $0x90000047  }
0x992: {  	s0 =	sadd.s32 @!p0 $0x100000, s1;
	[bflag:$0x2] =	sbarrier.arrive $0xFFFF  }
0x993: {  	[sflag:s0] =	ssyncadd.tile.s32 @!p0 $0x1;
	_ =	shalt  }
.Lfunc_end2:
_tile_overlayer_lowered:
.L_overlay_start_2:
0x994: {  	(tag) =	ssettag $0x2  }
0x995: {  	s0 =	rddreg [dreg:$0x0];
	s2 =	stileid.u32  }
0x996: {  	s1 =	rddreg [dreg:$0x1];
	p0 =	sne.s32 s2, $0x0  }
0x997: {  	s3 =	rddreg [dreg:$0x2];
	[bflag:$0x3] =	sbarrier.arrive $0xFFFF;
	s2 =	simm.s32 @!p0 $0x1C03  }
0x998: {  	[timem:s3], [sflag:s2] =	dma.local @!p0 [hbm:s0], s1  }
0x999: {  	s0 =	simm.s32 @!p0 $0x3  }
0x99a: {  	_ =	swait.ge @!p0 [sflag:s0], s1  }
0x99b: {  	s1 =	ssub.s32 @!p0 $0x0, s1;
	[sflag:s0] =	ssyncset.done @!p0 $0x0  }
0x99c: {  	[sflag:s0] =	ssyncadd.s32 @!p0 s1  }
0x99d: {  	[bflag:$0x3] =	sbarrier.arrive $0xFFFF  }
0x99e: {  	_ =	shalt  }

</sc_bundles>
